<compile_context>
chip_gen: v7x
topology: tpu7x:2x2x1
jax: 0.10.2.dev20260603
libtpu: 0.0.44.dev20260713+nightly
codegen_flags: <defaults>
</compile_context>

<pallas_src>
import functools

import jax
import jax.numpy as jnp
from jax import lax
from jax.experimental import pallas as pl
from jax.experimental.pallas import tpu as pltpu
from jax.experimental.pallas import tpu_sc as plsc

NW = 32
RB = 16
L = 16
SROWS = 4096
TBLK = 1024


def _sc_body(srows, N, s_hbm, l_hbm, pos_hbm, den_hbm, neg_hbm,
             sbuf, lbuf, pvec, dvec, nvec, ssem, lsem):
    rows_per_w = srows // NW
    nbatch = rows_per_w // RB
    nfull = (N - L) // L
    tail_off = nfull * L
    wid = lax.axis_index("s") * 2 + lax.axis_index("c")
    row0 = wid * rows_per_w

    def start(t, b):
        blk = row0 + t * RB
        pltpu.make_async_copy(
            s_hbm.at[pl.ds(blk, RB)], sbuf.at[b], ssem.at[b]).start()
        pltpu.make_async_copy(
            l_hbm.at[pl.ds(blk, RB)], lbuf.at[b], lsem.at[b]).start()

    def wait(b):
        pltpu.make_async_copy(
            s_hbm.at[pl.ds(0, RB)], sbuf.at[b], ssem.at[b]).wait()
        pltpu.make_async_copy(
            l_hbm.at[pl.ds(0, RB)], lbuf.at[b], lsem.at[b]).wait()

    start(0, 0)

    zero = jnp.zeros((L,), jnp.float32)
    lane = lax.iota(jnp.int32, L)
    tail_valid = lane >= (L - (N - tail_off))

    def batch_step(t, _):
        b = lax.rem(t, 2)

        @pl.when(t + 1 < nbatch)
        def _():
            start(t + 1, 1 - b)

        wait(b)

        for r in range(RB):
            def chunk(j, carry):
                padd, dadd, nmax = carry
                off = pl.multiple_of(j * L, L)
                s = sbuf[b, r, pl.ds(off, L)]
                lv = lbuf[b, r, pl.ds(off, L)]
                e = jnp.exp(s)
                m = lv > 0
                p = jnp.where(m, e, zero)
                return padd + p, dadd + e, jnp.maximum(nmax, e - p)

            padd, dadd, nmax = lax.fori_loop(
                0, nfull, chunk, (zero, zero, zero), unroll=2)
            s = sbuf[b, r, pl.ds(tail_off, L)]
            lv = lbuf[b, r, pl.ds(tail_off, L)]
            e = jnp.where(tail_valid, jnp.exp(s), zero)
            p = jnp.where(lv > 0, e, zero)
            idx = t * RB + r
            pvec[pl.ds(idx * L, L)] = padd + p
            dvec[pl.ds(idx * L, L)] = dadd + e
            nvec[pl.ds(idx * L, L)] = jnp.maximum(nmax, e - p)
        return 0

    lax.fori_loop(0, nbatch, batch_step, 0)
    pltpu.sync_copy(pvec, pos_hbm.at[pl.ds(row0 * L, rows_per_w * L)])
    pltpu.sync_copy(dvec, den_hbm.at[pl.ds(row0 * L, rows_per_w * L)])
    pltpu.sync_copy(nvec, neg_hbm.at[pl.ds(row0 * L, rows_per_w * L)])


def _tc_body(s_ref, l_ref, out_ref):
    e = jnp.exp(s_ref[...])
    m = l_ref[...] > 0
    p = jnp.where(m, e, 0.0)
    neg = jnp.where(m, -jnp.inf, e)
    pos = jnp.sum(p, axis=1) + jnp.max(neg, axis=1)
    den = jnp.sum(e, axis=1)
    loss = -jnp.log(pos / den + 0.05)
    out_ref[...] = jnp.broadcast_to(jnp.sum(loss), (1, 8, 128))


def _finish_body(pos_ref, den_ref, neg_ref, out_ref):
    pos = jnp.sum(pos_ref[...], axis=1) + jnp.max(neg_ref[...], axis=1)
    den = jnp.sum(den_ref[...], axis=1)
    loss = -jnp.log(pos / den + 0.05)
    out_ref[0, 0] = jnp.sum(loss)


def kernel(scores, margin, label):
    del margin
    B, N = scores.shape
    if SROWS:
        rows_per_w = SROWS // NW
        mesh = plsc.VectorSubcoreMesh(
            core_axis_name="c", subcore_axis_name="s")
        sc = pl.kernel(
            functools.partial(_sc_body, SROWS, N),
            out_type=(
                jax.ShapeDtypeStruct((SROWS * L,), jnp.float32),
                jax.ShapeDtypeStruct((SROWS * L,), jnp.float32),
                jax.ShapeDtypeStruct((SROWS * L,), jnp.float32),
            ),
            mesh=mesh,
            scratch_types=[
                pltpu.VMEM((2, RB, N), jnp.float32),
                pltpu.VMEM((2, RB, N), jnp.int32),
                pltpu.VMEM((rows_per_w * L,), jnp.float32),
                pltpu.VMEM((rows_per_w * L,), jnp.float32),
                pltpu.VMEM((rows_per_w * L,), jnp.float32),
                pltpu.SemaphoreType.DMA((2,)),
                pltpu.SemaphoreType.DMA((2,)),
            ],
        )
        pos, den, neg = sc(scores, label)

    nblk = (B - SROWS) // TBLK
    off = SROWS // TBLK
    tc_part = None
    if nblk:
        tc_part = pl.pallas_call(
            _tc_body,
            grid=(nblk,),
            in_specs=[
                pl.BlockSpec((TBLK, N), lambda i: (off + i, 0)),
                pl.BlockSpec((TBLK, N), lambda i: (off + i, 0)),
            ],
            out_specs=pl.BlockSpec((1, 8, 128), lambda i: (i, 0, 0)),
            out_shape=jax.ShapeDtypeStruct((nblk, 8, 128), jnp.float32),
        )(scores, label)
    tc_sum = jnp.sum(tc_part[:, 0, 0]) if nblk else jnp.float32(0.0)

    if not SROWS:
        return tc_sum / B

    sc_sum = pl.pallas_call(
        _finish_body,
        in_specs=[
            pl.BlockSpec((SROWS, L), lambda: (0, 0)),
            pl.BlockSpec((SROWS, L), lambda: (0, 0)),
            pl.BlockSpec((SROWS, L), lambda: (0, 0)),
        ],
        out_specs=pl.BlockSpec(memory_space=pltpu.SMEM),
        out_shape=jax.ShapeDtypeStruct((1, 1), jnp.float32),
    )(pos.reshape(SROWS, L), den.reshape(SROWS, L), neg.reshape(SROWS, L))

    return (tc_sum + sc_sum[0, 0]) / B

# --- scband reference (transcript-rebuilt; emitter-appended) ---
"""Pipeline reference for scband-sec-87574383165526 (READ-ONLY COPY).

The authoritative reference and input builder live on the scoring server;
editing this copy changes nothing except your own understanding.
"""

import jax, jax.numpy as jnp
import numpy as np


def setup_inputs(seed: int = 0) -> dict:
    key = jax.random.key(seed)
    k1, k2 = jax.random.split(key)
    B, N = 16384, 1000
    scores = jax.random.normal(k1, (B, N), dtype=jnp.float32)
    label = jax.random.randint(k2, (B, N), 0, 2).astype(jnp.int32)
    margin = 0
    return {"scores": scores, "margin": margin, "label": label}


def reference(scores, margin, label):
    # Faithful vectorized translation of the per-row python loop in SEC.forward.
    # For each row i:
    #   s = exp(scores[i])
    #   mask_pos_cap = s with ground-truth (positive) entries set to -inf
    #   semantic_pos = max(mask_pos_cap)  (hardest negative)
    #   pos = sum of s over gt indices + semantic_pos
    #   loss_i = -log(pos / sum(s) + 0.05)
    # final: sum_i loss_i / batch_size
    # (The second scatter of -inf at the argmax in the original is dead code:
    #  mask_pos_cap is never read afterwards, so it does not affect the output.)
    batch_size = scores.shape[0]
    s = jnp.exp(scores)
    pos_mask = label > 0
    masked = jnp.where(pos_mask, -jnp.inf, s)
    semantic_pos = jnp.max(masked, axis=1)
    pos = jnp.sum(jnp.where(pos_mask, s, jnp.zeros_like(s)), axis=1) + semantic_pos
    denom = jnp.sum(s, axis=1)
    loss = -jnp.log(pos / denom + 0.05)
    return jnp.sum(loss) / batch_size

if __name__ == "__main__":
    import jax
    _d = setup_inputs()
    print(jax.jit(kernel)(*tuple(_d.values())))

</pallas_src>

<mosaic_0001>
#map = affine_map<(d0, d1) -> (0, 0)>
#map1 = affine_map<(d0, d1) -> (0)>
module attributes {stable_mosaic.version = 14 : i64} {
  func.func @_sc_body(%arg0: i32, %arg1: i32, %arg2: memref<16384x1000xf32, #tpu.memory_space<hbm>>, %arg3: memref<16384x1000xi32, #tpu.memory_space<hbm>>, %arg4: memref<65536xf32, #tpu.memory_space<hbm>>, %arg5: memref<65536xf32, #tpu.memory_space<hbm>>, %arg6: memref<65536xf32, #tpu.memory_space<hbm>>, %arg7: memref<2x16x1000xf32, #tpu.memory_space<vmem>>, %arg8: memref<2x16x1000xi32, #tpu.memory_space<vmem>>, %arg9: memref<2048xf32, #tpu.memory_space<vmem>>, %arg10: memref<2048xf32, #tpu.memory_space<vmem>>, %arg11: memref<2048xf32, #tpu.memory_space<vmem>>, %arg12: memref<2x!tpu.dma_semaphore, #tpu.memory_space<semaphore_mem>>, %arg13: memref<2x!tpu.dma_semaphore, #tpu.memory_space<semaphore_mem>>) attributes {dimension_semantics = [#tpu.dimension_semantics<core_parallel>, #tpu.dimension_semantics<subcore_parallel>], iteration_bounds = array<i64: 2, 16>, scalar_prefetch = 0 : i64, scratch_operands = 7 : i64, tpu.core_type = #tpu.core_type<sc_vector_subcore>, window_params = [{transform_indices = #map}, {transform_indices = #map}, {transform_indices = #map1}, {transform_indices = #map1}, {transform_indices = #map1}]} {
    %mul3A = arith.constant 2 : i32
    %mul3A_0 = arith.muli %arg1, %mul3A : i32
    %add3A = arith.addi %mul3A_0, %arg0 : i32
    %mul3A_1 = arith.constant 128 : i32
    %mul3A_2 = arith.muli %add3A, %mul3A_1 : i32
    %add3A_3 = arith.constant 0 : i32
    %add3A_4 = arith.addi %mul3A_2, %add3A_3 : i32
    %dma_start3A = arith.constant 0 : i32
    %dma_start3A_5 = arith.constant 0 : i32
    %dma_start3A_6 = arith.constant 0 : i32
    %dma_start3A_7 = arith.constant 0 : i32
    %dma_start3A_8 = tpu.memref_slice %arg7[%dma_start3A, %dma_start3A_6, %dma_start3A_7] : memref<2x16x1000xf32, #tpu.memory_space<vmem>> -> memref<1x16x1000xf32, #tpu.memory_space<vmem>>
    %dma_start3A_9 = tpu.memref_squeeze %dma_start3A_8 : memref<1x16x1000xf32, #tpu.memory_space<vmem>> -> memref<16x1000xf32, #tpu.memory_space<vmem>>
    %dma_start3A_10 = arith.constant 0 : i32
    %dma_start3A_11 = tpu.memref_slice %arg2[%add3A_4, %dma_start3A_10] : memref<16384x1000xf32, #tpu.memory_space<hbm>> -> memref<16x1000xf32, #tpu.memory_space<hbm>>
    %dma_start3A_12 = tpu.memref_slice %arg12[%dma_start3A_5] : memref<2x!tpu.dma_semaphore, #tpu.memory_space<semaphore_mem>> -> memref<1x!tpu.dma_semaphore, #tpu.memory_space<semaphore_mem>>
    %dma_start3A_13 = tpu.memref_squeeze %dma_start3A_12 : memref<1x!tpu.dma_semaphore, #tpu.memory_space<semaphore_mem>> -> memref<!tpu.dma_semaphore, #tpu.memory_space<semaphore_mem>>
    %dma_start3A_14 = arith.constant 0 : i32
    %dma_start3A_15 = arith.constant 0 : i32
    %dma_start3A_16 = tpu.memref_slice %arg7[%dma_start3A, %dma_start3A_14, %dma_start3A_15] : memref<2x16x1000xf32, #tpu.memory_space<vmem>> -> memref<1x16x1000xf32, #tpu.memory_space<vmem>>
    %dma_start3A_17 = tpu.memref_squeeze %dma_start3A_16 : memref<1x16x1000xf32, #tpu.memory_space<vmem>> -> memref<16x1000xf32, #tpu.memory_space<vmem>>
    %dma_start3A_18 = arith.constant 0 : i32
    %dma_start3A_19 = tpu.memref_slice %arg2[%add3A_4, %dma_start3A_18] : memref<16384x1000xf32, #tpu.memory_space<hbm>> -> memref<16x1000xf32, #tpu.memory_space<hbm>>
    tpu.enqueue_dma source(%dma_start3A_19 : memref<16x1000xf32, #tpu.memory_space<hbm>>) target(%dma_start3A_17 : memref<16x1000xf32, #tpu.memory_space<vmem>>) target_semaphore(%dma_start3A_13 : memref<!tpu.dma_semaphore, #tpu.memory_space<semaphore_mem>>)
    %dma_start3A_20 = arith.constant 0 : i32
    %dma_start3A_21 = arith.constant 0 : i32
    %dma_start3A_22 = arith.constant 0 : i32
    %dma_start3A_23 = arith.constant 0 : i32
    %dma_start3A_24 = tpu.memref_slice %arg8[%dma_start3A_20, %dma_start3A_22, %dma_start3A_23] : memref<2x16x1000xi32, #tpu.memory_space<vmem>> -> memref<1x16x1000xi32, #tpu.memory_space<vmem>>
    %dma_start3A_25 = tpu.memref_squeeze %dma_start3A_24 : memref<1x16x1000xi32, #tpu.memory_space<vmem>> -> memref<16x1000xi32, #tpu.memory_space<vmem>>
    %dma_start3A_26 = arith.constant 0 : i32
    %dma_start3A_27 = tpu.memref_slice %arg3[%add3A_4, %dma_start3A_26] : memref<16384x1000xi32, #tpu.memory_space<hbm>> -> memref<16x1000xi32, #tpu.memory_space<hbm>>
    %dma_start3A_28 = tpu.memref_slice %arg13[%dma_start3A_21] : memref<2x!tpu.dma_semaphore, #tpu.memory_space<semaphore_mem>> -> memref<1x!tpu.dma_semaphore, #tpu.memory_space<semaphore_mem>>
    %dma_start3A_29 = tpu.memref_squeeze %dma_start3A_28 : memref<1x!tpu.dma_semaphore, #tpu.memory_space<semaphore_mem>> -> memref<!tpu.dma_semaphore, #tpu.memory_space<semaphore_mem>>
    %dma_start3A_30 = arith.constant 0 : i32
    %dma_start3A_31 = arith.constant 0 : i32
    %dma_start3A_32 = tpu.memref_slice %arg8[%dma_start3A_20, %dma_start3A_30, %dma_start3A_31] : memref<2x16x1000xi32, #tpu.memory_space<vmem>> -> memref<1x16x1000xi32, #tpu.memory_space<vmem>>
    %dma_start3A_33 = tpu.memref_squeeze %dma_start3A_32 : memref<1x16x1000xi32, #tpu.memory_space<vmem>> -> memref<16x1000xi32, #tpu.memory_space<vmem>>
    %dma_start3A_34 = arith.constant 0 : i32
    %dma_start3A_35 = tpu.memref_slice %arg3[%add3A_4, %dma_start3A_34] : memref<16384x1000xi32, #tpu.memory_space<hbm>> -> memref<16x1000xi32, #tpu.memory_space<hbm>>
    tpu.enqueue_dma source(%dma_start3A_35 : memref<16x1000xi32, #tpu.memory_space<hbm>>) target(%dma_start3A_33 : memref<16x1000xi32, #tpu.memory_space<vmem>>) target_semaphore(%dma_start3A_29 : memref<!tpu.dma_semaphore, #tpu.memory_space<semaphore_mem>>)
    %broadcast_in_dim3A = arith.constant 0.000000e+00 : f32
    %broadcast_in_dim3A_36 = vector.broadcast %broadcast_in_dim3A : f32 to vector<16xf32>
    %iota3A = tpu.iota {dimensions = array<i32: 0>} : vector<16xi32>
    %ge3A = arith.constant -8 : i32
    %ge3A_37 = vector.broadcast %ge3A : i32 to vector<16xi32>
    %ge3A_38 = arith.cmpi sge, %iota3A, %ge3A_37 : vector<16xi32>
    %scan3A = arith.constant 0 : i32
    %scan3A_39 = arith.constant 0 : i32
    %scan3A_40 = arith.constant 8 : i32
    %scan3A_41 = arith.addi %scan3A_39, %scan3A_40 : i32
    %scan3A_42 = arith.constant 1 : i32
    %scan3A_43 = scf.for %scan3A_51 = %scan3A_39 to %scan3A_41 step %scan3A_42 iter_args(%scan3A_52 = %scan3A) -> (i32)  : i32 {
      %rem3A = arith.constant 2 : i32
      %rem3A_53 = arith.remsi %scan3A_51, %rem3A : i32
      %add3A_54 = arith.constant 1 : i32
      %add3A_55 = arith.addi %scan3A_51, %add3A_54 : i32
      %lt3A = arith.constant 8 : i32
      %lt3A_56 = arith.cmpi slt, %add3A_55, %lt3A : i32
      %convert_element_type3A = arith.extui %lt3A_56 : i1 to i32
      %cond3A = arith.constant 0 : i32
      %cond3A_57 = arith.cmpi ne, %convert_element_type3A, %cond3A : i32
      scf.if %cond3A_57 {
        %add3A_1298 = arith.constant 1 : i32
        %add3A_1299 = arith.addi %scan3A_51, %add3A_1298 : i32
        %sub3A_1300 = arith.constant 1 : i32
        %sub3A_1301 = arith.subi %sub3A_1300, %rem3A_53 : i32
        %mul3A_1302 = arith.constant 16 : i32
        %mul3A_1303 = arith.muli %add3A_1299, %mul3A_1302 : i32
        %add3A_1304 = arith.addi %mul3A_2, %mul3A_1303 : i32
        %dma_start3A_1305 = arith.constant 0 : i32
        %dma_start3A_1306 = arith.constant 0 : i32
        %dma_start3A_1307 = tpu.memref_slice %arg7[%sub3A_1301, %dma_start3A_1305, %dma_start3A_1306] : memref<2x16x1000xf32, #tpu.memory_space<vmem>> -> memref<1x16x1000xf32, #tpu.memory_space<vmem>>
        %dma_start3A_1308 = tpu.memref_squeeze %dma_start3A_1307 : memref<1x16x1000xf32, #tpu.memory_space<vmem>> -> memref<16x1000xf32, #tpu.memory_space<vmem>>
        %dma_start3A_1309 = arith.constant 0 : i32
        %dma_start3A_1310 = tpu.memref_slice %arg2[%add3A_1304, %dma_start3A_1309] : memref<16384x1000xf32, #tpu.memory_space<hbm>> -> memref<16x1000xf32, #tpu.memory_space<hbm>>
        %dma_start3A_1311 = tpu.memref_slice %arg12[%sub3A_1301] : memref<2x!tpu.dma_semaphore, #tpu.memory_space<semaphore_mem>> -> memref<1x!tpu.dma_semaphore, #tpu.memory_space<semaphore_mem>>
        %dma_start3A_1312 = tpu.memref_squeeze %dma_start3A_1311 : memref<1x!tpu.dma_semaphore, #tpu.memory_space<semaphore_mem>> -> memref<!tpu.dma_semaphore, #tpu.memory_space<semaphore_mem>>
        %dma_start3A_1313 = arith.constant 0 : i32
        %dma_start3A_1314 = arith.constant 0 : i32
        %dma_start3A_1315 = tpu.memref_slice %arg7[%sub3A_1301, %dma_start3A_1313, %dma_start3A_1314] : memref<2x16x1000xf32, #tpu.memory_space<vmem>> -> memref<1x16x1000xf32, #tpu.memory_space<vmem>>
        %dma_start3A_1316 = tpu.memref_squeeze %dma_start3A_1315 : memref<1x16x1000xf32, #tpu.memory_space<vmem>> -> memref<16x1000xf32, #tpu.memory_space<vmem>>
        %dma_start3A_1317 = arith.constant 0 : i32
        %dma_start3A_1318 = tpu.memref_slice %arg2[%add3A_1304, %dma_start3A_1317] : memref<16384x1000xf32, #tpu.memory_space<hbm>> -> memref<16x1000xf32, #tpu.memory_space<hbm>>
        tpu.enqueue_dma source(%dma_start3A_1318 : memref<16x1000xf32, #tpu.memory_space<hbm>>) target(%dma_start3A_1316 : memref<16x1000xf32, #tpu.memory_space<vmem>>) target_semaphore(%dma_start3A_1312 : memref<!tpu.dma_semaphore, #tpu.memory_space<semaphore_mem>>)
        %dma_start3A_1319 = arith.constant 0 : i32
        %dma_start3A_1320 = arith.constant 0 : i32
        %dma_start3A_1321 = tpu.memref_slice %arg8[%sub3A_1301, %dma_start3A_1319, %dma_start3A_1320] : memref<2x16x1000xi32, #tpu.memory_space<vmem>> -> memref<1x16x1000xi32, #tpu.memory_space<vmem>>
        %dma_start3A_1322 = tpu.memref_squeeze %dma_start3A_1321 : memref<1x16x1000xi32, #tpu.memory_space<vmem>> -> memref<16x1000xi32, #tpu.memory_space<vmem>>
        %dma_start3A_1323 = arith.constant 0 : i32
        %dma_start3A_1324 = tpu.memref_slice %arg3[%add3A_1304, %dma_start3A_1323] : memref<16384x1000xi32, #tpu.memory_space<hbm>> -> memref<16x1000xi32, #tpu.memory_space<hbm>>
        %dma_start3A_1325 = tpu.memref_slice %arg13[%sub3A_1301] : memref<2x!tpu.dma_semaphore, #tpu.memory_space<semaphore_mem>> -> memref<1x!tpu.dma_semaphore, #tpu.memory_space<semaphore_mem>>
        %dma_start3A_1326 = tpu.memref_squeeze %dma_start3A_1325 : memref<1x!tpu.dma_semaphore, #tpu.memory_space<semaphore_mem>> -> memref<!tpu.dma_semaphore, #tpu.memory_space<semaphore_mem>>
        %dma_start3A_1327 = arith.constant 0 : i32
        %dma_start3A_1328 = arith.constant 0 : i32
        %dma_start3A_1329 = tpu.memref_slice %arg8[%sub3A_1301, %dma_start3A_1327, %dma_start3A_1328] : memref<2x16x1000xi32, #tpu.memory_space<vmem>> -> memref<1x16x1000xi32, #tpu.memory_space<vmem>>
        %dma_start3A_1330 = tpu.memref_squeeze %dma_start3A_1329 : memref<1x16x1000xi32, #tpu.memory_space<vmem>> -> memref<16x1000xi32, #tpu.memory_space<vmem>>
        %dma_start3A_1331 = arith.constant 0 : i32
        %dma_start3A_1332 = tpu.memref_slice %arg3[%add3A_1304, %dma_start3A_1331] : memref<16384x1000xi32, #tpu.memory_space<hbm>> -> memref<16x1000xi32, #tpu.memory_space<hbm>>
        tpu.enqueue_dma source(%dma_start3A_1332 : memref<16x1000xi32, #tpu.memory_space<hbm>>) target(%dma_start3A_1330 : memref<16x1000xi32, #tpu.memory_space<vmem>>) target_semaphore(%dma_start3A_1326 : memref<!tpu.dma_semaphore, #tpu.memory_space<semaphore_mem>>)
      } else {
      }
      %dma_wait3A = arith.constant 0 : i32
      %dma_wait3A_58 = arith.constant 0 : i32
      %dma_wait3A_59 = tpu.memref_slice %arg7[%rem3A_53, %dma_wait3A, %dma_wait3A_58] : memref<2x16x1000xf32, #tpu.memory_space<vmem>> -> memref<1x16x1000xf32, #tpu.memory_space<vmem>>
      %dma_wait3A_60 = tpu.memref_squeeze %dma_wait3A_59 : memref<1x16x1000xf32, #tpu.memory_space<vmem>> -> memref<16x1000xf32, #tpu.memory_space<vmem>>
      %dma_wait3A_61 = arith.constant 0 : i32
      %dma_wait3A_62 = arith.constant 0 : i32
      %dma_wait3A_63 = tpu.memref_slice %arg2[%dma_wait3A_61, %dma_wait3A_62] : memref<16384x1000xf32, #tpu.memory_space<hbm>> -> memref<16x1000xf32, #tpu.memory_space<hbm>>
      %dma_wait3A_64 = tpu.memref_slice %arg12[%rem3A_53] : memref<2x!tpu.dma_semaphore, #tpu.memory_space<semaphore_mem>> -> memref<1x!tpu.dma_semaphore, #tpu.memory_space<semaphore_mem>>
      %dma_wait3A_65 = tpu.memref_squeeze %dma_wait3A_64 : memref<1x!tpu.dma_semaphore, #tpu.memory_space<semaphore_mem>> -> memref<!tpu.dma_semaphore, #tpu.memory_space<semaphore_mem>>
      %dma_wait3A_66 = arith.constant 0 : i32
      %dma_wait3A_67 = arith.constant 0 : i32
      %dma_wait3A_68 = tpu.memref_slice %arg7[%rem3A_53, %dma_wait3A_66, %dma_wait3A_67] : memref<2x16x1000xf32, #tpu.memory_space<vmem>> -> memref<1x16x1000xf32, #tpu.memory_space<vmem>>
      %dma_wait3A_69 = tpu.memref_squeeze %dma_wait3A_68 : memref<1x16x1000xf32, #tpu.memory_space<vmem>> -> memref<16x1000xf32, #tpu.memory_space<vmem>>
      %dma_wait3A_70 = arith.constant 0 : i32
      %dma_wait3A_71 = arith.constant 0 : i32
      %dma_wait3A_72 = tpu.memref_slice %arg2[%dma_wait3A_70, %dma_wait3A_71] : memref<16384x1000xf32, #tpu.memory_space<hbm>> -> memref<16x1000xf32, #tpu.memory_space<hbm>>
      tpu.wait_dma2 semaphore(%dma_wait3A_65 : memref<!tpu.dma_semaphore, #tpu.memory_space<semaphore_mem>>) src(%dma_wait3A_72 : memref<16x1000xf32, #tpu.memory_space<hbm>>) dst(%dma_wait3A_69 : memref<16x1000xf32, #tpu.memory_space<vmem>>)
      %dma_wait3A_73 = arith.constant 0 : i32
      %dma_wait3A_74 = arith.constant 0 : i32
      %dma_wait3A_75 = tpu.memref_slice %arg8[%rem3A_53, %dma_wait3A_73, %dma_wait3A_74] : memref<2x16x1000xi32, #tpu.memory_space<vmem>> -> memref<1x16x1000xi32, #tpu.memory_space<vmem>>
      %dma_wait3A_76 = tpu.memref_squeeze %dma_wait3A_75 : memref<1x16x1000xi32, #tpu.memory_space<vmem>> -> memref<16x1000xi32, #tpu.memory_space<vmem>>
      %dma_wait3A_77 = arith.constant 0 : i32
      %dma_wait3A_78 = arith.constant 0 : i32
      %dma_wait3A_79 = tpu.memref_slice %arg3[%dma_wait3A_77, %dma_wait3A_78] : memref<16384x1000xi32, #tpu.memory_space<hbm>> -> memref<16x1000xi32, #tpu.memory_space<hbm>>
      %dma_wait3A_80 = tpu.memref_slice %arg13[%rem3A_53] : memref<2x!tpu.dma_semaphore, #tpu.memory_space<semaphore_mem>> -> memref<1x!tpu.dma_semaphore, #tpu.memory_space<semaphore_mem>>
      %dma_wait3A_81 = tpu.memref_squeeze %dma_wait3A_80 : memref<1x!tpu.dma_semaphore, #tpu.memory_space<semaphore_mem>> -> memref<!tpu.dma_semaphore, #tpu.memory_space<semaphore_mem>>
      %dma_wait3A_82 = arith.constant 0 : i32
      %dma_wait3A_83 = arith.constant 0 : i32
      %dma_wait3A_84 = tpu.memref_slice %arg8[%rem3A_53, %dma_wait3A_82, %dma_wait3A_83] : memref<2x16x1000xi32, #tpu.memory_space<vmem>> -> memref<1x16x1000xi32, #tpu.memory_space<vmem>>
      %dma_wait3A_85 = tpu.memref_squeeze %dma_wait3A_84 : memref<1x16x1000xi32, #tpu.memory_space<vmem>> -> memref<16x1000xi32, #tpu.memory_space<vmem>>
      %dma_wait3A_86 = arith.constant 0 : i32
      %dma_wait3A_87 = arith.constant 0 : i32
      %dma_wait3A_88 = tpu.memref_slice %arg3[%dma_wait3A_86, %dma_wait3A_87] : memref<16384x1000xi32, #tpu.memory_space<hbm>> -> memref<16x1000xi32, #tpu.memory_space<hbm>>
      tpu.wait_dma2 semaphore(%dma_wait3A_81 : memref<!tpu.dma_semaphore, #tpu.memory_space<semaphore_mem>>) src(%dma_wait3A_88 : memref<16x1000xi32, #tpu.memory_space<hbm>>) dst(%dma_wait3A_85 : memref<16x1000xi32, #tpu.memory_space<vmem>>)
      %scan3A_89 = arith.constant 0 : i32
      %scan3A_90 = arith.constant 60 : i32
      %scan3A_91 = arith.addi %scan3A_89, %scan3A_90 : i32
      %scan3A_92 = arith.constant 2 : i32
      %scan3A_93:3 = scf.for %scan3A_1298 = %scan3A_89 to %scan3A_91 step %scan3A_92 iter_args(%scan3A_1299 = %broadcast_in_dim3A_36, %scan3A_1300 = %broadcast_in_dim3A_36, %scan3A_1301 = %broadcast_in_dim3A_36) -> (vector<16xf32>, vector<16xf32>, vector<16xf32>)  : i32 {
        %mul3A_1302 = arith.constant 16 : i32
        %mul3A_1303 = arith.muli %scan3A_1298, %mul3A_1302 : i32
        %multiple_of3A_1304 = tpu.assume_multiple %mul3A_1303, 16 : i32
        %get3A_1305 = arith.constant 0 : i32
        %get3A_1306 = arith.index_cast %rem3A_53 : i32 to index
        %get3A_1307 = arith.index_cast %get3A_1305 : i32 to index
        %get3A_1308 = arith.index_cast %multiple_of3A_1304 : i32 to index
        %get3A_1309 = tpu.vector_load %arg7[%get3A_1306, %get3A_1307, %get3A_1308] {strides = array<i32>} : memref<2x16x1000xf32, #tpu.memory_space<vmem>>, vector<1x1x16xf32>,
        %get3A_1310 = vector.shape_cast %get3A_1309 : vector<1x1x16xf32> to vector<16xf32>
        %get3A_1311 = arith.constant 0 : i32
        %get3A_1312 = arith.index_cast %rem3A_53 : i32 to index
        %get3A_1313 = arith.index_cast %get3A_1311 : i32 to index
        %get3A_1314 = arith.index_cast %multiple_of3A_1304 : i32 to index
        %get3A_1315 = tpu.vector_load %arg8[%get3A_1312, %get3A_1313, %get3A_1314] {strides = array<i32>} : memref<2x16x1000xi32, #tpu.memory_space<vmem>>, vector<1x1x16xi32>,
        %get3A_1316 = vector.shape_cast %get3A_1315 : vector<1x1x16xi32> to vector<16xi32>
        %exp3A_1317 = math.exp %get3A_1310 : vector<16xf32>
        %gt3A_1318 = arith.constant 0 : i32
        %gt3A_1319 = vector.broadcast %gt3A_1318 : i32 to vector<16xi32>
        %gt3A_1320 = arith.cmpi sgt, %get3A_1316, %gt3A_1319 : vector<16xi32>
        %select_n3A_1321 = arith.select %gt3A_1320, %exp3A_1317, %broadcast_in_dim3A_36 : vector<16xi1>, vector<16xf32>
        %add3A_1322 = arith.addf %scan3A_1299, %select_n3A_1321 : vector<16xf32>
        %add3A_1323 = arith.addf %scan3A_1300, %exp3A_1317 : vector<16xf32>
        %sub3A_1324 = arith.subf %exp3A_1317, %select_n3A_1321 : vector<16xf32>
        %max3A_1325 = arith.maximumf %scan3A_1301, %sub3A_1324 : vector<16xf32>
        %scan3A_1326 = arith.constant 1 : i32
        %scan3A_1327 = arith.addi %scan3A_1298, %scan3A_1326 : i32
        %mul3A_1328 = arith.constant 16 : i32
        %mul3A_1329 = arith.muli %scan3A_1327, %mul3A_1328 : i32
        %multiple_of3A_1330 = tpu.assume_multiple %mul3A_1329, 16 : i32
        %get3A_1331 = arith.constant 0 : i32
        %get3A_1332 = arith.index_cast %rem3A_53 : i32 to index
        %get3A_1333 = arith.index_cast %get3A_1331 : i32 to index
        %get3A_1334 = arith.index_cast %multiple_of3A_1330 : i32 to index
        %get3A_1335 = tpu.vector_load %arg7[%get3A_1332, %get3A_1333, %get3A_1334] {strides = array<i32>} : memref<2x16x1000xf32, #tpu.memory_space<vmem>>, vector<1x1x16xf32>,
        %get3A_1336 = vector.shape_cast %get3A_1335 : vector<1x1x16xf32> to vector<16xf32>
        %get3A_1337 = arith.constant 0 : i32
        %get3A_1338 = arith.index_cast %rem3A_53 : i32 to index
        %get3A_1339 = arith.index_cast %get3A_1337 : i32 to index
        %get3A_1340 = arith.index_cast %multiple_of3A_1330 : i32 to index
        %get3A_1341 = tpu.vector_load %arg8[%get3A_1338, %get3A_1339, %get3A_1340] {strides = array<i32>} : memref<2x16x1000xi32, #tpu.memory_space<vmem>>, vector<1x1x16xi32>,
        %get3A_1342 = vector.shape_cast %get3A_1341 : vector<1x1x16xi32> to vector<16xi32>
        %exp3A_1343 = math.exp %get3A_1336 : vector<16xf32>
        %gt3A_1344 = arith.constant 0 : i32
        %gt3A_1345 = vector.broadcast %gt3A_1344 : i32 to vector<16xi32>
        %gt3A_1346 = arith.cmpi sgt, %get3A_1342, %gt3A_1345 : vector<16xi32>
        %select_n3A_1347 = arith.select %gt3A_1346, %exp3A_1343, %broadcast_in_dim3A_36 : vector<16xi1>, vector<16xf32>
        %add3A_1348 = arith.addf %add3A_1322, %select_n3A_1347 : vector<16xf32>
        %add3A_1349 = arith.addf %add3A_1323, %exp3A_1343 : vector<16xf32>
        %sub3A_1350 = arith.subf %exp3A_1343, %select_n3A_1347 : vector<16xf32>
        %max3A_1351 = arith.maximumf %max3A_1325, %sub3A_1350 : vector<16xf32>
        scf.yield %add3A_1348, %add3A_1349, %max3A_1351 : vector<16xf32>, vector<16xf32>, vector<16xf32>
      }
      %scan3A_94 = arith.constant 60 : i32
      %scan3A_95 = arith.addi %scan3A_89, %scan3A_94 : i32
      %mul3A_96 = arith.constant 16 : i32
      %mul3A_97 = arith.muli %scan3A_95, %mul3A_96 : i32
      %multiple_of3A = tpu.assume_multiple %mul3A_97, 16 : i32
      %get3A = arith.constant 0 : i32
      %get3A_98 = arith.index_cast %rem3A_53 : i32 to index
      %get3A_99 = arith.index_cast %get3A : i32 to index
      %get3A_100 = arith.index_cast %multiple_of3A : i32 to index
      %get3A_101 = tpu.vector_load %arg7[%get3A_98, %get3A_99, %get3A_100] {strides = array<i32>} : memref<2x16x1000xf32, #tpu.memory_space<vmem>>, vector<1x1x16xf32>,
      %get3A_102 = vector.shape_cast %get3A_101 : vector<1x1x16xf32> to vector<16xf32>
      %get3A_103 = arith.constant 0 : i32
      %get3A_104 = arith.index_cast %rem3A_53 : i32 to index
      %get3A_105 = arith.index_cast %get3A_103 : i32 to index
      %get3A_106 = arith.index_cast %multiple_of3A : i32 to index
      %get3A_107 = tpu.vector_load %arg8[%get3A_104, %get3A_105, %get3A_106] {strides = array<i32>} : memref<2x16x1000xi32, #tpu.memory_space<vmem>>, vector<1x1x16xi32>,
      %get3A_108 = vector.shape_cast %get3A_107 : vector<1x1x16xi32> to vector<16xi32>
      %exp3A = math.exp %get3A_102 : vector<16xf32>
      %gt3A = arith.constant 0 : i32
      %gt3A_109 = vector.broadcast %gt3A : i32 to vector<16xi32>
      %gt3A_110 = arith.cmpi sgt, %get3A_108, %gt3A_109 : vector<16xi32>
      %select_n3A = arith.select %gt3A_110, %exp3A, %broadcast_in_dim3A_36 : vector<16xi1>, vector<16xf32>
      %add3A_111 = arith.addf %scan3A_93#0, %select_n3A : vector<16xf32>
      %add3A_112 = arith.addf %scan3A_93#1, %exp3A : vector<16xf32>
      %sub3A = arith.subf %exp3A, %select_n3A : vector<16xf32>
      %max3A = arith.maximumf %scan3A_93#2, %sub3A : vector<16xf32>
      %scan3A_113 = arith.constant 61 : i32
      %get3A_114 = arith.constant 0 : i32
      %get3A_115 = arith.index_cast %rem3A_53 : i32 to index
      %get3A_116 = arith.index_cast %get3A_114 : i32 to index
      %get3A_117 = arith.constant 976 : index
      %get3A_118 = tpu.vector_load %arg7[%get3A_115, %get3A_116, %get3A_117] {strides = array<i32>} : memref<2x16x1000xf32, #tpu.memory_space<vmem>>, vector<1x1x16xf32>,
      %get3A_119 = vector.shape_cast %get3A_118 : vector<1x1x16xf32> to vector<16xf32>
      %get3A_120 = arith.constant 0 : i32
      %get3A_121 = arith.index_cast %rem3A_53 : i32 to index
      %get3A_122 = arith.index_cast %get3A_120 : i32 to index
      %get3A_123 = arith.constant 976 : index
      %get3A_124 = tpu.vector_load %arg8[%get3A_121, %get3A_122, %get3A_123] {strides = array<i32>} : memref<2x16x1000xi32, #tpu.memory_space<vmem>>, vector<1x1x16xi32>,
      %get3A_125 = vector.shape_cast %get3A_124 : vector<1x1x16xi32> to vector<16xi32>
      %exp3A_126 = math.exp %get3A_119 : vector<16xf32>
      %select_n3A_127 = arith.select %ge3A_38, %exp3A_126, %broadcast_in_dim3A_36 : vector<16xi1>, vector<16xf32>
      %gt3A_128 = arith.constant 0 : i32
      %gt3A_129 = vector.broadcast %gt3A_128 : i32 to vector<16xi32>
      %gt3A_130 = arith.cmpi sgt, %get3A_125, %gt3A_129 : vector<16xi32>
      %select_n3A_131 = arith.select %gt3A_130, %select_n3A_127, %broadcast_in_dim3A_36 : vector<16xi1>, vector<16xf32>
      %mul3A_132 = arith.constant 16 : i32
      %mul3A_133 = arith.muli %scan3A_51, %mul3A_132 : i32
      %add3A_134 = arith.constant 0 : i32
      %add3A_135 = arith.addi %mul3A_133, %add3A_134 : i32
      %add3A_136 = arith.addf %add3A_111, %select_n3A_131 : vector<16xf32>
      %mul3A_137 = arith.constant 16 : i32
      %mul3A_138 = arith.muli %add3A_135, %mul3A_137 : i32
      %swap3A = arith.index_cast %mul3A_138 : i32 to index
      %swap3A_139 = tpu.vector_load %arg9[%swap3A] {strides = array<i32>} : memref<2048xf32, #tpu.memory_space<vmem>>, vector<16xf32>,
      %swap3A_140 = vector.shape_cast %swap3A_139 : vector<16xf32> to vector<16xf32>
      %swap3A_141 = vector.shape_cast %add3A_136 : vector<16xf32> to vector<16xf32>
      tpu.vector_store %arg9[%swap3A], %swap3A_141 {strides = array<i32>} : memref<2048xf32, #tpu.memory_space<vmem>>, vector<16xf32>,
      %add3A_142 = arith.addf %add3A_112, %select_n3A_127 : vector<16xf32>
      %mul3A_143 = arith.constant 16 : i32
      %mul3A_144 = arith.muli %add3A_135, %mul3A_143 : i32
      %swap3A_145 = arith.index_cast %mul3A_144 : i32 to index
      %swap3A_146 = tpu.vector_load %arg10[%swap3A_145] {strides = array<i32>} : memref<2048xf32, #tpu.memory_space<vmem>>, vector<16xf32>,
      %swap3A_147 = vector.shape_cast %swap3A_146 : vector<16xf32> to vector<16xf32>
      %swap3A_148 = vector.shape_cast %add3A_142 : vector<16xf32> to vector<16xf32>
      tpu.vector_store %arg10[%swap3A_145], %swap3A_148 {strides = array<i32>} : memref<2048xf32, #tpu.memory_space<vmem>>, vector<16xf32>,
      %sub3A_149 = arith.subf %select_n3A_127, %select_n3A_131 : vector<16xf32>
      %max3A_150 = arith.maximumf %max3A, %sub3A_149 : vector<16xf32>
      %mul3A_151 = arith.constant 16 : i32
      %mul3A_152 = arith.muli %add3A_135, %mul3A_151 : i32
      %swap3A_153 = arith.index_cast %mul3A_152 : i32 to index
      %swap3A_154 = tpu.vector_load %arg11[%swap3A_153] {strides = array<i32>} : memref<2048xf32, #tpu.memory_space<vmem>>, vector<16xf32>,
      %swap3A_155 = vector.shape_cast %swap3A_154 : vector<16xf32> to vector<16xf32>
      %swap3A_156 = vector.shape_cast %max3A_150 : vector<16xf32> to vector<16xf32>
      tpu.vector_store %arg11[%swap3A_153], %swap3A_156 {strides = array<i32>} : memref<2048xf32, #tpu.memory_space<vmem>>, vector<16xf32>,
      %scan3A_157 = arith.constant 0 : i32
      %scan3A_158 = arith.constant 60 : i32
      %scan3A_159 = arith.addi %scan3A_157, %scan3A_158 : i32
      %scan3A_160 = arith.constant 2 : i32
      %scan3A_161:3 = scf.for %scan3A_1298 = %scan3A_157 to %scan3A_159 step %scan3A_160 iter_args(%scan3A_1299 = %broadcast_in_dim3A_36, %scan3A_1300 = %broadcast_in_dim3A_36, %scan3A_1301 = %broadcast_in_dim3A_36) -> (vector<16xf32>, vector<16xf32>, vector<16xf32>)  : i32 {
        %mul3A_1302 = arith.constant 16 : i32
        %mul3A_1303 = arith.muli %scan3A_1298, %mul3A_1302 : i32
        %multiple_of3A_1304 = tpu.assume_multiple %mul3A_1303, 16 : i32
        %get3A_1305 = arith.constant 1 : i32
        %get3A_1306 = arith.index_cast %rem3A_53 : i32 to index
        %get3A_1307 = arith.index_cast %get3A_1305 : i32 to index
        %get3A_1308 = arith.index_cast %multiple_of3A_1304 : i32 to index
        %get3A_1309 = tpu.vector_load %arg7[%get3A_1306, %get3A_1307, %get3A_1308] {strides = array<i32>} : memref<2x16x1000xf32, #tpu.memory_space<vmem>>, vector<1x1x16xf32>,
        %get3A_1310 = vector.shape_cast %get3A_1309 : vector<1x1x16xf32> to vector<16xf32>
        %get3A_1311 = arith.constant 1 : i32
        %get3A_1312 = arith.index_cast %rem3A_53 : i32 to index
        %get3A_1313 = arith.index_cast %get3A_1311 : i32 to index
        %get3A_1314 = arith.index_cast %multiple_of3A_1304 : i32 to index
        %get3A_1315 = tpu.vector_load %arg8[%get3A_1312, %get3A_1313, %get3A_1314] {strides = array<i32>} : memref<2x16x1000xi32, #tpu.memory_space<vmem>>, vector<1x1x16xi32>,
        %get3A_1316 = vector.shape_cast %get3A_1315 : vector<1x1x16xi32> to vector<16xi32>
        %exp3A_1317 = math.exp %get3A_1310 : vector<16xf32>
        %gt3A_1318 = arith.constant 0 : i32
        %gt3A_1319 = vector.broadcast %gt3A_1318 : i32 to vector<16xi32>
        %gt3A_1320 = arith.cmpi sgt, %get3A_1316, %gt3A_1319 : vector<16xi32>
        %select_n3A_1321 = arith.select %gt3A_1320, %exp3A_1317, %broadcast_in_dim3A_36 : vector<16xi1>, vector<16xf32>
        %add3A_1322 = arith.addf %scan3A_1299, %select_n3A_1321 : vector<16xf32>
        %add3A_1323 = arith.addf %scan3A_1300, %exp3A_1317 : vector<16xf32>
        %sub3A_1324 = arith.subf %exp3A_1317, %select_n3A_1321 : vector<16xf32>
        %max3A_1325 = arith.maximumf %scan3A_1301, %sub3A_1324 : vector<16xf32>
        %scan3A_1326 = arith.constant 1 : i32
        %scan3A_1327 = arith.addi %scan3A_1298, %scan3A_1326 : i32
        %mul3A_1328 = arith.constant 16 : i32
        %mul3A_1329 = arith.muli %scan3A_1327, %mul3A_1328 : i32
        %multiple_of3A_1330 = tpu.assume_multiple %mul3A_1329, 16 : i32
        %get3A_1331 = arith.constant 1 : i32
        %get3A_1332 = arith.index_cast %rem3A_53 : i32 to index
        %get3A_1333 = arith.index_cast %get3A_1331 : i32 to index
        %get3A_1334 = arith.index_cast %multiple_of3A_1330 : i32 to index
        %get3A_1335 = tpu.vector_load %arg7[%get3A_1332, %get3A_1333, %get3A_1334] {strides = array<i32>} : memref<2x16x1000xf32, #tpu.memory_space<vmem>>, vector<1x1x16xf32>,
        %get3A_1336 = vector.shape_cast %get3A_1335 : vector<1x1x16xf32> to vector<16xf32>
        %get3A_1337 = arith.constant 1 : i32
        %get3A_1338 = arith.index_cast %rem3A_53 : i32 to index
        %get3A_1339 = arith.index_cast %get3A_1337 : i32 to index
        %get3A_1340 = arith.index_cast %multiple_of3A_1330 : i32 to index
        %get3A_1341 = tpu.vector_load %arg8[%get3A_1338, %get3A_1339, %get3A_1340] {strides = array<i32>} : memref<2x16x1000xi32, #tpu.memory_space<vmem>>, vector<1x1x16xi32>,
        %get3A_1342 = vector.shape_cast %get3A_1341 : vector<1x1x16xi32> to vector<16xi32>
        %exp3A_1343 = math.exp %get3A_1336 : vector<16xf32>
        %gt3A_1344 = arith.constant 0 : i32
        %gt3A_1345 = vector.broadcast %gt3A_1344 : i32 to vector<16xi32>
        %gt3A_1346 = arith.cmpi sgt, %get3A_1342, %gt3A_1345 : vector<16xi32>
        %select_n3A_1347 = arith.select %gt3A_1346, %exp3A_1343, %broadcast_in_dim3A_36 : vector<16xi1>, vector<16xf32>
        %add3A_1348 = arith.addf %add3A_1322, %select_n3A_1347 : vector<16xf32>
        %add3A_1349 = arith.addf %add3A_1323, %exp3A_1343 : vector<16xf32>
        %sub3A_1350 = arith.subf %exp3A_1343, %select_n3A_1347 : vector<16xf32>
        %max3A_1351 = arith.maximumf %max3A_1325, %sub3A_1350 : vector<16xf32>
        scf.yield %add3A_1348, %add3A_1349, %max3A_1351 : vector<16xf32>, vector<16xf32>, vector<16xf32>
      }
      %scan3A_162 = arith.constant 60 : i32
      %scan3A_163 = arith.addi %scan3A_157, %scan3A_162 : i32
      %mul3A_164 = arith.constant 16 : i32
      %mul3A_165 = arith.muli %scan3A_163, %mul3A_164 : i32
      %multiple_of3A_166 = tpu.assume_multiple %mul3A_165, 16 : i32
      %get3A_167 = arith.constant 1 : i32
      %get3A_168 = arith.index_cast %rem3A_53 : i32 to index
      %get3A_169 = arith.index_cast %get3A_167 : i32 to index
      %get3A_170 = arith.index_cast %multiple_of3A_166 : i32 to index
      %get3A_171 = tpu.vector_load %arg7[%get3A_168, %get3A_169, %get3A_170] {strides = array<i32>} : memref<2x16x1000xf32, #tpu.memory_space<vmem>>, vector<1x1x16xf32>,
      %get3A_172 = vector.shape_cast %get3A_171 : vector<1x1x16xf32> to vector<16xf32>
      %get3A_173 = arith.constant 1 : i32
      %get3A_174 = arith.index_cast %rem3A_53 : i32 to index
      %get3A_175 = arith.index_cast %get3A_173 : i32 to index
      %get3A_176 = arith.index_cast %multiple_of3A_166 : i32 to index
      %get3A_177 = tpu.vector_load %arg8[%get3A_174, %get3A_175, %get3A_176] {strides = array<i32>} : memref<2x16x1000xi32, #tpu.memory_space<vmem>>, vector<1x1x16xi32>,
      %get3A_178 = vector.shape_cast %get3A_177 : vector<1x1x16xi32> to vector<16xi32>
      %exp3A_179 = math.exp %get3A_172 : vector<16xf32>
      %gt3A_180 = arith.constant 0 : i32
      %gt3A_181 = vector.broadcast %gt3A_180 : i32 to vector<16xi32>
      %gt3A_182 = arith.cmpi sgt, %get3A_178, %gt3A_181 : vector<16xi32>
      %select_n3A_183 = arith.select %gt3A_182, %exp3A_179, %broadcast_in_dim3A_36 : vector<16xi1>, vector<16xf32>
      %add3A_184 = arith.addf %scan3A_161#0, %select_n3A_183 : vector<16xf32>
      %add3A_185 = arith.addf %scan3A_161#1, %exp3A_179 : vector<16xf32>
      %sub3A_186 = arith.subf %exp3A_179, %select_n3A_183 : vector<16xf32>
      %max3A_187 = arith.maximumf %scan3A_161#2, %sub3A_186 : vector<16xf32>
      %scan3A_188 = arith.constant 61 : i32
      %get3A_189 = arith.constant 1 : i32
      %get3A_190 = arith.index_cast %rem3A_53 : i32 to index
      %get3A_191 = arith.index_cast %get3A_189 : i32 to index
      %get3A_192 = arith.constant 976 : index
      %get3A_193 = tpu.vector_load %arg7[%get3A_190, %get3A_191, %get3A_192] {strides = array<i32>} : memref<2x16x1000xf32, #tpu.memory_space<vmem>>, vector<1x1x16xf32>,
      %get3A_194 = vector.shape_cast %get3A_193 : vector<1x1x16xf32> to vector<16xf32>
      %get3A_195 = arith.constant 1 : i32
      %get3A_196 = arith.index_cast %rem3A_53 : i32 to index
      %get3A_197 = arith.index_cast %get3A_195 : i32 to index
      %get3A_198 = arith.constant 976 : index
      %get3A_199 = tpu.vector_load %arg8[%get3A_196, %get3A_197, %get3A_198] {strides = array<i32>} : memref<2x16x1000xi32, #tpu.memory_space<vmem>>, vector<1x1x16xi32>,
      %get3A_200 = vector.shape_cast %get3A_199 : vector<1x1x16xi32> to vector<16xi32>
      %exp3A_201 = math.exp %get3A_194 : vector<16xf32>
      %select_n3A_202 = arith.select %ge3A_38, %exp3A_201, %broadcast_in_dim3A_36 : vector<16xi1>, vector<16xf32>
      %gt3A_203 = arith.constant 0 : i32
      %gt3A_204 = vector.broadcast %gt3A_203 : i32 to vector<16xi32>
      %gt3A_205 = arith.cmpi sgt, %get3A_200, %gt3A_204 : vector<16xi32>
      %select_n3A_206 = arith.select %gt3A_205, %select_n3A_202, %broadcast_in_dim3A_36 : vector<16xi1>, vector<16xf32>
      %mul3A_207 = arith.constant 16 : i32
      %mul3A_208 = arith.muli %scan3A_51, %mul3A_207 : i32
      %add3A_209 = arith.constant 1 : i32
      %add3A_210 = arith.addi %mul3A_208, %add3A_209 : i32
      %add3A_211 = arith.addf %add3A_184, %select_n3A_206 : vector<16xf32>
      %mul3A_212 = arith.constant 16 : i32
      %mul3A_213 = arith.muli %add3A_210, %mul3A_212 : i32
      %swap3A_214 = arith.index_cast %mul3A_213 : i32 to index
      %swap3A_215 = tpu.vector_load %arg9[%swap3A_214] {strides = array<i32>} : memref<2048xf32, #tpu.memory_space<vmem>>, vector<16xf32>,
      %swap3A_216 = vector.shape_cast %swap3A_215 : vector<16xf32> to vector<16xf32>
      %swap3A_217 = vector.shape_cast %add3A_211 : vector<16xf32> to vector<16xf32>
      tpu.vector_store %arg9[%swap3A_214], %swap3A_217 {strides = array<i32>} : memref<2048xf32, #tpu.memory_space<vmem>>, vector<16xf32>,
      %add3A_218 = arith.addf %add3A_185, %select_n3A_202 : vector<16xf32>
      %mul3A_219 = arith.constant 16 : i32
      %mul3A_220 = arith.muli %add3A_210, %mul3A_219 : i32
      %swap3A_221 = arith.index_cast %mul3A_220 : i32 to index
      %swap3A_222 = tpu.vector_load %arg10[%swap3A_221] {strides = array<i32>} : memref<2048xf32, #tpu.memory_space<vmem>>, vector<16xf32>,
      %swap3A_223 = vector.shape_cast %swap3A_222 : vector<16xf32> to vector<16xf32>
      %swap3A_224 = vector.shape_cast %add3A_218 : vector<16xf32> to vector<16xf32>
      tpu.vector_store %arg10[%swap3A_221], %swap3A_224 {strides = array<i32>} : memref<2048xf32, #tpu.memory_space<vmem>>, vector<16xf32>,
      %sub3A_225 = arith.subf %select_n3A_202, %select_n3A_206 : vector<16xf32>
      %max3A_226 = arith.maximumf %max3A_187, %sub3A_225 : vector<16xf32>
      %mul3A_227 = arith.constant 16 : i32
      %mul3A_228 = arith.muli %add3A_210, %mul3A_227 : i32
      %swap3A_229 = arith.index_cast %mul3A_228 : i32 to index
      %swap3A_230 = tpu.vector_load %arg11[%swap3A_229] {strides = array<i32>} : memref<2048xf32, #tpu.memory_space<vmem>>, vector<16xf32>,
      %swap3A_231 = vector.shape_cast %swap3A_230 : vector<16xf32> to vector<16xf32>
      %swap3A_232 = vector.shape_cast %max3A_226 : vector<16xf32> to vector<16xf32>
      tpu.vector_store %arg11[%swap3A_229], %swap3A_232 {strides = array<i32>} : memref<2048xf32, #tpu.memory_space<vmem>>, vector<16xf32>,
      %scan3A_233 = arith.constant 0 : i32
      %scan3A_234 = arith.constant 60 : i32
      %scan3A_235 = arith.addi %scan3A_233, %scan3A_234 : i32
      %scan3A_236 = arith.constant 2 : i32
      %scan3A_237:3 = scf.for %scan3A_1298 = %scan3A_233 to %scan3A_235 step %scan3A_236 iter_args(%scan3A_1299 = %broadcast_in_dim3A_36, %scan3A_1300 = %broadcast_in_dim3A_36, %scan3A_1301 = %broadcast_in_dim3A_36) -> (vector<16xf32>, vector<16xf32>, vector<16xf32>)  : i32 {
        %mul3A_1302 = arith.constant 16 : i32
        %mul3A_1303 = arith.muli %scan3A_1298, %mul3A_1302 : i32
        %multiple_of3A_1304 = tpu.assume_multiple %mul3A_1303, 16 : i32
        %get3A_1305 = arith.constant 2 : i32
        %get3A_1306 = arith.index_cast %rem3A_53 : i32 to index
        %get3A_1307 = arith.index_cast %get3A_1305 : i32 to index
        %get3A_1308 = arith.index_cast %multiple_of3A_1304 : i32 to index
        %get3A_1309 = tpu.vector_load %arg7[%get3A_1306, %get3A_1307, %get3A_1308] {strides = array<i32>} : memref<2x16x1000xf32, #tpu.memory_space<vmem>>, vector<1x1x16xf32>,
        %get3A_1310 = vector.shape_cast %get3A_1309 : vector<1x1x16xf32> to vector<16xf32>
        %get3A_1311 = arith.constant 2 : i32
        %get3A_1312 = arith.index_cast %rem3A_53 : i32 to index
        %get3A_1313 = arith.index_cast %get3A_1311 : i32 to index
        %get3A_1314 = arith.index_cast %multiple_of3A_1304 : i32 to index
        %get3A_1315 = tpu.vector_load %arg8[%get3A_1312, %get3A_1313, %get3A_1314] {strides = array<i32>} : memref<2x16x1000xi32, #tpu.memory_space<vmem>>, vector<1x1x16xi32>,
        %get3A_1316 = vector.shape_cast %get3A_1315 : vector<1x1x16xi32> to vector<16xi32>
        %exp3A_1317 = math.exp %get3A_1310 : vector<16xf32>
        %gt3A_1318 = arith.constant 0 : i32
        %gt3A_1319 = vector.broadcast %gt3A_1318 : i32 to vector<16xi32>
        %gt3A_1320 = arith.cmpi sgt, %get3A_1316, %gt3A_1319 : vector<16xi32>
        %select_n3A_1321 = arith.select %gt3A_1320, %exp3A_1317, %broadcast_in_dim3A_36 : vector<16xi1>, vector<16xf32>
        %add3A_1322 = arith.addf %scan3A_1299, %select_n3A_1321 : vector<16xf32>
        %add3A_1323 = arith.addf %scan3A_1300, %exp3A_1317 : vector<16xf32>
        %sub3A_1324 = arith.subf %exp3A_1317, %select_n3A_1321 : vector<16xf32>
        %max3A_1325 = arith.maximumf %scan3A_1301, %sub3A_1324 : vector<16xf32>
        %scan3A_1326 = arith.constant 1 : i32
        %scan3A_1327 = arith.addi %scan3A_1298, %scan3A_1326 : i32
        %mul3A_1328 = arith.constant 16 : i32
        %mul3A_1329 = arith.muli %scan3A_1327, %mul3A_1328 : i32
        %multiple_of3A_1330 = tpu.assume_multiple %mul3A_1329, 16 : i32
        %get3A_1331 = arith.constant 2 : i32
        %get3A_1332 = arith.index_cast %rem3A_53 : i32 to index
        %get3A_1333 = arith.index_cast %get3A_1331 : i32 to index
        %get3A_1334 = arith.index_cast %multiple_of3A_1330 : i32 to index
        %get3A_1335 = tpu.vector_load %arg7[%get3A_1332, %get3A_1333, %get3A_1334] {strides = array<i32>} : memref<2x16x1000xf32, #tpu.memory_space<vmem>>, vector<1x1x16xf32>,
        %get3A_1336 = vector.shape_cast %get3A_1335 : vector<1x1x16xf32> to vector<16xf32>
        %get3A_1337 = arith.constant 2 : i32
        %get3A_1338 = arith.index_cast %rem3A_53 : i32 to index
        %get3A_1339 = arith.index_cast %get3A_1337 : i32 to index
        %get3A_1340 = arith.index_cast %multiple_of3A_1330 : i32 to index
        %get3A_1341 = tpu.vector_load %arg8[%get3A_1338, %get3A_1339, %get3A_1340] {strides = array<i32>} : memref<2x16x1000xi32, #tpu.memory_space<vmem>>, vector<1x1x16xi32>,
        %get3A_1342 = vector.shape_cast %get3A_1341 : vector<1x1x16xi32> to vector<16xi32>
        %exp3A_1343 = math.exp %get3A_1336 : vector<16xf32>
        %gt3A_1344 = arith.constant 0 : i32
        %gt3A_1345 = vector.broadcast %gt3A_1344 : i32 to vector<16xi32>
        %gt3A_1346 = arith.cmpi sgt, %get3A_1342, %gt3A_1345 : vector<16xi32>
        %select_n3A_1347 = arith.select %gt3A_1346, %exp3A_1343, %broadcast_in_dim3A_36 : vector<16xi1>, vector<16xf32>
        %add3A_1348 = arith.addf %add3A_1322, %select_n3A_1347 : vector<16xf32>
        %add3A_1349 = arith.addf %add3A_1323, %exp3A_1343 : vector<16xf32>
        %sub3A_1350 = arith.subf %exp3A_1343, %select_n3A_1347 : vector<16xf32>
        %max3A_1351 = arith.maximumf %max3A_1325, %sub3A_1350 : vector<16xf32>
        scf.yield %add3A_1348, %add3A_1349, %max3A_1351 : vector<16xf32>, vector<16xf32>, vector<16xf32>
      }
      %scan3A_238 = arith.constant 60 : i32
      %scan3A_239 = arith.addi %scan3A_233, %scan3A_238 : i32
      %mul3A_240 = arith.constant 16 : i32
      %mul3A_241 = arith.muli %scan3A_239, %mul3A_240 : i32
      %multiple_of3A_242 = tpu.assume_multiple %mul3A_241, 16 : i32
      %get3A_243 = arith.constant 2 : i32
      %get3A_244 = arith.index_cast %rem3A_53 : i32 to index
      %get3A_245 = arith.index_cast %get3A_243 : i32 to index
      %get3A_246 = arith.index_cast %multiple_of3A_242 : i32 to index
      %get3A_247 = tpu.vector_load %arg7[%get3A_244, %get3A_245, %get3A_246] {strides = array<i32>} : memref<2x16x1000xf32, #tpu.memory_space<vmem>>, vector<1x1x16xf32>,
      %get3A_248 = vector.shape_cast %get3A_247 : vector<1x1x16xf32> to vector<16xf32>
      %get3A_249 = arith.constant 2 : i32
      %get3A_250 = arith.index_cast %rem3A_53 : i32 to index
      %get3A_251 = arith.index_cast %get3A_249 : i32 to index
      %get3A_252 = arith.index_cast %multiple_of3A_242 : i32 to index
      %get3A_253 = tpu.vector_load %arg8[%get3A_250, %get3A_251, %get3A_252] {strides = array<i32>} : memref<2x16x1000xi32, #tpu.memory_space<vmem>>, vector<1x1x16xi32>,
      %get3A_254 = vector.shape_cast %get3A_253 : vector<1x1x16xi32> to vector<16xi32>
      %exp3A_255 = math.exp %get3A_248 : vector<16xf32>
      %gt3A_256 = arith.constant 0 : i32
      %gt3A_257 = vector.broadcast %gt3A_256 : i32 to vector<16xi32>
      %gt3A_258 = arith.cmpi sgt, %get3A_254, %gt3A_257 : vector<16xi32>
      %select_n3A_259 = arith.select %gt3A_258, %exp3A_255, %broadcast_in_dim3A_36 : vector<16xi1>, vector<16xf32>
      %add3A_260 = arith.addf %scan3A_237#0, %select_n3A_259 : vector<16xf32>
      %add3A_261 = arith.addf %scan3A_237#1, %exp3A_255 : vector<16xf32>
      %sub3A_262 = arith.subf %exp3A_255, %select_n3A_259 : vector<16xf32>
      %max3A_263 = arith.maximumf %scan3A_237#2, %sub3A_262 : vector<16xf32>
      %scan3A_264 = arith.constant 61 : i32
      %get3A_265 = arith.constant 2 : i32
      %get3A_266 = arith.index_cast %rem3A_53 : i32 to index
      %get3A_267 = arith.index_cast %get3A_265 : i32 to index
      %get3A_268 = arith.constant 976 : index
      %get3A_269 = tpu.vector_load %arg7[%get3A_266, %get3A_267, %get3A_268] {strides = array<i32>} : memref<2x16x1000xf32, #tpu.memory_space<vmem>>, vector<1x1x16xf32>,
      %get3A_270 = vector.shape_cast %get3A_269 : vector<1x1x16xf32> to vector<16xf32>
      %get3A_271 = arith.constant 2 : i32
      %get3A_272 = arith.index_cast %rem3A_53 : i32 to index
      %get3A_273 = arith.index_cast %get3A_271 : i32 to index
      %get3A_274 = arith.constant 976 : index
      %get3A_275 = tpu.vector_load %arg8[%get3A_272, %get3A_273, %get3A_274] {strides = array<i32>} : memref<2x16x1000xi32, #tpu.memory_space<vmem>>, vector<1x1x16xi32>,
      %get3A_276 = vector.shape_cast %get3A_275 : vector<1x1x16xi32> to vector<16xi32>
      %exp3A_277 = math.exp %get3A_270 : vector<16xf32>
      %select_n3A_278 = arith.select %ge3A_38, %exp3A_277, %broadcast_in_dim3A_36 : vector<16xi1>, vector<16xf32>
      %gt3A_279 = arith.constant 0 : i32
      %gt3A_280 = vector.broadcast %gt3A_279 : i32 to vector<16xi32>
      %gt3A_281 = arith.cmpi sgt, %get3A_276, %gt3A_280 : vector<16xi32>
      %select_n3A_282 = arith.select %gt3A_281, %select_n3A_278, %broadcast_in_dim3A_36 : vector<16xi1>, vector<16xf32>
      %mul3A_283 = arith.constant 16 : i32
      %mul3A_284 = arith.muli %scan3A_51, %mul3A_283 : i32
      %add3A_285 = arith.constant 2 : i32
      %add3A_286 = arith.addi %mul3A_284, %add3A_285 : i32
      %add3A_287 = arith.addf %add3A_260, %select_n3A_282 : vector<16xf32>
      %mul3A_288 = arith.constant 16 : i32
      %mul3A_289 = arith.muli %add3A_286, %mul3A_288 : i32
      %swap3A_290 = arith.index_cast %mul3A_289 : i32 to index
      %swap3A_291 = tpu.vector_load %arg9[%swap3A_290] {strides = array<i32>} : memref<2048xf32, #tpu.memory_space<vmem>>, vector<16xf32>,
      %swap3A_292 = vector.shape_cast %swap3A_291 : vector<16xf32> to vector<16xf32>
      %swap3A_293 = vector.shape_cast %add3A_287 : vector<16xf32> to vector<16xf32>
      tpu.vector_store %arg9[%swap3A_290], %swap3A_293 {strides = array<i32>} : memref<2048xf32, #tpu.memory_space<vmem>>, vector<16xf32>,
      %add3A_294 = arith.addf %add3A_261, %select_n3A_278 : vector<16xf32>
      %mul3A_295 = arith.constant 16 : i32
      %mul3A_296 = arith.muli %add3A_286, %mul3A_295 : i32
      %swap3A_297 = arith.index_cast %mul3A_296 : i32 to index
      %swap3A_298 = tpu.vector_load %arg10[%swap3A_297] {strides = array<i32>} : memref<2048xf32, #tpu.memory_space<vmem>>, vector<16xf32>,
      %swap3A_299 = vector.shape_cast %swap3A_298 : vector<16xf32> to vector<16xf32>
      %swap3A_300 = vector.shape_cast %add3A_294 : vector<16xf32> to vector<16xf32>
      tpu.vector_store %arg10[%swap3A_297], %swap3A_300 {strides = array<i32>} : memref<2048xf32, #tpu.memory_space<vmem>>, vector<16xf32>,
      %sub3A_301 = arith.subf %select_n3A_278, %select_n3A_282 : vector<16xf32>
      %max3A_302 = arith.maximumf %max3A_263, %sub3A_301 : vector<16xf32>
      %mul3A_303 = arith.constant 16 : i32
      %mul3A_304 = arith.muli %add3A_286, %mul3A_303 : i32
      %swap3A_305 = arith.index_cast %mul3A_304 : i32 to index
      %swap3A_306 = tpu.vector_load %arg11[%swap3A_305] {strides = array<i32>} : memref<2048xf32, #tpu.memory_space<vmem>>, vector<16xf32>,
      %swap3A_307 = vector.shape_cast %swap3A_306 : vector<16xf32> to vector<16xf32>
      %swap3A_308 = vector.shape_cast %max3A_302 : vector<16xf32> to vector<16xf32>
      tpu.vector_store %arg11[%swap3A_305], %swap3A_308 {strides = array<i32>} : memref<2048xf32, #tpu.memory_space<vmem>>, vector<16xf32>,
      %scan3A_309 = arith.constant 0 : i32
      %scan3A_310 = arith.constant 60 : i32
      %scan3A_311 = arith.addi %scan3A_309, %scan3A_310 : i32
      %scan3A_312 = arith.constant 2 : i32
      %scan3A_313:3 = scf.for %scan3A_1298 = %scan3A_309 to %scan3A_311 step %scan3A_312 iter_args(%scan3A_1299 = %broadcast_in_dim3A_36, %scan3A_1300 = %broadcast_in_dim3A_36, %scan3A_1301 = %broadcast_in_dim3A_36) -> (vector<16xf32>, vector<16xf32>, vector<16xf32>)  : i32 {
        %mul3A_1302 = arith.constant 16 : i32
        %mul3A_1303 = arith.muli %scan3A_1298, %mul3A_1302 : i32
        %multiple_of3A_1304 = tpu.assume_multiple %mul3A_1303, 16 : i32
        %get3A_1305 = arith.constant 3 : i32
        %get3A_1306 = arith.index_cast %rem3A_53 : i32 to index
        %get3A_1307 = arith.index_cast %get3A_1305 : i32 to index
        %get3A_1308 = arith.index_cast %multiple_of3A_1304 : i32 to index
        %get3A_1309 = tpu.vector_load %arg7[%get3A_1306, %get3A_1307, %get3A_1308] {strides = array<i32>} : memref<2x16x1000xf32, #tpu.memory_space<vmem>>, vector<1x1x16xf32>,
        %get3A_1310 = vector.shape_cast %get3A_1309 : vector<1x1x16xf32> to vector<16xf32>
        %get3A_1311 = arith.constant 3 : i32
        %get3A_1312 = arith.index_cast %rem3A_53 : i32 to index
        %get3A_1313 = arith.index_cast %get3A_1311 : i32 to index
        %get3A_1314 = arith.index_cast %multiple_of3A_1304 : i32 to index
        %get3A_1315 = tpu.vector_load %arg8[%get3A_1312, %get3A_1313, %get3A_1314] {strides = array<i32>} : memref<2x16x1000xi32, #tpu.memory_space<vmem>>, vector<1x1x16xi32>,
        %get3A_1316 = vector.shape_cast %get3A_1315 : vector<1x1x16xi32> to vector<16xi32>
        %exp3A_1317 = math.exp %get3A_1310 : vector<16xf32>
        %gt3A_1318 = arith.constant 0 : i32
        %gt3A_1319 = vector.broadcast %gt3A_1318 : i32 to vector<16xi32>
        %gt3A_1320 = arith.cmpi sgt, %get3A_1316, %gt3A_1319 : vector<16xi32>
        %select_n3A_1321 = arith.select %gt3A_1320, %exp3A_1317, %broadcast_in_dim3A_36 : vector<16xi1>, vector<16xf32>
        %add3A_1322 = arith.addf %scan3A_1299, %select_n3A_1321 : vector<16xf32>
        %add3A_1323 = arith.addf %scan3A_1300, %exp3A_1317 : vector<16xf32>
        %sub3A_1324 = arith.subf %exp3A_1317, %select_n3A_1321 : vector<16xf32>
        %max3A_1325 = arith.maximumf %scan3A_1301, %sub3A_1324 : vector<16xf32>
        %scan3A_1326 = arith.constant 1 : i32
        %scan3A_1327 = arith.addi %scan3A_1298, %scan3A_1326 : i32
        %mul3A_1328 = arith.constant 16 : i32
        %mul3A_1329 = arith.muli %scan3A_1327, %mul3A_1328 : i32
        %multiple_of3A_1330 = tpu.assume_multiple %mul3A_1329, 16 : i32
        %get3A_1331 = arith.constant 3 : i32
        %get3A_1332 = arith.index_cast %rem3A_53 : i32 to index
        %get3A_1333 = arith.index_cast %get3A_1331 : i32 to index
        %get3A_1334 = arith.index_cast %multiple_of3A_1330 : i32 to index
        %get3A_1335 = tpu.vector_load %arg7[%get3A_1332, %get3A_1333, %get3A_1334] {strides = array<i32>} : memref<2x16x1000xf32, #tpu.memory_space<vmem>>, vector<1x1x16xf32>,
        %get3A_1336 = vector.shape_cast %get3A_1335 : vector<1x1x16xf32> to vector<16xf32>
        %get3A_1337 = arith.constant 3 : i32
        %get3A_1338 = arith.index_cast %rem3A_53 : i32 to index
        %get3A_1339 = arith.index_cast %get3A_1337 : i32 to index
        %get3A_1340 = arith.index_cast %multiple_of3A_1330 : i32 to index
        %get3A_1341 = tpu.vector_load %arg8[%get3A_1338, %get3A_1339, %get3A_1340] {strides = array<i32>} : memref<2x16x1000xi32, #tpu.memory_space<vmem>>, vector<1x1x16xi32>,
        %get3A_1342 = vector.shape_cast %get3A_1341 : vector<1x1x16xi32> to vector<16xi32>
        %exp3A_1343 = math.exp %get3A_1336 : vector<16xf32>
        %gt3A_1344 = arith.constant 0 : i32
        %gt3A_1345 = vector.broadcast %gt3A_1344 : i32 to vector<16xi32>
        %gt3A_1346 = arith.cmpi sgt, %get3A_1342, %gt3A_1345 : vector<16xi32>
        %select_n3A_1347 = arith.select %gt3A_1346, %exp3A_1343, %broadcast_in_dim3A_36 : vector<16xi1>, vector<16xf32>
        %add3A_1348 = arith.addf %add3A_1322, %select_n3A_1347 : vector<16xf32>
        %add3A_1349 = arith.addf %add3A_1323, %exp3A_1343 : vector<16xf32>
        %sub3A_1350 = arith.subf %exp3A_1343, %select_n3A_1347 : vector<16xf32>
        %max3A_1351 = arith.maximumf %max3A_1325, %sub3A_1350 : vector<16xf32>
        scf.yield %add3A_1348, %add3A_1349, %max3A_1351 : vector<16xf32>, vector<16xf32>, vector<16xf32>
      }
      %scan3A_314 = arith.constant 60 : i32
      %scan3A_315 = arith.addi %scan3A_309, %scan3A_314 : i32
      %mul3A_316 = arith.constant 16 : i32
      %mul3A_317 = arith.muli %scan3A_315, %mul3A_316 : i32
      %multiple_of3A_318 = tpu.assume_multiple %mul3A_317, 16 : i32
      %get3A_319 = arith.constant 3 : i32
      %get3A_320 = arith.index_cast %rem3A_53 : i32 to index
      %get3A_321 = arith.index_cast %get3A_319 : i32 to index
      %get3A_322 = arith.index_cast %multiple_of3A_318 : i32 to index
      %get3A_323 = tpu.vector_load %arg7[%get3A_320, %get3A_321, %get3A_322] {strides = array<i32>} : memref<2x16x1000xf32, #tpu.memory_space<vmem>>, vector<1x1x16xf32>,
      %get3A_324 = vector.shape_cast %get3A_323 : vector<1x1x16xf32> to vector<16xf32>
      %get3A_325 = arith.constant 3 : i32
      %get3A_326 = arith.index_cast %rem3A_53 : i32 to index
      %get3A_327 = arith.index_cast %get3A_325 : i32 to index
      %get3A_328 = arith.index_cast %multiple_of3A_318 : i32 to index
      %get3A_329 = tpu.vector_load %arg8[%get3A_326, %get3A_327, %get3A_328] {strides = array<i32>} : memref<2x16x1000xi32, #tpu.memory_space<vmem>>, vector<1x1x16xi32>,
      %get3A_330 = vector.shape_cast %get3A_329 : vector<1x1x16xi32> to vector<16xi32>
      %exp3A_331 = math.exp %get3A_324 : vector<16xf32>
      %gt3A_332 = arith.constant 0 : i32
      %gt3A_333 = vector.broadcast %gt3A_332 : i32 to vector<16xi32>
      %gt3A_334 = arith.cmpi sgt, %get3A_330, %gt3A_333 : vector<16xi32>
      %select_n3A_335 = arith.select %gt3A_334, %exp3A_331, %broadcast_in_dim3A_36 : vector<16xi1>, vector<16xf32>
      %add3A_336 = arith.addf %scan3A_313#0, %select_n3A_335 : vector<16xf32>
      %add3A_337 = arith.addf %scan3A_313#1, %exp3A_331 : vector<16xf32>
      %sub3A_338 = arith.subf %exp3A_331, %select_n3A_335 : vector<16xf32>
      %max3A_339 = arith.maximumf %scan3A_313#2, %sub3A_338 : vector<16xf32>
      %scan3A_340 = arith.constant 61 : i32
      %get3A_341 = arith.constant 3 : i32
      %get3A_342 = arith.index_cast %rem3A_53 : i32 to index
      %get3A_343 = arith.index_cast %get3A_341 : i32 to index
      %get3A_344 = arith.constant 976 : index
      %get3A_345 = tpu.vector_load %arg7[%get3A_342, %get3A_343, %get3A_344] {strides = array<i32>} : memref<2x16x1000xf32, #tpu.memory_space<vmem>>, vector<1x1x16xf32>,
      %get3A_346 = vector.shape_cast %get3A_345 : vector<1x1x16xf32> to vector<16xf32>
      %get3A_347 = arith.constant 3 : i32
      %get3A_348 = arith.index_cast %rem3A_53 : i32 to index
      %get3A_349 = arith.index_cast %get3A_347 : i32 to index
      %get3A_350 = arith.constant 976 : index
      %get3A_351 = tpu.vector_load %arg8[%get3A_348, %get3A_349, %get3A_350] {strides = array<i32>} : memref<2x16x1000xi32, #tpu.memory_space<vmem>>, vector<1x1x16xi32>,
      %get3A_352 = vector.shape_cast %get3A_351 : vector<1x1x16xi32> to vector<16xi32>
      %exp3A_353 = math.exp %get3A_346 : vector<16xf32>
      %select_n3A_354 = arith.select %ge3A_38, %exp3A_353, %broadcast_in_dim3A_36 : vector<16xi1>, vector<16xf32>
      %gt3A_355 = arith.constant 0 : i32
      %gt3A_356 = vector.broadcast %gt3A_355 : i32 to vector<16xi32>
      %gt3A_357 = arith.cmpi sgt, %get3A_352, %gt3A_356 : vector<16xi32>
      %select_n3A_358 = arith.select %gt3A_357, %select_n3A_354, %broadcast_in_dim3A_36 : vector<16xi1>, vector<16xf32>
      %mul3A_359 = arith.constant 16 : i32
      %mul3A_360 = arith.muli %scan3A_51, %mul3A_359 : i32
      %add3A_361 = arith.constant 3 : i32
      %add3A_362 = arith.addi %mul3A_360, %add3A_361 : i32
      %add3A_363 = arith.addf %add3A_336, %select_n3A_358 : vector<16xf32>
      %mul3A_364 = arith.constant 16 : i32
      %mul3A_365 = arith.muli %add3A_362, %mul3A_364 : i32
      %swap3A_366 = arith.index_cast %mul3A_365 : i32 to index
      %swap3A_367 = tpu.vector_load %arg9[%swap3A_366] {strides = array<i32>} : memref<2048xf32, #tpu.memory_space<vmem>>, vector<16xf32>,
      %swap3A_368 = vector.shape_cast %swap3A_367 : vector<16xf32> to vector<16xf32>
      %swap3A_369 = vector.shape_cast %add3A_363 : vector<16xf32> to vector<16xf32>
      tpu.vector_store %arg9[%swap3A_366], %swap3A_369 {strides = array<i32>} : memref<2048xf32, #tpu.memory_space<vmem>>, vector<16xf32>,
      %add3A_370 = arith.addf %add3A_337, %select_n3A_354 : vector<16xf32>
      %mul3A_371 = arith.constant 16 : i32
      %mul3A_372 = arith.muli %add3A_362, %mul3A_371 : i32
      %swap3A_373 = arith.index_cast %mul3A_372 : i32 to index
      %swap3A_374 = tpu.vector_load %arg10[%swap3A_373] {strides = array<i32>} : memref<2048xf32, #tpu.memory_space<vmem>>, vector<16xf32>,
      %swap3A_375 = vector.shape_cast %swap3A_374 : vector<16xf32> to vector<16xf32>
      %swap3A_376 = vector.shape_cast %add3A_370 : vector<16xf32> to vector<16xf32>
      tpu.vector_store %arg10[%swap3A_373], %swap3A_376 {strides = array<i32>} : memref<2048xf32, #tpu.memory_space<vmem>>, vector<16xf32>,
      %sub3A_377 = arith.subf %select_n3A_354, %select_n3A_358 : vector<16xf32>
      %max3A_378 = arith.maximumf %max3A_339, %sub3A_377 : vector<16xf32>
      %mul3A_379 = arith.constant 16 : i32
      %mul3A_380 = arith.muli %add3A_362, %mul3A_379 : i32
      %swap3A_381 = arith.index_cast %mul3A_380 : i32 to index
      %swap3A_382 = tpu.vector_load %arg11[%swap3A_381] {strides = array<i32>} : memref<2048xf32, #tpu.memory_space<vmem>>, vector<16xf32>,
      %swap3A_383 = vector.shape_cast %swap3A_382 : vector<16xf32> to vector<16xf32>
      %swap3A_384 = vector.shape_cast %max3A_378 : vector<16xf32> to vector<16xf32>
      tpu.vector_store %arg11[%swap3A_381], %swap3A_384 {strides = array<i32>} : memref<2048xf32, #tpu.memory_space<vmem>>, vector<16xf32>,
      %scan3A_385 = arith.constant 0 : i32
      %scan3A_386 = arith.constant 60 : i32
      %scan3A_387 = arith.addi %scan3A_385, %scan3A_386 : i32
      %scan3A_388 = arith.constant 2 : i32
      %scan3A_389:3 = scf.for %scan3A_1298 = %scan3A_385 to %scan3A_387 step %scan3A_388 iter_args(%scan3A_1299 = %broadcast_in_dim3A_36, %scan3A_1300 = %broadcast_in_dim3A_36, %scan3A_1301 = %broadcast_in_dim3A_36) -> (vector<16xf32>, vector<16xf32>, vector<16xf32>)  : i32 {
        %mul3A_1302 = arith.constant 16 : i32
        %mul3A_1303 = arith.muli %scan3A_1298, %mul3A_1302 : i32
        %multiple_of3A_1304 = tpu.assume_multiple %mul3A_1303, 16 : i32
        %get3A_1305 = arith.constant 4 : i32
        %get3A_1306 = arith.index_cast %rem3A_53 : i32 to index
        %get3A_1307 = arith.index_cast %get3A_1305 : i32 to index
        %get3A_1308 = arith.index_cast %multiple_of3A_1304 : i32 to index
        %get3A_1309 = tpu.vector_load %arg7[%get3A_1306, %get3A_1307, %get3A_1308] {strides = array<i32>} : memref<2x16x1000xf32, #tpu.memory_space<vmem>>, vector<1x1x16xf32>,
        %get3A_1310 = vector.shape_cast %get3A_1309 : vector<1x1x16xf32> to vector<16xf32>
        %get3A_1311 = arith.constant 4 : i32
        %get3A_1312 = arith.index_cast %rem3A_53 : i32 to index
        %get3A_1313 = arith.index_cast %get3A_1311 : i32 to index
        %get3A_1314 = arith.index_cast %multiple_of3A_1304 : i32 to index
        %get3A_1315 = tpu.vector_load %arg8[%get3A_1312, %get3A_1313, %get3A_1314] {strides = array<i32>} : memref<2x16x1000xi32, #tpu.memory_space<vmem>>, vector<1x1x16xi32>,
        %get3A_1316 = vector.shape_cast %get3A_1315 : vector<1x1x16xi32> to vector<16xi32>
        %exp3A_1317 = math.exp %get3A_1310 : vector<16xf32>
        %gt3A_1318 = arith.constant 0 : i32
        %gt3A_1319 = vector.broadcast %gt3A_1318 : i32 to vector<16xi32>
        %gt3A_1320 = arith.cmpi sgt, %get3A_1316, %gt3A_1319 : vector<16xi32>
        %select_n3A_1321 = arith.select %gt3A_1320, %exp3A_1317, %broadcast_in_dim3A_36 : vector<16xi1>, vector<16xf32>
        %add3A_1322 = arith.addf %scan3A_1299, %select_n3A_1321 : vector<16xf32>
        %add3A_1323 = arith.addf %scan3A_1300, %exp3A_1317 : vector<16xf32>
        %sub3A_1324 = arith.subf %exp3A_1317, %select_n3A_1321 : vector<16xf32>
        %max3A_1325 = arith.maximumf %scan3A_1301, %sub3A_1324 : vector<16xf32>
        %scan3A_1326 = arith.constant 1 : i32
        %scan3A_1327 = arith.addi %scan3A_1298, %scan3A_1326 : i32
        %mul3A_1328 = arith.constant 16 : i32
        %mul3A_1329 = arith.muli %scan3A_1327, %mul3A_1328 : i32
        %multiple_of3A_1330 = tpu.assume_multiple %mul3A_1329, 16 : i32
        %get3A_1331 = arith.constant 4 : i32
        %get3A_1332 = arith.index_cast %rem3A_53 : i32 to index
        %get3A_1333 = arith.index_cast %get3A_1331 : i32 to index
        %get3A_1334 = arith.index_cast %multiple_of3A_1330 : i32 to index
        %get3A_1335 = tpu.vector_load %arg7[%get3A_1332, %get3A_1333, %get3A_1334] {strides = array<i32>} : memref<2x16x1000xf32, #tpu.memory_space<vmem>>, vector<1x1x16xf32>,
        %get3A_1336 = vector.shape_cast %get3A_1335 : vector<1x1x16xf32> to vector<16xf32>
        %get3A_1337 = arith.constant 4 : i32
        %get3A_1338 = arith.index_cast %rem3A_53 : i32 to index
        %get3A_1339 = arith.index_cast %get3A_1337 : i32 to index
        %get3A_1340 = arith.index_cast %multiple_of3A_1330 : i32 to index
        %get3A_1341 = tpu.vector_load %arg8[%get3A_1338, %get3A_1339, %get3A_1340] {strides = array<i32>} : memref<2x16x1000xi32, #tpu.memory_space<vmem>>, vector<1x1x16xi32>,
        %get3A_1342 = vector.shape_cast %get3A_1341 : vector<1x1x16xi32> to vector<16xi32>
        %exp3A_1343 = math.exp %get3A_1336 : vector<16xf32>
        %gt3A_1344 = arith.constant 0 : i32
        %gt3A_1345 = vector.broadcast %gt3A_1344 : i32 to vector<16xi32>
        %gt3A_1346 = arith.cmpi sgt, %get3A_1342, %gt3A_1345 : vector<16xi32>
        %select_n3A_1347 = arith.select %gt3A_1346, %exp3A_1343, %broadcast_in_dim3A_36 : vector<16xi1>, vector<16xf32>
        %add3A_1348 = arith.addf %add3A_1322, %select_n3A_1347 : vector<16xf32>
        %add3A_1349 = arith.addf %add3A_1323, %exp3A_1343 : vector<16xf32>
        %sub3A_1350 = arith.subf %exp3A_1343, %select_n3A_1347 : vector<16xf32>
        %max3A_1351 = arith.maximumf %max3A_1325, %sub3A_1350 : vector<16xf32>
        scf.yield %add3A_1348, %add3A_1349, %max3A_1351 : vector<16xf32>, vector<16xf32>, vector<16xf32>
      }
      %scan3A_390 = arith.constant 60 : i32
      %scan3A_391 = arith.addi %scan3A_385, %scan3A_390 : i32
      %mul3A_392 = arith.constant 16 : i32
      %mul3A_393 = arith.muli %scan3A_391, %mul3A_392 : i32
      %multiple_of3A_394 = tpu.assume_multiple %mul3A_393, 16 : i32
      %get3A_395 = arith.constant 4 : i32
      %get3A_396 = arith.index_cast %rem3A_53 : i32 to index
      %get3A_397 = arith.index_cast %get3A_395 : i32 to index
      %get3A_398 = arith.index_cast %multiple_of3A_394 : i32 to index
      %get3A_399 = tpu.vector_load %arg7[%get3A_396, %get3A_397, %get3A_398] {strides = array<i32>} : memref<2x16x1000xf32, #tpu.memory_space<vmem>>, vector<1x1x16xf32>,
      %get3A_400 = vector.shape_cast %get3A_399 : vector<1x1x16xf32> to vector<16xf32>
      %get3A_401 = arith.constant 4 : i32
      %get3A_402 = arith.index_cast %rem3A_53 : i32 to index
      %get3A_403 = arith.index_cast %get3A_401 : i32 to index
      %get3A_404 = arith.index_cast %multiple_of3A_394 : i32 to index
      %get3A_405 = tpu.vector_load %arg8[%get3A_402, %get3A_403, %get3A_404] {strides = array<i32>} : memref<2x16x1000xi32, #tpu.memory_space<vmem>>, vector<1x1x16xi32>,
      %get3A_406 = vector.shape_cast %get3A_405 : vector<1x1x16xi32> to vector<16xi32>
      %exp3A_407 = math.exp %get3A_400 : vector<16xf32>
      %gt3A_408 = arith.constant 0 : i32
      %gt3A_409 = vector.broadcast %gt3A_408 : i32 to vector<16xi32>
      %gt3A_410 = arith.cmpi sgt, %get3A_406, %gt3A_409 : vector<16xi32>
      %select_n3A_411 = arith.select %gt3A_410, %exp3A_407, %broadcast_in_dim3A_36 : vector<16xi1>, vector<16xf32>
      %add3A_412 = arith.addf %scan3A_389#0, %select_n3A_411 : vector<16xf32>
      %add3A_413 = arith.addf %scan3A_389#1, %exp3A_407 : vector<16xf32>
      %sub3A_414 = arith.subf %exp3A_407, %select_n3A_411 : vector<16xf32>
      %max3A_415 = arith.maximumf %scan3A_389#2, %sub3A_414 : vector<16xf32>
      %scan3A_416 = arith.constant 61 : i32
      %get3A_417 = arith.constant 4 : i32
      %get3A_418 = arith.index_cast %rem3A_53 : i32 to index
      %get3A_419 = arith.index_cast %get3A_417 : i32 to index
      %get3A_420 = arith.constant 976 : index
      %get3A_421 = tpu.vector_load %arg7[%get3A_418, %get3A_419, %get3A_420] {strides = array<i32>} : memref<2x16x1000xf32, #tpu.memory_space<vmem>>, vector<1x1x16xf32>,
      %get3A_422 = vector.shape_cast %get3A_421 : vector<1x1x16xf32> to vector<16xf32>
      %get3A_423 = arith.constant 4 : i32
      %get3A_424 = arith.index_cast %rem3A_53 : i32 to index
      %get3A_425 = arith.index_cast %get3A_423 : i32 to index
      %get3A_426 = arith.constant 976 : index
      %get3A_427 = tpu.vector_load %arg8[%get3A_424, %get3A_425, %get3A_426] {strides = array<i32>} : memref<2x16x1000xi32, #tpu.memory_space<vmem>>, vector<1x1x16xi32>,
      %get3A_428 = vector.shape_cast %get3A_427 : vector<1x1x16xi32> to vector<16xi32>
      %exp3A_429 = math.exp %get3A_422 : vector<16xf32>
      %select_n3A_430 = arith.select %ge3A_38, %exp3A_429, %broadcast_in_dim3A_36 : vector<16xi1>, vector<16xf32>
      %gt3A_431 = arith.constant 0 : i32
      %gt3A_432 = vector.broadcast %gt3A_431 : i32 to vector<16xi32>
      %gt3A_433 = arith.cmpi sgt, %get3A_428, %gt3A_432 : vector<16xi32>
      %select_n3A_434 = arith.select %gt3A_433, %select_n3A_430, %broadcast_in_dim3A_36 : vector<16xi1>, vector<16xf32>
      %mul3A_435 = arith.constant 16 : i32
      %mul3A_436 = arith.muli %scan3A_51, %mul3A_435 : i32
      %add3A_437 = arith.constant 4 : i32
      %add3A_438 = arith.addi %mul3A_436, %add3A_437 : i32
      %add3A_439 = arith.addf %add3A_412, %select_n3A_434 : vector<16xf32>
      %mul3A_440 = arith.constant 16 : i32
      %mul3A_441 = arith.muli %add3A_438, %mul3A_440 : i32
      %swap3A_442 = arith.index_cast %mul3A_441 : i32 to index
      %swap3A_443 = tpu.vector_load %arg9[%swap3A_442] {strides = array<i32>} : memref<2048xf32, #tpu.memory_space<vmem>>, vector<16xf32>,
      %swap3A_444 = vector.shape_cast %swap3A_443 : vector<16xf32> to vector<16xf32>
      %swap3A_445 = vector.shape_cast %add3A_439 : vector<16xf32> to vector<16xf32>
      tpu.vector_store %arg9[%swap3A_442], %swap3A_445 {strides = array<i32>} : memref<2048xf32, #tpu.memory_space<vmem>>, vector<16xf32>,
      %add3A_446 = arith.addf %add3A_413, %select_n3A_430 : vector<16xf32>
      %mul3A_447 = arith.constant 16 : i32
      %mul3A_448 = arith.muli %add3A_438, %mul3A_447 : i32
      %swap3A_449 = arith.index_cast %mul3A_448 : i32 to index
      %swap3A_450 = tpu.vector_load %arg10[%swap3A_449] {strides = array<i32>} : memref<2048xf32, #tpu.memory_space<vmem>>, vector<16xf32>,
      %swap3A_451 = vector.shape_cast %swap3A_450 : vector<16xf32> to vector<16xf32>
      %swap3A_452 = vector.shape_cast %add3A_446 : vector<16xf32> to vector<16xf32>
      tpu.vector_store %arg10[%swap3A_449], %swap3A_452 {strides = array<i32>} : memref<2048xf32, #tpu.memory_space<vmem>>, vector<16xf32>,
      %sub3A_453 = arith.subf %select_n3A_430, %select_n3A_434 : vector<16xf32>
      %max3A_454 = arith.maximumf %max3A_415, %sub3A_453 : vector<16xf32>
      %mul3A_455 = arith.constant 16 : i32
      %mul3A_456 = arith.muli %add3A_438, %mul3A_455 : i32
      %swap3A_457 = arith.index_cast %mul3A_456 : i32 to index
      %swap3A_458 = tpu.vector_load %arg11[%swap3A_457] {strides = array<i32>} : memref<2048xf32, #tpu.memory_space<vmem>>, vector<16xf32>,
      %swap3A_459 = vector.shape_cast %swap3A_458 : vector<16xf32> to vector<16xf32>
      %swap3A_460 = vector.shape_cast %max3A_454 : vector<16xf32> to vector<16xf32>
      tpu.vector_store %arg11[%swap3A_457], %swap3A_460 {strides = array<i32>} : memref<2048xf32, #tpu.memory_space<vmem>>, vector<16xf32>,
      %scan3A_461 = arith.constant 0 : i32
      %scan3A_462 = arith.constant 60 : i32
      %scan3A_463 = arith.addi %scan3A_461, %scan3A_462 : i32
      %scan3A_464 = arith.constant 2 : i32
      %scan3A_465:3 = scf.for %scan3A_1298 = %scan3A_461 to %scan3A_463 step %scan3A_464 iter_args(%scan3A_1299 = %broadcast_in_dim3A_36, %scan3A_1300 = %broadcast_in_dim3A_36, %scan3A_1301 = %broadcast_in_dim3A_36) -> (vector<16xf32>, vector<16xf32>, vector<16xf32>)  : i32 {
        %mul3A_1302 = arith.constant 16 : i32
        %mul3A_1303 = arith.muli %scan3A_1298, %mul3A_1302 : i32
        %multiple_of3A_1304 = tpu.assume_multiple %mul3A_1303, 16 : i32
        %get3A_1305 = arith.constant 5 : i32
        %get3A_1306 = arith.index_cast %rem3A_53 : i32 to index
        %get3A_1307 = arith.index_cast %get3A_1305 : i32 to index
        %get3A_1308 = arith.index_cast %multiple_of3A_1304 : i32 to index
        %get3A_1309 = tpu.vector_load %arg7[%get3A_1306, %get3A_1307, %get3A_1308] {strides = array<i32>} : memref<2x16x1000xf32, #tpu.memory_space<vmem>>, vector<1x1x16xf32>,
        %get3A_1310 = vector.shape_cast %get3A_1309 : vector<1x1x16xf32> to vector<16xf32>
        %get3A_1311 = arith.constant 5 : i32
        %get3A_1312 = arith.index_cast %rem3A_53 : i32 to index
        %get3A_1313 = arith.index_cast %get3A_1311 : i32 to index
        %get3A_1314 = arith.index_cast %multiple_of3A_1304 : i32 to index
        %get3A_1315 = tpu.vector_load %arg8[%get3A_1312, %get3A_1313, %get3A_1314] {strides = array<i32>} : memref<2x16x1000xi32, #tpu.memory_space<vmem>>, vector<1x1x16xi32>,
        %get3A_1316 = vector.shape_cast %get3A_1315 : vector<1x1x16xi32> to vector<16xi32>
        %exp3A_1317 = math.exp %get3A_1310 : vector<16xf32>
        %gt3A_1318 = arith.constant 0 : i32
        %gt3A_1319 = vector.broadcast %gt3A_1318 : i32 to vector<16xi32>
        %gt3A_1320 = arith.cmpi sgt, %get3A_1316, %gt3A_1319 : vector<16xi32>
        %select_n3A_1321 = arith.select %gt3A_1320, %exp3A_1317, %broadcast_in_dim3A_36 : vector<16xi1>, vector<16xf32>
        %add3A_1322 = arith.addf %scan3A_1299, %select_n3A_1321 : vector<16xf32>
        %add3A_1323 = arith.addf %scan3A_1300, %exp3A_1317 : vector<16xf32>
        %sub3A_1324 = arith.subf %exp3A_1317, %select_n3A_1321 : vector<16xf32>
        %max3A_1325 = arith.maximumf %scan3A_1301, %sub3A_1324 : vector<16xf32>
        %scan3A_1326 = arith.constant 1 : i32
        %scan3A_1327 = arith.addi %scan3A_1298, %scan3A_1326 : i32
        %mul3A_1328 = arith.constant 16 : i32
        %mul3A_1329 = arith.muli %scan3A_1327, %mul3A_1328 : i32
        %multiple_of3A_1330 = tpu.assume_multiple %mul3A_1329, 16 : i32
        %get3A_1331 = arith.constant 5 : i32
        %get3A_1332 = arith.index_cast %rem3A_53 : i32 to index
        %get3A_1333 = arith.index_cast %get3A_1331 : i32 to index
        %get3A_1334 = arith.index_cast %multiple_of3A_1330 : i32 to index
        %get3A_1335 = tpu.vector_load %arg7[%get3A_1332, %get3A_1333, %get3A_1334] {strides = array<i32>} : memref<2x16x1000xf32, #tpu.memory_space<vmem>>, vector<1x1x16xf32>,
        %get3A_1336 = vector.shape_cast %get3A_1335 : vector<1x1x16xf32> to vector<16xf32>
        %get3A_1337 = arith.constant 5 : i32
        %get3A_1338 = arith.index_cast %rem3A_53 : i32 to index
        %get3A_1339 = arith.index_cast %get3A_1337 : i32 to index
        %get3A_1340 = arith.index_cast %multiple_of3A_1330 : i32 to index
        %get3A_1341 = tpu.vector_load %arg8[%get3A_1338, %get3A_1339, %get3A_1340] {strides = array<i32>} : memref<2x16x1000xi32, #tpu.memory_space<vmem>>, vector<1x1x16xi32>,
        %get3A_1342 = vector.shape_cast %get3A_1341 : vector<1x1x16xi32> to vector<16xi32>
        %exp3A_1343 = math.exp %get3A_1336 : vector<16xf32>
        %gt3A_1344 = arith.constant 0 : i32
        %gt3A_1345 = vector.broadcast %gt3A_1344 : i32 to vector<16xi32>
        %gt3A_1346 = arith.cmpi sgt, %get3A_1342, %gt3A_1345 : vector<16xi32>
        %select_n3A_1347 = arith.select %gt3A_1346, %exp3A_1343, %broadcast_in_dim3A_36 : vector<16xi1>, vector<16xf32>
        %add3A_1348 = arith.addf %add3A_1322, %select_n3A_1347 : vector<16xf32>
        %add3A_1349 = arith.addf %add3A_1323, %exp3A_1343 : vector<16xf32>
        %sub3A_1350 = arith.subf %exp3A_1343, %select_n3A_1347 : vector<16xf32>
        %max3A_1351 = arith.maximumf %max3A_1325, %sub3A_1350 : vector<16xf32>
        scf.yield %add3A_1348, %add3A_1349, %max3A_1351 : vector<16xf32>, vector<16xf32>, vector<16xf32>
      }
      %scan3A_466 = arith.constant 60 : i32
      %scan3A_467 = arith.addi %scan3A_461, %scan3A_466 : i32
      %mul3A_468 = arith.constant 16 : i32
      %mul3A_469 = arith.muli %scan3A_467, %mul3A_468 : i32
      %multiple_of3A_470 = tpu.assume_multiple %mul3A_469, 16 : i32
      %get3A_471 = arith.constant 5 : i32
      %get3A_472 = arith.index_cast %rem3A_53 : i32 to index
      %get3A_473 = arith.index_cast %get3A_471 : i32 to index
      %get3A_474 = arith.index_cast %multiple_of3A_470 : i32 to index
      %get3A_475 = tpu.vector_load %arg7[%get3A_472, %get3A_473, %get3A_474] {strides = array<i32>} : memref<2x16x1000xf32, #tpu.memory_space<vmem>>, vector<1x1x16xf32>,
      %get3A_476 = vector.shape_cast %get3A_475 : vector<1x1x16xf32> to vector<16xf32>
      %get3A_477 = arith.constant 5 : i32
      %get3A_478 = arith.index_cast %rem3A_53 : i32 to index
      %get3A_479 = arith.index_cast %get3A_477 : i32 to index
      %get3A_480 = arith.index_cast %multiple_of3A_470 : i32 to index
      %get3A_481 = tpu.vector_load %arg8[%get3A_478, %get3A_479, %get3A_480] {strides = array<i32>} : memref<2x16x1000xi32, #tpu.memory_space<vmem>>, vector<1x1x16xi32>,
      %get3A_482 = vector.shape_cast %get3A_481 : vector<1x1x16xi32> to vector<16xi32>
      %exp3A_483 = math.exp %get3A_476 : vector<16xf32>
      %gt3A_484 = arith.constant 0 : i32
      %gt3A_485 = vector.broadcast %gt3A_484 : i32 to vector<16xi32>
      %gt3A_486 = arith.cmpi sgt, %get3A_482, %gt3A_485 : vector<16xi32>
      %select_n3A_487 = arith.select %gt3A_486, %exp3A_483, %broadcast_in_dim3A_36 : vector<16xi1>, vector<16xf32>
      %add3A_488 = arith.addf %scan3A_465#0, %select_n3A_487 : vector<16xf32>
      %add3A_489 = arith.addf %scan3A_465#1, %exp3A_483 : vector<16xf32>
      %sub3A_490 = arith.subf %exp3A_483, %select_n3A_487 : vector<16xf32>
      %max3A_491 = arith.maximumf %scan3A_465#2, %sub3A_490 : vector<16xf32>
      %scan3A_492 = arith.constant 61 : i32
      %get3A_493 = arith.constant 5 : i32
      %get3A_494 = arith.index_cast %rem3A_53 : i32 to index
      %get3A_495 = arith.index_cast %get3A_493 : i32 to index
      %get3A_496 = arith.constant 976 : index
      %get3A_497 = tpu.vector_load %arg7[%get3A_494, %get3A_495, %get3A_496] {strides = array<i32>} : memref<2x16x1000xf32, #tpu.memory_space<vmem>>, vector<1x1x16xf32>,
      %get3A_498 = vector.shape_cast %get3A_497 : vector<1x1x16xf32> to vector<16xf32>
      %get3A_499 = arith.constant 5 : i32
      %get3A_500 = arith.index_cast %rem3A_53 : i32 to index
      %get3A_501 = arith.index_cast %get3A_499 : i32 to index
      %get3A_502 = arith.constant 976 : index
      %get3A_503 = tpu.vector_load %arg8[%get3A_500, %get3A_501, %get3A_502] {strides = array<i32>} : memref<2x16x1000xi32, #tpu.memory_space<vmem>>, vector<1x1x16xi32>,
      %get3A_504 = vector.shape_cast %get3A_503 : vector<1x1x16xi32> to vector<16xi32>
      %exp3A_505 = math.exp %get3A_498 : vector<16xf32>
      %select_n3A_506 = arith.select %ge3A_38, %exp3A_505, %broadcast_in_dim3A_36 : vector<16xi1>, vector<16xf32>
      %gt3A_507 = arith.constant 0 : i32
      %gt3A_508 = vector.broadcast %gt3A_507 : i32 to vector<16xi32>
      %gt3A_509 = arith.cmpi sgt, %get3A_504, %gt3A_508 : vector<16xi32>
      %select_n3A_510 = arith.select %gt3A_509, %select_n3A_506, %broadcast_in_dim3A_36 : vector<16xi1>, vector<16xf32>
      %mul3A_511 = arith.constant 16 : i32
      %mul3A_512 = arith.muli %scan3A_51, %mul3A_511 : i32
      %add3A_513 = arith.constant 5 : i32
      %add3A_514 = arith.addi %mul3A_512, %add3A_513 : i32
      %add3A_515 = arith.addf %add3A_488, %select_n3A_510 : vector<16xf32>
      %mul3A_516 = arith.constant 16 : i32
      %mul3A_517 = arith.muli %add3A_514, %mul3A_516 : i32
      %swap3A_518 = arith.index_cast %mul3A_517 : i32 to index
      %swap3A_519 = tpu.vector_load %arg9[%swap3A_518] {strides = array<i32>} : memref<2048xf32, #tpu.memory_space<vmem>>, vector<16xf32>,
      %swap3A_520 = vector.shape_cast %swap3A_519 : vector<16xf32> to vector<16xf32>
      %swap3A_521 = vector.shape_cast %add3A_515 : vector<16xf32> to vector<16xf32>
      tpu.vector_store %arg9[%swap3A_518], %swap3A_521 {strides = array<i32>} : memref<2048xf32, #tpu.memory_space<vmem>>, vector<16xf32>,
      %add3A_522 = arith.addf %add3A_489, %select_n3A_506 : vector<16xf32>
      %mul3A_523 = arith.constant 16 : i32
      %mul3A_524 = arith.muli %add3A_514, %mul3A_523 : i32
      %swap3A_525 = arith.index_cast %mul3A_524 : i32 to index
      %swap3A_526 = tpu.vector_load %arg10[%swap3A_525] {strides = array<i32>} : memref<2048xf32, #tpu.memory_space<vmem>>, vector<16xf32>,
      %swap3A_527 = vector.shape_cast %swap3A_526 : vector<16xf32> to vector<16xf32>
      %swap3A_528 = vector.shape_cast %add3A_522 : vector<16xf32> to vector<16xf32>
      tpu.vector_store %arg10[%swap3A_525], %swap3A_528 {strides = array<i32>} : memref<2048xf32, #tpu.memory_space<vmem>>, vector<16xf32>,
      %sub3A_529 = arith.subf %select_n3A_506, %select_n3A_510 : vector<16xf32>
      %max3A_530 = arith.maximumf %max3A_491, %sub3A_529 : vector<16xf32>
      %mul3A_531 = arith.constant 16 : i32
      %mul3A_532 = arith.muli %add3A_514, %mul3A_531 : i32
      %swap3A_533 = arith.index_cast %mul3A_532 : i32 to index
      %swap3A_534 = tpu.vector_load %arg11[%swap3A_533] {strides = array<i32>} : memref<2048xf32, #tpu.memory_space<vmem>>, vector<16xf32>,
      %swap3A_535 = vector.shape_cast %swap3A_534 : vector<16xf32> to vector<16xf32>
      %swap3A_536 = vector.shape_cast %max3A_530 : vector<16xf32> to vector<16xf32>
      tpu.vector_store %arg11[%swap3A_533], %swap3A_536 {strides = array<i32>} : memref<2048xf32, #tpu.memory_space<vmem>>, vector<16xf32>,
      %scan3A_537 = arith.constant 0 : i32
      %scan3A_538 = arith.constant 60 : i32
      %scan3A_539 = arith.addi %scan3A_537, %scan3A_538 : i32
      %scan3A_540 = arith.constant 2 : i32
      %scan3A_541:3 = scf.for %scan3A_1298 = %scan3A_537 to %scan3A_539 step %scan3A_540 iter_args(%scan3A_1299 = %broadcast_in_dim3A_36, %scan3A_1300 = %broadcast_in_dim3A_36, %scan3A_1301 = %broadcast_in_dim3A_36) -> (vector<16xf32>, vector<16xf32>, vector<16xf32>)  : i32 {
        %mul3A_1302 = arith.constant 16 : i32
        %mul3A_1303 = arith.muli %scan3A_1298, %mul3A_1302 : i32
        %multiple_of3A_1304 = tpu.assume_multiple %mul3A_1303, 16 : i32
        %get3A_1305 = arith.constant 6 : i32
        %get3A_1306 = arith.index_cast %rem3A_53 : i32 to index
        %get3A_1307 = arith.index_cast %get3A_1305 : i32 to index
        %get3A_1308 = arith.index_cast %multiple_of3A_1304 : i32 to index
        %get3A_1309 = tpu.vector_load %arg7[%get3A_1306, %get3A_1307, %get3A_1308] {strides = array<i32>} : memref<2x16x1000xf32, #tpu.memory_space<vmem>>, vector<1x1x16xf32>,
        %get3A_1310 = vector.shape_cast %get3A_1309 : vector<1x1x16xf32> to vector<16xf32>
        %get3A_1311 = arith.constant 6 : i32
        %get3A_1312 = arith.index_cast %rem3A_53 : i32 to index
        %get3A_1313 = arith.index_cast %get3A_1311 : i32 to index
        %get3A_1314 = arith.index_cast %multiple_of3A_1304 : i32 to index
        %get3A_1315 = tpu.vector_load %arg8[%get3A_1312, %get3A_1313, %get3A_1314] {strides = array<i32>} : memref<2x16x1000xi32, #tpu.memory_space<vmem>>, vector<1x1x16xi32>,
        %get3A_1316 = vector.shape_cast %get3A_1315 : vector<1x1x16xi32> to vector<16xi32>
        %exp3A_1317 = math.exp %get3A_1310 : vector<16xf32>
        %gt3A_1318 = arith.constant 0 : i32
        %gt3A_1319 = vector.broadcast %gt3A_1318 : i32 to vector<16xi32>
        %gt3A_1320 = arith.cmpi sgt, %get3A_1316, %gt3A_1319 : vector<16xi32>
        %select_n3A_1321 = arith.select %gt3A_1320, %exp3A_1317, %broadcast_in_dim3A_36 : vector<16xi1>, vector<16xf32>
        %add3A_1322 = arith.addf %scan3A_1299, %select_n3A_1321 : vector<16xf32>
        %add3A_1323 = arith.addf %scan3A_1300, %exp3A_1317 : vector<16xf32>
        %sub3A_1324 = arith.subf %exp3A_1317, %select_n3A_1321 : vector<16xf32>
        %max3A_1325 = arith.maximumf %scan3A_1301, %sub3A_1324 : vector<16xf32>
        %scan3A_1326 = arith.constant 1 : i32
        %scan3A_1327 = arith.addi %scan3A_1298, %scan3A_1326 : i32
        %mul3A_1328 = arith.constant 16 : i32
        %mul3A_1329 = arith.muli %scan3A_1327, %mul3A_1328 : i32
        %multiple_of3A_1330 = tpu.assume_multiple %mul3A_1329, 16 : i32
        %get3A_1331 = arith.constant 6 : i32
        %get3A_1332 = arith.index_cast %rem3A_53 : i32 to index
        %get3A_1333 = arith.index_cast %get3A_1331 : i32 to index
        %get3A_1334 = arith.index_cast %multiple_of3A_1330 : i32 to index
        %get3A_1335 = tpu.vector_load %arg7[%get3A_1332, %get3A_1333, %get3A_1334] {strides = array<i32>} : memref<2x16x1000xf32, #tpu.memory_space<vmem>>, vector<1x1x16xf32>,
        %get3A_1336 = vector.shape_cast %get3A_1335 : vector<1x1x16xf32> to vector<16xf32>
        %get3A_1337 = arith.constant 6 : i32
        %get3A_1338 = arith.index_cast %rem3A_53 : i32 to index
        %get3A_1339 = arith.index_cast %get3A_1337 : i32 to index
        %get3A_1340 = arith.index_cast %multiple_of3A_1330 : i32 to index
        %get3A_1341 = tpu.vector_load %arg8[%get3A_1338, %get3A_1339, %get3A_1340] {strides = array<i32>} : memref<2x16x1000xi32, #tpu.memory_space<vmem>>, vector<1x1x16xi32>,
        %get3A_1342 = vector.shape_cast %get3A_1341 : vector<1x1x16xi32> to vector<16xi32>
        %exp3A_1343 = math.exp %get3A_1336 : vector<16xf32>
        %gt3A_1344 = arith.constant 0 : i32
        %gt3A_1345 = vector.broadcast %gt3A_1344 : i32 to vector<16xi32>
        %gt3A_1346 = arith.cmpi sgt, %get3A_1342, %gt3A_1345 : vector<16xi32>
        %select_n3A_1347 = arith.select %gt3A_1346, %exp3A_1343, %broadcast_in_dim3A_36 : vector<16xi1>, vector<16xf32>
        %add3A_1348 = arith.addf %add3A_1322, %select_n3A_1347 : vector<16xf32>
        %add3A_1349 = arith.addf %add3A_1323, %exp3A_1343 : vector<16xf32>
        %sub3A_1350 = arith.subf %exp3A_1343, %select_n3A_1347 : vector<16xf32>
        %max3A_1351 = arith.maximumf %max3A_1325, %sub3A_1350 : vector<16xf32>
        scf.yield %add3A_1348, %add3A_1349, %max3A_1351 : vector<16xf32>, vector<16xf32>, vector<16xf32>
      }
      %scan3A_542 = arith.constant 60 : i32
      %scan3A_543 = arith.addi %scan3A_537, %scan3A_542 : i32
      %mul3A_544 = arith.constant 16 : i32
      %mul3A_545 = arith.muli %scan3A_543, %mul3A_544 : i32
      %multiple_of3A_546 = tpu.assume_multiple %mul3A_545, 16 : i32
      %get3A_547 = arith.constant 6 : i32
      %get3A_548 = arith.index_cast %rem3A_53 : i32 to index
      %get3A_549 = arith.index_cast %get3A_547 : i32 to index
      %get3A_550 = arith.index_cast %multiple_of3A_546 : i32 to index
      %get3A_551 = tpu.vector_load %arg7[%get3A_548, %get3A_549, %get3A_550] {strides = array<i32>} : memref<2x16x1000xf32, #tpu.memory_space<vmem>>, vector<1x1x16xf32>,
      %get3A_552 = vector.shape_cast %get3A_551 : vector<1x1x16xf32> to vector<16xf32>
      %get3A_553 = arith.constant 6 : i32
      %get3A_554 = arith.index_cast %rem3A_53 : i32 to index
      %get3A_555 = arith.index_cast %get3A_553 : i32 to index
      %get3A_556 = arith.index_cast %multiple_of3A_546 : i32 to index
      %get3A_557 = tpu.vector_load %arg8[%get3A_554, %get3A_555, %get3A_556] {strides = array<i32>} : memref<2x16x1000xi32, #tpu.memory_space<vmem>>, vector<1x1x16xi32>,
      %get3A_558 = vector.shape_cast %get3A_557 : vector<1x1x16xi32> to vector<16xi32>
      %exp3A_559 = math.exp %get3A_552 : vector<16xf32>
      %gt3A_560 = arith.constant 0 : i32
      %gt3A_561 = vector.broadcast %gt3A_560 : i32 to vector<16xi32>
      %gt3A_562 = arith.cmpi sgt, %get3A_558, %gt3A_561 : vector<16xi32>
      %select_n3A_563 = arith.select %gt3A_562, %exp3A_559, %broadcast_in_dim3A_36 : vector<16xi1>, vector<16xf32>
      %add3A_564 = arith.addf %scan3A_541#0, %select_n3A_563 : vector<16xf32>
      %add3A_565 = arith.addf %scan3A_541#1, %exp3A_559 : vector<16xf32>
      %sub3A_566 = arith.subf %exp3A_559, %select_n3A_563 : vector<16xf32>
      %max3A_567 = arith.maximumf %scan3A_541#2, %sub3A_566 : vector<16xf32>
      %scan3A_568 = arith.constant 61 : i32
      %get3A_569 = arith.constant 6 : i32
      %get3A_570 = arith.index_cast %rem3A_53 : i32 to index
      %get3A_571 = arith.index_cast %get3A_569 : i32 to index
      %get3A_572 = arith.constant 976 : index
      %get3A_573 = tpu.vector_load %arg7[%get3A_570, %get3A_571, %get3A_572] {strides = array<i32>} : memref<2x16x1000xf32, #tpu.memory_space<vmem>>, vector<1x1x16xf32>,
      %get3A_574 = vector.shape_cast %get3A_573 : vector<1x1x16xf32> to vector<16xf32>
      %get3A_575 = arith.constant 6 : i32
      %get3A_576 = arith.index_cast %rem3A_53 : i32 to index
      %get3A_577 = arith.index_cast %get3A_575 : i32 to index
      %get3A_578 = arith.constant 976 : index
      %get3A_579 = tpu.vector_load %arg8[%get3A_576, %get3A_577, %get3A_578] {strides = array<i32>} : memref<2x16x1000xi32, #tpu.memory_space<vmem>>, vector<1x1x16xi32>,
      %get3A_580 = vector.shape_cast %get3A_579 : vector<1x1x16xi32> to vector<16xi32>
      %exp3A_581 = math.exp %get3A_574 : vector<16xf32>
      %select_n3A_582 = arith.select %ge3A_38, %exp3A_581, %broadcast_in_dim3A_36 : vector<16xi1>, vector<16xf32>
      %gt3A_583 = arith.constant 0 : i32
      %gt3A_584 = vector.broadcast %gt3A_583 : i32 to vector<16xi32>
      %gt3A_585 = arith.cmpi sgt, %get3A_580, %gt3A_584 : vector<16xi32>
      %select_n3A_586 = arith.select %gt3A_585, %select_n3A_582, %broadcast_in_dim3A_36 : vector<16xi1>, vector<16xf32>
      %mul3A_587 = arith.constant 16 : i32
      %mul3A_588 = arith.muli %scan3A_51, %mul3A_587 : i32
      %add3A_589 = arith.constant 6 : i32
      %add3A_590 = arith.addi %mul3A_588, %add3A_589 : i32
      %add3A_591 = arith.addf %add3A_564, %select_n3A_586 : vector<16xf32>
      %mul3A_592 = arith.constant 16 : i32
      %mul3A_593 = arith.muli %add3A_590, %mul3A_592 : i32
      %swap3A_594 = arith.index_cast %mul3A_593 : i32 to index
      %swap3A_595 = tpu.vector_load %arg9[%swap3A_594] {strides = array<i32>} : memref<2048xf32, #tpu.memory_space<vmem>>, vector<16xf32>,
      %swap3A_596 = vector.shape_cast %swap3A_595 : vector<16xf32> to vector<16xf32>
      %swap3A_597 = vector.shape_cast %add3A_591 : vector<16xf32> to vector<16xf32>
      tpu.vector_store %arg9[%swap3A_594], %swap3A_597 {strides = array<i32>} : memref<2048xf32, #tpu.memory_space<vmem>>, vector<16xf32>,
      %add3A_598 = arith.addf %add3A_565, %select_n3A_582 : vector<16xf32>
      %mul3A_599 = arith.constant 16 : i32
      %mul3A_600 = arith.muli %add3A_590, %mul3A_599 : i32
      %swap3A_601 = arith.index_cast %mul3A_600 : i32 to index
      %swap3A_602 = tpu.vector_load %arg10[%swap3A_601] {strides = array<i32>} : memref<2048xf32, #tpu.memory_space<vmem>>, vector<16xf32>,
      %swap3A_603 = vector.shape_cast %swap3A_602 : vector<16xf32> to vector<16xf32>
      %swap3A_604 = vector.shape_cast %add3A_598 : vector<16xf32> to vector<16xf32>
      tpu.vector_store %arg10[%swap3A_601], %swap3A_604 {strides = array<i32>} : memref<2048xf32, #tpu.memory_space<vmem>>, vector<16xf32>,
      %sub3A_605 = arith.subf %select_n3A_582, %select_n3A_586 : vector<16xf32>
      %max3A_606 = arith.maximumf %max3A_567, %sub3A_605 : vector<16xf32>
      %mul3A_607 = arith.constant 16 : i32
      %mul3A_608 = arith.muli %add3A_590, %mul3A_607 : i32
      %swap3A_609 = arith.index_cast %mul3A_608 : i32 to index
      %swap3A_610 = tpu.vector_load %arg11[%swap3A_609] {strides = array<i32>} : memref<2048xf32, #tpu.memory_space<vmem>>, vector<16xf32>,
      %swap3A_611 = vector.shape_cast %swap3A_610 : vector<16xf32> to vector<16xf32>
      %swap3A_612 = vector.shape_cast %max3A_606 : vector<16xf32> to vector<16xf32>
      tpu.vector_store %arg11[%swap3A_609], %swap3A_612 {strides = array<i32>} : memref<2048xf32, #tpu.memory_space<vmem>>, vector<16xf32>,
      %scan3A_613 = arith.constant 0 : i32
      %scan3A_614 = arith.constant 60 : i32
      %scan3A_615 = arith.addi %scan3A_613, %scan3A_614 : i32
      %scan3A_616 = arith.constant 2 : i32
      %scan3A_617:3 = scf.for %scan3A_1298 = %scan3A_613 to %scan3A_615 step %scan3A_616 iter_args(%scan3A_1299 = %broadcast_in_dim3A_36, %scan3A_1300 = %broadcast_in_dim3A_36, %scan3A_1301 = %broadcast_in_dim3A_36) -> (vector<16xf32>, vector<16xf32>, vector<16xf32>)  : i32 {
        %mul3A_1302 = arith.constant 16 : i32
        %mul3A_1303 = arith.muli %scan3A_1298, %mul3A_1302 : i32
        %multiple_of3A_1304 = tpu.assume_multiple %mul3A_1303, 16 : i32
        %get3A_1305 = arith.constant 7 : i32
        %get3A_1306 = arith.index_cast %rem3A_53 : i32 to index
        %get3A_1307 = arith.index_cast %get3A_1305 : i32 to index
        %get3A_1308 = arith.index_cast %multiple_of3A_1304 : i32 to index
        %get3A_1309 = tpu.vector_load %arg7[%get3A_1306, %get3A_1307, %get3A_1308] {strides = array<i32>} : memref<2x16x1000xf32, #tpu.memory_space<vmem>>, vector<1x1x16xf32>,
        %get3A_1310 = vector.shape_cast %get3A_1309 : vector<1x1x16xf32> to vector<16xf32>
        %get3A_1311 = arith.constant 7 : i32
        %get3A_1312 = arith.index_cast %rem3A_53 : i32 to index
        %get3A_1313 = arith.index_cast %get3A_1311 : i32 to index
        %get3A_1314 = arith.index_cast %multiple_of3A_1304 : i32 to index
        %get3A_1315 = tpu.vector_load %arg8[%get3A_1312, %get3A_1313, %get3A_1314] {strides = array<i32>} : memref<2x16x1000xi32, #tpu.memory_space<vmem>>, vector<1x1x16xi32>,
        %get3A_1316 = vector.shape_cast %get3A_1315 : vector<1x1x16xi32> to vector<16xi32>
        %exp3A_1317 = math.exp %get3A_1310 : vector<16xf32>
        %gt3A_1318 = arith.constant 0 : i32
        %gt3A_1319 = vector.broadcast %gt3A_1318 : i32 to vector<16xi32>
        %gt3A_1320 = arith.cmpi sgt, %get3A_1316, %gt3A_1319 : vector<16xi32>
        %select_n3A_1321 = arith.select %gt3A_1320, %exp3A_1317, %broadcast_in_dim3A_36 : vector<16xi1>, vector<16xf32>
        %add3A_1322 = arith.addf %scan3A_1299, %select_n3A_1321 : vector<16xf32>
        %add3A_1323 = arith.addf %scan3A_1300, %exp3A_1317 : vector<16xf32>
        %sub3A_1324 = arith.subf %exp3A_1317, %select_n3A_1321 : vector<16xf32>
        %max3A_1325 = arith.maximumf %scan3A_1301, %sub3A_1324 : vector<16xf32>
        %scan3A_1326 = arith.constant 1 : i32
        %scan3A_1327 = arith.addi %scan3A_1298, %scan3A_1326 : i32
        %mul3A_1328 = arith.constant 16 : i32
        %mul3A_1329 = arith.muli %scan3A_1327, %mul3A_1328 : i32
        %multiple_of3A_1330 = tpu.assume_multiple %mul3A_1329, 16 : i32
        %get3A_1331 = arith.constant 7 : i32
        %get3A_1332 = arith.index_cast %rem3A_53 : i32 to index
        %get3A_1333 = arith.index_cast %get3A_1331 : i32 to index
        %get3A_1334 = arith.index_cast %multiple_of3A_1330 : i32 to index
        %get3A_1335 = tpu.vector_load %arg7[%get3A_1332, %get3A_1333, %get3A_1334] {strides = array<i32>} : memref<2x16x1000xf32, #tpu.memory_space<vmem>>, vector<1x1x16xf32>,
        %get3A_1336 = vector.shape_cast %get3A_1335 : vector<1x1x16xf32> to vector<16xf32>
        %get3A_1337 = arith.constant 7 : i32
        %get3A_1338 = arith.index_cast %rem3A_53 : i32 to index
        %get3A_1339 = arith.index_cast %get3A_1337 : i32 to index
        %get3A_1340 = arith.index_cast %multiple_of3A_1330 : i32 to index
        %get3A_1341 = tpu.vector_load %arg8[%get3A_1338, %get3A_1339, %get3A_1340] {strides = array<i32>} : memref<2x16x1000xi32, #tpu.memory_space<vmem>>, vector<1x1x16xi32>,
        %get3A_1342 = vector.shape_cast %get3A_1341 : vector<1x1x16xi32> to vector<16xi32>
        %exp3A_1343 = math.exp %get3A_1336 : vector<16xf32>
        %gt3A_1344 = arith.constant 0 : i32
        %gt3A_1345 = vector.broadcast %gt3A_1344 : i32 to vector<16xi32>
        %gt3A_1346 = arith.cmpi sgt, %get3A_1342, %gt3A_1345 : vector<16xi32>
        %select_n3A_1347 = arith.select %gt3A_1346, %exp3A_1343, %broadcast_in_dim3A_36 : vector<16xi1>, vector<16xf32>
        %add3A_1348 = arith.addf %add3A_1322, %select_n3A_1347 : vector<16xf32>
        %add3A_1349 = arith.addf %add3A_1323, %exp3A_1343 : vector<16xf32>
        %sub3A_1350 = arith.subf %exp3A_1343, %select_n3A_1347 : vector<16xf32>
        %max3A_1351 = arith.maximumf %max3A_1325, %sub3A_1350 : vector<16xf32>
        scf.yield %add3A_1348, %add3A_1349, %max3A_1351 : vector<16xf32>, vector<16xf32>, vector<16xf32>
      }
      %scan3A_618 = arith.constant 60 : i32
      %scan3A_619 = arith.addi %scan3A_613, %scan3A_618 : i32
      %mul3A_620 = arith.constant 16 : i32
      %mul3A_621 = arith.muli %scan3A_619, %mul3A_620 : i32
      %multiple_of3A_622 = tpu.assume_multiple %mul3A_621, 16 : i32
      %get3A_623 = arith.constant 7 : i32
      %get3A_624 = arith.index_cast %rem3A_53 : i32 to index
      %get3A_625 = arith.index_cast %get3A_623 : i32 to index
      %get3A_626 = arith.index_cast %multiple_of3A_622 : i32 to index
      %get3A_627 = tpu.vector_load %arg7[%get3A_624, %get3A_625, %get3A_626] {strides = array<i32>} : memref<2x16x1000xf32, #tpu.memory_space<vmem>>, vector<1x1x16xf32>,
      %get3A_628 = vector.shape_cast %get3A_627 : vector<1x1x16xf32> to vector<16xf32>
      %get3A_629 = arith.constant 7 : i32
      %get3A_630 = arith.index_cast %rem3A_53 : i32 to index
      %get3A_631 = arith.index_cast %get3A_629 : i32 to index
      %get3A_632 = arith.index_cast %multiple_of3A_622 : i32 to index
      %get3A_633 = tpu.vector_load %arg8[%get3A_630, %get3A_631, %get3A_632] {strides = array<i32>} : memref<2x16x1000xi32, #tpu.memory_space<vmem>>, vector<1x1x16xi32>,
      %get3A_634 = vector.shape_cast %get3A_633 : vector<1x1x16xi32> to vector<16xi32>
      %exp3A_635 = math.exp %get3A_628 : vector<16xf32>
      %gt3A_636 = arith.constant 0 : i32
      %gt3A_637 = vector.broadcast %gt3A_636 : i32 to vector<16xi32>
      %gt3A_638 = arith.cmpi sgt, %get3A_634, %gt3A_637 : vector<16xi32>
      %select_n3A_639 = arith.select %gt3A_638, %exp3A_635, %broadcast_in_dim3A_36 : vector<16xi1>, vector<16xf32>
      %add3A_640 = arith.addf %scan3A_617#0, %select_n3A_639 : vector<16xf32>
      %add3A_641 = arith.addf %scan3A_617#1, %exp3A_635 : vector<16xf32>
      %sub3A_642 = arith.subf %exp3A_635, %select_n3A_639 : vector<16xf32>
      %max3A_643 = arith.maximumf %scan3A_617#2, %sub3A_642 : vector<16xf32>
      %scan3A_644 = arith.constant 61 : i32
      %get3A_645 = arith.constant 7 : i32
      %get3A_646 = arith.index_cast %rem3A_53 : i32 to index
      %get3A_647 = arith.index_cast %get3A_645 : i32 to index
      %get3A_648 = arith.constant 976 : index
      %get3A_649 = tpu.vector_load %arg7[%get3A_646, %get3A_647, %get3A_648] {strides = array<i32>} : memref<2x16x1000xf32, #tpu.memory_space<vmem>>, vector<1x1x16xf32>,
      %get3A_650 = vector.shape_cast %get3A_649 : vector<1x1x16xf32> to vector<16xf32>
      %get3A_651 = arith.constant 7 : i32
      %get3A_652 = arith.index_cast %rem3A_53 : i32 to index
      %get3A_653 = arith.index_cast %get3A_651 : i32 to index
      %get3A_654 = arith.constant 976 : index
      %get3A_655 = tpu.vector_load %arg8[%get3A_652, %get3A_653, %get3A_654] {strides = array<i32>} : memref<2x16x1000xi32, #tpu.memory_space<vmem>>, vector<1x1x16xi32>,
      %get3A_656 = vector.shape_cast %get3A_655 : vector<1x1x16xi32> to vector<16xi32>
      %exp3A_657 = math.exp %get3A_650 : vector<16xf32>
      %select_n3A_658 = arith.select %ge3A_38, %exp3A_657, %broadcast_in_dim3A_36 : vector<16xi1>, vector<16xf32>
      %gt3A_659 = arith.constant 0 : i32
      %gt3A_660 = vector.broadcast %gt3A_659 : i32 to vector<16xi32>
      %gt3A_661 = arith.cmpi sgt, %get3A_656, %gt3A_660 : vector<16xi32>
      %select_n3A_662 = arith.select %gt3A_661, %select_n3A_658, %broadcast_in_dim3A_36 : vector<16xi1>, vector<16xf32>
      %mul3A_663 = arith.constant 16 : i32
      %mul3A_664 = arith.muli %scan3A_51, %mul3A_663 : i32
      %add3A_665 = arith.constant 7 : i32
      %add3A_666 = arith.addi %mul3A_664, %add3A_665 : i32
      %add3A_667 = arith.addf %add3A_640, %select_n3A_662 : vector<16xf32>
      %mul3A_668 = arith.constant 16 : i32
      %mul3A_669 = arith.muli %add3A_666, %mul3A_668 : i32
      %swap3A_670 = arith.index_cast %mul3A_669 : i32 to index
      %swap3A_671 = tpu.vector_load %arg9[%swap3A_670] {strides = array<i32>} : memref<2048xf32, #tpu.memory_space<vmem>>, vector<16xf32>,
      %swap3A_672 = vector.shape_cast %swap3A_671 : vector<16xf32> to vector<16xf32>
      %swap3A_673 = vector.shape_cast %add3A_667 : vector<16xf32> to vector<16xf32>
      tpu.vector_store %arg9[%swap3A_670], %swap3A_673 {strides = array<i32>} : memref<2048xf32, #tpu.memory_space<vmem>>, vector<16xf32>,
      %add3A_674 = arith.addf %add3A_641, %select_n3A_658 : vector<16xf32>
      %mul3A_675 = arith.constant 16 : i32
      %mul3A_676 = arith.muli %add3A_666, %mul3A_675 : i32
      %swap3A_677 = arith.index_cast %mul3A_676 : i32 to index
      %swap3A_678 = tpu.vector_load %arg10[%swap3A_677] {strides = array<i32>} : memref<2048xf32, #tpu.memory_space<vmem>>, vector<16xf32>,
      %swap3A_679 = vector.shape_cast %swap3A_678 : vector<16xf32> to vector<16xf32>
      %swap3A_680 = vector.shape_cast %add3A_674 : vector<16xf32> to vector<16xf32>
      tpu.vector_store %arg10[%swap3A_677], %swap3A_680 {strides = array<i32>} : memref<2048xf32, #tpu.memory_space<vmem>>, vector<16xf32>,
      %sub3A_681 = arith.subf %select_n3A_658, %select_n3A_662 : vector<16xf32>
      %max3A_682 = arith.maximumf %max3A_643, %sub3A_681 : vector<16xf32>
      %mul3A_683 = arith.constant 16 : i32
      %mul3A_684 = arith.muli %add3A_666, %mul3A_683 : i32
      %swap3A_685 = arith.index_cast %mul3A_684 : i32 to index
      %swap3A_686 = tpu.vector_load %arg11[%swap3A_685] {strides = array<i32>} : memref<2048xf32, #tpu.memory_space<vmem>>, vector<16xf32>,
      %swap3A_687 = vector.shape_cast %swap3A_686 : vector<16xf32> to vector<16xf32>
      %swap3A_688 = vector.shape_cast %max3A_682 : vector<16xf32> to vector<16xf32>
      tpu.vector_store %arg11[%swap3A_685], %swap3A_688 {strides = array<i32>} : memref<2048xf32, #tpu.memory_space<vmem>>, vector<16xf32>,
      %scan3A_689 = arith.constant 0 : i32
      %scan3A_690 = arith.constant 60 : i32
      %scan3A_691 = arith.addi %scan3A_689, %scan3A_690 : i32
      %scan3A_692 = arith.constant 2 : i32
      %scan3A_693:3 = scf.for %scan3A_1298 = %scan3A_689 to %scan3A_691 step %scan3A_692 iter_args(%scan3A_1299 = %broadcast_in_dim3A_36, %scan3A_1300 = %broadcast_in_dim3A_36, %scan3A_1301 = %broadcast_in_dim3A_36) -> (vector<16xf32>, vector<16xf32>, vector<16xf32>)  : i32 {
        %mul3A_1302 = arith.constant 16 : i32
        %mul3A_1303 = arith.muli %scan3A_1298, %mul3A_1302 : i32
        %multiple_of3A_1304 = tpu.assume_multiple %mul3A_1303, 16 : i32
        %get3A_1305 = arith.constant 8 : i32
        %get3A_1306 = arith.index_cast %rem3A_53 : i32 to index
        %get3A_1307 = arith.index_cast %get3A_1305 : i32 to index
        %get3A_1308 = arith.index_cast %multiple_of3A_1304 : i32 to index
        %get3A_1309 = tpu.vector_load %arg7[%get3A_1306, %get3A_1307, %get3A_1308] {strides = array<i32>} : memref<2x16x1000xf32, #tpu.memory_space<vmem>>, vector<1x1x16xf32>,
        %get3A_1310 = vector.shape_cast %get3A_1309 : vector<1x1x16xf32> to vector<16xf32>
        %get3A_1311 = arith.constant 8 : i32
        %get3A_1312 = arith.index_cast %rem3A_53 : i32 to index
        %get3A_1313 = arith.index_cast %get3A_1311 : i32 to index
        %get3A_1314 = arith.index_cast %multiple_of3A_1304 : i32 to index
        %get3A_1315 = tpu.vector_load %arg8[%get3A_1312, %get3A_1313, %get3A_1314] {strides = array<i32>} : memref<2x16x1000xi32, #tpu.memory_space<vmem>>, vector<1x1x16xi32>,
        %get3A_1316 = vector.shape_cast %get3A_1315 : vector<1x1x16xi32> to vector<16xi32>
        %exp3A_1317 = math.exp %get3A_1310 : vector<16xf32>
        %gt3A_1318 = arith.constant 0 : i32
        %gt3A_1319 = vector.broadcast %gt3A_1318 : i32 to vector<16xi32>
        %gt3A_1320 = arith.cmpi sgt, %get3A_1316, %gt3A_1319 : vector<16xi32>
        %select_n3A_1321 = arith.select %gt3A_1320, %exp3A_1317, %broadcast_in_dim3A_36 : vector<16xi1>, vector<16xf32>
        %add3A_1322 = arith.addf %scan3A_1299, %select_n3A_1321 : vector<16xf32>
        %add3A_1323 = arith.addf %scan3A_1300, %exp3A_1317 : vector<16xf32>
        %sub3A_1324 = arith.subf %exp3A_1317, %select_n3A_1321 : vector<16xf32>
        %max3A_1325 = arith.maximumf %scan3A_1301, %sub3A_1324 : vector<16xf32>
        %scan3A_1326 = arith.constant 1 : i32
        %scan3A_1327 = arith.addi %scan3A_1298, %scan3A_1326 : i32
        %mul3A_1328 = arith.constant 16 : i32
        %mul3A_1329 = arith.muli %scan3A_1327, %mul3A_1328 : i32
        %multiple_of3A_1330 = tpu.assume_multiple %mul3A_1329, 16 : i32
        %get3A_1331 = arith.constant 8 : i32
        %get3A_1332 = arith.index_cast %rem3A_53 : i32 to index
        %get3A_1333 = arith.index_cast %get3A_1331 : i32 to index
        %get3A_1334 = arith.index_cast %multiple_of3A_1330 : i32 to index
        %get3A_1335 = tpu.vector_load %arg7[%get3A_1332, %get3A_1333, %get3A_1334] {strides = array<i32>} : memref<2x16x1000xf32, #tpu.memory_space<vmem>>, vector<1x1x16xf32>,
        %get3A_1336 = vector.shape_cast %get3A_1335 : vector<1x1x16xf32> to vector<16xf32>
        %get3A_1337 = arith.constant 8 : i32
        %get3A_1338 = arith.index_cast %rem3A_53 : i32 to index
        %get3A_1339 = arith.index_cast %get3A_1337 : i32 to index
        %get3A_1340 = arith.index_cast %multiple_of3A_1330 : i32 to index
        %get3A_1341 = tpu.vector_load %arg8[%get3A_1338, %get3A_1339, %get3A_1340] {strides = array<i32>} : memref<2x16x1000xi32, #tpu.memory_space<vmem>>, vector<1x1x16xi32>,
        %get3A_1342 = vector.shape_cast %get3A_1341 : vector<1x1x16xi32> to vector<16xi32>
        %exp3A_1343 = math.exp %get3A_1336 : vector<16xf32>
        %gt3A_1344 = arith.constant 0 : i32
        %gt3A_1345 = vector.broadcast %gt3A_1344 : i32 to vector<16xi32>
        %gt3A_1346 = arith.cmpi sgt, %get3A_1342, %gt3A_1345 : vector<16xi32>
        %select_n3A_1347 = arith.select %gt3A_1346, %exp3A_1343, %broadcast_in_dim3A_36 : vector<16xi1>, vector<16xf32>
        %add3A_1348 = arith.addf %add3A_1322, %select_n3A_1347 : vector<16xf32>
        %add3A_1349 = arith.addf %add3A_1323, %exp3A_1343 : vector<16xf32>
        %sub3A_1350 = arith.subf %exp3A_1343, %select_n3A_1347 : vector<16xf32>
        %max3A_1351 = arith.maximumf %max3A_1325, %sub3A_1350 : vector<16xf32>
        scf.yield %add3A_1348, %add3A_1349, %max3A_1351 : vector<16xf32>, vector<16xf32>, vector<16xf32>
      }
      %scan3A_694 = arith.constant 60 : i32
      %scan3A_695 = arith.addi %scan3A_689, %scan3A_694 : i32
      %mul3A_696 = arith.constant 16 : i32
      %mul3A_697 = arith.muli %scan3A_695, %mul3A_696 : i32
      %multiple_of3A_698 = tpu.assume_multiple %mul3A_697, 16 : i32
      %get3A_699 = arith.constant 8 : i32
      %get3A_700 = arith.index_cast %rem3A_53 : i32 to index
      %get3A_701 = arith.index_cast %get3A_699 : i32 to index
      %get3A_702 = arith.index_cast %multiple_of3A_698 : i32 to index
      %get3A_703 = tpu.vector_load %arg7[%get3A_700, %get3A_701, %get3A_702] {strides = array<i32>} : memref<2x16x1000xf32, #tpu.memory_space<vmem>>, vector<1x1x16xf32>,
      %get3A_704 = vector.shape_cast %get3A_703 : vector<1x1x16xf32> to vector<16xf32>
      %get3A_705 = arith.constant 8 : i32
      %get3A_706 = arith.index_cast %rem3A_53 : i32 to index
      %get3A_707 = arith.index_cast %get3A_705 : i32 to index
      %get3A_708 = arith.index_cast %multiple_of3A_698 : i32 to index
      %get3A_709 = tpu.vector_load %arg8[%get3A_706, %get3A_707, %get3A_708] {strides = array<i32>} : memref<2x16x1000xi32, #tpu.memory_space<vmem>>, vector<1x1x16xi32>,
      %get3A_710 = vector.shape_cast %get3A_709 : vector<1x1x16xi32> to vector<16xi32>
      %exp3A_711 = math.exp %get3A_704 : vector<16xf32>
      %gt3A_712 = arith.constant 0 : i32
      %gt3A_713 = vector.broadcast %gt3A_712 : i32 to vector<16xi32>
      %gt3A_714 = arith.cmpi sgt, %get3A_710, %gt3A_713 : vector<16xi32>
      %select_n3A_715 = arith.select %gt3A_714, %exp3A_711, %broadcast_in_dim3A_36 : vector<16xi1>, vector<16xf32>
      %add3A_716 = arith.addf %scan3A_693#0, %select_n3A_715 : vector<16xf32>
      %add3A_717 = arith.addf %scan3A_693#1, %exp3A_711 : vector<16xf32>
      %sub3A_718 = arith.subf %exp3A_711, %select_n3A_715 : vector<16xf32>
      %max3A_719 = arith.maximumf %scan3A_693#2, %sub3A_718 : vector<16xf32>
      %scan3A_720 = arith.constant 61 : i32
      %get3A_721 = arith.constant 8 : i32
      %get3A_722 = arith.index_cast %rem3A_53 : i32 to index
      %get3A_723 = arith.index_cast %get3A_721 : i32 to index
      %get3A_724 = arith.constant 976 : index
      %get3A_725 = tpu.vector_load %arg7[%get3A_722, %get3A_723, %get3A_724] {strides = array<i32>} : memref<2x16x1000xf32, #tpu.memory_space<vmem>>, vector<1x1x16xf32>,
      %get3A_726 = vector.shape_cast %get3A_725 : vector<1x1x16xf32> to vector<16xf32>
      %get3A_727 = arith.constant 8 : i32
      %get3A_728 = arith.index_cast %rem3A_53 : i32 to index
      %get3A_729 = arith.index_cast %get3A_727 : i32 to index
      %get3A_730 = arith.constant 976 : index
      %get3A_731 = tpu.vector_load %arg8[%get3A_728, %get3A_729, %get3A_730] {strides = array<i32>} : memref<2x16x1000xi32, #tpu.memory_space<vmem>>, vector<1x1x16xi32>,
      %get3A_732 = vector.shape_cast %get3A_731 : vector<1x1x16xi32> to vector<16xi32>
      %exp3A_733 = math.exp %get3A_726 : vector<16xf32>
      %select_n3A_734 = arith.select %ge3A_38, %exp3A_733, %broadcast_in_dim3A_36 : vector<16xi1>, vector<16xf32>
      %gt3A_735 = arith.constant 0 : i32
      %gt3A_736 = vector.broadcast %gt3A_735 : i32 to vector<16xi32>
      %gt3A_737 = arith.cmpi sgt, %get3A_732, %gt3A_736 : vector<16xi32>
      %select_n3A_738 = arith.select %gt3A_737, %select_n3A_734, %broadcast_in_dim3A_36 : vector<16xi1>, vector<16xf32>
      %mul3A_739 = arith.constant 16 : i32
      %mul3A_740 = arith.muli %scan3A_51, %mul3A_739 : i32
      %add3A_741 = arith.constant 8 : i32
      %add3A_742 = arith.addi %mul3A_740, %add3A_741 : i32
      %add3A_743 = arith.addf %add3A_716, %select_n3A_738 : vector<16xf32>
      %mul3A_744 = arith.constant 16 : i32
      %mul3A_745 = arith.muli %add3A_742, %mul3A_744 : i32
      %swap3A_746 = arith.index_cast %mul3A_745 : i32 to index
      %swap3A_747 = tpu.vector_load %arg9[%swap3A_746] {strides = array<i32>} : memref<2048xf32, #tpu.memory_space<vmem>>, vector<16xf32>,
      %swap3A_748 = vector.shape_cast %swap3A_747 : vector<16xf32> to vector<16xf32>
      %swap3A_749 = vector.shape_cast %add3A_743 : vector<16xf32> to vector<16xf32>
      tpu.vector_store %arg9[%swap3A_746], %swap3A_749 {strides = array<i32>} : memref<2048xf32, #tpu.memory_space<vmem>>, vector<16xf32>,
      %add3A_750 = arith.addf %add3A_717, %select_n3A_734 : vector<16xf32>
      %mul3A_751 = arith.constant 16 : i32
      %mul3A_752 = arith.muli %add3A_742, %mul3A_751 : i32
      %swap3A_753 = arith.index_cast %mul3A_752 : i32 to index
      %swap3A_754 = tpu.vector_load %arg10[%swap3A_753] {strides = array<i32>} : memref<2048xf32, #tpu.memory_space<vmem>>, vector<16xf32>,
      %swap3A_755 = vector.shape_cast %swap3A_754 : vector<16xf32> to vector<16xf32>
      %swap3A_756 = vector.shape_cast %add3A_750 : vector<16xf32> to vector<16xf32>
      tpu.vector_store %arg10[%swap3A_753], %swap3A_756 {strides = array<i32>} : memref<2048xf32, #tpu.memory_space<vmem>>, vector<16xf32>,
      %sub3A_757 = arith.subf %select_n3A_734, %select_n3A_738 : vector<16xf32>
      %max3A_758 = arith.maximumf %max3A_719, %sub3A_757 : vector<16xf32>
      %mul3A_759 = arith.constant 16 : i32
      %mul3A_760 = arith.muli %add3A_742, %mul3A_759 : i32
      %swap3A_761 = arith.index_cast %mul3A_760 : i32 to index
      %swap3A_762 = tpu.vector_load %arg11[%swap3A_761] {strides = array<i32>} : memref<2048xf32, #tpu.memory_space<vmem>>, vector<16xf32>,
      %swap3A_763 = vector.shape_cast %swap3A_762 : vector<16xf32> to vector<16xf32>
      %swap3A_764 = vector.shape_cast %max3A_758 : vector<16xf32> to vector<16xf32>
      tpu.vector_store %arg11[%swap3A_761], %swap3A_764 {strides = array<i32>} : memref<2048xf32, #tpu.memory_space<vmem>>, vector<16xf32>,
      %scan3A_765 = arith.constant 0 : i32
      %scan3A_766 = arith.constant 60 : i32
      %scan3A_767 = arith.addi %scan3A_765, %scan3A_766 : i32
      %scan3A_768 = arith.constant 2 : i32
      %scan3A_769:3 = scf.for %scan3A_1298 = %scan3A_765 to %scan3A_767 step %scan3A_768 iter_args(%scan3A_1299 = %broadcast_in_dim3A_36, %scan3A_1300 = %broadcast_in_dim3A_36, %scan3A_1301 = %broadcast_in_dim3A_36) -> (vector<16xf32>, vector<16xf32>, vector<16xf32>)  : i32 {
        %mul3A_1302 = arith.constant 16 : i32
        %mul3A_1303 = arith.muli %scan3A_1298, %mul3A_1302 : i32
        %multiple_of3A_1304 = tpu.assume_multiple %mul3A_1303, 16 : i32
        %get3A_1305 = arith.constant 9 : i32
        %get3A_1306 = arith.index_cast %rem3A_53 : i32 to index
        %get3A_1307 = arith.index_cast %get3A_1305 : i32 to index
        %get3A_1308 = arith.index_cast %multiple_of3A_1304 : i32 to index
        %get3A_1309 = tpu.vector_load %arg7[%get3A_1306, %get3A_1307, %get3A_1308] {strides = array<i32>} : memref<2x16x1000xf32, #tpu.memory_space<vmem>>, vector<1x1x16xf32>,
        %get3A_1310 = vector.shape_cast %get3A_1309 : vector<1x1x16xf32> to vector<16xf32>
        %get3A_1311 = arith.constant 9 : i32
        %get3A_1312 = arith.index_cast %rem3A_53 : i32 to index
        %get3A_1313 = arith.index_cast %get3A_1311 : i32 to index
        %get3A_1314 = arith.index_cast %multiple_of3A_1304 : i32 to index
        %get3A_1315 = tpu.vector_load %arg8[%get3A_1312, %get3A_1313, %get3A_1314] {strides = array<i32>} : memref<2x16x1000xi32, #tpu.memory_space<vmem>>, vector<1x1x16xi32>,
        %get3A_1316 = vector.shape_cast %get3A_1315 : vector<1x1x16xi32> to vector<16xi32>
        %exp3A_1317 = math.exp %get3A_1310 : vector<16xf32>
        %gt3A_1318 = arith.constant 0 : i32
        %gt3A_1319 = vector.broadcast %gt3A_1318 : i32 to vector<16xi32>
        %gt3A_1320 = arith.cmpi sgt, %get3A_1316, %gt3A_1319 : vector<16xi32>
        %select_n3A_1321 = arith.select %gt3A_1320, %exp3A_1317, %broadcast_in_dim3A_36 : vector<16xi1>, vector<16xf32>
        %add3A_1322 = arith.addf %scan3A_1299, %select_n3A_1321 : vector<16xf32>
        %add3A_1323 = arith.addf %scan3A_1300, %exp3A_1317 : vector<16xf32>
        %sub3A_1324 = arith.subf %exp3A_1317, %select_n3A_1321 : vector<16xf32>
        %max3A_1325 = arith.maximumf %scan3A_1301, %sub3A_1324 : vector<16xf32>
        %scan3A_1326 = arith.constant 1 : i32
        %scan3A_1327 = arith.addi %scan3A_1298, %scan3A_1326 : i32
        %mul3A_1328 = arith.constant 16 : i32
        %mul3A_1329 = arith.muli %scan3A_1327, %mul3A_1328 : i32
        %multiple_of3A_1330 = tpu.assume_multiple %mul3A_1329, 16 : i32
        %get3A_1331 = arith.constant 9 : i32
        %get3A_1332 = arith.index_cast %rem3A_53 : i32 to index
        %get3A_1333 = arith.index_cast %get3A_1331 : i32 to index
        %get3A_1334 = arith.index_cast %multiple_of3A_1330 : i32 to index
        %get3A_1335 = tpu.vector_load %arg7[%get3A_1332, %get3A_1333, %get3A_1334] {strides = array<i32>} : memref<2x16x1000xf32, #tpu.memory_space<vmem>>, vector<1x1x16xf32>,
        %get3A_1336 = vector.shape_cast %get3A_1335 : vector<1x1x16xf32> to vector<16xf32>
        %get3A_1337 = arith.constant 9 : i32
        %get3A_1338 = arith.index_cast %rem3A_53 : i32 to index
        %get3A_1339 = arith.index_cast %get3A_1337 : i32 to index
        %get3A_1340 = arith.index_cast %multiple_of3A_1330 : i32 to index
        %get3A_1341 = tpu.vector_load %arg8[%get3A_1338, %get3A_1339, %get3A_1340] {strides = array<i32>} : memref<2x16x1000xi32, #tpu.memory_space<vmem>>, vector<1x1x16xi32>,
        %get3A_1342 = vector.shape_cast %get3A_1341 : vector<1x1x16xi32> to vector<16xi32>
        %exp3A_1343 = math.exp %get3A_1336 : vector<16xf32>
        %gt3A_1344 = arith.constant 0 : i32
        %gt3A_1345 = vector.broadcast %gt3A_1344 : i32 to vector<16xi32>
        %gt3A_1346 = arith.cmpi sgt, %get3A_1342, %gt3A_1345 : vector<16xi32>
        %select_n3A_1347 = arith.select %gt3A_1346, %exp3A_1343, %broadcast_in_dim3A_36 : vector<16xi1>, vector<16xf32>
        %add3A_1348 = arith.addf %add3A_1322, %select_n3A_1347 : vector<16xf32>
        %add3A_1349 = arith.addf %add3A_1323, %exp3A_1343 : vector<16xf32>
        %sub3A_1350 = arith.subf %exp3A_1343, %select_n3A_1347 : vector<16xf32>
        %max3A_1351 = arith.maximumf %max3A_1325, %sub3A_1350 : vector<16xf32>
        scf.yield %add3A_1348, %add3A_1349, %max3A_1351 : vector<16xf32>, vector<16xf32>, vector<16xf32>
      }
      %scan3A_770 = arith.constant 60 : i32
      %scan3A_771 = arith.addi %scan3A_765, %scan3A_770 : i32
      %mul3A_772 = arith.constant 16 : i32
      %mul3A_773 = arith.muli %scan3A_771, %mul3A_772 : i32
      %multiple_of3A_774 = tpu.assume_multiple %mul3A_773, 16 : i32
      %get3A_775 = arith.constant 9 : i32
      %get3A_776 = arith.index_cast %rem3A_53 : i32 to index
      %get3A_777 = arith.index_cast %get3A_775 : i32 to index
      %get3A_778 = arith.index_cast %multiple_of3A_774 : i32 to index
      %get3A_779 = tpu.vector_load %arg7[%get3A_776, %get3A_777, %get3A_778] {strides = array<i32>} : memref<2x16x1000xf32, #tpu.memory_space<vmem>>, vector<1x1x16xf32>,
      %get3A_780 = vector.shape_cast %get3A_779 : vector<1x1x16xf32> to vector<16xf32>
      %get3A_781 = arith.constant 9 : i32
      %get3A_782 = arith.index_cast %rem3A_53 : i32 to index
      %get3A_783 = arith.index_cast %get3A_781 : i32 to index
      %get3A_784 = arith.index_cast %multiple_of3A_774 : i32 to index
      %get3A_785 = tpu.vector_load %arg8[%get3A_782, %get3A_783, %get3A_784] {strides = array<i32>} : memref<2x16x1000xi32, #tpu.memory_space<vmem>>, vector<1x1x16xi32>,
      %get3A_786 = vector.shape_cast %get3A_785 : vector<1x1x16xi32> to vector<16xi32>
      %exp3A_787 = math.exp %get3A_780 : vector<16xf32>
      %gt3A_788 = arith.constant 0 : i32
      %gt3A_789 = vector.broadcast %gt3A_788 : i32 to vector<16xi32>
      %gt3A_790 = arith.cmpi sgt, %get3A_786, %gt3A_789 : vector<16xi32>
      %select_n3A_791 = arith.select %gt3A_790, %exp3A_787, %broadcast_in_dim3A_36 : vector<16xi1>, vector<16xf32>
      %add3A_792 = arith.addf %scan3A_769#0, %select_n3A_791 : vector<16xf32>
      %add3A_793 = arith.addf %scan3A_769#1, %exp3A_787 : vector<16xf32>
      %sub3A_794 = arith.subf %exp3A_787, %select_n3A_791 : vector<16xf32>
      %max3A_795 = arith.maximumf %scan3A_769#2, %sub3A_794 : vector<16xf32>
      %scan3A_796 = arith.constant 61 : i32
      %get3A_797 = arith.constant 9 : i32
      %get3A_798 = arith.index_cast %rem3A_53 : i32 to index
      %get3A_799 = arith.index_cast %get3A_797 : i32 to index
      %get3A_800 = arith.constant 976 : index
      %get3A_801 = tpu.vector_load %arg7[%get3A_798, %get3A_799, %get3A_800] {strides = array<i32>} : memref<2x16x1000xf32, #tpu.memory_space<vmem>>, vector<1x1x16xf32>,
      %get3A_802 = vector.shape_cast %get3A_801 : vector<1x1x16xf32> to vector<16xf32>
      %get3A_803 = arith.constant 9 : i32
      %get3A_804 = arith.index_cast %rem3A_53 : i32 to index
      %get3A_805 = arith.index_cast %get3A_803 : i32 to index
      %get3A_806 = arith.constant 976 : index
      %get3A_807 = tpu.vector_load %arg8[%get3A_804, %get3A_805, %get3A_806] {strides = array<i32>} : memref<2x16x1000xi32, #tpu.memory_space<vmem>>, vector<1x1x16xi32>,
      %get3A_808 = vector.shape_cast %get3A_807 : vector<1x1x16xi32> to vector<16xi32>
      %exp3A_809 = math.exp %get3A_802 : vector<16xf32>
      %select_n3A_810 = arith.select %ge3A_38, %exp3A_809, %broadcast_in_dim3A_36 : vector<16xi1>, vector<16xf32>
      %gt3A_811 = arith.constant 0 : i32
      %gt3A_812 = vector.broadcast %gt3A_811 : i32 to vector<16xi32>
      %gt3A_813 = arith.cmpi sgt, %get3A_808, %gt3A_812 : vector<16xi32>
      %select_n3A_814 = arith.select %gt3A_813, %select_n3A_810, %broadcast_in_dim3A_36 : vector<16xi1>, vector<16xf32>
      %mul3A_815 = arith.constant 16 : i32
      %mul3A_816 = arith.muli %scan3A_51, %mul3A_815 : i32
      %add3A_817 = arith.constant 9 : i32
      %add3A_818 = arith.addi %mul3A_816, %add3A_817 : i32
      %add3A_819 = arith.addf %add3A_792, %select_n3A_814 : vector<16xf32>
      %mul3A_820 = arith.constant 16 : i32
      %mul3A_821 = arith.muli %add3A_818, %mul3A_820 : i32
      %swap3A_822 = arith.index_cast %mul3A_821 : i32 to index
      %swap3A_823 = tpu.vector_load %arg9[%swap3A_822] {strides = array<i32>} : memref<2048xf32, #tpu.memory_space<vmem>>, vector<16xf32>,
      %swap3A_824 = vector.shape_cast %swap3A_823 : vector<16xf32> to vector<16xf32>
      %swap3A_825 = vector.shape_cast %add3A_819 : vector<16xf32> to vector<16xf32>
      tpu.vector_store %arg9[%swap3A_822], %swap3A_825 {strides = array<i32>} : memref<2048xf32, #tpu.memory_space<vmem>>, vector<16xf32>,
      %add3A_826 = arith.addf %add3A_793, %select_n3A_810 : vector<16xf32>
      %mul3A_827 = arith.constant 16 : i32
      %mul3A_828 = arith.muli %add3A_818, %mul3A_827 : i32
      %swap3A_829 = arith.index_cast %mul3A_828 : i32 to index
      %swap3A_830 = tpu.vector_load %arg10[%swap3A_829] {strides = array<i32>} : memref<2048xf32, #tpu.memory_space<vmem>>, vector<16xf32>,
      %swap3A_831 = vector.shape_cast %swap3A_830 : vector<16xf32> to vector<16xf32>
      %swap3A_832 = vector.shape_cast %add3A_826 : vector<16xf32> to vector<16xf32>
      tpu.vector_store %arg10[%swap3A_829], %swap3A_832 {strides = array<i32>} : memref<2048xf32, #tpu.memory_space<vmem>>, vector<16xf32>,
      %sub3A_833 = arith.subf %select_n3A_810, %select_n3A_814 : vector<16xf32>
      %max3A_834 = arith.maximumf %max3A_795, %sub3A_833 : vector<16xf32>
      %mul3A_835 = arith.constant 16 : i32
      %mul3A_836 = arith.muli %add3A_818, %mul3A_835 : i32
      %swap3A_837 = arith.index_cast %mul3A_836 : i32 to index
      %swap3A_838 = tpu.vector_load %arg11[%swap3A_837] {strides = array<i32>} : memref<2048xf32, #tpu.memory_space<vmem>>, vector<16xf32>,
      %swap3A_839 = vector.shape_cast %swap3A_838 : vector<16xf32> to vector<16xf32>
      %swap3A_840 = vector.shape_cast %max3A_834 : vector<16xf32> to vector<16xf32>
      tpu.vector_store %arg11[%swap3A_837], %swap3A_840 {strides = array<i32>} : memref<2048xf32, #tpu.memory_space<vmem>>, vector<16xf32>,
      %scan3A_841 = arith.constant 0 : i32
      %scan3A_842 = arith.constant 60 : i32
      %scan3A_843 = arith.addi %scan3A_841, %scan3A_842 : i32
      %scan3A_844 = arith.constant 2 : i32
      %scan3A_845:3 = scf.for %scan3A_1298 = %scan3A_841 to %scan3A_843 step %scan3A_844 iter_args(%scan3A_1299 = %broadcast_in_dim3A_36, %scan3A_1300 = %broadcast_in_dim3A_36, %scan3A_1301 = %broadcast_in_dim3A_36) -> (vector<16xf32>, vector<16xf32>, vector<16xf32>)  : i32 {
        %mul3A_1302 = arith.constant 16 : i32
        %mul3A_1303 = arith.muli %scan3A_1298, %mul3A_1302 : i32
        %multiple_of3A_1304 = tpu.assume_multiple %mul3A_1303, 16 : i32
        %get3A_1305 = arith.constant 10 : i32
        %get3A_1306 = arith.index_cast %rem3A_53 : i32 to index
        %get3A_1307 = arith.index_cast %get3A_1305 : i32 to index
        %get3A_1308 = arith.index_cast %multiple_of3A_1304 : i32 to index
        %get3A_1309 = tpu.vector_load %arg7[%get3A_1306, %get3A_1307, %get3A_1308] {strides = array<i32>} : memref<2x16x1000xf32, #tpu.memory_space<vmem>>, vector<1x1x16xf32>,
        %get3A_1310 = vector.shape_cast %get3A_1309 : vector<1x1x16xf32> to vector<16xf32>
        %get3A_1311 = arith.constant 10 : i32
        %get3A_1312 = arith.index_cast %rem3A_53 : i32 to index
        %get3A_1313 = arith.index_cast %get3A_1311 : i32 to index
        %get3A_1314 = arith.index_cast %multiple_of3A_1304 : i32 to index
        %get3A_1315 = tpu.vector_load %arg8[%get3A_1312, %get3A_1313, %get3A_1314] {strides = array<i32>} : memref<2x16x1000xi32, #tpu.memory_space<vmem>>, vector<1x1x16xi32>,
        %get3A_1316 = vector.shape_cast %get3A_1315 : vector<1x1x16xi32> to vector<16xi32>
        %exp3A_1317 = math.exp %get3A_1310 : vector<16xf32>
        %gt3A_1318 = arith.constant 0 : i32
        %gt3A_1319 = vector.broadcast %gt3A_1318 : i32 to vector<16xi32>
        %gt3A_1320 = arith.cmpi sgt, %get3A_1316, %gt3A_1319 : vector<16xi32>
        %select_n3A_1321 = arith.select %gt3A_1320, %exp3A_1317, %broadcast_in_dim3A_36 : vector<16xi1>, vector<16xf32>
        %add3A_1322 = arith.addf %scan3A_1299, %select_n3A_1321 : vector<16xf32>
        %add3A_1323 = arith.addf %scan3A_1300, %exp3A_1317 : vector<16xf32>
        %sub3A_1324 = arith.subf %exp3A_1317, %select_n3A_1321 : vector<16xf32>
        %max3A_1325 = arith.maximumf %scan3A_1301, %sub3A_1324 : vector<16xf32>
        %scan3A_1326 = arith.constant 1 : i32
        %scan3A_1327 = arith.addi %scan3A_1298, %scan3A_1326 : i32
        %mul3A_1328 = arith.constant 16 : i32
        %mul3A_1329 = arith.muli %scan3A_1327, %mul3A_1328 : i32
        %multiple_of3A_1330 = tpu.assume_multiple %mul3A_1329, 16 : i32
        %get3A_1331 = arith.constant 10 : i32
        %get3A_1332 = arith.index_cast %rem3A_53 : i32 to index
        %get3A_1333 = arith.index_cast %get3A_1331 : i32 to index
        %get3A_1334 = arith.index_cast %multiple_of3A_1330 : i32 to index
        %get3A_1335 = tpu.vector_load %arg7[%get3A_1332, %get3A_1333, %get3A_1334] {strides = array<i32>} : memref<2x16x1000xf32, #tpu.memory_space<vmem>>, vector<1x1x16xf32>,
        %get3A_1336 = vector.shape_cast %get3A_1335 : vector<1x1x16xf32> to vector<16xf32>
        %get3A_1337 = arith.constant 10 : i32
        %get3A_1338 = arith.index_cast %rem3A_53 : i32 to index
        %get3A_1339 = arith.index_cast %get3A_1337 : i32 to index
        %get3A_1340 = arith.index_cast %multiple_of3A_1330 : i32 to index
        %get3A_1341 = tpu.vector_load %arg8[%get3A_1338, %get3A_1339, %get3A_1340] {strides = array<i32>} : memref<2x16x1000xi32, #tpu.memory_space<vmem>>, vector<1x1x16xi32>,
        %get3A_1342 = vector.shape_cast %get3A_1341 : vector<1x1x16xi32> to vector<16xi32>
        %exp3A_1343 = math.exp %get3A_1336 : vector<16xf32>
        %gt3A_1344 = arith.constant 0 : i32
        %gt3A_1345 = vector.broadcast %gt3A_1344 : i32 to vector<16xi32>
        %gt3A_1346 = arith.cmpi sgt, %get3A_1342, %gt3A_1345 : vector<16xi32>
        %select_n3A_1347 = arith.select %gt3A_1346, %exp3A_1343, %broadcast_in_dim3A_36 : vector<16xi1>, vector<16xf32>
        %add3A_1348 = arith.addf %add3A_1322, %select_n3A_1347 : vector<16xf32>
        %add3A_1349 = arith.addf %add3A_1323, %exp3A_1343 : vector<16xf32>
        %sub3A_1350 = arith.subf %exp3A_1343, %select_n3A_1347 : vector<16xf32>
        %max3A_1351 = arith.maximumf %max3A_1325, %sub3A_1350 : vector<16xf32>
        scf.yield %add3A_1348, %add3A_1349, %max3A_1351 : vector<16xf32>, vector<16xf32>, vector<16xf32>
      }
      %scan3A_846 = arith.constant 60 : i32
      %scan3A_847 = arith.addi %scan3A_841, %scan3A_846 : i32
      %mul3A_848 = arith.constant 16 : i32
      %mul3A_849 = arith.muli %scan3A_847, %mul3A_848 : i32
      %multiple_of3A_850 = tpu.assume_multiple %mul3A_849, 16 : i32
      %get3A_851 = arith.constant 10 : i32
      %get3A_852 = arith.index_cast %rem3A_53 : i32 to index
      %get3A_853 = arith.index_cast %get3A_851 : i32 to index
      %get3A_854 = arith.index_cast %multiple_of3A_850 : i32 to index
      %get3A_855 = tpu.vector_load %arg7[%get3A_852, %get3A_853, %get3A_854] {strides = array<i32>} : memref<2x16x1000xf32, #tpu.memory_space<vmem>>, vector<1x1x16xf32>,
      %get3A_856 = vector.shape_cast %get3A_855 : vector<1x1x16xf32> to vector<16xf32>
      %get3A_857 = arith.constant 10 : i32
      %get3A_858 = arith.index_cast %rem3A_53 : i32 to index
      %get3A_859 = arith.index_cast %get3A_857 : i32 to index
      %get3A_860 = arith.index_cast %multiple_of3A_850 : i32 to index
      %get3A_861 = tpu.vector_load %arg8[%get3A_858, %get3A_859, %get3A_860] {strides = array<i32>} : memref<2x16x1000xi32, #tpu.memory_space<vmem>>, vector<1x1x16xi32>,
      %get3A_862 = vector.shape_cast %get3A_861 : vector<1x1x16xi32> to vector<16xi32>
      %exp3A_863 = math.exp %get3A_856 : vector<16xf32>
      %gt3A_864 = arith.constant 0 : i32
      %gt3A_865 = vector.broadcast %gt3A_864 : i32 to vector<16xi32>
      %gt3A_866 = arith.cmpi sgt, %get3A_862, %gt3A_865 : vector<16xi32>
      %select_n3A_867 = arith.select %gt3A_866, %exp3A_863, %broadcast_in_dim3A_36 : vector<16xi1>, vector<16xf32>
      %add3A_868 = arith.addf %scan3A_845#0, %select_n3A_867 : vector<16xf32>
      %add3A_869 = arith.addf %scan3A_845#1, %exp3A_863 : vector<16xf32>
      %sub3A_870 = arith.subf %exp3A_863, %select_n3A_867 : vector<16xf32>
      %max3A_871 = arith.maximumf %scan3A_845#2, %sub3A_870 : vector<16xf32>
      %scan3A_872 = arith.constant 61 : i32
      %get3A_873 = arith.constant 10 : i32
      %get3A_874 = arith.index_cast %rem3A_53 : i32 to index
      %get3A_875 = arith.index_cast %get3A_873 : i32 to index
      %get3A_876 = arith.constant 976 : index
      %get3A_877 = tpu.vector_load %arg7[%get3A_874, %get3A_875, %get3A_876] {strides = array<i32>} : memref<2x16x1000xf32, #tpu.memory_space<vmem>>, vector<1x1x16xf32>,
      %get3A_878 = vector.shape_cast %get3A_877 : vector<1x1x16xf32> to vector<16xf32>
      %get3A_879 = arith.constant 10 : i32
      %get3A_880 = arith.index_cast %rem3A_53 : i32 to index
      %get3A_881 = arith.index_cast %get3A_879 : i32 to index
      %get3A_882 = arith.constant 976 : index
      %get3A_883 = tpu.vector_load %arg8[%get3A_880, %get3A_881, %get3A_882] {strides = array<i32>} : memref<2x16x1000xi32, #tpu.memory_space<vmem>>, vector<1x1x16xi32>,
      %get3A_884 = vector.shape_cast %get3A_883 : vector<1x1x16xi32> to vector<16xi32>
      %exp3A_885 = math.exp %get3A_878 : vector<16xf32>
      %select_n3A_886 = arith.select %ge3A_38, %exp3A_885, %broadcast_in_dim3A_36 : vector<16xi1>, vector<16xf32>
      %gt3A_887 = arith.constant 0 : i32
      %gt3A_888 = vector.broadcast %gt3A_887 : i32 to vector<16xi32>
      %gt3A_889 = arith.cmpi sgt, %get3A_884, %gt3A_888 : vector<16xi32>
      %select_n3A_890 = arith.select %gt3A_889, %select_n3A_886, %broadcast_in_dim3A_36 : vector<16xi1>, vector<16xf32>
      %mul3A_891 = arith.constant 16 : i32
      %mul3A_892 = arith.muli %scan3A_51, %mul3A_891 : i32
      %add3A_893 = arith.constant 10 : i32
      %add3A_894 = arith.addi %mul3A_892, %add3A_893 : i32
      %add3A_895 = arith.addf %add3A_868, %select_n3A_890 : vector<16xf32>
      %mul3A_896 = arith.constant 16 : i32
      %mul3A_897 = arith.muli %add3A_894, %mul3A_896 : i32
      %swap3A_898 = arith.index_cast %mul3A_897 : i32 to index
      %swap3A_899 = tpu.vector_load %arg9[%swap3A_898] {strides = array<i32>} : memref<2048xf32, #tpu.memory_space<vmem>>, vector<16xf32>,
      %swap3A_900 = vector.shape_cast %swap3A_899 : vector<16xf32> to vector<16xf32>
      %swap3A_901 = vector.shape_cast %add3A_895 : vector<16xf32> to vector<16xf32>
      tpu.vector_store %arg9[%swap3A_898], %swap3A_901 {strides = array<i32>} : memref<2048xf32, #tpu.memory_space<vmem>>, vector<16xf32>,
      %add3A_902 = arith.addf %add3A_869, %select_n3A_886 : vector<16xf32>
      %mul3A_903 = arith.constant 16 : i32
      %mul3A_904 = arith.muli %add3A_894, %mul3A_903 : i32
      %swap3A_905 = arith.index_cast %mul3A_904 : i32 to index
      %swap3A_906 = tpu.vector_load %arg10[%swap3A_905] {strides = array<i32>} : memref<2048xf32, #tpu.memory_space<vmem>>, vector<16xf32>,
      %swap3A_907 = vector.shape_cast %swap3A_906 : vector<16xf32> to vector<16xf32>
      %swap3A_908 = vector.shape_cast %add3A_902 : vector<16xf32> to vector<16xf32>
      tpu.vector_store %arg10[%swap3A_905], %swap3A_908 {strides = array<i32>} : memref<2048xf32, #tpu.memory_space<vmem>>, vector<16xf32>,
      %sub3A_909 = arith.subf %select_n3A_886, %select_n3A_890 : vector<16xf32>
      %max3A_910 = arith.maximumf %max3A_871, %sub3A_909 : vector<16xf32>
      %mul3A_911 = arith.constant 16 : i32
      %mul3A_912 = arith.muli %add3A_894, %mul3A_911 : i32
      %swap3A_913 = arith.index_cast %mul3A_912 : i32 to index
      %swap3A_914 = tpu.vector_load %arg11[%swap3A_913] {strides = array<i32>} : memref<2048xf32, #tpu.memory_space<vmem>>, vector<16xf32>,
      %swap3A_915 = vector.shape_cast %swap3A_914 : vector<16xf32> to vector<16xf32>
      %swap3A_916 = vector.shape_cast %max3A_910 : vector<16xf32> to vector<16xf32>
      tpu.vector_store %arg11[%swap3A_913], %swap3A_916 {strides = array<i32>} : memref<2048xf32, #tpu.memory_space<vmem>>, vector<16xf32>,
      %scan3A_917 = arith.constant 0 : i32
      %scan3A_918 = arith.constant 60 : i32
      %scan3A_919 = arith.addi %scan3A_917, %scan3A_918 : i32
      %scan3A_920 = arith.constant 2 : i32
      %scan3A_921:3 = scf.for %scan3A_1298 = %scan3A_917 to %scan3A_919 step %scan3A_920 iter_args(%scan3A_1299 = %broadcast_in_dim3A_36, %scan3A_1300 = %broadcast_in_dim3A_36, %scan3A_1301 = %broadcast_in_dim3A_36) -> (vector<16xf32>, vector<16xf32>, vector<16xf32>)  : i32 {
        %mul3A_1302 = arith.constant 16 : i32
        %mul3A_1303 = arith.muli %scan3A_1298, %mul3A_1302 : i32
        %multiple_of3A_1304 = tpu.assume_multiple %mul3A_1303, 16 : i32
        %get3A_1305 = arith.constant 11 : i32
        %get3A_1306 = arith.index_cast %rem3A_53 : i32 to index
        %get3A_1307 = arith.index_cast %get3A_1305 : i32 to index
        %get3A_1308 = arith.index_cast %multiple_of3A_1304 : i32 to index
        %get3A_1309 = tpu.vector_load %arg7[%get3A_1306, %get3A_1307, %get3A_1308] {strides = array<i32>} : memref<2x16x1000xf32, #tpu.memory_space<vmem>>, vector<1x1x16xf32>,
        %get3A_1310 = vector.shape_cast %get3A_1309 : vector<1x1x16xf32> to vector<16xf32>
        %get3A_1311 = arith.constant 11 : i32
        %get3A_1312 = arith.index_cast %rem3A_53 : i32 to index
        %get3A_1313 = arith.index_cast %get3A_1311 : i32 to index
        %get3A_1314 = arith.index_cast %multiple_of3A_1304 : i32 to index
        %get3A_1315 = tpu.vector_load %arg8[%get3A_1312, %get3A_1313, %get3A_1314] {strides = array<i32>} : memref<2x16x1000xi32, #tpu.memory_space<vmem>>, vector<1x1x16xi32>,
        %get3A_1316 = vector.shape_cast %get3A_1315 : vector<1x1x16xi32> to vector<16xi32>
        %exp3A_1317 = math.exp %get3A_1310 : vector<16xf32>
        %gt3A_1318 = arith.constant 0 : i32
        %gt3A_1319 = vector.broadcast %gt3A_1318 : i32 to vector<16xi32>
        %gt3A_1320 = arith.cmpi sgt, %get3A_1316, %gt3A_1319 : vector<16xi32>
        %select_n3A_1321 = arith.select %gt3A_1320, %exp3A_1317, %broadcast_in_dim3A_36 : vector<16xi1>, vector<16xf32>
        %add3A_1322 = arith.addf %scan3A_1299, %select_n3A_1321 : vector<16xf32>
        %add3A_1323 = arith.addf %scan3A_1300, %exp3A_1317 : vector<16xf32>
        %sub3A_1324 = arith.subf %exp3A_1317, %select_n3A_1321 : vector<16xf32>
        %max3A_1325 = arith.maximumf %scan3A_1301, %sub3A_1324 : vector<16xf32>
        %scan3A_1326 = arith.constant 1 : i32
        %scan3A_1327 = arith.addi %scan3A_1298, %scan3A_1326 : i32
        %mul3A_1328 = arith.constant 16 : i32
        %mul3A_1329 = arith.muli %scan3A_1327, %mul3A_1328 : i32
        %multiple_of3A_1330 = tpu.assume_multiple %mul3A_1329, 16 : i32
        %get3A_1331 = arith.constant 11 : i32
        %get3A_1332 = arith.index_cast %rem3A_53 : i32 to index
        %get3A_1333 = arith.index_cast %get3A_1331 : i32 to index
        %get3A_1334 = arith.index_cast %multiple_of3A_1330 : i32 to index
        %get3A_1335 = tpu.vector_load %arg7[%get3A_1332, %get3A_1333, %get3A_1334] {strides = array<i32>} : memref<2x16x1000xf32, #tpu.memory_space<vmem>>, vector<1x1x16xf32>,
        %get3A_1336 = vector.shape_cast %get3A_1335 : vector<1x1x16xf32> to vector<16xf32>
        %get3A_1337 = arith.constant 11 : i32
        %get3A_1338 = arith.index_cast %rem3A_53 : i32 to index
        %get3A_1339 = arith.index_cast %get3A_1337 : i32 to index
        %get3A_1340 = arith.index_cast %multiple_of3A_1330 : i32 to index
        %get3A_1341 = tpu.vector_load %arg8[%get3A_1338, %get3A_1339, %get3A_1340] {strides = array<i32>} : memref<2x16x1000xi32, #tpu.memory_space<vmem>>, vector<1x1x16xi32>,
        %get3A_1342 = vector.shape_cast %get3A_1341 : vector<1x1x16xi32> to vector<16xi32>
        %exp3A_1343 = math.exp %get3A_1336 : vector<16xf32>
        %gt3A_1344 = arith.constant 0 : i32
        %gt3A_1345 = vector.broadcast %gt3A_1344 : i32 to vector<16xi32>
        %gt3A_1346 = arith.cmpi sgt, %get3A_1342, %gt3A_1345 : vector<16xi32>
        %select_n3A_1347 = arith.select %gt3A_1346, %exp3A_1343, %broadcast_in_dim3A_36 : vector<16xi1>, vector<16xf32>
        %add3A_1348 = arith.addf %add3A_1322, %select_n3A_1347 : vector<16xf32>
        %add3A_1349 = arith.addf %add3A_1323, %exp3A_1343 : vector<16xf32>
        %sub3A_1350 = arith.subf %exp3A_1343, %select_n3A_1347 : vector<16xf32>
        %max3A_1351 = arith.maximumf %max3A_1325, %sub3A_1350 : vector<16xf32>
        scf.yield %add3A_1348, %add3A_1349, %max3A_1351 : vector<16xf32>, vector<16xf32>, vector<16xf32>
      }
      %scan3A_922 = arith.constant 60 : i32
      %scan3A_923 = arith.addi %scan3A_917, %scan3A_922 : i32
      %mul3A_924 = arith.constant 16 : i32
      %mul3A_925 = arith.muli %scan3A_923, %mul3A_924 : i32
      %multiple_of3A_926 = tpu.assume_multiple %mul3A_925, 16 : i32
      %get3A_927 = arith.constant 11 : i32
      %get3A_928 = arith.index_cast %rem3A_53 : i32 to index
      %get3A_929 = arith.index_cast %get3A_927 : i32 to index
      %get3A_930 = arith.index_cast %multiple_of3A_926 : i32 to index
      %get3A_931 = tpu.vector_load %arg7[%get3A_928, %get3A_929, %get3A_930] {strides = array<i32>} : memref<2x16x1000xf32, #tpu.memory_space<vmem>>, vector<1x1x16xf32>,
      %get3A_932 = vector.shape_cast %get3A_931 : vector<1x1x16xf32> to vector<16xf32>
      %get3A_933 = arith.constant 11 : i32
      %get3A_934 = arith.index_cast %rem3A_53 : i32 to index
      %get3A_935 = arith.index_cast %get3A_933 : i32 to index
      %get3A_936 = arith.index_cast %multiple_of3A_926 : i32 to index
      %get3A_937 = tpu.vector_load %arg8[%get3A_934, %get3A_935, %get3A_936] {strides = array<i32>} : memref<2x16x1000xi32, #tpu.memory_space<vmem>>, vector<1x1x16xi32>,
      %get3A_938 = vector.shape_cast %get3A_937 : vector<1x1x16xi32> to vector<16xi32>
      %exp3A_939 = math.exp %get3A_932 : vector<16xf32>
      %gt3A_940 = arith.constant 0 : i32
      %gt3A_941 = vector.broadcast %gt3A_940 : i32 to vector<16xi32>
      %gt3A_942 = arith.cmpi sgt, %get3A_938, %gt3A_941 : vector<16xi32>
      %select_n3A_943 = arith.select %gt3A_942, %exp3A_939, %broadcast_in_dim3A_36 : vector<16xi1>, vector<16xf32>
      %add3A_944 = arith.addf %scan3A_921#0, %select_n3A_943 : vector<16xf32>
      %add3A_945 = arith.addf %scan3A_921#1, %exp3A_939 : vector<16xf32>
      %sub3A_946 = arith.subf %exp3A_939, %select_n3A_943 : vector<16xf32>
      %max3A_947 = arith.maximumf %scan3A_921#2, %sub3A_946 : vector<16xf32>
      %scan3A_948 = arith.constant 61 : i32
      %get3A_949 = arith.constant 11 : i32
      %get3A_950 = arith.index_cast %rem3A_53 : i32 to index
      %get3A_951 = arith.index_cast %get3A_949 : i32 to index
      %get3A_952 = arith.constant 976 : index
      %get3A_953 = tpu.vector_load %arg7[%get3A_950, %get3A_951, %get3A_952] {strides = array<i32>} : memref<2x16x1000xf32, #tpu.memory_space<vmem>>, vector<1x1x16xf32>,
      %get3A_954 = vector.shape_cast %get3A_953 : vector<1x1x16xf32> to vector<16xf32>
      %get3A_955 = arith.constant 11 : i32
      %get3A_956 = arith.index_cast %rem3A_53 : i32 to index
      %get3A_957 = arith.index_cast %get3A_955 : i32 to index
      %get3A_958 = arith.constant 976 : index
      %get3A_959 = tpu.vector_load %arg8[%get3A_956, %get3A_957, %get3A_958] {strides = array<i32>} : memref<2x16x1000xi32, #tpu.memory_space<vmem>>, vector<1x1x16xi32>,
      %get3A_960 = vector.shape_cast %get3A_959 : vector<1x1x16xi32> to vector<16xi32>
      %exp3A_961 = math.exp %get3A_954 : vector<16xf32>
      %select_n3A_962 = arith.select %ge3A_38, %exp3A_961, %broadcast_in_dim3A_36 : vector<16xi1>, vector<16xf32>
      %gt3A_963 = arith.constant 0 : i32
      %gt3A_964 = vector.broadcast %gt3A_963 : i32 to vector<16xi32>
      %gt3A_965 = arith.cmpi sgt, %get3A_960, %gt3A_964 : vector<16xi32>
      %select_n3A_966 = arith.select %gt3A_965, %select_n3A_962, %broadcast_in_dim3A_36 : vector<16xi1>, vector<16xf32>
      %mul3A_967 = arith.constant 16 : i32
      %mul3A_968 = arith.muli %scan3A_51, %mul3A_967 : i32
      %add3A_969 = arith.constant 11 : i32
      %add3A_970 = arith.addi %mul3A_968, %add3A_969 : i32
      %add3A_971 = arith.addf %add3A_944, %select_n3A_966 : vector<16xf32>
      %mul3A_972 = arith.constant 16 : i32
      %mul3A_973 = arith.muli %add3A_970, %mul3A_972 : i32
      %swap3A_974 = arith.index_cast %mul3A_973 : i32 to index
      %swap3A_975 = tpu.vector_load %arg9[%swap3A_974] {strides = array<i32>} : memref<2048xf32, #tpu.memory_space<vmem>>, vector<16xf32>,
      %swap3A_976 = vector.shape_cast %swap3A_975 : vector<16xf32> to vector<16xf32>
      %swap3A_977 = vector.shape_cast %add3A_971 : vector<16xf32> to vector<16xf32>
      tpu.vector_store %arg9[%swap3A_974], %swap3A_977 {strides = array<i32>} : memref<2048xf32, #tpu.memory_space<vmem>>, vector<16xf32>,
      %add3A_978 = arith.addf %add3A_945, %select_n3A_962 : vector<16xf32>
      %mul3A_979 = arith.constant 16 : i32
      %mul3A_980 = arith.muli %add3A_970, %mul3A_979 : i32
      %swap3A_981 = arith.index_cast %mul3A_980 : i32 to index
      %swap3A_982 = tpu.vector_load %arg10[%swap3A_981] {strides = array<i32>} : memref<2048xf32, #tpu.memory_space<vmem>>, vector<16xf32>,
      %swap3A_983 = vector.shape_cast %swap3A_982 : vector<16xf32> to vector<16xf32>
      %swap3A_984 = vector.shape_cast %add3A_978 : vector<16xf32> to vector<16xf32>
      tpu.vector_store %arg10[%swap3A_981], %swap3A_984 {strides = array<i32>} : memref<2048xf32, #tpu.memory_space<vmem>>, vector<16xf32>,
      %sub3A_985 = arith.subf %select_n3A_962, %select_n3A_966 : vector<16xf32>
      %max3A_986 = arith.maximumf %max3A_947, %sub3A_985 : vector<16xf32>
      %mul3A_987 = arith.constant 16 : i32
      %mul3A_988 = arith.muli %add3A_970, %mul3A_987 : i32
      %swap3A_989 = arith.index_cast %mul3A_988 : i32 to index
      %swap3A_990 = tpu.vector_load %arg11[%swap3A_989] {strides = array<i32>} : memref<2048xf32, #tpu.memory_space<vmem>>, vector<16xf32>,
      %swap3A_991 = vector.shape_cast %swap3A_990 : vector<16xf32> to vector<16xf32>
      %swap3A_992 = vector.shape_cast %max3A_986 : vector<16xf32> to vector<16xf32>
      tpu.vector_store %arg11[%swap3A_989], %swap3A_992 {strides = array<i32>} : memref<2048xf32, #tpu.memory_space<vmem>>, vector<16xf32>,
      %scan3A_993 = arith.constant 0 : i32
      %scan3A_994 = arith.constant 60 : i32
      %scan3A_995 = arith.addi %scan3A_993, %scan3A_994 : i32
      %scan3A_996 = arith.constant 2 : i32
      %scan3A_997:3 = scf.for %scan3A_1298 = %scan3A_993 to %scan3A_995 step %scan3A_996 iter_args(%scan3A_1299 = %broadcast_in_dim3A_36, %scan3A_1300 = %broadcast_in_dim3A_36, %scan3A_1301 = %broadcast_in_dim3A_36) -> (vector<16xf32>, vector<16xf32>, vector<16xf32>)  : i32 {
        %mul3A_1302 = arith.constant 16 : i32
        %mul3A_1303 = arith.muli %scan3A_1298, %mul3A_1302 : i32
        %multiple_of3A_1304 = tpu.assume_multiple %mul3A_1303, 16 : i32
        %get3A_1305 = arith.constant 12 : i32
        %get3A_1306 = arith.index_cast %rem3A_53 : i32 to index
        %get3A_1307 = arith.index_cast %get3A_1305 : i32 to index
        %get3A_1308 = arith.index_cast %multiple_of3A_1304 : i32 to index
        %get3A_1309 = tpu.vector_load %arg7[%get3A_1306, %get3A_1307, %get3A_1308] {strides = array<i32>} : memref<2x16x1000xf32, #tpu.memory_space<vmem>>, vector<1x1x16xf32>,
        %get3A_1310 = vector.shape_cast %get3A_1309 : vector<1x1x16xf32> to vector<16xf32>
        %get3A_1311 = arith.constant 12 : i32
        %get3A_1312 = arith.index_cast %rem3A_53 : i32 to index
        %get3A_1313 = arith.index_cast %get3A_1311 : i32 to index
        %get3A_1314 = arith.index_cast %multiple_of3A_1304 : i32 to index
        %get3A_1315 = tpu.vector_load %arg8[%get3A_1312, %get3A_1313, %get3A_1314] {strides = array<i32>} : memref<2x16x1000xi32, #tpu.memory_space<vmem>>, vector<1x1x16xi32>,
        %get3A_1316 = vector.shape_cast %get3A_1315 : vector<1x1x16xi32> to vector<16xi32>
        %exp3A_1317 = math.exp %get3A_1310 : vector<16xf32>
        %gt3A_1318 = arith.constant 0 : i32
        %gt3A_1319 = vector.broadcast %gt3A_1318 : i32 to vector<16xi32>
        %gt3A_1320 = arith.cmpi sgt, %get3A_1316, %gt3A_1319 : vector<16xi32>
        %select_n3A_1321 = arith.select %gt3A_1320, %exp3A_1317, %broadcast_in_dim3A_36 : vector<16xi1>, vector<16xf32>
        %add3A_1322 = arith.addf %scan3A_1299, %select_n3A_1321 : vector<16xf32>
        %add3A_1323 = arith.addf %scan3A_1300, %exp3A_1317 : vector<16xf32>
        %sub3A_1324 = arith.subf %exp3A_1317, %select_n3A_1321 : vector<16xf32>
        %max3A_1325 = arith.maximumf %scan3A_1301, %sub3A_1324 : vector<16xf32>
        %scan3A_1326 = arith.constant 1 : i32
        %scan3A_1327 = arith.addi %scan3A_1298, %scan3A_1326 : i32
        %mul3A_1328 = arith.constant 16 : i32
        %mul3A_1329 = arith.muli %scan3A_1327, %mul3A_1328 : i32
        %multiple_of3A_1330 = tpu.assume_multiple %mul3A_1329, 16 : i32
        %get3A_1331 = arith.constant 12 : i32
        %get3A_1332 = arith.index_cast %rem3A_53 : i32 to index
        %get3A_1333 = arith.index_cast %get3A_1331 : i32 to index
        %get3A_1334 = arith.index_cast %multiple_of3A_1330 : i32 to index
        %get3A_1335 = tpu.vector_load %arg7[%get3A_1332, %get3A_1333, %get3A_1334] {strides = array<i32>} : memref<2x16x1000xf32, #tpu.memory_space<vmem>>, vector<1x1x16xf32>,
        %get3A_1336 = vector.shape_cast %get3A_1335 : vector<1x1x16xf32> to vector<16xf32>
        %get3A_1337 = arith.constant 12 : i32
        %get3A_1338 = arith.index_cast %rem3A_53 : i32 to index
        %get3A_1339 = arith.index_cast %get3A_1337 : i32 to index
        %get3A_1340 = arith.index_cast %multiple_of3A_1330 : i32 to index
        %get3A_1341 = tpu.vector_load %arg8[%get3A_1338, %get3A_1339, %get3A_1340] {strides = array<i32>} : memref<2x16x1000xi32, #tpu.memory_space<vmem>>, vector<1x1x16xi32>,
        %get3A_1342 = vector.shape_cast %get3A_1341 : vector<1x1x16xi32> to vector<16xi32>
        %exp3A_1343 = math.exp %get3A_1336 : vector<16xf32>
        %gt3A_1344 = arith.constant 0 : i32
        %gt3A_1345 = vector.broadcast %gt3A_1344 : i32 to vector<16xi32>
        %gt3A_1346 = arith.cmpi sgt, %get3A_1342, %gt3A_1345 : vector<16xi32>
        %select_n3A_1347 = arith.select %gt3A_1346, %exp3A_1343, %broadcast_in_dim3A_36 : vector<16xi1>, vector<16xf32>
        %add3A_1348 = arith.addf %add3A_1322, %select_n3A_1347 : vector<16xf32>
        %add3A_1349 = arith.addf %add3A_1323, %exp3A_1343 : vector<16xf32>
        %sub3A_1350 = arith.subf %exp3A_1343, %select_n3A_1347 : vector<16xf32>
        %max3A_1351 = arith.maximumf %max3A_1325, %sub3A_1350 : vector<16xf32>
        scf.yield %add3A_1348, %add3A_1349, %max3A_1351 : vector<16xf32>, vector<16xf32>, vector<16xf32>
      }
      %scan3A_998 = arith.constant 60 : i32
      %scan3A_999 = arith.addi %scan3A_993, %scan3A_998 : i32
      %mul3A_1000 = arith.constant 16 : i32
      %mul3A_1001 = arith.muli %scan3A_999, %mul3A_1000 : i32
      %multiple_of3A_1002 = tpu.assume_multiple %mul3A_1001, 16 : i32
      %get3A_1003 = arith.constant 12 : i32
      %get3A_1004 = arith.index_cast %rem3A_53 : i32 to index
      %get3A_1005 = arith.index_cast %get3A_1003 : i32 to index
      %get3A_1006 = arith.index_cast %multiple_of3A_1002 : i32 to index
      %get3A_1007 = tpu.vector_load %arg7[%get3A_1004, %get3A_1005, %get3A_1006] {strides = array<i32>} : memref<2x16x1000xf32, #tpu.memory_space<vmem>>, vector<1x1x16xf32>,
      %get3A_1008 = vector.shape_cast %get3A_1007 : vector<1x1x16xf32> to vector<16xf32>
      %get3A_1009 = arith.constant 12 : i32
      %get3A_1010 = arith.index_cast %rem3A_53 : i32 to index
      %get3A_1011 = arith.index_cast %get3A_1009 : i32 to index
      %get3A_1012 = arith.index_cast %multiple_of3A_1002 : i32 to index
      %get3A_1013 = tpu.vector_load %arg8[%get3A_1010, %get3A_1011, %get3A_1012] {strides = array<i32>} : memref<2x16x1000xi32, #tpu.memory_space<vmem>>, vector<1x1x16xi32>,
      %get3A_1014 = vector.shape_cast %get3A_1013 : vector<1x1x16xi32> to vector<16xi32>
      %exp3A_1015 = math.exp %get3A_1008 : vector<16xf32>
      %gt3A_1016 = arith.constant 0 : i32
      %gt3A_1017 = vector.broadcast %gt3A_1016 : i32 to vector<16xi32>
      %gt3A_1018 = arith.cmpi sgt, %get3A_1014, %gt3A_1017 : vector<16xi32>
      %select_n3A_1019 = arith.select %gt3A_1018, %exp3A_1015, %broadcast_in_dim3A_36 : vector<16xi1>, vector<16xf32>
      %add3A_1020 = arith.addf %scan3A_997#0, %select_n3A_1019 : vector<16xf32>
      %add3A_1021 = arith.addf %scan3A_997#1, %exp3A_1015 : vector<16xf32>
      %sub3A_1022 = arith.subf %exp3A_1015, %select_n3A_1019 : vector<16xf32>
      %max3A_1023 = arith.maximumf %scan3A_997#2, %sub3A_1022 : vector<16xf32>
      %scan3A_1024 = arith.constant 61 : i32
      %get3A_1025 = arith.constant 12 : i32
      %get3A_1026 = arith.index_cast %rem3A_53 : i32 to index
      %get3A_1027 = arith.index_cast %get3A_1025 : i32 to index
      %get3A_1028 = arith.constant 976 : index
      %get3A_1029 = tpu.vector_load %arg7[%get3A_1026, %get3A_1027, %get3A_1028] {strides = array<i32>} : memref<2x16x1000xf32, #tpu.memory_space<vmem>>, vector<1x1x16xf32>,
      %get3A_1030 = vector.shape_cast %get3A_1029 : vector<1x1x16xf32> to vector<16xf32>
      %get3A_1031 = arith.constant 12 : i32
      %get3A_1032 = arith.index_cast %rem3A_53 : i32 to index
      %get3A_1033 = arith.index_cast %get3A_1031 : i32 to index
      %get3A_1034 = arith.constant 976 : index
      %get3A_1035 = tpu.vector_load %arg8[%get3A_1032, %get3A_1033, %get3A_1034] {strides = array<i32>} : memref<2x16x1000xi32, #tpu.memory_space<vmem>>, vector<1x1x16xi32>,
      %get3A_1036 = vector.shape_cast %get3A_1035 : vector<1x1x16xi32> to vector<16xi32>
      %exp3A_1037 = math.exp %get3A_1030 : vector<16xf32>
      %select_n3A_1038 = arith.select %ge3A_38, %exp3A_1037, %broadcast_in_dim3A_36 : vector<16xi1>, vector<16xf32>
      %gt3A_1039 = arith.constant 0 : i32
      %gt3A_1040 = vector.broadcast %gt3A_1039 : i32 to vector<16xi32>
      %gt3A_1041 = arith.cmpi sgt, %get3A_1036, %gt3A_1040 : vector<16xi32>
      %select_n3A_1042 = arith.select %gt3A_1041, %select_n3A_1038, %broadcast_in_dim3A_36 : vector<16xi1>, vector<16xf32>
      %mul3A_1043 = arith.constant 16 : i32
      %mul3A_1044 = arith.muli %scan3A_51, %mul3A_1043 : i32
      %add3A_1045 = arith.constant 12 : i32
      %add3A_1046 = arith.addi %mul3A_1044, %add3A_1045 : i32
      %add3A_1047 = arith.addf %add3A_1020, %select_n3A_1042 : vector<16xf32>
      %mul3A_1048 = arith.constant 16 : i32
      %mul3A_1049 = arith.muli %add3A_1046, %mul3A_1048 : i32
      %swap3A_1050 = arith.index_cast %mul3A_1049 : i32 to index
      %swap3A_1051 = tpu.vector_load %arg9[%swap3A_1050] {strides = array<i32>} : memref<2048xf32, #tpu.memory_space<vmem>>, vector<16xf32>,
      %swap3A_1052 = vector.shape_cast %swap3A_1051 : vector<16xf32> to vector<16xf32>
      %swap3A_1053 = vector.shape_cast %add3A_1047 : vector<16xf32> to vector<16xf32>
      tpu.vector_store %arg9[%swap3A_1050], %swap3A_1053 {strides = array<i32>} : memref<2048xf32, #tpu.memory_space<vmem>>, vector<16xf32>,
      %add3A_1054 = arith.addf %add3A_1021, %select_n3A_1038 : vector<16xf32>
      %mul3A_1055 = arith.constant 16 : i32
      %mul3A_1056 = arith.muli %add3A_1046, %mul3A_1055 : i32
      %swap3A_1057 = arith.index_cast %mul3A_1056 : i32 to index
      %swap3A_1058 = tpu.vector_load %arg10[%swap3A_1057] {strides = array<i32>} : memref<2048xf32, #tpu.memory_space<vmem>>, vector<16xf32>,
      %swap3A_1059 = vector.shape_cast %swap3A_1058 : vector<16xf32> to vector<16xf32>
      %swap3A_1060 = vector.shape_cast %add3A_1054 : vector<16xf32> to vector<16xf32>
      tpu.vector_store %arg10[%swap3A_1057], %swap3A_1060 {strides = array<i32>} : memref<2048xf32, #tpu.memory_space<vmem>>, vector<16xf32>,
      %sub3A_1061 = arith.subf %select_n3A_1038, %select_n3A_1042 : vector<16xf32>
      %max3A_1062 = arith.maximumf %max3A_1023, %sub3A_1061 : vector<16xf32>
      %mul3A_1063 = arith.constant 16 : i32
      %mul3A_1064 = arith.muli %add3A_1046, %mul3A_1063 : i32
      %swap3A_1065 = arith.index_cast %mul3A_1064 : i32 to index
      %swap3A_1066 = tpu.vector_load %arg11[%swap3A_1065] {strides = array<i32>} : memref<2048xf32, #tpu.memory_space<vmem>>, vector<16xf32>,
      %swap3A_1067 = vector.shape_cast %swap3A_1066 : vector<16xf32> to vector<16xf32>
      %swap3A_1068 = vector.shape_cast %max3A_1062 : vector<16xf32> to vector<16xf32>
      tpu.vector_store %arg11[%swap3A_1065], %swap3A_1068 {strides = array<i32>} : memref<2048xf32, #tpu.memory_space<vmem>>, vector<16xf32>,
      %scan3A_1069 = arith.constant 0 : i32
      %scan3A_1070 = arith.constant 60 : i32
      %scan3A_1071 = arith.addi %scan3A_1069, %scan3A_1070 : i32
      %scan3A_1072 = arith.constant 2 : i32
      %scan3A_1073:3 = scf.for %scan3A_1298 = %scan3A_1069 to %scan3A_1071 step %scan3A_1072 iter_args(%scan3A_1299 = %broadcast_in_dim3A_36, %scan3A_1300 = %broadcast_in_dim3A_36, %scan3A_1301 = %broadcast_in_dim3A_36) -> (vector<16xf32>, vector<16xf32>, vector<16xf32>)  : i32 {
        %mul3A_1302 = arith.constant 16 : i32
        %mul3A_1303 = arith.muli %scan3A_1298, %mul3A_1302 : i32
        %multiple_of3A_1304 = tpu.assume_multiple %mul3A_1303, 16 : i32
        %get3A_1305 = arith.constant 13 : i32
        %get3A_1306 = arith.index_cast %rem3A_53 : i32 to index
        %get3A_1307 = arith.index_cast %get3A_1305 : i32 to index
        %get3A_1308 = arith.index_cast %multiple_of3A_1304 : i32 to index
        %get3A_1309 = tpu.vector_load %arg7[%get3A_1306, %get3A_1307, %get3A_1308] {strides = array<i32>} : memref<2x16x1000xf32, #tpu.memory_space<vmem>>, vector<1x1x16xf32>,
        %get3A_1310 = vector.shape_cast %get3A_1309 : vector<1x1x16xf32> to vector<16xf32>
        %get3A_1311 = arith.constant 13 : i32
        %get3A_1312 = arith.index_cast %rem3A_53 : i32 to index
        %get3A_1313 = arith.index_cast %get3A_1311 : i32 to index
        %get3A_1314 = arith.index_cast %multiple_of3A_1304 : i32 to index
        %get3A_1315 = tpu.vector_load %arg8[%get3A_1312, %get3A_1313, %get3A_1314] {strides = array<i32>} : memref<2x16x1000xi32, #tpu.memory_space<vmem>>, vector<1x1x16xi32>,
        %get3A_1316 = vector.shape_cast %get3A_1315 : vector<1x1x16xi32> to vector<16xi32>
        %exp3A_1317 = math.exp %get3A_1310 : vector<16xf32>
        %gt3A_1318 = arith.constant 0 : i32
        %gt3A_1319 = vector.broadcast %gt3A_1318 : i32 to vector<16xi32>
        %gt3A_1320 = arith.cmpi sgt, %get3A_1316, %gt3A_1319 : vector<16xi32>
        %select_n3A_1321 = arith.select %gt3A_1320, %exp3A_1317, %broadcast_in_dim3A_36 : vector<16xi1>, vector<16xf32>
        %add3A_1322 = arith.addf %scan3A_1299, %select_n3A_1321 : vector<16xf32>
        %add3A_1323 = arith.addf %scan3A_1300, %exp3A_1317 : vector<16xf32>
        %sub3A_1324 = arith.subf %exp3A_1317, %select_n3A_1321 : vector<16xf32>
        %max3A_1325 = arith.maximumf %scan3A_1301, %sub3A_1324 : vector<16xf32>
        %scan3A_1326 = arith.constant 1 : i32
        %scan3A_1327 = arith.addi %scan3A_1298, %scan3A_1326 : i32
        %mul3A_1328 = arith.constant 16 : i32
        %mul3A_1329 = arith.muli %scan3A_1327, %mul3A_1328 : i32
        %multiple_of3A_1330 = tpu.assume_multiple %mul3A_1329, 16 : i32
        %get3A_1331 = arith.constant 13 : i32
        %get3A_1332 = arith.index_cast %rem3A_53 : i32 to index
        %get3A_1333 = arith.index_cast %get3A_1331 : i32 to index
        %get3A_1334 = arith.index_cast %multiple_of3A_1330 : i32 to index
        %get3A_1335 = tpu.vector_load %arg7[%get3A_1332, %get3A_1333, %get3A_1334] {strides = array<i32>} : memref<2x16x1000xf32, #tpu.memory_space<vmem>>, vector<1x1x16xf32>,
        %get3A_1336 = vector.shape_cast %get3A_1335 : vector<1x1x16xf32> to vector<16xf32>
        %get3A_1337 = arith.constant 13 : i32
        %get3A_1338 = arith.index_cast %rem3A_53 : i32 to index
        %get3A_1339 = arith.index_cast %get3A_1337 : i32 to index
        %get3A_1340 = arith.index_cast %multiple_of3A_1330 : i32 to index
        %get3A_1341 = tpu.vector_load %arg8[%get3A_1338, %get3A_1339, %get3A_1340] {strides = array<i32>} : memref<2x16x1000xi32, #tpu.memory_space<vmem>>, vector<1x1x16xi32>,
        %get3A_1342 = vector.shape_cast %get3A_1341 : vector<1x1x16xi32> to vector<16xi32>
        %exp3A_1343 = math.exp %get3A_1336 : vector<16xf32>
        %gt3A_1344 = arith.constant 0 : i32
        %gt3A_1345 = vector.broadcast %gt3A_1344 : i32 to vector<16xi32>
        %gt3A_1346 = arith.cmpi sgt, %get3A_1342, %gt3A_1345 : vector<16xi32>
        %select_n3A_1347 = arith.select %gt3A_1346, %exp3A_1343, %broadcast_in_dim3A_36 : vector<16xi1>, vector<16xf32>
        %add3A_1348 = arith.addf %add3A_1322, %select_n3A_1347 : vector<16xf32>
        %add3A_1349 = arith.addf %add3A_1323, %exp3A_1343 : vector<16xf32>
        %sub3A_1350 = arith.subf %exp3A_1343, %select_n3A_1347 : vector<16xf32>
        %max3A_1351 = arith.maximumf %max3A_1325, %sub3A_1350 : vector<16xf32>
        scf.yield %add3A_1348, %add3A_1349, %max3A_1351 : vector<16xf32>, vector<16xf32>, vector<16xf32>
      }
      %scan3A_1074 = arith.constant 60 : i32
      %scan3A_1075 = arith.addi %scan3A_1069, %scan3A_1074 : i32
      %mul3A_1076 = arith.constant 16 : i32
      %mul3A_1077 = arith.muli %scan3A_1075, %mul3A_1076 : i32
      %multiple_of3A_1078 = tpu.assume_multiple %mul3A_1077, 16 : i32
      %get3A_1079 = arith.constant 13 : i32
      %get3A_1080 = arith.index_cast %rem3A_53 : i32 to index
      %get3A_1081 = arith.index_cast %get3A_1079 : i32 to index
      %get3A_1082 = arith.index_cast %multiple_of3A_1078 : i32 to index
      %get3A_1083 = tpu.vector_load %arg7[%get3A_1080, %get3A_1081, %get3A_1082] {strides = array<i32>} : memref<2x16x1000xf32, #tpu.memory_space<vmem>>, vector<1x1x16xf32>,
      %get3A_1084 = vector.shape_cast %get3A_1083 : vector<1x1x16xf32> to vector<16xf32>
      %get3A_1085 = arith.constant 13 : i32
      %get3A_1086 = arith.index_cast %rem3A_53 : i32 to index
      %get3A_1087 = arith.index_cast %get3A_1085 : i32 to index
      %get3A_1088 = arith.index_cast %multiple_of3A_1078 : i32 to index
      %get3A_1089 = tpu.vector_load %arg8[%get3A_1086, %get3A_1087, %get3A_1088] {strides = array<i32>} : memref<2x16x1000xi32, #tpu.memory_space<vmem>>, vector<1x1x16xi32>,
      %get3A_1090 = vector.shape_cast %get3A_1089 : vector<1x1x16xi32> to vector<16xi32>
      %exp3A_1091 = math.exp %get3A_1084 : vector<16xf32>
      %gt3A_1092 = arith.constant 0 : i32
      %gt3A_1093 = vector.broadcast %gt3A_1092 : i32 to vector<16xi32>
      %gt3A_1094 = arith.cmpi sgt, %get3A_1090, %gt3A_1093 : vector<16xi32>
      %select_n3A_1095 = arith.select %gt3A_1094, %exp3A_1091, %broadcast_in_dim3A_36 : vector<16xi1>, vector<16xf32>
      %add3A_1096 = arith.addf %scan3A_1073#0, %select_n3A_1095 : vector<16xf32>
      %add3A_1097 = arith.addf %scan3A_1073#1, %exp3A_1091 : vector<16xf32>
      %sub3A_1098 = arith.subf %exp3A_1091, %select_n3A_1095 : vector<16xf32>
      %max3A_1099 = arith.maximumf %scan3A_1073#2, %sub3A_1098 : vector<16xf32>
      %scan3A_1100 = arith.constant 61 : i32
      %get3A_1101 = arith.constant 13 : i32
      %get3A_1102 = arith.index_cast %rem3A_53 : i32 to index
      %get3A_1103 = arith.index_cast %get3A_1101 : i32 to index
      %get3A_1104 = arith.constant 976 : index
      %get3A_1105 = tpu.vector_load %arg7[%get3A_1102, %get3A_1103, %get3A_1104] {strides = array<i32>} : memref<2x16x1000xf32, #tpu.memory_space<vmem>>, vector<1x1x16xf32>,
      %get3A_1106 = vector.shape_cast %get3A_1105 : vector<1x1x16xf32> to vector<16xf32>
      %get3A_1107 = arith.constant 13 : i32
      %get3A_1108 = arith.index_cast %rem3A_53 : i32 to index
      %get3A_1109 = arith.index_cast %get3A_1107 : i32 to index
      %get3A_1110 = arith.constant 976 : index
      %get3A_1111 = tpu.vector_load %arg8[%get3A_1108, %get3A_1109, %get3A_1110] {strides = array<i32>} : memref<2x16x1000xi32, #tpu.memory_space<vmem>>, vector<1x1x16xi32>,
      %get3A_1112 = vector.shape_cast %get3A_1111 : vector<1x1x16xi32> to vector<16xi32>
      %exp3A_1113 = math.exp %get3A_1106 : vector<16xf32>
      %select_n3A_1114 = arith.select %ge3A_38, %exp3A_1113, %broadcast_in_dim3A_36 : vector<16xi1>, vector<16xf32>
      %gt3A_1115 = arith.constant 0 : i32
      %gt3A_1116 = vector.broadcast %gt3A_1115 : i32 to vector<16xi32>
      %gt3A_1117 = arith.cmpi sgt, %get3A_1112, %gt3A_1116 : vector<16xi32>
      %select_n3A_1118 = arith.select %gt3A_1117, %select_n3A_1114, %broadcast_in_dim3A_36 : vector<16xi1>, vector<16xf32>
      %mul3A_1119 = arith.constant 16 : i32
      %mul3A_1120 = arith.muli %scan3A_51, %mul3A_1119 : i32
      %add3A_1121 = arith.constant 13 : i32
      %add3A_1122 = arith.addi %mul3A_1120, %add3A_1121 : i32
      %add3A_1123 = arith.addf %add3A_1096, %select_n3A_1118 : vector<16xf32>
      %mul3A_1124 = arith.constant 16 : i32
      %mul3A_1125 = arith.muli %add3A_1122, %mul3A_1124 : i32
      %swap3A_1126 = arith.index_cast %mul3A_1125 : i32 to index
      %swap3A_1127 = tpu.vector_load %arg9[%swap3A_1126] {strides = array<i32>} : memref<2048xf32, #tpu.memory_space<vmem>>, vector<16xf32>,
      %swap3A_1128 = vector.shape_cast %swap3A_1127 : vector<16xf32> to vector<16xf32>
      %swap3A_1129 = vector.shape_cast %add3A_1123 : vector<16xf32> to vector<16xf32>
      tpu.vector_store %arg9[%swap3A_1126], %swap3A_1129 {strides = array<i32>} : memref<2048xf32, #tpu.memory_space<vmem>>, vector<16xf32>,
      %add3A_1130 = arith.addf %add3A_1097, %select_n3A_1114 : vector<16xf32>
      %mul3A_1131 = arith.constant 16 : i32
      %mul3A_1132 = arith.muli %add3A_1122, %mul3A_1131 : i32
      %swap3A_1133 = arith.index_cast %mul3A_1132 : i32 to index
      %swap3A_1134 = tpu.vector_load %arg10[%swap3A_1133] {strides = array<i32>} : memref<2048xf32, #tpu.memory_space<vmem>>, vector<16xf32>,
      %swap3A_1135 = vector.shape_cast %swap3A_1134 : vector<16xf32> to vector<16xf32>
      %swap3A_1136 = vector.shape_cast %add3A_1130 : vector<16xf32> to vector<16xf32>
      tpu.vector_store %arg10[%swap3A_1133], %swap3A_1136 {strides = array<i32>} : memref<2048xf32, #tpu.memory_space<vmem>>, vector<16xf32>,
      %sub3A_1137 = arith.subf %select_n3A_1114, %select_n3A_1118 : vector<16xf32>
      %max3A_1138 = arith.maximumf %max3A_1099, %sub3A_1137 : vector<16xf32>
      %mul3A_1139 = arith.constant 16 : i32
      %mul3A_1140 = arith.muli %add3A_1122, %mul3A_1139 : i32
      %swap3A_1141 = arith.index_cast %mul3A_1140 : i32 to index
      %swap3A_1142 = tpu.vector_load %arg11[%swap3A_1141] {strides = array<i32>} : memref<2048xf32, #tpu.memory_space<vmem>>, vector<16xf32>,
      %swap3A_1143 = vector.shape_cast %swap3A_1142 : vector<16xf32> to vector<16xf32>
      %swap3A_1144 = vector.shape_cast %max3A_1138 : vector<16xf32> to vector<16xf32>
      tpu.vector_store %arg11[%swap3A_1141], %swap3A_1144 {strides = array<i32>} : memref<2048xf32, #tpu.memory_space<vmem>>, vector<16xf32>,
      %scan3A_1145 = arith.constant 0 : i32
      %scan3A_1146 = arith.constant 60 : i32
      %scan3A_1147 = arith.addi %scan3A_1145, %scan3A_1146 : i32
      %scan3A_1148 = arith.constant 2 : i32
      %scan3A_1149:3 = scf.for %scan3A_1298 = %scan3A_1145 to %scan3A_1147 step %scan3A_1148 iter_args(%scan3A_1299 = %broadcast_in_dim3A_36, %scan3A_1300 = %broadcast_in_dim3A_36, %scan3A_1301 = %broadcast_in_dim3A_36) -> (vector<16xf32>, vector<16xf32>, vector<16xf32>)  : i32 {
        %mul3A_1302 = arith.constant 16 : i32
        %mul3A_1303 = arith.muli %scan3A_1298, %mul3A_1302 : i32
        %multiple_of3A_1304 = tpu.assume_multiple %mul3A_1303, 16 : i32
        %get3A_1305 = arith.constant 14 : i32
        %get3A_1306 = arith.index_cast %rem3A_53 : i32 to index
        %get3A_1307 = arith.index_cast %get3A_1305 : i32 to index
        %get3A_1308 = arith.index_cast %multiple_of3A_1304 : i32 to index
        %get3A_1309 = tpu.vector_load %arg7[%get3A_1306, %get3A_1307, %get3A_1308] {strides = array<i32>} : memref<2x16x1000xf32, #tpu.memory_space<vmem>>, vector<1x1x16xf32>,
        %get3A_1310 = vector.shape_cast %get3A_1309 : vector<1x1x16xf32> to vector<16xf32>
        %get3A_1311 = arith.constant 14 : i32
        %get3A_1312 = arith.index_cast %rem3A_53 : i32 to index
        %get3A_1313 = arith.index_cast %get3A_1311 : i32 to index
        %get3A_1314 = arith.index_cast %multiple_of3A_1304 : i32 to index
        %get3A_1315 = tpu.vector_load %arg8[%get3A_1312, %get3A_1313, %get3A_1314] {strides = array<i32>} : memref<2x16x1000xi32, #tpu.memory_space<vmem>>, vector<1x1x16xi32>,
        %get3A_1316 = vector.shape_cast %get3A_1315 : vector<1x1x16xi32> to vector<16xi32>
        %exp3A_1317 = math.exp %get3A_1310 : vector<16xf32>
        %gt3A_1318 = arith.constant 0 : i32
        %gt3A_1319 = vector.broadcast %gt3A_1318 : i32 to vector<16xi32>
        %gt3A_1320 = arith.cmpi sgt, %get3A_1316, %gt3A_1319 : vector<16xi32>
        %select_n3A_1321 = arith.select %gt3A_1320, %exp3A_1317, %broadcast_in_dim3A_36 : vector<16xi1>, vector<16xf32>
        %add3A_1322 = arith.addf %scan3A_1299, %select_n3A_1321 : vector<16xf32>
        %add3A_1323 = arith.addf %scan3A_1300, %exp3A_1317 : vector<16xf32>
        %sub3A_1324 = arith.subf %exp3A_1317, %select_n3A_1321 : vector<16xf32>
        %max3A_1325 = arith.maximumf %scan3A_1301, %sub3A_1324 : vector<16xf32>
        %scan3A_1326 = arith.constant 1 : i32
        %scan3A_1327 = arith.addi %scan3A_1298, %scan3A_1326 : i32
        %mul3A_1328 = arith.constant 16 : i32
        %mul3A_1329 = arith.muli %scan3A_1327, %mul3A_1328 : i32
        %multiple_of3A_1330 = tpu.assume_multiple %mul3A_1329, 16 : i32
        %get3A_1331 = arith.constant 14 : i32
        %get3A_1332 = arith.index_cast %rem3A_53 : i32 to index
        %get3A_1333 = arith.index_cast %get3A_1331 : i32 to index
        %get3A_1334 = arith.index_cast %multiple_of3A_1330 : i32 to index
        %get3A_1335 = tpu.vector_load %arg7[%get3A_1332, %get3A_1333, %get3A_1334] {strides = array<i32>} : memref<2x16x1000xf32, #tpu.memory_space<vmem>>, vector<1x1x16xf32>,
        %get3A_1336 = vector.shape_cast %get3A_1335 : vector<1x1x16xf32> to vector<16xf32>
        %get3A_1337 = arith.constant 14 : i32
        %get3A_1338 = arith.index_cast %rem3A_53 : i32 to index
        %get3A_1339 = arith.index_cast %get3A_1337 : i32 to index
        %get3A_1340 = arith.index_cast %multiple_of3A_1330 : i32 to index
        %get3A_1341 = tpu.vector_load %arg8[%get3A_1338, %get3A_1339, %get3A_1340] {strides = array<i32>} : memref<2x16x1000xi32, #tpu.memory_space<vmem>>, vector<1x1x16xi32>,
        %get3A_1342 = vector.shape_cast %get3A_1341 : vector<1x1x16xi32> to vector<16xi32>
        %exp3A_1343 = math.exp %get3A_1336 : vector<16xf32>
        %gt3A_1344 = arith.constant 0 : i32
        %gt3A_1345 = vector.broadcast %gt3A_1344 : i32 to vector<16xi32>
        %gt3A_1346 = arith.cmpi sgt, %get3A_1342, %gt3A_1345 : vector<16xi32>
        %select_n3A_1347 = arith.select %gt3A_1346, %exp3A_1343, %broadcast_in_dim3A_36 : vector<16xi1>, vector<16xf32>
        %add3A_1348 = arith.addf %add3A_1322, %select_n3A_1347 : vector<16xf32>
        %add3A_1349 = arith.addf %add3A_1323, %exp3A_1343 : vector<16xf32>
        %sub3A_1350 = arith.subf %exp3A_1343, %select_n3A_1347 : vector<16xf32>
        %max3A_1351 = arith.maximumf %max3A_1325, %sub3A_1350 : vector<16xf32>
        scf.yield %add3A_1348, %add3A_1349, %max3A_1351 : vector<16xf32>, vector<16xf32>, vector<16xf32>
      }
      %scan3A_1150 = arith.constant 60 : i32
      %scan3A_1151 = arith.addi %scan3A_1145, %scan3A_1150 : i32
      %mul3A_1152 = arith.constant 16 : i32
      %mul3A_1153 = arith.muli %scan3A_1151, %mul3A_1152 : i32
      %multiple_of3A_1154 = tpu.assume_multiple %mul3A_1153, 16 : i32
      %get3A_1155 = arith.constant 14 : i32
      %get3A_1156 = arith.index_cast %rem3A_53 : i32 to index
      %get3A_1157 = arith.index_cast %get3A_1155 : i32 to index
      %get3A_1158 = arith.index_cast %multiple_of3A_1154 : i32 to index
      %get3A_1159 = tpu.vector_load %arg7[%get3A_1156, %get3A_1157, %get3A_1158] {strides = array<i32>} : memref<2x16x1000xf32, #tpu.memory_space<vmem>>, vector<1x1x16xf32>,
      %get3A_1160 = vector.shape_cast %get3A_1159 : vector<1x1x16xf32> to vector<16xf32>
      %get3A_1161 = arith.constant 14 : i32
      %get3A_1162 = arith.index_cast %rem3A_53 : i32 to index
      %get3A_1163 = arith.index_cast %get3A_1161 : i32 to index
      %get3A_1164 = arith.index_cast %multiple_of3A_1154 : i32 to index
      %get3A_1165 = tpu.vector_load %arg8[%get3A_1162, %get3A_1163, %get3A_1164] {strides = array<i32>} : memref<2x16x1000xi32, #tpu.memory_space<vmem>>, vector<1x1x16xi32>,
      %get3A_1166 = vector.shape_cast %get3A_1165 : vector<1x1x16xi32> to vector<16xi32>
      %exp3A_1167 = math.exp %get3A_1160 : vector<16xf32>
      %gt3A_1168 = arith.constant 0 : i32
      %gt3A_1169 = vector.broadcast %gt3A_1168 : i32 to vector<16xi32>
      %gt3A_1170 = arith.cmpi sgt, %get3A_1166, %gt3A_1169 : vector<16xi32>
      %select_n3A_1171 = arith.select %gt3A_1170, %exp3A_1167, %broadcast_in_dim3A_36 : vector<16xi1>, vector<16xf32>
      %add3A_1172 = arith.addf %scan3A_1149#0, %select_n3A_1171 : vector<16xf32>
      %add3A_1173 = arith.addf %scan3A_1149#1, %exp3A_1167 : vector<16xf32>
      %sub3A_1174 = arith.subf %exp3A_1167, %select_n3A_1171 : vector<16xf32>
      %max3A_1175 = arith.maximumf %scan3A_1149#2, %sub3A_1174 : vector<16xf32>
      %scan3A_1176 = arith.constant 61 : i32
      %get3A_1177 = arith.constant 14 : i32
      %get3A_1178 = arith.index_cast %rem3A_53 : i32 to index
      %get3A_1179 = arith.index_cast %get3A_1177 : i32 to index
      %get3A_1180 = arith.constant 976 : index
      %get3A_1181 = tpu.vector_load %arg7[%get3A_1178, %get3A_1179, %get3A_1180] {strides = array<i32>} : memref<2x16x1000xf32, #tpu.memory_space<vmem>>, vector<1x1x16xf32>,
      %get3A_1182 = vector.shape_cast %get3A_1181 : vector<1x1x16xf32> to vector<16xf32>
      %get3A_1183 = arith.constant 14 : i32
      %get3A_1184 = arith.index_cast %rem3A_53 : i32 to index
      %get3A_1185 = arith.index_cast %get3A_1183 : i32 to index
      %get3A_1186 = arith.constant 976 : index
      %get3A_1187 = tpu.vector_load %arg8[%get3A_1184, %get3A_1185, %get3A_1186] {strides = array<i32>} : memref<2x16x1000xi32, #tpu.memory_space<vmem>>, vector<1x1x16xi32>,
      %get3A_1188 = vector.shape_cast %get3A_1187 : vector<1x1x16xi32> to vector<16xi32>
      %exp3A_1189 = math.exp %get3A_1182 : vector<16xf32>
      %select_n3A_1190 = arith.select %ge3A_38, %exp3A_1189, %broadcast_in_dim3A_36 : vector<16xi1>, vector<16xf32>
      %gt3A_1191 = arith.constant 0 : i32
      %gt3A_1192 = vector.broadcast %gt3A_1191 : i32 to vector<16xi32>
      %gt3A_1193 = arith.cmpi sgt, %get3A_1188, %gt3A_1192 : vector<16xi32>
      %select_n3A_1194 = arith.select %gt3A_1193, %select_n3A_1190, %broadcast_in_dim3A_36 : vector<16xi1>, vector<16xf32>
      %mul3A_1195 = arith.constant 16 : i32
      %mul3A_1196 = arith.muli %scan3A_51, %mul3A_1195 : i32
      %add3A_1197 = arith.constant 14 : i32
      %add3A_1198 = arith.addi %mul3A_1196, %add3A_1197 : i32
      %add3A_1199 = arith.addf %add3A_1172, %select_n3A_1194 : vector<16xf32>
      %mul3A_1200 = arith.constant 16 : i32
      %mul3A_1201 = arith.muli %add3A_1198, %mul3A_1200 : i32
      %swap3A_1202 = arith.index_cast %mul3A_1201 : i32 to index
      %swap3A_1203 = tpu.vector_load %arg9[%swap3A_1202] {strides = array<i32>} : memref<2048xf32, #tpu.memory_space<vmem>>, vector<16xf32>,
      %swap3A_1204 = vector.shape_cast %swap3A_1203 : vector<16xf32> to vector<16xf32>
      %swap3A_1205 = vector.shape_cast %add3A_1199 : vector<16xf32> to vector<16xf32>
      tpu.vector_store %arg9[%swap3A_1202], %swap3A_1205 {strides = array<i32>} : memref<2048xf32, #tpu.memory_space<vmem>>, vector<16xf32>,
      %add3A_1206 = arith.addf %add3A_1173, %select_n3A_1190 : vector<16xf32>
      %mul3A_1207 = arith.constant 16 : i32
      %mul3A_1208 = arith.muli %add3A_1198, %mul3A_1207 : i32
      %swap3A_1209 = arith.index_cast %mul3A_1208 : i32 to index
      %swap3A_1210 = tpu.vector_load %arg10[%swap3A_1209] {strides = array<i32>} : memref<2048xf32, #tpu.memory_space<vmem>>, vector<16xf32>,
      %swap3A_1211 = vector.shape_cast %swap3A_1210 : vector<16xf32> to vector<16xf32>
      %swap3A_1212 = vector.shape_cast %add3A_1206 : vector<16xf32> to vector<16xf32>
      tpu.vector_store %arg10[%swap3A_1209], %swap3A_1212 {strides = array<i32>} : memref<2048xf32, #tpu.memory_space<vmem>>, vector<16xf32>,
      %sub3A_1213 = arith.subf %select_n3A_1190, %select_n3A_1194 : vector<16xf32>
      %max3A_1214 = arith.maximumf %max3A_1175, %sub3A_1213 : vector<16xf32>
      %mul3A_1215 = arith.constant 16 : i32
      %mul3A_1216 = arith.muli %add3A_1198, %mul3A_1215 : i32
      %swap3A_1217 = arith.index_cast %mul3A_1216 : i32 to index
      %swap3A_1218 = tpu.vector_load %arg11[%swap3A_1217] {strides = array<i32>} : memref<2048xf32, #tpu.memory_space<vmem>>, vector<16xf32>,
      %swap3A_1219 = vector.shape_cast %swap3A_1218 : vector<16xf32> to vector<16xf32>
      %swap3A_1220 = vector.shape_cast %max3A_1214 : vector<16xf32> to vector<16xf32>
      tpu.vector_store %arg11[%swap3A_1217], %swap3A_1220 {strides = array<i32>} : memref<2048xf32, #tpu.memory_space<vmem>>, vector<16xf32>,
      %scan3A_1221 = arith.constant 0 : i32
      %scan3A_1222 = arith.constant 60 : i32
      %scan3A_1223 = arith.addi %scan3A_1221, %scan3A_1222 : i32
      %scan3A_1224 = arith.constant 2 : i32
      %scan3A_1225:3 = scf.for %scan3A_1298 = %scan3A_1221 to %scan3A_1223 step %scan3A_1224 iter_args(%scan3A_1299 = %broadcast_in_dim3A_36, %scan3A_1300 = %broadcast_in_dim3A_36, %scan3A_1301 = %broadcast_in_dim3A_36) -> (vector<16xf32>, vector<16xf32>, vector<16xf32>)  : i32 {
        %mul3A_1302 = arith.constant 16 : i32
        %mul3A_1303 = arith.muli %scan3A_1298, %mul3A_1302 : i32
        %multiple_of3A_1304 = tpu.assume_multiple %mul3A_1303, 16 : i32
        %get3A_1305 = arith.constant 15 : i32
        %get3A_1306 = arith.index_cast %rem3A_53 : i32 to index
        %get3A_1307 = arith.index_cast %get3A_1305 : i32 to index
        %get3A_1308 = arith.index_cast %multiple_of3A_1304 : i32 to index
        %get3A_1309 = tpu.vector_load %arg7[%get3A_1306, %get3A_1307, %get3A_1308] {strides = array<i32>} : memref<2x16x1000xf32, #tpu.memory_space<vmem>>, vector<1x1x16xf32>,
        %get3A_1310 = vector.shape_cast %get3A_1309 : vector<1x1x16xf32> to vector<16xf32>
        %get3A_1311 = arith.constant 15 : i32
        %get3A_1312 = arith.index_cast %rem3A_53 : i32 to index
        %get3A_1313 = arith.index_cast %get3A_1311 : i32 to index
        %get3A_1314 = arith.index_cast %multiple_of3A_1304 : i32 to index
        %get3A_1315 = tpu.vector_load %arg8[%get3A_1312, %get3A_1313, %get3A_1314] {strides = array<i32>} : memref<2x16x1000xi32, #tpu.memory_space<vmem>>, vector<1x1x16xi32>,
        %get3A_1316 = vector.shape_cast %get3A_1315 : vector<1x1x16xi32> to vector<16xi32>
        %exp3A_1317 = math.exp %get3A_1310 : vector<16xf32>
        %gt3A_1318 = arith.constant 0 : i32
        %gt3A_1319 = vector.broadcast %gt3A_1318 : i32 to vector<16xi32>
        %gt3A_1320 = arith.cmpi sgt, %get3A_1316, %gt3A_1319 : vector<16xi32>
        %select_n3A_1321 = arith.select %gt3A_1320, %exp3A_1317, %broadcast_in_dim3A_36 : vector<16xi1>, vector<16xf32>
        %add3A_1322 = arith.addf %scan3A_1299, %select_n3A_1321 : vector<16xf32>
        %add3A_1323 = arith.addf %scan3A_1300, %exp3A_1317 : vector<16xf32>
        %sub3A_1324 = arith.subf %exp3A_1317, %select_n3A_1321 : vector<16xf32>
        %max3A_1325 = arith.maximumf %scan3A_1301, %sub3A_1324 : vector<16xf32>
        %scan3A_1326 = arith.constant 1 : i32
        %scan3A_1327 = arith.addi %scan3A_1298, %scan3A_1326 : i32
        %mul3A_1328 = arith.constant 16 : i32
        %mul3A_1329 = arith.muli %scan3A_1327, %mul3A_1328 : i32
        %multiple_of3A_1330 = tpu.assume_multiple %mul3A_1329, 16 : i32
        %get3A_1331 = arith.constant 15 : i32
        %get3A_1332 = arith.index_cast %rem3A_53 : i32 to index
        %get3A_1333 = arith.index_cast %get3A_1331 : i32 to index
        %get3A_1334 = arith.index_cast %multiple_of3A_1330 : i32 to index
        %get3A_1335 = tpu.vector_load %arg7[%get3A_1332, %get3A_1333, %get3A_1334] {strides = array<i32>} : memref<2x16x1000xf32, #tpu.memory_space<vmem>>, vector<1x1x16xf32>,
        %get3A_1336 = vector.shape_cast %get3A_1335 : vector<1x1x16xf32> to vector<16xf32>
        %get3A_1337 = arith.constant 15 : i32
        %get3A_1338 = arith.index_cast %rem3A_53 : i32 to index
        %get3A_1339 = arith.index_cast %get3A_1337 : i32 to index
        %get3A_1340 = arith.index_cast %multiple_of3A_1330 : i32 to index
        %get3A_1341 = tpu.vector_load %arg8[%get3A_1338, %get3A_1339, %get3A_1340] {strides = array<i32>} : memref<2x16x1000xi32, #tpu.memory_space<vmem>>, vector<1x1x16xi32>,
        %get3A_1342 = vector.shape_cast %get3A_1341 : vector<1x1x16xi32> to vector<16xi32>
        %exp3A_1343 = math.exp %get3A_1336 : vector<16xf32>
        %gt3A_1344 = arith.constant 0 : i32
        %gt3A_1345 = vector.broadcast %gt3A_1344 : i32 to vector<16xi32>
        %gt3A_1346 = arith.cmpi sgt, %get3A_1342, %gt3A_1345 : vector<16xi32>
        %select_n3A_1347 = arith.select %gt3A_1346, %exp3A_1343, %broadcast_in_dim3A_36 : vector<16xi1>, vector<16xf32>
        %add3A_1348 = arith.addf %add3A_1322, %select_n3A_1347 : vector<16xf32>
        %add3A_1349 = arith.addf %add3A_1323, %exp3A_1343 : vector<16xf32>
        %sub3A_1350 = arith.subf %exp3A_1343, %select_n3A_1347 : vector<16xf32>
        %max3A_1351 = arith.maximumf %max3A_1325, %sub3A_1350 : vector<16xf32>
        scf.yield %add3A_1348, %add3A_1349, %max3A_1351 : vector<16xf32>, vector<16xf32>, vector<16xf32>
      }
      %scan3A_1226 = arith.constant 60 : i32
      %scan3A_1227 = arith.addi %scan3A_1221, %scan3A_1226 : i32
      %mul3A_1228 = arith.constant 16 : i32
      %mul3A_1229 = arith.muli %scan3A_1227, %mul3A_1228 : i32
      %multiple_of3A_1230 = tpu.assume_multiple %mul3A_1229, 16 : i32
      %get3A_1231 = arith.constant 15 : i32
      %get3A_1232 = arith.index_cast %rem3A_53 : i32 to index
      %get3A_1233 = arith.index_cast %get3A_1231 : i32 to index
      %get3A_1234 = arith.index_cast %multiple_of3A_1230 : i32 to index
      %get3A_1235 = tpu.vector_load %arg7[%get3A_1232, %get3A_1233, %get3A_1234] {strides = array<i32>} : memref<2x16x1000xf32, #tpu.memory_space<vmem>>, vector<1x1x16xf32>,
      %get3A_1236 = vector.shape_cast %get3A_1235 : vector<1x1x16xf32> to vector<16xf32>
      %get3A_1237 = arith.constant 15 : i32
      %get3A_1238 = arith.index_cast %rem3A_53 : i32 to index
      %get3A_1239 = arith.index_cast %get3A_1237 : i32 to index
      %get3A_1240 = arith.index_cast %multiple_of3A_1230 : i32 to index
      %get3A_1241 = tpu.vector_load %arg8[%get3A_1238, %get3A_1239, %get3A_1240] {strides = array<i32>} : memref<2x16x1000xi32, #tpu.memory_space<vmem>>, vector<1x1x16xi32>,
      %get3A_1242 = vector.shape_cast %get3A_1241 : vector<1x1x16xi32> to vector<16xi32>
      %exp3A_1243 = math.exp %get3A_1236 : vector<16xf32>
      %gt3A_1244 = arith.constant 0 : i32
      %gt3A_1245 = vector.broadcast %gt3A_1244 : i32 to vector<16xi32>
      %gt3A_1246 = arith.cmpi sgt, %get3A_1242, %gt3A_1245 : vector<16xi32>
      %select_n3A_1247 = arith.select %gt3A_1246, %exp3A_1243, %broadcast_in_dim3A_36 : vector<16xi1>, vector<16xf32>
      %add3A_1248 = arith.addf %scan3A_1225#0, %select_n3A_1247 : vector<16xf32>
      %add3A_1249 = arith.addf %scan3A_1225#1, %exp3A_1243 : vector<16xf32>
      %sub3A_1250 = arith.subf %exp3A_1243, %select_n3A_1247 : vector<16xf32>
      %max3A_1251 = arith.maximumf %scan3A_1225#2, %sub3A_1250 : vector<16xf32>
      %scan3A_1252 = arith.constant 61 : i32
      %get3A_1253 = arith.constant 15 : i32
      %get3A_1254 = arith.index_cast %rem3A_53 : i32 to index
      %get3A_1255 = arith.index_cast %get3A_1253 : i32 to index
      %get3A_1256 = arith.constant 976 : index
      %get3A_1257 = tpu.vector_load %arg7[%get3A_1254, %get3A_1255, %get3A_1256] {strides = array<i32>} : memref<2x16x1000xf32, #tpu.memory_space<vmem>>, vector<1x1x16xf32>,
      %get3A_1258 = vector.shape_cast %get3A_1257 : vector<1x1x16xf32> to vector<16xf32>
      %get3A_1259 = arith.constant 15 : i32
      %get3A_1260 = arith.index_cast %rem3A_53 : i32 to index
      %get3A_1261 = arith.index_cast %get3A_1259 : i32 to index
      %get3A_1262 = arith.constant 976 : index
      %get3A_1263 = tpu.vector_load %arg8[%get3A_1260, %get3A_1261, %get3A_1262] {strides = array<i32>} : memref<2x16x1000xi32, #tpu.memory_space<vmem>>, vector<1x1x16xi32>,
      %get3A_1264 = vector.shape_cast %get3A_1263 : vector<1x1x16xi32> to vector<16xi32>
      %exp3A_1265 = math.exp %get3A_1258 : vector<16xf32>
      %select_n3A_1266 = arith.select %ge3A_38, %exp3A_1265, %broadcast_in_dim3A_36 : vector<16xi1>, vector<16xf32>
      %gt3A_1267 = arith.constant 0 : i32
      %gt3A_1268 = vector.broadcast %gt3A_1267 : i32 to vector<16xi32>
      %gt3A_1269 = arith.cmpi sgt, %get3A_1264, %gt3A_1268 : vector<16xi32>
      %select_n3A_1270 = arith.select %gt3A_1269, %select_n3A_1266, %broadcast_in_dim3A_36 : vector<16xi1>, vector<16xf32>
      %mul3A_1271 = arith.constant 16 : i32
      %mul3A_1272 = arith.muli %scan3A_51, %mul3A_1271 : i32
      %add3A_1273 = arith.constant 15 : i32
      %add3A_1274 = arith.addi %mul3A_1272, %add3A_1273 : i32
      %add3A_1275 = arith.addf %add3A_1248, %select_n3A_1270 : vector<16xf32>
      %mul3A_1276 = arith.constant 16 : i32
      %mul3A_1277 = arith.muli %add3A_1274, %mul3A_1276 : i32
      %swap3A_1278 = arith.index_cast %mul3A_1277 : i32 to index
      %swap3A_1279 = tpu.vector_load %arg9[%swap3A_1278] {strides = array<i32>} : memref<2048xf32, #tpu.memory_space<vmem>>, vector<16xf32>,
      %swap3A_1280 = vector.shape_cast %swap3A_1279 : vector<16xf32> to vector<16xf32>
      %swap3A_1281 = vector.shape_cast %add3A_1275 : vector<16xf32> to vector<16xf32>
      tpu.vector_store %arg9[%swap3A_1278], %swap3A_1281 {strides = array<i32>} : memref<2048xf32, #tpu.memory_space<vmem>>, vector<16xf32>,
      %add3A_1282 = arith.addf %add3A_1249, %select_n3A_1266 : vector<16xf32>
      %mul3A_1283 = arith.constant 16 : i32
      %mul3A_1284 = arith.muli %add3A_1274, %mul3A_1283 : i32
      %swap3A_1285 = arith.index_cast %mul3A_1284 : i32 to index
      %swap3A_1286 = tpu.vector_load %arg10[%swap3A_1285] {strides = array<i32>} : memref<2048xf32, #tpu.memory_space<vmem>>, vector<16xf32>,
      %swap3A_1287 = vector.shape_cast %swap3A_1286 : vector<16xf32> to vector<16xf32>
      %swap3A_1288 = vector.shape_cast %add3A_1282 : vector<16xf32> to vector<16xf32>
      tpu.vector_store %arg10[%swap3A_1285], %swap3A_1288 {strides = array<i32>} : memref<2048xf32, #tpu.memory_space<vmem>>, vector<16xf32>,
      %sub3A_1289 = arith.subf %select_n3A_1266, %select_n3A_1270 : vector<16xf32>
      %max3A_1290 = arith.maximumf %max3A_1251, %sub3A_1289 : vector<16xf32>
      %mul3A_1291 = arith.constant 16 : i32
      %mul3A_1292 = arith.muli %add3A_1274, %mul3A_1291 : i32
      %swap3A_1293 = arith.index_cast %mul3A_1292 : i32 to index
      %swap3A_1294 = tpu.vector_load %arg11[%swap3A_1293] {strides = array<i32>} : memref<2048xf32, #tpu.memory_space<vmem>>, vector<16xf32>,
      %swap3A_1295 = vector.shape_cast %swap3A_1294 : vector<16xf32> to vector<16xf32>
      %swap3A_1296 = vector.shape_cast %max3A_1290 : vector<16xf32> to vector<16xf32>
      tpu.vector_store %arg11[%swap3A_1293], %swap3A_1296 {strides = array<i32>} : memref<2048xf32, #tpu.memory_space<vmem>>, vector<16xf32>,
      %scan3A_1297 = arith.constant 0 : i32
      scf.yield %scan3A_1297 : i32
    }
    %scan3A_44 = arith.constant 8 : i32
    %mul3A_45 = arith.constant 16 : i32
    %mul3A_46 = arith.muli %mul3A_2, %mul3A_45 : i32
    "tpu.region"() ({
      %run_scoped3A = tpu.sem_alloc : memref<!tpu.dma_semaphore, #tpu.memory_space<semaphore_mem>>
      %dma_start3A_51 = tpu.memref_slice %arg4[%mul3A_46] : memref<65536xf32, #tpu.memory_space<hbm>> -> memref<2048xf32, #tpu.memory_space<hbm>>
      %dma_start3A_52 = tpu.memref_slice %arg4[%mul3A_46] : memref<65536xf32, #tpu.memory_space<hbm>> -> memref<2048xf32, #tpu.memory_space<hbm>>
      tpu.enqueue_dma source(%arg9 : memref<2048xf32, #tpu.memory_space<vmem>>) target(%dma_start3A_52 : memref<2048xf32, #tpu.memory_space<hbm>>) target_semaphore(%run_scoped3A : memref<!tpu.dma_semaphore, #tpu.memory_space<semaphore_mem>>)
      %dma_wait3A = tpu.memref_slice %arg4[%mul3A_46] : memref<65536xf32, #tpu.memory_space<hbm>> -> memref<2048xf32, #tpu.memory_space<hbm>>
      %dma_wait3A_53 = tpu.memref_slice %arg4[%mul3A_46] : memref<65536xf32, #tpu.memory_space<hbm>> -> memref<2048xf32, #tpu.memory_space<hbm>>
      tpu.wait_dma2 semaphore(%run_scoped3A : memref<!tpu.dma_semaphore, #tpu.memory_space<semaphore_mem>>) src(%arg9 : memref<2048xf32, #tpu.memory_space<vmem>>) dst(%dma_wait3A_53 : memref<2048xf32, #tpu.memory_space<hbm>>)
      tpu.yield
    }) : () -> ()
    %mul3A_47 = arith.constant 16 : i32
    %mul3A_48 = arith.muli %mul3A_2, %mul3A_47 : i32
    "tpu.region"() ({
      %run_scoped3A = tpu.sem_alloc : memref<!tpu.dma_semaphore, #tpu.memory_space<semaphore_mem>>
      %dma_start3A_51 = tpu.memref_slice %arg5[%mul3A_48] : memref<65536xf32, #tpu.memory_space<hbm>> -> memref<2048xf32, #tpu.memory_space<hbm>>
      %dma_start3A_52 = tpu.memref_slice %arg5[%mul3A_48] : memref<65536xf32, #tpu.memory_space<hbm>> -> memref<2048xf32, #tpu.memory_space<hbm>>
      tpu.enqueue_dma source(%arg10 : memref<2048xf32, #tpu.memory_space<vmem>>) target(%dma_start3A_52 : memref<2048xf32, #tpu.memory_space<hbm>>) target_semaphore(%run_scoped3A : memref<!tpu.dma_semaphore, #tpu.memory_space<semaphore_mem>>)
      %dma_wait3A = tpu.memref_slice %arg5[%mul3A_48] : memref<65536xf32, #tpu.memory_space<hbm>> -> memref<2048xf32, #tpu.memory_space<hbm>>
      %dma_wait3A_53 = tpu.memref_slice %arg5[%mul3A_48] : memref<65536xf32, #tpu.memory_space<hbm>> -> memref<2048xf32, #tpu.memory_space<hbm>>
      tpu.wait_dma2 semaphore(%run_scoped3A : memref<!tpu.dma_semaphore, #tpu.memory_space<semaphore_mem>>) src(%arg10 : memref<2048xf32, #tpu.memory_space<vmem>>) dst(%dma_wait3A_53 : memref<2048xf32, #tpu.memory_space<hbm>>)
      tpu.yield
    }) : () -> ()
    %mul3A_49 = arith.constant 16 : i32
    %mul3A_50 = arith.muli %mul3A_2, %mul3A_49 : i32
    "tpu.region"() ({
      %run_scoped3A = tpu.sem_alloc : memref<!tpu.dma_semaphore, #tpu.memory_space<semaphore_mem>>
      %dma_start3A_51 = tpu.memref_slice %arg6[%mul3A_50] : memref<65536xf32, #tpu.memory_space<hbm>> -> memref<2048xf32, #tpu.memory_space<hbm>>
      %dma_start3A_52 = tpu.memref_slice %arg6[%mul3A_50] : memref<65536xf32, #tpu.memory_space<hbm>> -> memref<2048xf32, #tpu.memory_space<hbm>>
      tpu.enqueue_dma source(%arg11 : memref<2048xf32, #tpu.memory_space<vmem>>) target(%dma_start3A_52 : memref<2048xf32, #tpu.memory_space<hbm>>) target_semaphore(%run_scoped3A : memref<!tpu.dma_semaphore, #tpu.memory_space<semaphore_mem>>)
      %dma_wait3A = tpu.memref_slice %arg6[%mul3A_50] : memref<65536xf32, #tpu.memory_space<hbm>> -> memref<2048xf32, #tpu.memory_space<hbm>>
      %dma_wait3A_53 = tpu.memref_slice %arg6[%mul3A_50] : memref<65536xf32, #tpu.memory_space<hbm>> -> memref<2048xf32, #tpu.memory_space<hbm>>
      tpu.wait_dma2 semaphore(%run_scoped3A : memref<!tpu.dma_semaphore, #tpu.memory_space<semaphore_mem>>) src(%arg11 : memref<2048xf32, #tpu.memory_space<vmem>>) dst(%dma_wait3A_53 : memref<2048xf32, #tpu.memory_space<hbm>>)
      tpu.yield
    }) : () -> ()
    return
  }
}

module attributes {stable_mosaic.version = 14 : i64} {
  func.func @_tc_body(%arg0: i32, %arg1: memref<1024x1000xf32, #tpu.memory_space<vmem>>, %arg2: memref<1024x1000xi32, #tpu.memory_space<vmem>>, %arg3: memref<1x8x128xf32, #tpu.memory_space<vmem>>) attributes {dimension_semantics = [#tpu.dimension_semantics<arbitrary>], iteration_bounds = array<i64: 12>, scalar_prefetch = 0 : i64, scratch_operands = 0 : i64, tpu.core_type = #tpu.core_type<tc>, window_params = [{transform_indices = @transform_0, window_bounds = array<i64: 1024, 1000>}, {transform_indices = @transform_1, window_bounds = array<i64: 1024, 1000>}, {transform_indices = @transform_2, window_bounds = array<i64: 1, 8, 128>}]} {
    %get3A = arith.constant 0 : index
    %get3A_0 = arith.constant 0 : index
    %get3A_1 = vector.load %arg1[%get3A, %get3A_0] : memref<1024x1000xf32, #tpu.memory_space<vmem>>, vector<1024x1000xf32>
    %exp3A = math.exp %get3A_1 : vector<1024x1000xf32>
    %get3A_2 = arith.constant 0 : index
    %get3A_3 = arith.constant 0 : index
    %get3A_4 = vector.load %arg2[%get3A_2, %get3A_3] : memref<1024x1000xi32, #tpu.memory_space<vmem>>, vector<1024x1000xi32>
    %gt3A = arith.constant 0 : i32
    %gt3A_5 = vector.broadcast %gt3A : i32 to vector<1024x1000xi32>
    %gt3A_6 = arith.cmpi sgt, %get3A_4, %gt3A_5 : vector<1024x1000xi32>
    %jit3A = arith.constant 0.000000e+00 : f32
    %broadcast_in_dim3A = vector.broadcast %jit3A : f32 to vector<1024x1000xf32>
    %select_n3A = arith.select %gt3A_6, %exp3A, %broadcast_in_dim3A : vector<1024x1000xi1>, vector<1024x1000xf32>
    %jit3A_7 = arith.constant 0xFF800000 : f32
    %broadcast_in_dim3A_8 = vector.broadcast %jit3A_7 : f32 to vector<1024x1000xf32>
    %select_n3A_9 = arith.select %gt3A_6, %broadcast_in_dim3A_8, %exp3A : vector<1024x1000xi1>, vector<1024x1000xf32>
    %reduce_sum3A = arith.constant dense<0.000000e+00> : vector<1024xf32>
    %reduce_sum3A_10 = vector.multi_reduction <add>, %select_n3A, %reduce_sum3A [1] : vector<1024x1000xf32> to vector<1024xf32>
    %reduce_max3A = arith.constant dense<0xFF800000> : vector<1024xf32>
    %reduce_max3A_11 = vector.multi_reduction <maximumf>, %select_n3A_9, %reduce_max3A [1] : vector<1024x1000xf32> to vector<1024xf32>
    %add3A = arith.addf %reduce_sum3A_10, %reduce_max3A_11 : vector<1024xf32>
    %reduce_sum3A_12 = arith.constant dense<0.000000e+00> : vector<1024xf32>
    %reduce_sum3A_13 = vector.multi_reduction <add>, %exp3A, %reduce_sum3A_12 [1] : vector<1024x1000xf32> to vector<1024xf32>
    %div3A = arith.divf %add3A, %reduce_sum3A_13 : vector<1024xf32>
    %add3A_14 = arith.constant 5.000000e-02 : f32
    %add3A_15 = vector.broadcast %add3A_14 : f32 to vector<1024xf32>
    %add3A_16 = arith.addf %div3A, %add3A_15 : vector<1024xf32>
    %log3A = math.log %add3A_16 : vector<1024xf32>
    %neg3A = arith.constant 0.000000e+00 : f32
    %neg3A_17 = vector.broadcast %neg3A : f32 to vector<1024xf32>
    %neg3A_18 = arith.subf %neg3A_17, %log3A : vector<1024xf32>
    %reduce_sum3A_19 = vector.shape_cast %neg3A_18 : vector<1024xf32> to vector<1x1024xf32>
    %reduce_sum3A_20 = arith.constant dense<0.000000e+00> : vector<1xf32>
    %reduce_sum3A_21 = vector.multi_reduction <add>, %reduce_sum3A_19, %reduce_sum3A_20 [1] : vector<1x1024xf32> to vector<1xf32>
    %reduce_sum3A_22 = vector.shape_cast %reduce_sum3A_21 : vector<1xf32> to vector<1x1xf32>
    %reduce_sum3A_23 = vector.extract %reduce_sum3A_22[0, 0] : f32 from vector<1x1xf32>
    %broadcast_in_dim3A_24 = vector.broadcast %reduce_sum3A_23 : f32 to vector<1x8x128xf32>
    %swap3A = arith.constant 0 : index
    %swap3A_25 = arith.constant 0 : index
    %swap3A_26 = arith.constant 0 : index
    %swap3A_27 = vector.load %arg3[%swap3A, %swap3A_25, %swap3A_26] : memref<1x8x128xf32, #tpu.memory_space<vmem>>, vector<1x8x128xf32>
    tpu.vector_store %arg3[%swap3A, %swap3A_25, %swap3A_26], %broadcast_in_dim3A_24 {strides = array<i32>} : memref<1x8x128xf32, #tpu.memory_space<vmem>>, vector<1x8x128xf32>,
    return
  }
  func.func @transform_0(%arg0: i32) -> (i32, i32) {
    %add3A = arith.constant 4 : i32
    %add3A_0 = arith.addi %add3A, %arg0 : i32
    %c0_i32 = arith.constant 0 : i32
    %c0_i32_1 = arith.constant 0 : i32
    return %add3A_0, %c0_i32 : i32, i32
  }
  func.func @transform_1(%arg0: i32) -> (i32, i32) {
    %add3A = arith.constant 4 : i32
    %add3A_0 = arith.addi %add3A, %arg0 : i32
    %c0_i32 = arith.constant 0 : i32
    %c0_i32_1 = arith.constant 0 : i32
    return %add3A_0, %c0_i32 : i32, i32
  }
  func.func @transform_2(%arg0: i32) -> (i32, i32, i32) {
    %c0_i32 = arith.constant 0 : i32
    %c0_i32_0 = arith.constant 0 : i32
    %c0_i32_1 = arith.constant 0 : i32
    return %arg0, %c0_i32, %c0_i32_0 : i32, i32, i32
  }
}

module attributes {stable_mosaic.version = 14 : i64} {
  func.func @_finish_body(%arg0: memref<4096x16xf32, #tpu.memory_space<vmem>>, %arg1: memref<4096x16xf32, #tpu.memory_space<vmem>>, %arg2: memref<4096x16xf32, #tpu.memory_space<vmem>>, %arg3: memref<1x1xf32, #tpu.memory_space<smem>>) attributes {dimension_semantics = [], scalar_prefetch = 0 : i64, scratch_operands = 0 : i64, tpu.core_type = #tpu.core_type<tc>} {
    %get3A = arith.constant 0 : index
    %get3A_0 = arith.constant 0 : index
    %get3A_1 = vector.load %arg0[%get3A, %get3A_0] : memref<4096x16xf32, #tpu.memory_space<vmem>>, vector<4096x16xf32>
    %reduce_sum3A = arith.constant dense<0.000000e+00> : vector<4096xf32>
    %reduce_sum3A_2 = vector.multi_reduction <add>, %get3A_1, %reduce_sum3A [1] : vector<4096x16xf32> to vector<4096xf32>
    %get3A_3 = arith.constant 0 : index
    %get3A_4 = arith.constant 0 : index
    %get3A_5 = vector.load %arg2[%get3A_3, %get3A_4] : memref<4096x16xf32, #tpu.memory_space<vmem>>, vector<4096x16xf32>
    %reduce_max3A = arith.constant dense<0xFF800000> : vector<4096xf32>
    %reduce_max3A_6 = vector.multi_reduction <maximumf>, %get3A_5, %reduce_max3A [1] : vector<4096x16xf32> to vector<4096xf32>
    %add3A = arith.addf %reduce_sum3A_2, %reduce_max3A_6 : vector<4096xf32>
    %get3A_7 = arith.constant 0 : index
    %get3A_8 = arith.constant 0 : index
    %get3A_9 = vector.load %arg1[%get3A_7, %get3A_8] : memref<4096x16xf32, #tpu.memory_space<vmem>>, vector<4096x16xf32>
    %reduce_sum3A_10 = arith.constant dense<0.000000e+00> : vector<4096xf32>
    %reduce_sum3A_11 = vector.multi_reduction <add>, %get3A_9, %reduce_sum3A_10 [1] : vector<4096x16xf32> to vector<4096xf32>
    %div3A = arith.divf %add3A, %reduce_sum3A_11 : vector<4096xf32>
    %add3A_12 = arith.constant 5.000000e-02 : f32
    %add3A_13 = vector.broadcast %add3A_12 : f32 to vector<4096xf32>
    %add3A_14 = arith.addf %div3A, %add3A_13 : vector<4096xf32>
    %log3A = math.log %add3A_14 : vector<4096xf32>
    %neg3A = arith.constant 0.000000e+00 : f32
    %neg3A_15 = vector.broadcast %neg3A : f32 to vector<4096xf32>
    %neg3A_16 = arith.subf %neg3A_15, %log3A : vector<4096xf32>
    %reduce_sum3A_17 = vector.shape_cast %neg3A_16 : vector<4096xf32> to vector<1x4096xf32>
    %reduce_sum3A_18 = arith.constant dense<0.000000e+00> : vector<1xf32>
    %reduce_sum3A_19 = vector.multi_reduction <add>, %reduce_sum3A_17, %reduce_sum3A_18 [1] : vector<1x4096xf32> to vector<1xf32>
    %reduce_sum3A_20 = vector.shape_cast %reduce_sum3A_19 : vector<1xf32> to vector<1x1xf32>
    %reduce_sum3A_21 = vector.extract %reduce_sum3A_20[0, 0] : f32 from vector<1x1xf32>
    %swap3A = arith.constant 0 : index
    %swap3A_22 = arith.constant 0 : index
    %swap3A_23 = memref.load %arg3[%swap3A, %swap3A_22] : memref<1x1xf32, #tpu.memory_space<smem>>
    memref.store %reduce_sum3A_21, %arg3[%swap3A, %swap3A_22] : memref<1x1xf32, #tpu.memory_space<smem>>
    return
  }
}

</mosaic_0001>

<sc_bundles>
// kernel: kernel.5.cloned.1.call-start
scs
__scs_entry_jumppad:
0x0: {  	(pc) =	sbr.rel $0x88, $3  }
0x1: {  	(tag) =	ssettag $0x0;
	lr =	simm.s32 $0x1  }
0x2: {  	[smem:$0x3F9F] =	sst lr;
	_ =	strace $0xD0000000  }
0x3: {  	_ = 	snop  }
0x4: {  	_ = 	snop  }
0x5: {  	_ = 	snop  }
0x6: {  	_ = 	snop  }
0x7: {  	_ = 	snop  }
__scs_overlays_trampoline_lowered:
0x8: {  	[smem:$0x3FAE] =	sst s0  }
0x9: {  	[smem:$0x3FAF] =	sst s1  }
0xa: {  	[smem:$0x3FB0] =	sst s2  }
0xb: {  	[smem:$0x3FB1] =	sst s3  }
0xc: {  	[smem:$0x3FB2] =	sst s4  }
0xd: {  	[smem:$0x3FB3] =	sst s5  }
0xe: {  	[smem:$0x3FB4] =	sst s6  }
0xf: {  	[smem:$0x3FB5] =	sst s7  }
0x10: {  	[smem:$0x3FB6] =	sst s8  }
0x11: {  	[smem:$0x3FB7] =	sst s9;
	s0 =	simm.s32 @!p0 $0x0  }
0x12: {  	s1 =	sld [smem:$0x3F9D];
	s0 =	simm.s32 @p0 $0x1  }
0x13: {  	[smem:$0x3FB8] =	sst s0;
	s0 =	simm.s32 @!p1 $0x0  }
0x14: {  	s2 =	sld [smem:$0x3F9C];
	s0 =	simm.s32 @p1 $0x1  }
0x15: {  	[smem:$0x3FB9] =	sst s0;
	s0 =	simm.s32 @!p2 $0x0  }
0x16: {  	s3 =	sld [smem:$0x3FDB];
	s0 =	simm.s32 @p2 $0x1  }
0x17: {  	s4 =	simm.s32 $0x1BF5;
	[smem:$0x3FBB] =	sst s0  }
0x18: {  	s0 =	sld [smem:$0x3F9E];
	_ =	swait.ge [sflag:s4], $0x0  }
0x19: {  	s7 =	sld [smem:$0x3F9F]  }
0x1a: {  	s8 =	sadd.s32 $0xFFFFE003, lr  }
0x1b: {  	s9 =	sadd.s32 $0xFFFFFEF7, lr;
	s5 =	simm.s32 $0xFFFFFFFF;
	p2 =	slt.u32 s8, $0xFFFFF086  }
0x1c: {  	p1 =	slt.u32 s9, $0xF7A;
	s5 =	simm.s32 @!p2 $0x0  }
0x1d: {  	s5 =	simm.s32 @p1 $0x1;
	p0 =	seq.s32 s7, s2  }
0x1e: {  	s7 =	smul.u32 @!p0 $0xF7A, s2;
	p2 =	seq.s32 @!p0 s5, $0x0  }
0x1f: {  	s9 =	smul.u32 $0xF7A, s1;
	s8 =	simm.s32 @!p0 $0x1BF5;
	p2 =	por !p2, p0  }
0x20: {  	[sflag:s8] =	ssyncset.s32 @!p0 $0xFFFFF086;
	s6 =	sadd.s32 @!p0 s3, s7;
	s7 =	simm.s32 @!p0 $0x108  }
0x21: {  	s3 =	sadd.s32 s3, s9;
	s6 =	sadd.s32 @!p0 $0x88, s6;
	s7 =	simm.s32 @p2 $0x1082  }
0x22: {  	[simem:s7], [sflag:s8] =	dma.local @!p0 [hbm:s6], $0xF7A  }
0x23: {  	s9 =	sor.u32 $0xD0000000, s2;
	s6 =	simm.s32 $0x108;
	_ =	swait.ge @!p0 [sflag:s8], $0x0  }
0x24: {  	s3 =	sadd.s32 $0x88, s3;
	s6 =	simm.s32 @!p1 $0x1082;
	[sflag:s4] =	ssyncset.s32 $0xFFFFF086  }
0x25: {  	[simem:s6], [sflag:s4] =	dma.local [hbm:s3], $0xF7A  }
0x26: {  	[smem:$0x3F9F] =	sst s1;
	(tag) =	ssettag s2;
	_ =	strace s9  }
0x27: {  	s1 =	sld [smem:$0x3FAF]  }
0x28: {  	s2 =	sld [smem:$0x3FB0]  }
0x29: {  	s4 =	sld [smem:$0x3FB2]  }
0x2a: {  	p0 =	seq.s32 s5, $0x0;
	s5 =	sld [smem:$0x3FB3]  }
0x2b: {  	s6 =	sld [smem:$0x3FB4]  }
0x2c: {  	s7 =	sld [smem:$0x3FB5]  }
0x2d: {  	s3 =	simm.s32 $0x108;
	s8 =	sld [smem:$0x3FB6]  }
0x2e: {  	s3 =	simm.s32 @!p0 $0x1082;
	s9 =	sld [smem:$0x3FB7]  }
0x2f: {  	lr =	sadd.s32 s0, s3;
	s0 =	sld [smem:$0x3FAE]  }
0x30: {  	s3 =	sld [smem:$0x3FB1]  }
0x31: {  	[smem:$0x3FBA] =	sst s10  }
0x32: {  	s10 =	sld [smem:$0x3FB8];
	_ =	sdelay $0x3  }
0x33: {  	p0 =	seq.s32 s10, $0x1;
	s10 =	sld [smem:$0x3FBA];
	_ =	sdelay $0x3  }
0x34: {  	[smem:$0x3FBA] =	sst s10  }
0x35: {  	s10 =	sld [smem:$0x3FB9];
	_ =	sdelay $0x3  }
0x36: {  	p1 =	seq.s32 s10, $0x1;
	s10 =	sld [smem:$0x3FBA];
	_ =	sdelay $0x3  }
0x37: {  	[smem:$0x3FBA] =	sst s10  }
0x38: {  	s10 =	sld [smem:$0x3FBB]  }
0x39: {  	_ = 	snop;
	(pc) =	sbr.ind lr, $3  }
0x3a: {  	_ = 	snop  }
0x3b: {  	_ = 	snop  }
0x3c: {  	p2 =	seq.s32 s10, $0x1;
	s10 =	sld [smem:$0x3FBA]  }
0x3d: {  	_ =	shalt  }
0x3e: {  	_ =	shalt  }
0x3f: {  	_ =	shalt  }
0x40: {  	_ =	shalt  }
0x41: {  	_ =	shalt  }
0x42: {  	_ =	shalt  }
0x43: {  	_ =	shalt  }
0x44: {  	_ =	shalt  }
0x45: {  	_ =	shalt  }
0x46: {  	_ =	shalt  }
0x47: {  	_ =	shalt  }
0x48: {  	_ =	shalt  }
0x49: {  	_ =	shalt  }
0x4a: {  	_ =	shalt  }
0x4b: {  	_ =	shalt  }
0x4c: {  	_ =	shalt  }
0x4d: {  	_ =	shalt  }
0x4e: {  	_ =	shalt  }
0x4f: {  	_ =	shalt  }
0x50: {  	_ =	shalt  }
0x51: {  	_ =	shalt  }
0x52: {  	_ =	shalt  }
0x53: {  	_ =	shalt  }
0x54: {  	_ =	shalt  }
0x55: {  	_ =	shalt  }
0x56: {  	_ =	shalt  }
0x57: {  	_ =	shalt  }
0x58: {  	_ =	shalt  }
0x59: {  	_ =	shalt  }
0x5a: {  	_ =	shalt  }
0x5b: {  	_ =	shalt  }
0x5c: {  	_ =	shalt  }
0x5d: {  	_ =	shalt  }
0x5e: {  	_ =	shalt  }
0x5f: {  	_ =	shalt  }
0x60: {  	_ =	shalt  }
0x61: {  	_ =	shalt  }
0x62: {  	_ =	shalt  }
0x63: {  	_ =	shalt  }
0x64: {  	_ =	shalt  }
0x65: {  	_ =	shalt  }
0x66: {  	_ =	shalt  }
0x67: {  	_ =	shalt  }
0x68: {  	_ =	shalt  }
0x69: {  	_ =	shalt  }
0x6a: {  	_ =	shalt  }
0x6b: {  	_ =	shalt  }
0x6c: {  	_ =	shalt  }
0x6d: {  	_ =	shalt  }
0x6e: {  	_ =	shalt  }
0x6f: {  	_ =	shalt  }
0x70: {  	_ =	shalt  }
0x71: {  	_ =	shalt  }
0x72: {  	_ =	shalt  }
0x73: {  	_ =	shalt  }
0x74: {  	_ =	shalt  }
0x75: {  	_ =	shalt  }
0x76: {  	_ =	shalt  }
0x77: {  	_ =	shalt  }
0x78: {  	_ =	shalt  }
0x79: {  	_ =	shalt  }
0x7a: {  	_ =	shalt  }
0x7b: {  	_ =	shalt  }
0x7c: {  	_ =	shalt  }
0x7d: {  	_ =	shalt  }
0x7e: {  	_ =	shalt  }
0x7f: {  	_ =	shalt  }
0x80: {  	_ =	shalt  }
0x81: {  	_ =	shalt  }
0x82: {  	_ =	shalt  }
0x83: {  	_ =	shalt  }
0x84: {  	_ =	shalt  }
0x85: {  	_ =	shalt  }
0x86: {  	_ =	shalt  }
0x87: {  	_ =	shalt  }
.Lfunc_end0:
.L_simem_size_0:
called_computation_lowered:
.L_overlay_start_0:
0x88: {  	s2 =	sld [smem:$0x3FD9]  }
0x89: {  	s3 =	sld [smem:$0x3FFE];
	_ =	sdelay $0x1  }
0x8a: {  	s1 =	srdreg.scid  }
0x8b: {  	s0 =	sand.u32 $0x1, s1  }
0x8c: {  	s16 =	sshll.u32 s0, $0xA;
	s2 =	sadd.s32 s3, s2  }
0x8d: {  	s2 =	sadd.s32 s2, s16  }
0x8e: {  	[smem:$0x3FC6] =	sst s2  }
0x8f: {  	_ = 	snop  }
0x90: {  	(tm) =	ssettm $0x1  }
0x91: {  	s17 =	sld [smem:$0x3FFB];
	_ =	sdelay $0x3  }
0x92: {  	_ =	strace s17  }
0x93: {  	s2 =	sld [smem:$0x3FFC];
	_ =	sdelay $0x3  }
0x94: {  	_ =	strace s2  }
0x95: {  	s2 =	sld [smem:$0x3FFD];
	_ =	sdelay $0x3  }
0x96: {  	_ =	strace s2  }
0x97: {  	_ =	strace $0x8FFFFFFF  }
0x98: {  	s18 =	sld [smem:$0x3FDB];
	_ =	sdelay $0x1  }
0x99: {  	s19 =	simm.s32 $_scs_section_size  }
0x9a: {  	s4 =	simm.s32 $_size__tile_overlayer_lowered;
	s5 =	simm.s32 $_tile_overlayer_lowered  }
0x9b: {  	s22 =	simm.s32 $0x1BFF;
	s21 =	sshll.u32 s5, $0x1;
	s2 =	sadd.s32 s19, s18  }
0x9c: {  	s6 =	simm.s32 $0x0;
	s20 =	sshll.u32 s4, $0x1;
	s4 =	sadd.s32 s21, s2  }
0x9d: {  	[timem:s6], [sflag:s22] =	dma.local [hbm:s4], s20  }
0x9e: {  	_ =	swait.ge [sflag:s22], s20  }
0x9f: {  	s3 =	ssub.s32 $0x0, s20;
	[sflag:s22] =	ssyncset.done $0x0  }
0xa0: {  	[sflag:s22] =	ssyncadd.s32 s3;
	_ =	sdelay $0x1  }
0xa1: {  	s23 =	simm.s32 $0x1B8B  }
0xa2: {  	_ =	swait.ge [sflag:s23], $0x1  }
0xa3: {  	[sflag:s23] =	ssyncset.done $0x0  }
0xa4: {  	s25 =	simm.s32 $0x1B8E;
	s24 =	sld [smem:$0x3FFE];
	[sflag:s23] =	ssyncadd.s32 $0xFFFFFFFF  }
0xa5: {  	s26 =	simm.s32 $execute0_lowered;
	[smem:$0x3FD2] =	sst s25  }
0xa6: {  	s4 =	sshll.u32 s26, $0x1;
	_ =	strace $0x80000046;
	[dreg:$0x1] =	wrdreg $0xFFFFFFFF  }
0xa7: {  	s28 =	simm.s32 $_size_execute0_lowered;
	s2 =	sadd.s32 s2, s4;
	[dreg:$0x0] =	wrdreg $0x0  }
0xa8: {  	s4 =	sshll.u32 s28, $0x1;
	[dreg:$0x2] =	wrdreg s2  }
0xa9: {  	[dreg:$0x3] =	wrdreg s4  }
0xaa: {  	[dreg:$0x4] =	wrdreg $0xC0  }
0xab: {  	_ =	task [dreg:s6], $0x5FFFF  }
0xac: {  	[dreg:$0x1] =	wrdreg $0xFFFFFFFF  }
0xad: {  	[dreg:$0x0] =	wrdreg $0x60  }
0xae: {  	[dreg:$0x2] =	wrdreg s24  }
0xaf: {  	[dreg:$0x3] =	wrdreg $0x9  }
0xb0: {  	_ =	task.clear_ibuf [dreg:s6], $0x4FFFF;
	_ =	strace $0x90000046  }
0xb1: {  	s29 =	simm.s32 $0x9;
	_ =	strace $0x80000048  }
0xb2: {  	_ =	swait.ge [sflag:s29], $0x1  }
0xb3: {  	[sflag:s29] =	ssyncadd.s32 $0xFFFFFFFF  }
0xb4: {  	_ =	strace $0x90000048  }
0xb5: {  	_ =	sfence  }
0xb6: {  	s30 =	sld [smem:$0x0];
	_ =	sdelay $0x2  }
0xb7: {  	s31 =	sshll.u32 s1, $0xD;
	s1 =	sshrl.u32 s1, $0x2  }
0xb8: {  	s3 =	sand.u32 $0x4000, s31;
	s1 =	sadd.s32 s1, s30  }
0xb9: {  	s0 =	sor.u32 s3, s0;
	s1 =	sshll.u32 s1, $0x11  }
0xba: {  	s0 =	sor.u32 s1, s0  }
0xbb: {  	s0 =	sadd.s32 $0x8F2B, s0  }
0xbc: {  	[sflag:s0] =	ssyncadd.remote.s32 $0x1  }
0xbd: {  	_ =	sfence.sel $0xFFFF  }
0xbe: {  	[dreg:$0x0] =	wrdreg $0xFFFFFFFF;
	(pc) =	sbr.abs _section_cstart, $3  }
0xbf: {  	[dreg:$0x1] =	wrdreg $0xFFFFFFFF  }
0xc0: {  	_ =	task.clear_ibuf [dreg:s6], $0x2FFFF;
	_ =	strace $0x9FFFFFFF  }
0xc1: {  	(tm) =	ssettm $0x7FFFFFFF  }
tec
execute0_lowered:
.L_overlay_start_1:
0x0: {  	(tag) =	ssettag $0x1  }
0x1: {  	s5 =	rddreg [dreg:$0x0];
	s2 =	simm.s32 $0x0;
	s3 =	srdreg.scid  }
0x2: {  	s0 =	stileid.u32;
	s14 =	simm.s32 $0x5;
	s15 =	simm.s32 $0x10800  }
0x3: {  	s16 =	simm.s32 $0x11000;
	s17 =	simm.s32 $0x0;
	[smem:$0x7FF] =	sst s2  }
0x4: {  	s4 =	sand.u32 $0x1, s3;
	s6 =	sshll.u32 s0, $0x1;
	s3 =	sadd.s32 $0x400, s5  }
0x5: {  	_ =	strace $0x80000047;
	s6 =	sor.u32 s4, s6;
	s7 =	ssub.s32 $0x2, s4  }
0x6: {  	s4 =	sadd.s32 $0x200400, s5;
	s8 =	sshll.u32 s6, $0x8;
	s9 =	sshrl.u32 s7, $0x1  }
0x7: {  	s10 =	sadd.s32 s8, s5;
	s11 =	ssub.s32 s7, s9;
	s5 =	sshll.u32 s6, $0xE  }
0x8: {  	s6 =	sadd.s32 s3, s5;
	s7 =	sadd.s32 s4, s5;
	s8 =	sadd.s32 $0x400400, s10  }
0x9: {  	s9 =	sadd.s32 $0x402400, s10;
	s10 =	sadd.s32 $0x404400, s10;
	s11 =	smax.u32 s11, $0x1  }
.LBB2_1:
0xa: {  	[tilespmem:s2], [sflag:$0x1] =	stream.linear.gather [hbm4b:s6+s2], $0x4000, $0x38;
	[tilespmem:$0x11800] =	vst v63  }
0xb: {  	s0 =	simm.s32 $0x8000;
	p0 =	por $0x0, $0x0;
	s20 =	simm.s32 $0x0  }
0xc: {  	[tilespmem:s0], [sflag:$0x3] =	stream.linear.gather [hbm4b:s7+s2], $0x4000, $0x38;
	[tilespmem:$0x11800] =	vst v63  }
.LBB2_2:
0xd: {  	s18 =	sadd.s32 $0x1, s20;
	p1 =	seq.s32 s20, $0x7  }
0xe: {  	s19 =	sand.u32 $0x1, s20;
	s22 =	sshll.u32 @!p1 s18, $0xB  }
0xf: {  	s21 =	sxor.u32 @!p1 $0x1, s19;
	s26 =	simm.s32 @!p1 $0x0;
	s22 =	sadd.s32 @!p1 s5, s22  }
0x10: {  	s23 =	sshll.u32 @!p1 s21, $0xE;
	s24 =	sadd.s32 @!p1 $0x1, s21;
	s25 =	sadd.s32 @!p1 s3, s22  }
0x11: {  	[tilespmem:s23], [sflag:s24] =	stream.linear.gather @!p1 [hbm4b:s25+s26], $0x4000, $0x38;
	[tilespmem:$0x11800] =	vst v63  }
0x12: {  	s21 =	sadd.s32 @!p1 $0x3, s21;
	s22 =	sadd.s32 @!p1 s4, s22;
	s23 =	sor.u32 @!p1 $0x8000, s23  }
0x13: {  	[tilespmem:s23], [sflag:s21] =	stream.linear.gather @!p1 [hbm4b:s22+s26], $0x4000, $0x38;
	[tilespmem:$0x11800] =	vst v63  }
0x14: {  	s26 =	sadd.s32 $0x1, s19  }
0x15: {  	_ =	swait.ge [sflag:s26], $0x4000  }
0x16: {  	s1 =	simm.s32 $0x0;
	[sflag:s26] =	ssyncset.done $0x0  }
0x17: {  	s0 =	sadd.s32 $0x3, s19;
	s19 =	sshll.u32 s19, $0xE;
	[sflag:s26] =	ssyncadd.s32 $0xFFFFC000  }
0x18: {  	s12 =	sand.u32 $0x60, s1;
	s23 =	sor.u32 $0x10, s19;
	_ =	swait.ge [sflag:s0], $0x4000  }
0x19: {  	s22 =	sand.u32 $0x1C00, s1;
	s13 =	sor.u32 s23, s12;
	[sflag:s0] =	ssyncset.done $0x0  }
0x1a: {  	s26 =	sor.u32 s19, s12;
	s25 =	sor.u32 s22, s13;
	[sflag:s0] =	ssyncadd.s32 $0xFFFFC000  }
0x1b: {  	s21 =	sor.u32 s22, s26;
	v0 =	vld [tilespmem:s25+$0x0]  }
0x1c: {  	v1 =	vld [tilespmem:s21+$0x0];
	_ =	sdelay $0x1  }
0x1d: {  	s0 =	simm.s32 $0x20  }
0x1e: {  	s1 =	simm.s32 $0x100;
	s22 =	sand.u32 $0x60, s0  }
0x1f: {  	s12 =	sand.u32 $0x1C00, s1;
	s13 =	sor.u32 s23, s22;
	v0 =	vmul.f32 $1.442695020e+00, v0  }
0x20: {  	s24 =	sor.u32 s12, s13;
	v1 =	vmul.f32 $1.442695020e+00, v1  }
0x21: {  	s22 =	sor.u32 s19, s22;
	(erf) = vpow2.f32 v0;
	v0 =	vld [tilespmem:s24+$0x0]  }
0x22: {  	s28 =	sor.u32 s12, s22;
	(erf) = vpow2.f32 v1  }
0x23: {  	v1 =	vld [tilespmem:s28+$0x0];
	_ =	sdelay $0x1  }
0x24: {  	s26 =	simm.s32 $0x40  }
0x25: {  	s29 =	simm.s32 $0x200;
	s22 =	sand.u32 $0x60, s26;
	v0 =	vmul.f32 $1.442695020e+00, v0  }
0x26: {  	s30 =	sand.u32 $0x1C00, s29;
	v2 =	vld [tilespmem:s25+$0x8000];
	s26 =	simm.s32 $0x1;
	s31 =	sor.u32 s23, s22  }
0x27: {  	v5 =	vld [tilespmem:s21+$0x8000];
	s26 =	simm.s32 @!p0 $0x0;
	s0 =	sor.u32 s19, s22;
	s25 =	sor.u32 s30, s31;
	v1 =	vmul.f32 $1.442695020e+00, v1  }
0x28: {  	s22 =	sshll.u32 s26, $0xE;
	s26 =	sor.u32 s30, s0;
	v7 =	vld [tilespmem:s25+$0x0];
	(erf) = vpow2.f32 v0  }
0x29: {  	v8 =	vld [tilespmem:s26+$0x0];
	v0 =	vpop (erf);
	(erf) = vpow2.f32 v1  }
0x2a: {  	v3 =	vimm.f32 $0.0e+00;
	v6 =	vimm.f32 $0.0e+00;
	s30 =	simm.s32 $0x4;
	s31 =	simm.s32 $0x60;
	s21 =	sor.u32 $0x2000, s22;
	v1 =	vimm.f32 $0.0e+00;
	v4 =	vpop (erf)  }
.LBB2_3:
0x2b: {  	s29 =	sadd.s32 $0x100, s29  }
0x2c: {  	s0 =	sand.u32 $0x60, s31;
	vm0 =	vgt.s32 v5, $0x0;
	vm1 =	vgt.s32 v2, $0x0;
	s30 =	sadd.s32 $0x2, s30;
	s1 =	sand.u32 $0x1C00, s29  }
0x2d: {  	s12 =	sor.u32 s23, s0;
	v9 =	vmul.f32 $1.442695020e+00, v7;
	v2 =	vld [tilespmem:s24+$0x8000];
	v10 =	vnsel vm0, $0x0, v4;
	v11 =	vnsel vm1, $0x0, v0;
	s24 =	smov.u32 s25;
	p1 =	slt.u32 s30, $0x3A  }
.Ltmp0:
0x2e: {  	s0 =	sor.u32 s19, s0;
	s25 =	sor.u32 s1, s12;
	v12 =	vmul.f32 $1.442695020e+00, v8;
	v5 =	vld [tilespmem:s28+$0x8000];
	v13 =	vsub.f32 v4, v10;
	v14 =	vsub.f32 v0, v11;
	(pc) =	sbr.rel @p1 .LBB2_3-.Ltmp0, $4  }
0x2f: {  	v3 =	vadd.f32 v10, v3;
	s28 =	smov.u32 s26;
	s26 =	sor.u32 s1, s0;
	v7 =	vld [tilespmem:s25+$0x0];
	(erf) = vpow2.f32 v9;
	v9 =	vadd.f32 v4, v6  }
0x30: {  	v8 =	vld [tilespmem:s26+$0x0];
	(erf) = vpow2.f32 v12;
	v1 =	vmax.f32 v1, v13  }
0x31: {  	v3 =	vadd.f32 v11, v3;
	v6 =	vadd.f32 v0, v9;
	v0 =	vpop (erf);
	v1 =	vmax.f32 v1, v14  }
0x32: {  	s31 =	sadd.s32 $0x20, s31;
	v4 =	vpop (erf)  }
0x33: {  	s0 =	sor.u32 $0x1C40, s19  }
0x34: {  	v9 =	vld [tilespmem:s0+$0x0]  }
0x35: {  	v7 =	vmul.f32 $1.442695020e+00, v7  }
0x36: {  	s23 =	sor.u32 $0x1C50, s19;
	v8 =	vmul.f32 $1.442695020e+00, v8  }
0x37: {  	(erf) = vpow2.f32 v7;
	v7 =	vld [tilespmem:s23+$0x0]  }
0x38: {  	v10 =	vld [tilespmem:s28+$0x8000];
	vm0 =	vgt.s32 v5, $0x0;
	(erf) = vpow2.f32 v8  }
0x39: {  	v6 =	vadd.f32 v4, v6;
	v5 =	vnsel vm0, $0x0, v4;
	v8 =	vmul.f32 $1.442695020e+00, v9  }
0x3a: {  	vm1 =	vgt.s32 v2, $0x0;
	v2 =	vld [tilespmem:s24+$0x8000];
	v3 =	vadd.f32 v5, v3  }
0x3b: {  	v6 =	vadd.f32 v0, v6;
	v4 =	vsub.f32 v4, v5  }
0x3c: {  	v12 =	vld [tilespmem:s26+$0x8000];
	v11 =	vpop (erf);
	v9 =	vnsel vm1, $0x0, v0;
	(erf) = vpow2.f32 v8;
	v7 =	vmul.f32 $1.442695020e+00, v7  }
0x3d: {  	s1 =	sor.u32 $0x9C50, s19;
	vm7 =	vgt.s32 v10, $0x0;
	v10 =	vld [tilespmem:s25+$0x8000];
	v3 =	vadd.f32 v9, v3;
	v0 =	vsub.f32 v0, v9;
	v8 =	vpop (erf)  }
0x3e: {  	v9 =	vld [tilespmem:s1+$0x0];
	(erf) = vpow2.f32 v7;
	v13 =	vnsel vm7, $0x0, v8;
	v5 =	vadd.f32 v8, v6  }
0x3f: {  	s26 =	sor.u32 $0x9C40, s19;
	v1 =	vmax.f32 v1, v4;
	vm8 =	vgt.s32 v2, $0x0;
	v2 =	vadd.f32 v13, v3  }
0x40: {  	v0 =	vmax.f32 v1, v0;
	v7 =	vld [tilespmem:s26+$0x0];
	v3 =	vnsel vm8, $0x0, v11;
	v6 =	vpop (erf);
	v1 =	vadd.f32 v11, v5  }
0x41: {  	vm9 =	vgt.s32 v12, $0x0;
	v8 =	vsub.f32 v8, v13;
	v4 =	vpop (erf);
	v2 =	vadd.f32 v3, v2  }
0x42: {  	vm10 =	vgt.s32 v10, $0x0;
	v5 =	vnsel vm9, $0x0, v4;
	v1 =	vadd.f32 v4, v1  }
0x43: {  	vm12 =	vgt.s32 v9, $0x0;
	v10 =	vnsel vm10, $0x0, v6;
	v2 =	vadd.f32 v5, v2  }
0x44: {  	v3 =	vsub.f32 v11, v3;
	v0 =	vmax.f32 v0, v8;
	v1 =	vadd.f32 v6, v1  }
0x45: {  	vm11 =	vgt.s32 v7, $0x0;
	v4 =	vsub.f32 v4, v5;
	v8 =	vpop (erf);
	v2 =	vadd.f32 v10, v2  }
0x46: {  	v0 =	vmax.f32 v0, v3;
	v3 =	vnsel vm11, $0x0, v8;
	v1 =	vadd.f32 v8, v1  }
0x47: {  	v6 =	vsub.f32 v6, v10;
	v0 =	vmax.f32 v0, v4;
	v5 =	vpop (erf);
	v2 =	vadd.f32 v3, v2  }
0x48: {  	s12 =	simm.s32 $0x0;
	v7 =	vnsel vm12, $0x0, v5;
	v3 =	vsub.f32 v8, v3;
	v1 =	vadd.f32 v5, v1  }
0x49: {  	s20 =	sshll.u32 s20, $0x8;
	s0 =	sand.u32 $0x1C00, s12;
	s1 =	sand.u32 $0x60, s12;
	v0 =	vmax.f32 v0, v6;
	v4 =	vsub.f32 v5, v7;
	v2 =	vadd.f32 v7, v2  }
0x4a: {  	s0 =	sor.u32 s0, s1;
	v0 =	vmax.f32 v0, v3;
	[tilespmem:s20+$0x10800] =	vst v1  }
0x4b: {  	s0 =	sor.u32 s19, s0;
	v0 =	vmax.f32 v0, v4;
	[tilespmem:s20+$0x10000] =	vst v2  }
0x4c: {  	s13 =	sor.u32 $0x80, s0;
	[tilespmem:s20+$0x11000] =	vst v0  }
0x4d: {  	s23 =	simm.s32 $0x20;
	s12 =	simm.s32 $0x100;
	v0 =	vld [tilespmem:s13+$0x0]  }
0x4e: {  	s24 =	sand.u32 $0x60, s23;
	s12 =	sand.u32 $0x1C00, s12;
	s25 =	sor.u32 $0x90, s0  }
0x4f: {  	s1 =	sor.u32 s12, s24;
	v1 =	vld [tilespmem:s25+$0x0]  }
0x50: {  	s1 =	sor.u32 s19, s1  }
0x51: {  	s26 =	sor.u32 $0x80, s1  }
0x52: {  	s24 =	simm.s32 $0x40;
	v2 =	vld [tilespmem:s26+$0x0];
	s13 =	simm.s32 $0x200;
	v0 =	vmul.f32 $1.442695020e+00, v0  }
0x53: {  	s23 =	sand.u32 $0x60, s24;
	s12 =	sand.u32 $0x1C00, s13  }
0x54: {  	s26 =	sor.u32 $0x8080, s0;
	s12 =	sor.u32 s12, s23;
	(erf) = vpow2.f32 v0;
	v0 =	vmul.f32 $1.442695020e+00, v1  }
0x55: {  	s25 =	sor.u32 $0x90, s1;
	v3 =	vld [tilespmem:s26+$0x0];
	s12 =	sor.u32 s19, s12  }
0x56: {  	s26 =	simm.s32 $0x60;
	s13 =	sor.u32 $0x80, s12;
	v1 =	vld [tilespmem:s25+$0x0];
	s25 =	simm.s32 $0x300;
	(erf) = vpow2.f32 v0  }
0x57: {  	s24 =	sand.u32 $0x60, s26;
	v2 =	vmul.f32 $1.442695020e+00, v2;
	s23 =	sand.u32 $0x1C00, s25;
	v0 =	vld [tilespmem:s13+$0x0]  }
0x58: {  	s23 =	sor.u32 s23, s24  }
0x59: {  	s13 =	sor.u32 $0x90, s12;
	(erf) = vpow2.f32 v2;
	s23 =	sor.u32 s19, s23  }
0x5a: {  	v2 =	vld [tilespmem:s13+$0x0];
	s26 =	sor.u32 $0x80, s23  }
0x5b: {  	s0 =	sor.u32 $0x8090, s0;
	v1 =	vmul.f32 $1.442695020e+00, v1;
	v6 =	vld [tilespmem:s26+$0x0]  }
0x5c: {  	v4 =	vld [tilespmem:s0+$0x0];
	s25 =	sor.u32 $0x8080, s1;
	v0 =	vmul.f32 $1.442695020e+00, v0  }
0x5d: {  	v11 =	vimm.f32 $0.0e+00;
	vm13 =	vgt.s32 v3, $0x0;
	v5 =	vld [tilespmem:s25+$0x0];
	s13 =	sor.u32 $0x90, s23;
	v3 =	vpop (erf);
	(erf) = vpow2.f32 v1  }
0x5e: {  	s25 =	simm.s32 $0x400;
	v10 =	vld [tilespmem:s13+$0x0];
	s26 =	simm.s32 $0x80;
	v7 =	vnsel vm13, $0x0, v3;
	(erf) = vpow2.f32 v0;
	v0 =	vadd.f32 v3, v11  }
0x5f: {  	s0 =	sand.u32 $0x1C00, s25;
	s24 =	sand.u32 $0x60, s26;
	v2 =	vmul.f32 $1.442695020e+00, v2;
	v62 =	vsub.f32 v3, v7;
	v3 =	vpop (erf)  }
0x60: {  	s13 =	sor.u32 $0x8080, s12;
	s0 =	sor.u32 s0, s24;
	v63 =	vadd.f32 v7, v11;
	v7 =	vadd.f32 v3, v0;
	v0 =	vmul.f32 $1.442695020e+00, v6  }
0x61: {  	s29 =	simm.s32 $0x8;
	vm14 =	vgt.s32 v4, $0x0;
	s1 =	sor.u32 $0x8090, s1;
	v4 =	vld [tilespmem:s13+$0x0];
	s0 =	sor.u32 s19, s0;
	(erf) = vpow2.f32 v2  }
0x62: {  	s30 =	simm.s32 $0x500;
	s31 =	simm.s32 $0xA0;
	vm15 =	vgt.s32 v5, $0x0;
	v1 =	vld [tilespmem:s1+$0x0];
	s13 =	sor.u32 $0x90, s0;
	v5 =	vpop (erf);
	v14 =	vnsel vm14, $0x0, v3;
	(erf) = vpow2.f32 v0  }
0x63: {  	s28 =	sor.u32 $0x8080, s23;
	s26 =	sor.u32 $0x8090, s12;
	s12 =	sor.u32 $0x80, s0;
	v2 =	vld [tilespmem:s13+$0x0];
	v8 =	vnsel vm15, $0x0, v5;
	v9 =	vsub.f32 v3, v14;
	v3 =	vmul.f32 $1.442695020e+00, v10  }
0x64: {  	s24 =	sor.u32 $0x8090, s23;
	s23 =	sor.u32 $0x8080, s0;
	s25 =	sor.u32 $0x8090, s0;
	v6 =	vld [tilespmem:s12+$0x0];
	v10 =	vadd.f32 v14, v63;
	v11 =	vmax.f32 v11, v62;
	v0 =	vsub.f32 v5, v8  }
.LBB2_5:
0x65: {  	s29 =	sadd.s32 $0x2, s29  }
0x66: {  	s0 =	sand.u32 $0x60, s31;
	s1 =	sand.u32 $0x1C00, s30;
	v7 =	vadd.f32 v5, v7;
	v11 =	vmax.f32 v11, v9;
	p1 =	slt.u32 s29, $0x3A  }
.Ltmp1:
0x67: {  	v10 =	vadd.f32 v8, v10;
	s0 =	sor.u32 s1, s0;
	vm0 =	vgt.s32 v1, $0x0;
	v9 =	vpop (erf);
	(pc) =	sbr.rel @p1 .LBB2_5-.Ltmp1, $4  }
0x68: {  	s0 =	sor.u32 s19, s0;
	vm1 =	vgt.s32 v4, $0x0;
	v1 =	vld [tilespmem:s26+$0x0];
	v5 =	vpop (erf);
	v12 =	vnsel vm0, $0x0, v9;
	v7 =	vadd.f32 v9, v7;
	s26 =	smov.u32 s24;
	s24 =	smov.u32 s25  }
0x69: {  	s1 =	sor.u32 $0x80, s0;
	s12 =	sor.u32 $0x8080, s0;
	s13 =	sor.u32 $0x90, s0;
	v13 =	vmul.f32 $1.442695020e+00, v6;
	v4 =	vld [tilespmem:s28+$0x0];
	v8 =	vnsel vm1, $0x0, v5;
	v9 =	vsub.f32 v9, v12  }
0x6a: {  	s25 =	sor.u32 $0x8090, s0;
	v10 =	vadd.f32 v12, v10;
	s28 =	smov.u32 s23;
	v6 =	vld [tilespmem:s1+$0x0];
	(erf) = vpow2.f32 v3;
	v3 =	vmul.f32 $1.442695020e+00, v2;
	s23 =	smov.u32 s12  }
0x6b: {  	s30 =	sadd.s32 $0x100, s30;
	s31 =	sadd.s32 $0x20, s31;
	v11 =	vmax.f32 v11, v0;
	v0 =	vsub.f32 v5, v8;
	v2 =	vld [tilespmem:s13+$0x0];
	(erf) = vpow2.f32 v13  }
0x6c: {  	s0 =	sor.u32 $0x1CC0, s19;
	v5 =	vadd.f32 v5, v7;
	v7 =	vmax.f32 v11, v9;
	v11 =	vld [tilespmem:s26+$0x0]  }
0x6d: {  	v9 =	vld [tilespmem:s0+$0x0];
	vm0 =	vgt.s32 v1, $0x0  }
0x6e: {  	s12 =	sor.u32 $0x1CD0, s19;
	v12 =	vld [tilespmem:s28+$0x0];
	v1 =	vpop (erf);
	(erf) = vpow2.f32 v3;
	v3 =	vadd.f32 v8, v10;
	v0 =	vmax.f32 v7, v0  }
0x6f: {  	v8 =	vld [tilespmem:s12+$0x0];
	vm1 =	vgt.s32 v4, $0x0;
	v4 =	vnsel vm0, $0x0, v1;
	v6 =	vmul.f32 $1.442695020e+00, v6  }
0x70: {  	v10 =	vpop (erf);
	v5 =	vadd.f32 v1, v5;
	v1 =	vsub.f32 v1, v4;
	v2 =	vmul.f32 $1.442695020e+00, v2  }
0x71: {  	v13 =	vld [tilespmem:s24+$0x0];
	v3 =	vadd.f32 v4, v3;
	(erf) = vpow2.f32 v6;
	v6 =	vnsel vm1, $0x0, v10  }
0x72: {  	v5 =	vadd.f32 v10, v5;
	(erf) = vpow2.f32 v2;
	v2 =	vmul.f32 $1.442695020e+00, v9  }
0x73: {  	vm6 =	vgt.s32 v11, $0x0;
	vm7 =	vgt.s32 v12, $0x0;
	v4 =	vsub.f32 v10, v6;
	v10 =	vld [tilespmem:s23+$0x0]  }
0x74: {  	v11 =	vld [tilespmem:s25+$0x0];
	v3 =	vadd.f32 v6, v3;
	v6 =	vpop (erf);
	(erf) = vpow2.f32 v2;
	v2 =	vmul.f32 $1.442695020e+00, v8  }
0x75: {  	v0 =	vmax.f32 v0, v1;
	v9 =	vnsel vm6, $0x0, v6;
	v5 =	vadd.f32 v6, v5  }
0x76: {  	vm8 =	vgt.s32 v13, $0x0;
	v0 =	vmax.f32 v0, v4;
	v7 =	vpop (erf);
	v3 =	vadd.f32 v9, v3  }
0x77: {  	s23 =	sor.u32 $0x9CD0, s19;
	v8 =	vnsel vm7, $0x0, v7;
	(erf) = vpow2.f32 v2;
	v5 =	vadd.f32 v7, v5  }
0x78: {  	s13 =	sor.u32 $0x9CC0, s19;
	vm9 =	vgt.s32 v10, $0x0;
	v10 =	vld [tilespmem:s23+$0x0];
	v2 =	vpop (erf);
	v1 =	vadd.f32 v8, v3;
	v3 =	vsub.f32 v6, v9  }
0x79: {  	vm10 =	vgt.s32 v11, $0x0;
	v9 =	vld [tilespmem:s13+$0x0];
	v6 =	vnsel vm8, $0x0, v2;
	v4 =	vadd.f32 v2, v5  }
0x7a: {  	v7 =	vsub.f32 v7, v8;
	v8 =	vpop (erf);
	v1 =	vadd.f32 v6, v1;
	v0 =	vmax.f32 v0, v3  }
0x7b: {  	v2 =	vsub.f32 v2, v6;
	v5 =	vnsel vm9, $0x0, v8;
	v4 =	vadd.f32 v8, v4  }
0x7c: {  	v0 =	vmax.f32 v0, v7;
	v1 =	vadd.f32 v5, v1;
	v3 =	vpop (erf);
	v5 =	vsub.f32 v8, v5  }
0x7d: {  	v0 =	vmax.f32 v0, v2;
	v6 =	vnsel vm10, $0x0, v3;
	v4 =	vadd.f32 v3, v4  }
0x7e: {  	vm12 =	vgt.s32 v10, $0x0;
	v8 =	vpop (erf);
	vm11 =	vgt.s32 v9, $0x0;
	v1 =	vadd.f32 v6, v1  }
0x7f: {  	v7 =	vnsel vm11, $0x0, v8;
	v3 =	vsub.f32 v3, v6;
	v4 =	vadd.f32 v8, v4  }
0x80: {  	v0 =	vmax.f32 v0, v5;
	v2 =	vpop (erf);
	v5 =	vsub.f32 v8, v7;
	v1 =	vadd.f32 v7, v1  }
0x81: {  	s24 =	simm.s32 $0x0;
	v6 =	vnsel vm12, $0x0, v2;
	v0 =	vmax.f32 v0, v3;
	v3 =	vadd.f32 v2, v4  }
0x82: {  	s1 =	sand.u32 $0x60, s24;
	s0 =	sand.u32 $0x1C00, s24;
	v2 =	vsub.f32 v2, v6;
	v1 =	vadd.f32 v6, v1  }
0x83: {  	s0 =	sor.u32 s0, s1;
	v0 =	vmax.f32 v0, v5;
	[tilespmem:s20+$0x10810] =	vst v3  }
0x84: {  	s0 =	sor.u32 s19, s0;
	v0 =	vmax.f32 v0, v2;
	[tilespmem:s20+$0x10010] =	vst v1  }
0x85: {  	s25 =	sor.u32 $0x100, s0;
	[tilespmem:s20+$0x11010] =	vst v0  }
0x86: {  	s12 =	simm.s32 $0x100;
	s13 =	simm.s32 $0x20;
	v0 =	vld [tilespmem:s25+$0x0]  }
0x87: {  	s12 =	sand.u32 $0x1C00, s12;
	s26 =	sand.u32 $0x60, s13;
	s13 =	sor.u32 $0x110, s0  }
0x88: {  	s1 =	sor.u32 s12, s26;
	v1 =	vld [tilespmem:s13+$0x0]  }
0x89: {  	s1 =	sor.u32 s19, s1  }
0x8a: {  	s23 =	sor.u32 $0x100, s1  }
0x8b: {  	s24 =	simm.s32 $0x200;
	v2 =	vld [tilespmem:s23+$0x0];
	s25 =	simm.s32 $0x40;
	v0 =	vmul.f32 $1.442695020e+00, v0  }
0x8c: {  	s12 =	sand.u32 $0x1C00, s24;
	s13 =	sand.u32 $0x60, s25  }
0x8d: {  	s24 =	sor.u32 $0x8100, s0;
	s12 =	sor.u32 s12, s13;
	(erf) = vpow2.f32 v0;
	v0 =	vmul.f32 $1.442695020e+00, v1  }
0x8e: {  	s26 =	sor.u32 $0x110, s1;
	v3 =	vld [tilespmem:s24+$0x0];
	s12 =	sor.u32 s19, s12  }
0x8f: {  	s24 =	simm.s32 $0x60;
	s25 =	sor.u32 $0x100, s12;
	v1 =	vld [tilespmem:s26+$0x0];
	s26 =	simm.s32 $0x300;
	(erf) = vpow2.f32 v0  }
0x90: {  	s23 =	sand.u32 $0x60, s24;
	v2 =	vmul.f32 $1.442695020e+00, v2;
	s13 =	sand.u32 $0x1C00, s26;
	v0 =	vld [tilespmem:s25+$0x0]  }
0x91: {  	s13 =	sor.u32 s13, s23  }
0x92: {  	s25 =	sor.u32 $0x110, s12;
	(erf) = vpow2.f32 v2;
	s13 =	sor.u32 s19, s13  }
0x93: {  	v2 =	vld [tilespmem:s25+$0x0];
	s24 =	sor.u32 $0x100, s13  }
0x94: {  	s0 =	sor.u32 $0x8110, s0;
	v1 =	vmul.f32 $1.442695020e+00, v1;
	v6 =	vld [tilespmem:s24+$0x0]  }
0x95: {  	v4 =	vld [tilespmem:s0+$0x0];
	s26 =	sor.u32 $0x8100, s1;
	v0 =	vmul.f32 $1.442695020e+00, v0  }
0x96: {  	v11 =	vimm.f32 $0.0e+00;
	vm13 =	vgt.s32 v3, $0x0;
	v5 =	vld [tilespmem:s26+$0x0];
	s25 =	sor.u32 $0x110, s13;
	v3 =	vpop (erf);
	(erf) = vpow2.f32 v1  }
0x97: {  	s26 =	simm.s32 $0x400;
	v10 =	vld [tilespmem:s25+$0x0];
	s24 =	simm.s32 $0x80;
	v7 =	vnsel vm13, $0x0, v3;
	(erf) = vpow2.f32 v0;
	v0 =	vadd.f32 v3, v11  }
0x98: {  	s0 =	sand.u32 $0x1C00, s26;
	s23 =	sand.u32 $0x60, s24;
	v2 =	vmul.f32 $1.442695020e+00, v2;
	v62 =	vsub.f32 v3, v7;
	v3 =	vpop (erf)  }
0x99: {  	s25 =	sor.u32 $0x8100, s12;
	s0 =	sor.u32 s0, s23;
	v63 =	vadd.f32 v7, v11;
	v7 =	vadd.f32 v3, v0;
	v0 =	vmul.f32 $1.442695020e+00, v6  }
0x9a: {  	s29 =	simm.s32 $0x8;
	vm14 =	vgt.s32 v4, $0x0;
	s1 =	sor.u32 $0x8110, s1;
	v4 =	vld [tilespmem:s25+$0x0];
	s0 =	sor.u32 s19, s0;
	(erf) = vpow2.f32 v2  }
0x9b: {  	s28 =	sor.u32 $0x8100, s13;
	s24 =	sor.u32 $0x8110, s13;
	vm15 =	vgt.s32 v5, $0x0;
	v1 =	vld [tilespmem:s1+$0x0];
	s13 =	sor.u32 $0x110, s0;
	v5 =	vpop (erf);
	v14 =	vnsel vm14, $0x0, v3;
	(erf) = vpow2.f32 v0  }
0x9c: {  	s30 =	simm.s32 $0x500;
	s26 =	sor.u32 $0x8110, s12;
	s12 =	sor.u32 $0x100, s0;
	v2 =	vld [tilespmem:s13+$0x0];
	v8 =	vnsel vm15, $0x0, v5;
	v9 =	vsub.f32 v3, v14;
	v3 =	vmul.f32 $1.442695020e+00, v10  }
0x9d: {  	s31 =	simm.s32 $0xA0;
	s23 =	sor.u32 $0x8100, s0;
	s25 =	sor.u32 $0x8110, s0;
	v6 =	vld [tilespmem:s12+$0x0];
	v10 =	vadd.f32 v14, v63;
	v11 =	vmax.f32 v11, v62;
	v0 =	vsub.f32 v5, v8  }
.LBB2_7:
0x9e: {  	s29 =	sadd.s32 $0x2, s29  }
0x9f: {  	s0 =	sand.u32 $0x60, s31;
	s1 =	sand.u32 $0x1C00, s30;
	v7 =	vadd.f32 v5, v7;
	v11 =	vmax.f32 v11, v9;
	p1 =	slt.u32 s29, $0x3A  }
.Ltmp2:
0xa0: {  	v10 =	vadd.f32 v8, v10;
	s0 =	sor.u32 s1, s0;
	vm0 =	vgt.s32 v1, $0x0;
	v9 =	vpop (erf);
	(pc) =	sbr.rel @p1 .LBB2_7-.Ltmp2, $4  }
0xa1: {  	s0 =	sor.u32 s19, s0;
	vm1 =	vgt.s32 v4, $0x0;
	v1 =	vld [tilespmem:s26+$0x0];
	v5 =	vpop (erf);
	v12 =	vnsel vm0, $0x0, v9;
	v7 =	vadd.f32 v9, v7;
	s26 =	smov.u32 s24;
	s24 =	smov.u32 s25  }
0xa2: {  	s1 =	sor.u32 $0x100, s0;
	s12 =	sor.u32 $0x8100, s0;
	s13 =	sor.u32 $0x110, s0;
	v13 =	vmul.f32 $1.442695020e+00, v6;
	v4 =	vld [tilespmem:s28+$0x0];
	v8 =	vnsel vm1, $0x0, v5;
	v9 =	vsub.f32 v9, v12  }
0xa3: {  	s25 =	sor.u32 $0x8110, s0;
	v10 =	vadd.f32 v12, v10;
	s28 =	smov.u32 s23;
	v6 =	vld [tilespmem:s1+$0x0];
	(erf) = vpow2.f32 v3;
	v3 =	vmul.f32 $1.442695020e+00, v2;
	s23 =	smov.u32 s12  }
0xa4: {  	s30 =	sadd.s32 $0x100, s30;
	s31 =	sadd.s32 $0x20, s31;
	v11 =	vmax.f32 v11, v0;
	v0 =	vsub.f32 v5, v8;
	v2 =	vld [tilespmem:s13+$0x0];
	(erf) = vpow2.f32 v13  }
0xa5: {  	s0 =	sor.u32 $0x1D40, s19;
	v5 =	vadd.f32 v5, v7;
	v7 =	vmax.f32 v11, v9;
	v11 =	vld [tilespmem:s26+$0x0]  }
0xa6: {  	v9 =	vld [tilespmem:s0+$0x0];
	vm0 =	vgt.s32 v1, $0x0  }
0xa7: {  	s12 =	sor.u32 $0x1D50, s19;
	v12 =	vld [tilespmem:s28+$0x0];
	v1 =	vpop (erf);
	(erf) = vpow2.f32 v3;
	v3 =	vadd.f32 v8, v10;
	v0 =	vmax.f32 v7, v0  }
0xa8: {  	v8 =	vld [tilespmem:s12+$0x0];
	vm1 =	vgt.s32 v4, $0x0;
	v4 =	vnsel vm0, $0x0, v1;
	v6 =	vmul.f32 $1.442695020e+00, v6  }
0xa9: {  	v10 =	vpop (erf);
	v5 =	vadd.f32 v1, v5;
	v1 =	vsub.f32 v1, v4;
	v2 =	vmul.f32 $1.442695020e+00, v2  }
0xaa: {  	v13 =	vld [tilespmem:s24+$0x0];
	v3 =	vadd.f32 v4, v3;
	(erf) = vpow2.f32 v6;
	v6 =	vnsel vm1, $0x0, v10  }
0xab: {  	v5 =	vadd.f32 v10, v5;
	(erf) = vpow2.f32 v2;
	v2 =	vmul.f32 $1.442695020e+00, v9  }
0xac: {  	vm6 =	vgt.s32 v11, $0x0;
	vm7 =	vgt.s32 v12, $0x0;
	v4 =	vsub.f32 v10, v6;
	v10 =	vld [tilespmem:s23+$0x0]  }
0xad: {  	v11 =	vld [tilespmem:s25+$0x0];
	v3 =	vadd.f32 v6, v3;
	v6 =	vpop (erf);
	(erf) = vpow2.f32 v2;
	v2 =	vmul.f32 $1.442695020e+00, v8  }
0xae: {  	v0 =	vmax.f32 v0, v1;
	v9 =	vnsel vm6, $0x0, v6;
	v5 =	vadd.f32 v6, v5  }
0xaf: {  	vm8 =	vgt.s32 v13, $0x0;
	v0 =	vmax.f32 v0, v4;
	v7 =	vpop (erf);
	v3 =	vadd.f32 v9, v3  }
0xb0: {  	s23 =	sor.u32 $0x9D50, s19;
	v8 =	vnsel vm7, $0x0, v7;
	(erf) = vpow2.f32 v2;
	v5 =	vadd.f32 v7, v5  }
0xb1: {  	s13 =	sor.u32 $0x9D40, s19;
	vm9 =	vgt.s32 v10, $0x0;
	v10 =	vld [tilespmem:s23+$0x0];
	v2 =	vpop (erf);
	v1 =	vadd.f32 v8, v3;
	v3 =	vsub.f32 v6, v9  }
0xb2: {  	vm10 =	vgt.s32 v11, $0x0;
	v9 =	vld [tilespmem:s13+$0x0];
	v6 =	vnsel vm8, $0x0, v2;
	v4 =	vadd.f32 v2, v5  }
0xb3: {  	v7 =	vsub.f32 v7, v8;
	v8 =	vpop (erf);
	v1 =	vadd.f32 v6, v1;
	v0 =	vmax.f32 v0, v3  }
0xb4: {  	v2 =	vsub.f32 v2, v6;
	v5 =	vnsel vm9, $0x0, v8;
	v4 =	vadd.f32 v8, v4  }
0xb5: {  	v0 =	vmax.f32 v0, v7;
	v1 =	vadd.f32 v5, v1;
	v3 =	vpop (erf);
	v5 =	vsub.f32 v8, v5  }
0xb6: {  	v0 =	vmax.f32 v0, v2;
	v6 =	vnsel vm10, $0x0, v3;
	v4 =	vadd.f32 v3, v4  }
0xb7: {  	vm12 =	vgt.s32 v10, $0x0;
	v8 =	vpop (erf);
	vm11 =	vgt.s32 v9, $0x0;
	v1 =	vadd.f32 v6, v1  }
0xb8: {  	v7 =	vnsel vm11, $0x0, v8;
	v3 =	vsub.f32 v3, v6;
	v4 =	vadd.f32 v8, v4  }
0xb9: {  	v0 =	vmax.f32 v0, v5;
	v2 =	vpop (erf);
	v5 =	vsub.f32 v8, v7;
	v1 =	vadd.f32 v7, v1  }
0xba: {  	s24 =	simm.s32 $0x0;
	v6 =	vnsel vm12, $0x0, v2;
	v0 =	vmax.f32 v0, v3;
	v3 =	vadd.f32 v2, v4  }
0xbb: {  	s1 =	sand.u32 $0x60, s24;
	s0 =	sand.u32 $0x1C00, s24;
	v2 =	vsub.f32 v2, v6;
	v1 =	vadd.f32 v6, v1  }
0xbc: {  	s0 =	sor.u32 s0, s1;
	v0 =	vmax.f32 v0, v5;
	[tilespmem:s20+$0x10820] =	vst v3  }
0xbd: {  	s0 =	sor.u32 s19, s0;
	v0 =	vmax.f32 v0, v2;
	[tilespmem:s20+$0x10020] =	vst v1  }
0xbe: {  	s25 =	sor.u32 $0x180, s0;
	[tilespmem:s20+$0x11020] =	vst v0  }
0xbf: {  	s12 =	simm.s32 $0x100;
	s13 =	simm.s32 $0x20;
	v0 =	vld [tilespmem:s25+$0x0]  }
0xc0: {  	s12 =	sand.u32 $0x1C00, s12;
	s26 =	sand.u32 $0x60, s13;
	s13 =	sor.u32 $0x190, s0  }
0xc1: {  	s1 =	sor.u32 s12, s26;
	v1 =	vld [tilespmem:s13+$0x0]  }
0xc2: {  	s1 =	sor.u32 s19, s1  }
0xc3: {  	s23 =	sor.u32 $0x180, s1  }
0xc4: {  	s24 =	simm.s32 $0x200;
	v2 =	vld [tilespmem:s23+$0x0];
	s25 =	simm.s32 $0x40;
	v0 =	vmul.f32 $1.442695020e+00, v0  }
0xc5: {  	s12 =	sand.u32 $0x1C00, s24;
	s13 =	sand.u32 $0x60, s25  }
0xc6: {  	s24 =	sor.u32 $0x8180, s0;
	s12 =	sor.u32 s12, s13;
	(erf) = vpow2.f32 v0;
	v0 =	vmul.f32 $1.442695020e+00, v1  }
0xc7: {  	s26 =	sor.u32 $0x190, s1;
	v3 =	vld [tilespmem:s24+$0x0];
	s12 =	sor.u32 s19, s12  }
0xc8: {  	s24 =	simm.s32 $0x60;
	s25 =	sor.u32 $0x180, s12;
	v1 =	vld [tilespmem:s26+$0x0];
	s26 =	simm.s32 $0x300;
	(erf) = vpow2.f32 v0  }
0xc9: {  	s23 =	sand.u32 $0x60, s24;
	v2 =	vmul.f32 $1.442695020e+00, v2;
	s13 =	sand.u32 $0x1C00, s26;
	v0 =	vld [tilespmem:s25+$0x0]  }
0xca: {  	s13 =	sor.u32 s13, s23  }
0xcb: {  	s25 =	sor.u32 $0x190, s12;
	(erf) = vpow2.f32 v2;
	s13 =	sor.u32 s19, s13  }
0xcc: {  	v2 =	vld [tilespmem:s25+$0x0];
	s24 =	sor.u32 $0x180, s13  }
0xcd: {  	s0 =	sor.u32 $0x8190, s0;
	v1 =	vmul.f32 $1.442695020e+00, v1;
	v6 =	vld [tilespmem:s24+$0x0]  }
0xce: {  	v4 =	vld [tilespmem:s0+$0x0];
	s26 =	sor.u32 $0x8180, s1;
	v0 =	vmul.f32 $1.442695020e+00, v0  }
0xcf: {  	v11 =	vimm.f32 $0.0e+00;
	vm13 =	vgt.s32 v3, $0x0;
	v5 =	vld [tilespmem:s26+$0x0];
	s25 =	sor.u32 $0x190, s13;
	v3 =	vpop (erf);
	(erf) = vpow2.f32 v1  }
0xd0: {  	s26 =	simm.s32 $0x400;
	v10 =	vld [tilespmem:s25+$0x0];
	s24 =	simm.s32 $0x80;
	v7 =	vnsel vm13, $0x0, v3;
	(erf) = vpow2.f32 v0;
	v0 =	vadd.f32 v3, v11  }
0xd1: {  	s0 =	sand.u32 $0x1C00, s26;
	s23 =	sand.u32 $0x60, s24;
	v2 =	vmul.f32 $1.442695020e+00, v2;
	v62 =	vsub.f32 v3, v7;
	v3 =	vpop (erf)  }
0xd2: {  	s25 =	sor.u32 $0x8180, s12;
	s0 =	sor.u32 s0, s23;
	v63 =	vadd.f32 v7, v11;
	v7 =	vadd.f32 v3, v0;
	v0 =	vmul.f32 $1.442695020e+00, v6  }
0xd3: {  	s29 =	simm.s32 $0x8;
	vm14 =	vgt.s32 v4, $0x0;
	s1 =	sor.u32 $0x8190, s1;
	v4 =	vld [tilespmem:s25+$0x0];
	s0 =	sor.u32 s19, s0;
	(erf) = vpow2.f32 v2  }
0xd4: {  	s28 =	sor.u32 $0x8180, s13;
	s24 =	sor.u32 $0x8190, s13;
	vm15 =	vgt.s32 v5, $0x0;
	v1 =	vld [tilespmem:s1+$0x0];
	s13 =	sor.u32 $0x190, s0;
	v5 =	vpop (erf);
	v14 =	vnsel vm14, $0x0, v3;
	(erf) = vpow2.f32 v0  }
0xd5: {  	s30 =	simm.s32 $0x500;
	s26 =	sor.u32 $0x8190, s12;
	s12 =	sor.u32 $0x180, s0;
	v2 =	vld [tilespmem:s13+$0x0];
	v8 =	vnsel vm15, $0x0, v5;
	v9 =	vsub.f32 v3, v14;
	v3 =	vmul.f32 $1.442695020e+00, v10  }
0xd6: {  	s31 =	simm.s32 $0xA0;
	s23 =	sor.u32 $0x8180, s0;
	s25 =	sor.u32 $0x8190, s0;
	v6 =	vld [tilespmem:s12+$0x0];
	v10 =	vadd.f32 v14, v63;
	v11 =	vmax.f32 v11, v62;
	v0 =	vsub.f32 v5, v8  }
.LBB2_9:
0xd7: {  	s29 =	sadd.s32 $0x2, s29  }
0xd8: {  	s0 =	sand.u32 $0x60, s31;
	s1 =	sand.u32 $0x1C00, s30;
	v7 =	vadd.f32 v5, v7;
	v11 =	vmax.f32 v11, v9;
	p1 =	slt.u32 s29, $0x3A  }
.Ltmp3:
0xd9: {  	v10 =	vadd.f32 v8, v10;
	s0 =	sor.u32 s1, s0;
	vm0 =	vgt.s32 v1, $0x0;
	v9 =	vpop (erf);
	(pc) =	sbr.rel @p1 .LBB2_9-.Ltmp3, $4  }
0xda: {  	s0 =	sor.u32 s19, s0;
	vm1 =	vgt.s32 v4, $0x0;
	v1 =	vld [tilespmem:s26+$0x0];
	v5 =	vpop (erf);
	v12 =	vnsel vm0, $0x0, v9;
	v7 =	vadd.f32 v9, v7;
	s26 =	smov.u32 s24;
	s24 =	smov.u32 s25  }
0xdb: {  	s1 =	sor.u32 $0x180, s0;
	s12 =	sor.u32 $0x8180, s0;
	s13 =	sor.u32 $0x190, s0;
	v13 =	vmul.f32 $1.442695020e+00, v6;
	v4 =	vld [tilespmem:s28+$0x0];
	v8 =	vnsel vm1, $0x0, v5;
	v9 =	vsub.f32 v9, v12  }
0xdc: {  	s25 =	sor.u32 $0x8190, s0;
	v10 =	vadd.f32 v12, v10;
	s28 =	smov.u32 s23;
	v6 =	vld [tilespmem:s1+$0x0];
	(erf) = vpow2.f32 v3;
	v3 =	vmul.f32 $1.442695020e+00, v2;
	s23 =	smov.u32 s12  }
0xdd: {  	s30 =	sadd.s32 $0x100, s30;
	s31 =	sadd.s32 $0x20, s31;
	v11 =	vmax.f32 v11, v0;
	v0 =	vsub.f32 v5, v8;
	v2 =	vld [tilespmem:s13+$0x0];
	(erf) = vpow2.f32 v13  }
0xde: {  	s0 =	sor.u32 $0x1DC0, s19;
	v5 =	vadd.f32 v5, v7;
	v7 =	vmax.f32 v11, v9;
	v11 =	vld [tilespmem:s26+$0x0]  }
0xdf: {  	v9 =	vld [tilespmem:s0+$0x0];
	vm0 =	vgt.s32 v1, $0x0  }
0xe0: {  	s12 =	sor.u32 $0x1DD0, s19;
	v12 =	vld [tilespmem:s28+$0x0];
	v1 =	vpop (erf);
	(erf) = vpow2.f32 v3;
	v3 =	vadd.f32 v8, v10;
	v0 =	vmax.f32 v7, v0  }
0xe1: {  	v8 =	vld [tilespmem:s12+$0x0];
	vm1 =	vgt.s32 v4, $0x0;
	v4 =	vnsel vm0, $0x0, v1;
	v6 =	vmul.f32 $1.442695020e+00, v6  }
0xe2: {  	v10 =	vpop (erf);
	v5 =	vadd.f32 v1, v5;
	v1 =	vsub.f32 v1, v4;
	v2 =	vmul.f32 $1.442695020e+00, v2  }
0xe3: {  	v13 =	vld [tilespmem:s24+$0x0];
	v3 =	vadd.f32 v4, v3;
	(erf) = vpow2.f32 v6;
	v6 =	vnsel vm1, $0x0, v10  }
0xe4: {  	v5 =	vadd.f32 v10, v5;
	(erf) = vpow2.f32 v2;
	v2 =	vmul.f32 $1.442695020e+00, v9  }
0xe5: {  	vm6 =	vgt.s32 v11, $0x0;
	vm7 =	vgt.s32 v12, $0x0;
	v4 =	vsub.f32 v10, v6;
	v10 =	vld [tilespmem:s23+$0x0]  }
0xe6: {  	v11 =	vld [tilespmem:s25+$0x0];
	v3 =	vadd.f32 v6, v3;
	v6 =	vpop (erf);
	(erf) = vpow2.f32 v2;
	v2 =	vmul.f32 $1.442695020e+00, v8  }
0xe7: {  	v0 =	vmax.f32 v0, v1;
	v9 =	vnsel vm6, $0x0, v6;
	v5 =	vadd.f32 v6, v5  }
0xe8: {  	vm8 =	vgt.s32 v13, $0x0;
	v0 =	vmax.f32 v0, v4;
	v7 =	vpop (erf);
	v3 =	vadd.f32 v9, v3  }
0xe9: {  	s23 =	sor.u32 $0x9DD0, s19;
	v8 =	vnsel vm7, $0x0, v7;
	(erf) = vpow2.f32 v2;
	v5 =	vadd.f32 v7, v5  }
0xea: {  	s13 =	sor.u32 $0x9DC0, s19;
	vm9 =	vgt.s32 v10, $0x0;
	v10 =	vld [tilespmem:s23+$0x0];
	v2 =	vpop (erf);
	v1 =	vadd.f32 v8, v3;
	v3 =	vsub.f32 v6, v9  }
0xeb: {  	vm10 =	vgt.s32 v11, $0x0;
	v9 =	vld [tilespmem:s13+$0x0];
	v6 =	vnsel vm8, $0x0, v2;
	v4 =	vadd.f32 v2, v5  }
0xec: {  	v7 =	vsub.f32 v7, v8;
	v8 =	vpop (erf);
	v1 =	vadd.f32 v6, v1;
	v0 =	vmax.f32 v0, v3  }
0xed: {  	v2 =	vsub.f32 v2, v6;
	v5 =	vnsel vm9, $0x0, v8;
	v4 =	vadd.f32 v8, v4  }
0xee: {  	v0 =	vmax.f32 v0, v7;
	v1 =	vadd.f32 v5, v1;
	v3 =	vpop (erf);
	v5 =	vsub.f32 v8, v5  }
0xef: {  	v0 =	vmax.f32 v0, v2;
	v6 =	vnsel vm10, $0x0, v3;
	v4 =	vadd.f32 v3, v4  }
0xf0: {  	vm12 =	vgt.s32 v10, $0x0;
	v8 =	vpop (erf);
	vm11 =	vgt.s32 v9, $0x0;
	v1 =	vadd.f32 v6, v1  }
0xf1: {  	v7 =	vnsel vm11, $0x0, v8;
	v3 =	vsub.f32 v3, v6;
	v4 =	vadd.f32 v8, v4  }
0xf2: {  	v0 =	vmax.f32 v0, v5;
	v2 =	vpop (erf);
	v5 =	vsub.f32 v8, v7;
	v1 =	vadd.f32 v7, v1  }
0xf3: {  	s24 =	simm.s32 $0x0;
	v6 =	vnsel vm12, $0x0, v2;
	v0 =	vmax.f32 v0, v3;
	v3 =	vadd.f32 v2, v4  }
0xf4: {  	s1 =	sand.u32 $0x60, s24;
	s0 =	sand.u32 $0x1C00, s24;
	v2 =	vsub.f32 v2, v6;
	v1 =	vadd.f32 v6, v1  }
0xf5: {  	s0 =	sor.u32 s0, s1;
	v0 =	vmax.f32 v0, v5;
	[tilespmem:s20+$0x10830] =	vst v3  }
0xf6: {  	s0 =	sor.u32 s19, s0;
	v0 =	vmax.f32 v0, v2;
	[tilespmem:s20+$0x10030] =	vst v1  }
0xf7: {  	s25 =	sor.u32 $0x200, s0;
	[tilespmem:s20+$0x11030] =	vst v0  }
0xf8: {  	s12 =	simm.s32 $0x100;
	s13 =	simm.s32 $0x20;
	v0 =	vld [tilespmem:s25+$0x0]  }
0xf9: {  	s12 =	sand.u32 $0x1C00, s12;
	s26 =	sand.u32 $0x60, s13;
	s13 =	sor.u32 $0x210, s0  }
0xfa: {  	s1 =	sor.u32 s12, s26;
	v1 =	vld [tilespmem:s13+$0x0]  }
0xfb: {  	s1 =	sor.u32 s19, s1  }
0xfc: {  	s23 =	sor.u32 $0x200, s1  }
0xfd: {  	s24 =	simm.s32 $0x200;
	v2 =	vld [tilespmem:s23+$0x0];
	s25 =	simm.s32 $0x40;
	v0 =	vmul.f32 $1.442695020e+00, v0  }
0xfe: {  	s12 =	sand.u32 $0x1C00, s24;
	s13 =	sand.u32 $0x60, s25  }
0xff: {  	s24 =	sor.u32 $0x8200, s0;
	s12 =	sor.u32 s12, s13;
	(erf) = vpow2.f32 v0;
	v0 =	vmul.f32 $1.442695020e+00, v1  }
0x100: {  	s26 =	sor.u32 $0x210, s1;
	v3 =	vld [tilespmem:s24+$0x0];
	s12 =	sor.u32 s19, s12  }
0x101: {  	s24 =	simm.s32 $0x60;
	s25 =	sor.u32 $0x200, s12;
	v1 =	vld [tilespmem:s26+$0x0];
	s26 =	simm.s32 $0x300;
	(erf) = vpow2.f32 v0  }
0x102: {  	s23 =	sand.u32 $0x60, s24;
	v2 =	vmul.f32 $1.442695020e+00, v2;
	s13 =	sand.u32 $0x1C00, s26;
	v0 =	vld [tilespmem:s25+$0x0]  }
0x103: {  	s13 =	sor.u32 s13, s23  }
0x104: {  	s25 =	sor.u32 $0x210, s12;
	(erf) = vpow2.f32 v2;
	s13 =	sor.u32 s19, s13  }
0x105: {  	v2 =	vld [tilespmem:s25+$0x0];
	s24 =	sor.u32 $0x200, s13  }
0x106: {  	s0 =	sor.u32 $0x8210, s0;
	v1 =	vmul.f32 $1.442695020e+00, v1;
	v6 =	vld [tilespmem:s24+$0x0]  }
0x107: {  	v4 =	vld [tilespmem:s0+$0x0];
	s26 =	sor.u32 $0x8200, s1;
	v0 =	vmul.f32 $1.442695020e+00, v0  }
0x108: {  	v11 =	vimm.f32 $0.0e+00;
	vm13 =	vgt.s32 v3, $0x0;
	v5 =	vld [tilespmem:s26+$0x0];
	s25 =	sor.u32 $0x210, s13;
	v3 =	vpop (erf);
	(erf) = vpow2.f32 v1  }
0x109: {  	s26 =	simm.s32 $0x400;
	v10 =	vld [tilespmem:s25+$0x0];
	s24 =	simm.s32 $0x80;
	v7 =	vnsel vm13, $0x0, v3;
	(erf) = vpow2.f32 v0;
	v0 =	vadd.f32 v3, v11  }
0x10a: {  	s0 =	sand.u32 $0x1C00, s26;
	s23 =	sand.u32 $0x60, s24;
	v2 =	vmul.f32 $1.442695020e+00, v2;
	v62 =	vsub.f32 v3, v7;
	v3 =	vpop (erf)  }
0x10b: {  	s25 =	sor.u32 $0x8200, s12;
	s0 =	sor.u32 s0, s23;
	v63 =	vadd.f32 v7, v11;
	v7 =	vadd.f32 v3, v0;
	v0 =	vmul.f32 $1.442695020e+00, v6  }
0x10c: {  	s29 =	simm.s32 $0x8;
	vm14 =	vgt.s32 v4, $0x0;
	s1 =	sor.u32 $0x8210, s1;
	v4 =	vld [tilespmem:s25+$0x0];
	s0 =	sor.u32 s19, s0;
	(erf) = vpow2.f32 v2  }
0x10d: {  	s28 =	sor.u32 $0x8200, s13;
	s24 =	sor.u32 $0x8210, s13;
	vm15 =	vgt.s32 v5, $0x0;
	v1 =	vld [tilespmem:s1+$0x0];
	s13 =	sor.u32 $0x210, s0;
	v5 =	vpop (erf);
	v14 =	vnsel vm14, $0x0, v3;
	(erf) = vpow2.f32 v0  }
0x10e: {  	s30 =	simm.s32 $0x500;
	s26 =	sor.u32 $0x8210, s12;
	s12 =	sor.u32 $0x200, s0;
	v2 =	vld [tilespmem:s13+$0x0];
	v8 =	vnsel vm15, $0x0, v5;
	v9 =	vsub.f32 v3, v14;
	v3 =	vmul.f32 $1.442695020e+00, v10  }
0x10f: {  	s31 =	simm.s32 $0xA0;
	s23 =	sor.u32 $0x8200, s0;
	s25 =	sor.u32 $0x8210, s0;
	v6 =	vld [tilespmem:s12+$0x0];
	v10 =	vadd.f32 v14, v63;
	v11 =	vmax.f32 v11, v62;
	v0 =	vsub.f32 v5, v8  }
.LBB2_11:
0x110: {  	s29 =	sadd.s32 $0x2, s29  }
0x111: {  	s0 =	sand.u32 $0x60, s31;
	s1 =	sand.u32 $0x1C00, s30;
	v7 =	vadd.f32 v5, v7;
	v11 =	vmax.f32 v11, v9;
	p1 =	slt.u32 s29, $0x3A  }
.Ltmp4:
0x112: {  	v10 =	vadd.f32 v8, v10;
	s0 =	sor.u32 s1, s0;
	vm0 =	vgt.s32 v1, $0x0;
	v9 =	vpop (erf);
	(pc) =	sbr.rel @p1 .LBB2_11-.Ltmp4, $4  }
0x113: {  	s0 =	sor.u32 s19, s0;
	vm1 =	vgt.s32 v4, $0x0;
	v1 =	vld [tilespmem:s26+$0x0];
	v5 =	vpop (erf);
	v12 =	vnsel vm0, $0x0, v9;
	v7 =	vadd.f32 v9, v7;
	s26 =	smov.u32 s24;
	s24 =	smov.u32 s25  }
0x114: {  	s1 =	sor.u32 $0x200, s0;
	s12 =	sor.u32 $0x8200, s0;
	s13 =	sor.u32 $0x210, s0;
	v13 =	vmul.f32 $1.442695020e+00, v6;
	v4 =	vld [tilespmem:s28+$0x0];
	v8 =	vnsel vm1, $0x0, v5;
	v9 =	vsub.f32 v9, v12  }
0x115: {  	s25 =	sor.u32 $0x8210, s0;
	v10 =	vadd.f32 v12, v10;
	s28 =	smov.u32 s23;
	v6 =	vld [tilespmem:s1+$0x0];
	(erf) = vpow2.f32 v3;
	v3 =	vmul.f32 $1.442695020e+00, v2;
	s23 =	smov.u32 s12  }
0x116: {  	s30 =	sadd.s32 $0x100, s30;
	s31 =	sadd.s32 $0x20, s31;
	v11 =	vmax.f32 v11, v0;
	v0 =	vsub.f32 v5, v8;
	v2 =	vld [tilespmem:s13+$0x0];
	(erf) = vpow2.f32 v13  }
0x117: {  	s0 =	sor.u32 $0x1E40, s19;
	v5 =	vadd.f32 v5, v7;
	v7 =	vmax.f32 v11, v9;
	v11 =	vld [tilespmem:s26+$0x0]  }
0x118: {  	v9 =	vld [tilespmem:s0+$0x0];
	vm0 =	vgt.s32 v1, $0x0  }
0x119: {  	s12 =	sor.u32 $0x1E50, s19;
	v12 =	vld [tilespmem:s28+$0x0];
	v1 =	vpop (erf);
	(erf) = vpow2.f32 v3;
	v3 =	vadd.f32 v8, v10;
	v0 =	vmax.f32 v7, v0  }
0x11a: {  	v8 =	vld [tilespmem:s12+$0x0];
	vm1 =	vgt.s32 v4, $0x0;
	v4 =	vnsel vm0, $0x0, v1;
	v6 =	vmul.f32 $1.442695020e+00, v6  }
0x11b: {  	v10 =	vpop (erf);
	v5 =	vadd.f32 v1, v5;
	v1 =	vsub.f32 v1, v4;
	v2 =	vmul.f32 $1.442695020e+00, v2  }
0x11c: {  	v13 =	vld [tilespmem:s24+$0x0];
	v3 =	vadd.f32 v4, v3;
	(erf) = vpow2.f32 v6;
	v6 =	vnsel vm1, $0x0, v10  }
0x11d: {  	v5 =	vadd.f32 v10, v5;
	(erf) = vpow2.f32 v2;
	v2 =	vmul.f32 $1.442695020e+00, v9  }
0x11e: {  	vm6 =	vgt.s32 v11, $0x0;
	vm7 =	vgt.s32 v12, $0x0;
	v4 =	vsub.f32 v10, v6;
	v10 =	vld [tilespmem:s23+$0x0]  }
0x11f: {  	v11 =	vld [tilespmem:s25+$0x0];
	v3 =	vadd.f32 v6, v3;
	v6 =	vpop (erf);
	(erf) = vpow2.f32 v2;
	v2 =	vmul.f32 $1.442695020e+00, v8  }
0x120: {  	v0 =	vmax.f32 v0, v1;
	v9 =	vnsel vm6, $0x0, v6;
	v5 =	vadd.f32 v6, v5  }
0x121: {  	vm8 =	vgt.s32 v13, $0x0;
	v0 =	vmax.f32 v0, v4;
	v7 =	vpop (erf);
	v3 =	vadd.f32 v9, v3  }
0x122: {  	s23 =	sor.u32 $0x9E50, s19;
	v8 =	vnsel vm7, $0x0, v7;
	(erf) = vpow2.f32 v2;
	v5 =	vadd.f32 v7, v5  }
0x123: {  	s13 =	sor.u32 $0x9E40, s19;
	vm9 =	vgt.s32 v10, $0x0;
	v10 =	vld [tilespmem:s23+$0x0];
	v2 =	vpop (erf);
	v1 =	vadd.f32 v8, v3;
	v3 =	vsub.f32 v6, v9  }
0x124: {  	vm10 =	vgt.s32 v11, $0x0;
	v9 =	vld [tilespmem:s13+$0x0];
	v6 =	vnsel vm8, $0x0, v2;
	v4 =	vadd.f32 v2, v5  }
0x125: {  	v7 =	vsub.f32 v7, v8;
	v8 =	vpop (erf);
	v1 =	vadd.f32 v6, v1;
	v0 =	vmax.f32 v0, v3  }
0x126: {  	v2 =	vsub.f32 v2, v6;
	v5 =	vnsel vm9, $0x0, v8;
	v4 =	vadd.f32 v8, v4  }
0x127: {  	v0 =	vmax.f32 v0, v7;
	v1 =	vadd.f32 v5, v1;
	v3 =	vpop (erf);
	v5 =	vsub.f32 v8, v5  }
0x128: {  	v0 =	vmax.f32 v0, v2;
	v6 =	vnsel vm10, $0x0, v3;
	v4 =	vadd.f32 v3, v4  }
0x129: {  	vm12 =	vgt.s32 v10, $0x0;
	v8 =	vpop (erf);
	vm11 =	vgt.s32 v9, $0x0;
	v1 =	vadd.f32 v6, v1  }
0x12a: {  	v7 =	vnsel vm11, $0x0, v8;
	v3 =	vsub.f32 v3, v6;
	v4 =	vadd.f32 v8, v4  }
0x12b: {  	v0 =	vmax.f32 v0, v5;
	v2 =	vpop (erf);
	v5 =	vsub.f32 v8, v7;
	v1 =	vadd.f32 v7, v1  }
0x12c: {  	s24 =	simm.s32 $0x0;
	v6 =	vnsel vm12, $0x0, v2;
	v0 =	vmax.f32 v0, v3;
	v3 =	vadd.f32 v2, v4  }
0x12d: {  	s1 =	sand.u32 $0x60, s24;
	s0 =	sand.u32 $0x1C00, s24;
	v2 =	vsub.f32 v2, v6;
	v1 =	vadd.f32 v6, v1  }
0x12e: {  	s0 =	sor.u32 s0, s1;
	v0 =	vmax.f32 v0, v5;
	[tilespmem:s20+$0x10840] =	vst v3  }
0x12f: {  	s0 =	sor.u32 s19, s0;
	v0 =	vmax.f32 v0, v2;
	[tilespmem:s20+$0x10040] =	vst v1  }
0x130: {  	s25 =	sor.u32 $0x280, s0;
	[tilespmem:s20+$0x11040] =	vst v0  }
0x131: {  	s12 =	simm.s32 $0x100;
	s13 =	simm.s32 $0x20;
	v0 =	vld [tilespmem:s25+$0x0]  }
0x132: {  	s12 =	sand.u32 $0x1C00, s12;
	s26 =	sand.u32 $0x60, s13;
	s13 =	sor.u32 $0x290, s0  }
0x133: {  	s1 =	sor.u32 s12, s26;
	v1 =	vld [tilespmem:s13+$0x0]  }
0x134: {  	s1 =	sor.u32 s19, s1  }
0x135: {  	s23 =	sor.u32 $0x280, s1  }
0x136: {  	s24 =	simm.s32 $0x200;
	v2 =	vld [tilespmem:s23+$0x0];
	s25 =	simm.s32 $0x40;
	v0 =	vmul.f32 $1.442695020e+00, v0  }
0x137: {  	s12 =	sand.u32 $0x1C00, s24;
	s13 =	sand.u32 $0x60, s25  }
0x138: {  	s24 =	sor.u32 $0x8280, s0;
	s12 =	sor.u32 s12, s13;
	(erf) = vpow2.f32 v0;
	v0 =	vmul.f32 $1.442695020e+00, v1  }
0x139: {  	s26 =	sor.u32 $0x290, s1;
	v3 =	vld [tilespmem:s24+$0x0];
	s12 =	sor.u32 s19, s12  }
0x13a: {  	s24 =	simm.s32 $0x60;
	s25 =	sor.u32 $0x280, s12;
	v1 =	vld [tilespmem:s26+$0x0];
	s26 =	simm.s32 $0x300;
	(erf) = vpow2.f32 v0  }
0x13b: {  	s23 =	sand.u32 $0x60, s24;
	v2 =	vmul.f32 $1.442695020e+00, v2;
	s13 =	sand.u32 $0x1C00, s26;
	v0 =	vld [tilespmem:s25+$0x0]  }
0x13c: {  	s13 =	sor.u32 s13, s23  }
0x13d: {  	s25 =	sor.u32 $0x290, s12;
	(erf) = vpow2.f32 v2;
	s13 =	sor.u32 s19, s13  }
0x13e: {  	v2 =	vld [tilespmem:s25+$0x0];
	s24 =	sor.u32 $0x280, s13  }
0x13f: {  	s0 =	sor.u32 $0x8290, s0;
	v1 =	vmul.f32 $1.442695020e+00, v1;
	v6 =	vld [tilespmem:s24+$0x0]  }
0x140: {  	v4 =	vld [tilespmem:s0+$0x0];
	s26 =	sor.u32 $0x8280, s1;
	v0 =	vmul.f32 $1.442695020e+00, v0  }
0x141: {  	v11 =	vimm.f32 $0.0e+00;
	vm13 =	vgt.s32 v3, $0x0;
	v5 =	vld [tilespmem:s26+$0x0];
	s25 =	sor.u32 $0x290, s13;
	v3 =	vpop (erf);
	(erf) = vpow2.f32 v1  }
0x142: {  	s26 =	simm.s32 $0x400;
	v10 =	vld [tilespmem:s25+$0x0];
	s24 =	simm.s32 $0x80;
	v7 =	vnsel vm13, $0x0, v3;
	(erf) = vpow2.f32 v0;
	v0 =	vadd.f32 v3, v11  }
0x143: {  	s0 =	sand.u32 $0x1C00, s26;
	s23 =	sand.u32 $0x60, s24;
	v2 =	vmul.f32 $1.442695020e+00, v2;
	v62 =	vsub.f32 v3, v7;
	v3 =	vpop (erf)  }
0x144: {  	s25 =	sor.u32 $0x8280, s12;
	s0 =	sor.u32 s0, s23;
	v63 =	vadd.f32 v7, v11;
	v7 =	vadd.f32 v3, v0;
	v0 =	vmul.f32 $1.442695020e+00, v6  }
0x145: {  	s29 =	simm.s32 $0x8;
	vm14 =	vgt.s32 v4, $0x0;
	s1 =	sor.u32 $0x8290, s1;
	v4 =	vld [tilespmem:s25+$0x0];
	s0 =	sor.u32 s19, s0;
	(erf) = vpow2.f32 v2  }
0x146: {  	s28 =	sor.u32 $0x8280, s13;
	s24 =	sor.u32 $0x8290, s13;
	vm15 =	vgt.s32 v5, $0x0;
	v1 =	vld [tilespmem:s1+$0x0];
	s13 =	sor.u32 $0x290, s0;
	v5 =	vpop (erf);
	v14 =	vnsel vm14, $0x0, v3;
	(erf) = vpow2.f32 v0  }
0x147: {  	s30 =	simm.s32 $0x500;
	s26 =	sor.u32 $0x8290, s12;
	s12 =	sor.u32 $0x280, s0;
	v2 =	vld [tilespmem:s13+$0x0];
	v8 =	vnsel vm15, $0x0, v5;
	v9 =	vsub.f32 v3, v14;
	v3 =	vmul.f32 $1.442695020e+00, v10  }
0x148: {  	s31 =	simm.s32 $0xA0;
	s23 =	sor.u32 $0x8280, s0;
	s25 =	sor.u32 $0x8290, s0;
	v6 =	vld [tilespmem:s12+$0x0];
	v10 =	vadd.f32 v14, v63;
	v11 =	vmax.f32 v11, v62;
	v0 =	vsub.f32 v5, v8  }
.LBB2_13:
0x149: {  	s29 =	sadd.s32 $0x2, s29  }
0x14a: {  	s0 =	sand.u32 $0x60, s31;
	s1 =	sand.u32 $0x1C00, s30;
	v7 =	vadd.f32 v5, v7;
	v11 =	vmax.f32 v11, v9;
	p1 =	slt.u32 s29, $0x3A  }
.Ltmp5:
0x14b: {  	v10 =	vadd.f32 v8, v10;
	s0 =	sor.u32 s1, s0;
	vm0 =	vgt.s32 v1, $0x0;
	v9 =	vpop (erf);
	(pc) =	sbr.rel @p1 .LBB2_13-.Ltmp5, $4  }
0x14c: {  	s0 =	sor.u32 s19, s0;
	vm1 =	vgt.s32 v4, $0x0;
	v1 =	vld [tilespmem:s26+$0x0];
	v5 =	vpop (erf);
	v12 =	vnsel vm0, $0x0, v9;
	v7 =	vadd.f32 v9, v7;
	s26 =	smov.u32 s24;
	s24 =	smov.u32 s25  }
0x14d: {  	s1 =	sor.u32 $0x280, s0;
	s12 =	sor.u32 $0x8280, s0;
	s13 =	sor.u32 $0x290, s0;
	v13 =	vmul.f32 $1.442695020e+00, v6;
	v4 =	vld [tilespmem:s28+$0x0];
	v8 =	vnsel vm1, $0x0, v5;
	v9 =	vsub.f32 v9, v12  }
0x14e: {  	s25 =	sor.u32 $0x8290, s0;
	v10 =	vadd.f32 v12, v10;
	s28 =	smov.u32 s23;
	v6 =	vld [tilespmem:s1+$0x0];
	(erf) = vpow2.f32 v3;
	v3 =	vmul.f32 $1.442695020e+00, v2;
	s23 =	smov.u32 s12  }
0x14f: {  	s30 =	sadd.s32 $0x100, s30;
	s31 =	sadd.s32 $0x20, s31;
	v11 =	vmax.f32 v11, v0;
	v0 =	vsub.f32 v5, v8;
	v2 =	vld [tilespmem:s13+$0x0];
	(erf) = vpow2.f32 v13  }
0x150: {  	s0 =	sor.u32 $0x1EC0, s19;
	v5 =	vadd.f32 v5, v7;
	v7 =	vmax.f32 v11, v9;
	v11 =	vld [tilespmem:s26+$0x0]  }
0x151: {  	v9 =	vld [tilespmem:s0+$0x0];
	vm0 =	vgt.s32 v1, $0x0  }
0x152: {  	s13 =	sor.u32 $0x1ED0, s19;
	v12 =	vld [tilespmem:s28+$0x0];
	v1 =	vpop (erf);
	(erf) = vpow2.f32 v3;
	v3 =	vadd.f32 v8, v10;
	v0 =	vmax.f32 v7, v0  }
0x153: {  	v8 =	vld [tilespmem:s13+$0x0];
	vm1 =	vgt.s32 v4, $0x0;
	v4 =	vnsel vm0, $0x0, v1;
	v6 =	vmul.f32 $1.442695020e+00, v6  }
0x154: {  	v10 =	vpop (erf);
	v5 =	vadd.f32 v1, v5;
	v1 =	vsub.f32 v1, v4;
	v2 =	vmul.f32 $1.442695020e+00, v2  }
0x155: {  	v13 =	vld [tilespmem:s24+$0x0];
	v3 =	vadd.f32 v4, v3;
	(erf) = vpow2.f32 v6;
	v6 =	vnsel vm1, $0x0, v10  }
0x156: {  	v5 =	vadd.f32 v10, v5;
	(erf) = vpow2.f32 v2;
	v2 =	vmul.f32 $1.442695020e+00, v9  }
0x157: {  	vm6 =	vgt.s32 v11, $0x0;
	vm7 =	vgt.s32 v12, $0x0;
	v4 =	vsub.f32 v10, v6;
	v10 =	vld [tilespmem:s23+$0x0]  }
0x158: {  	v11 =	vld [tilespmem:s25+$0x0];
	v3 =	vadd.f32 v6, v3;
	v6 =	vpop (erf);
	(erf) = vpow2.f32 v2;
	v2 =	vmul.f32 $1.442695020e+00, v8  }
0x159: {  	v0 =	vmax.f32 v0, v1;
	v9 =	vnsel vm6, $0x0, v6;
	v5 =	vadd.f32 v6, v5  }
0x15a: {  	vm8 =	vgt.s32 v13, $0x0;
	v0 =	vmax.f32 v0, v4;
	v7 =	vpop (erf);
	v3 =	vadd.f32 v9, v3  }
0x15b: {  	s24 =	sor.u32 $0x9ED0, s19;
	v8 =	vnsel vm7, $0x0, v7;
	(erf) = vpow2.f32 v2;
	v5 =	vadd.f32 v7, v5  }
0x15c: {  	s23 =	sor.u32 $0x9EC0, s19;
	vm9 =	vgt.s32 v10, $0x0;
	v10 =	vld [tilespmem:s24+$0x0];
	v2 =	vpop (erf);
	v1 =	vadd.f32 v8, v3;
	v3 =	vsub.f32 v6, v9  }
0x15d: {  	vm10 =	vgt.s32 v11, $0x0;
	v9 =	vld [tilespmem:s23+$0x0];
	v6 =	vnsel vm8, $0x0, v2;
	v4 =	vadd.f32 v2, v5  }
0x15e: {  	v7 =	vsub.f32 v7, v8;
	v8 =	vpop (erf);
	v1 =	vadd.f32 v6, v1;
	v0 =	vmax.f32 v0, v3  }
0x15f: {  	v2 =	vsub.f32 v2, v6;
	v5 =	vnsel vm9, $0x0, v8;
	v4 =	vadd.f32 v8, v4  }
0x160: {  	v0 =	vmax.f32 v0, v7;
	v1 =	vadd.f32 v5, v1;
	v3 =	vpop (erf);
	v5 =	vsub.f32 v8, v5  }
0x161: {  	v0 =	vmax.f32 v0, v2;
	v6 =	vnsel vm10, $0x0, v3;
	v4 =	vadd.f32 v3, v4  }
0x162: {  	vm12 =	vgt.s32 v10, $0x0;
	v8 =	vpop (erf);
	vm11 =	vgt.s32 v9, $0x0;
	v1 =	vadd.f32 v6, v1  }
0x163: {  	v7 =	vnsel vm11, $0x0, v8;
	v3 =	vsub.f32 v3, v6;
	v4 =	vadd.f32 v8, v4  }
0x164: {  	v0 =	vmax.f32 v0, v5;
	v2 =	vpop (erf);
	v5 =	vsub.f32 v8, v7;
	v1 =	vadd.f32 v7, v1  }
0x165: {  	s25 =	simm.s32 $0x0;
	v6 =	vnsel vm12, $0x0, v2;
	v0 =	vmax.f32 v0, v3;
	v3 =	vadd.f32 v2, v4  }
0x166: {  	s0 =	sand.u32 $0x3, s25;
	v2 =	vsub.f32 v2, v6;
	v1 =	vadd.f32 v6, v1  }
0x167: {  	s0 =	sshll.u32 s0, $0x5;
	v0 =	vmax.f32 v0, v5;
	[tilespmem:s20+$0x10850] =	vst v3  }
0x168: {  	s0 =	sadd.s32 s0, s22;
	v0 =	vmax.f32 v0, v2;
	[tilespmem:s20+$0x10050] =	vst v1  }
0x169: {  	s1 =	sor.u32 $0x300, s0;
	[tilespmem:s20+$0x11050] =	vst v0  }
0x16a: {  	s12 =	simm.s32 $0x1;
	v0 =	vld [tilespmem:s1+$0x0]  }
0x16b: {  	s12 =	sand.u32 $0x3, s12  }
0x16c: {  	s13 =	sadd.s32 $0x100, s22;
	s12 =	sshll.u32 s12, $0x5  }
0x16d: {  	s12 =	sadd.s32 s12, s13;
	s0 =	sor.u32 $0x310, s0  }
0x16e: {  	s26 =	simm.s32 $0x2;
	s24 =	sor.u32 $0x300, s12;
	v1 =	vld [tilespmem:s0+$0x0]  }
0x16f: {  	s22 =	sand.u32 $0x3, s26;
	v2 =	vld [tilespmem:s24+$0x0];
	v0 =	vmul.f32 $1.442695020e+00, v0  }
0x170: {  	s13 =	sadd.s32 $0x100, s13;
	s22 =	sshll.u32 s22, $0x5  }
0x171: {  	s22 =	sadd.s32 s22, s13;
	(erf) = vpow2.f32 v0  }
0x172: {  	s23 =	sor.u32 $0x310, s22  }
0x173: {  	v3 =	vld [tilespmem:s23+$0x0];
	v0 =	vmul.f32 $1.442695020e+00, v1  }
0x174: {  	s31 =	simm.s32 $0x3;
	s12 =	sor.u32 $0x310, s12;
	v1 =	vmul.f32 $1.442695020e+00, v2;
	v2 =	vld [tilespmem:s1+$0x8000]  }
0x175: {  	s25 =	sand.u32 $0x3, s31;
	s1 =	sor.u32 $0x300, s22;
	(erf) = vpow2.f32 v0;
	v0 =	vld [tilespmem:s12+$0x0]  }
0x176: {  	s13 =	sadd.s32 $0x100, s13;
	s22 =	sshll.u32 s25, $0x5;
	(erf) = vpow2.f32 v1;
	v1 =	vld [tilespmem:s1+$0x0]  }
0x177: {  	v4 =	vld [tilespmem:s0+$0x8000];
	s26 =	sadd.s32 s22, s13  }
0x178: {  	v5 =	vld [tilespmem:s24+$0x8000];
	s22 =	sor.u32 $0x300, s26  }
0x179: {  	v10 =	vld [tilespmem:s22+$0x0]  }
0x17a: {  	s31 =	simm.s32 $0x4;
	vm13 =	vgt.s32 v2, $0x0;
	v0 =	vmul.f32 $1.442695020e+00, v0;
	v2 =	vpop (erf)  }
0x17b: {  	s0 =	sand.u32 $0x3, s31;
	v1 =	vmul.f32 $1.442695020e+00, v1;
	v9 =	vnsel vm13, $0x0, v2  }
0x17c: {  	s28 =	sadd.s32 $0x100, s13;
	s0 =	sshll.u32 s0, $0x5;
	s25 =	sor.u32 $0x310, s26;
	(erf) = vpow2.f32 v0;
	v6 =	vsub.f32 v2, v9  }
0x17d: {  	v11 =	vimm.f32 $0.0e+00;
	s0 =	sadd.s32 s0, s28;
	v3 =	vmul.f32 $1.442695020e+00, v3;
	v62 =	vld [tilespmem:s25+$0x0];
	(erf) = vpow2.f32 v1  }
0x17e: {  	vm14 =	vgt.s32 v4, $0x0;
	vm15 =	vgt.s32 v5, $0x0;
	s26 =	sor.u32 $0x300, s0;
	v10 =	vmul.f32 $1.442695020e+00, v10;
	v4 =	vpop (erf)  }
0x17f: {  	v5 =	vld [tilespmem:s26+$0x0];
	v0 =	vadd.f32 v2, v11;
	(erf) = vpow2.f32 v3;
	v7 =	vnsel vm14, $0x0, v4  }
0x180: {  	v1 =	vld [tilespmem:s12+$0x8000];
	v63 =	vmax.f32 v11, v6;
	v14 =	vsub.f32 v4, v7;
	v6 =	vpop (erf);
	(erf) = vpow2.f32 v10  }
0x181: {  	s24 =	sor.u32 $0x310, s0;
	v2 =	vld [tilespmem:s1+$0x8000];
	v9 =	vadd.f32 v9, v11;
	v8 =	vadd.f32 v4, v0;
	v0 =	vnsel vm15, $0x0, v6  }
0x182: {  	s29 =	simm.s32 $0x8;
	s30 =	simm.s32 $0x5;
	v3 =	vld [tilespmem:s24+$0x0];
	v4 =	vmul.f32 $1.442695020e+00, v62;
	v11 =	vmax.f32 v63, v14;
	v10 =	vsub.f32 v6, v0  }
.LBB2_15:
0x183: {  	s29 =	sadd.s32 $0x2, s29  }
0x184: {  	s0 =	sand.u32 $0x3, s30;
	v8 =	vadd.f32 v6, v8;
	v9 =	vadd.f32 v7, v9;
	p1 =	slt.u32 s29, $0x3A  }
.Ltmp6:
0x185: {  	s28 =	sadd.s32 $0x100, s28;
	s0 =	sshll.u32 s0, $0x5;
	v11 =	vmax.f32 v11, v10;
	vm0 =	vgt.s32 v1, $0x0;
	v10 =	vpop (erf);
	(pc) =	sbr.rel @p1 .LBB2_15-.Ltmp6, $4  }
0x186: {  	s0 =	sadd.s32 s0, s28;
	vm1 =	vgt.s32 v2, $0x0;
	v1 =	vld [tilespmem:s23+$0x8000];
	v6 =	vpop (erf);
	v7 =	vnsel vm0, $0x0, v10;
	v8 =	vadd.f32 v10, v8;
	s23 =	smov.u32 s25  }
0x187: {  	s1 =	sor.u32 $0x310, s0;
	v12 =	vmul.f32 $1.442695020e+00, v5;
	v2 =	vld [tilespmem:s22+$0x8000];
	v13 =	vnsel vm1, $0x0, v6;
	v14 =	vsub.f32 v10, v7;
	s22 =	smov.u32 s26;
	s26 =	sor.u32 $0x300, s0  }
0x188: {  	v9 =	vadd.f32 v0, v9;
	s25 =	smov.u32 s24;
	v5 =	vld [tilespmem:s26+$0x0];
	(erf) = vpow2.f32 v4;
	v4 =	vmul.f32 $1.442695020e+00, v3;
	v0 =	vmovc v13;
	s24 =	smov.u32 s1  }
0x189: {  	s30 =	sadd.s32 $0x1, s30;
	v3 =	vld [tilespmem:s24+$0x0];
	(erf) = vpow2.f32 v12;
	v10 =	vsub.f32 v6, v0;
	v11 =	vmax.f32 v11, v14  }
0x18a: {  	s0 =	sor.u32 $0x1F40, s19  }
0x18b: {  	v6 =	vadd.f32 v6, v8;
	v7 =	vadd.f32 v7, v9;
	v8 =	vld [tilespmem:s0+$0x0]  }
0x18c: {  	v9 =	vmax.f32 v11, v10;
	v10 =	vld [tilespmem:s23+$0x8000]  }
0x18d: {  	(erf) = vpow2.f32 v4;
	s12 =	sor.u32 $0x1F50, s19;
	vm0 =	vgt.s32 v1, $0x0;
	v1 =	vpop (erf);
	v11 =	vld [tilespmem:s22+$0x8000];
	v0 =	vadd.f32 v0, v7  }
0x18e: {  	vm1 =	vgt.s32 v2, $0x0;
	v2 =	vld [tilespmem:s12+$0x0];
	v7 =	vnsel vm0, $0x0, v1;
	v5 =	vmul.f32 $1.442695020e+00, v5  }
0x18f: {  	v4 =	vpop (erf);
	v3 =	vmul.f32 $1.442695020e+00, v3;
	v0 =	vadd.f32 v7, v0  }
0x190: {  	(erf) = vpow2.f32 v5;
	v5 =	vadd.f32 v1, v6;
	v6 =	vnsel vm1, $0x0, v4  }
0x191: {  	v1 =	vsub.f32 v1, v7;
	(erf) = vpow2.f32 v3;
	v3 =	vmul.f32 $1.442695020e+00, v8  }
0x192: {  	v7 =	vld [tilespmem:s25+$0x8000];
	vm7 =	vgt.s32 v10, $0x0;
	v0 =	vadd.f32 v6, v0;
	v5 =	vadd.f32 v4, v5;
	v8 =	vpop (erf)  }
0x193: {  	v12 =	vld [tilespmem:s26+$0x8000];
	vm8 =	vgt.s32 v11, $0x0;
	v2 =	vmul.f32 $1.442695020e+00, v2;
	v10 =	vnsel vm7, $0x0, v8  }
0x194: {  	(erf) = vpow2.f32 v3;
	v3 =	vsub.f32 v4, v6;
	v4 =	vpop (erf);
	v5 =	vadd.f32 v8, v5  }
0x195: {  	v11 =	vld [tilespmem:s24+$0x8000];
	v1 =	vmax.f32 v9, v1;
	v0 =	vadd.f32 v10, v0;
	v6 =	vnsel vm8, $0x0, v4  }
0x196: {  	s22 =	sor.u32 $0x9F50, s19;
	(erf) = vpow2.f32 v2;
	v1 =	vmax.f32 v1, v3;
	v3 =	vadd.f32 v4, v5  }
0x197: {  	s13 =	sor.u32 $0x9F40, s19;
	v8 =	vsub.f32 v8, v10;
	v10 =	vld [tilespmem:s22+$0x0];
	vm9 =	vgt.s32 v7, $0x0;
	v2 =	vpop (erf);
	v0 =	vadd.f32 v6, v0  }
0x198: {  	vm10 =	vgt.s32 v12, $0x0;
	v7 =	vld [tilespmem:s13+$0x0];
	v5 =	vnsel vm9, $0x0, v2;
	v3 =	vadd.f32 v2, v3  }
0x199: {  	v4 =	vsub.f32 v4, v6;
	v1 =	vmax.f32 v1, v8;
	v0 =	vadd.f32 v5, v0;
	v9 =	vpop (erf)  }
0x19a: {  	vm11 =	vgt.s32 v11, $0x0;
	v6 =	vnsel vm10, $0x0, v9;
	v3 =	vadd.f32 v9, v3  }
0x19b: {  	v1 =	vmax.f32 v1, v4;
	v2 =	vsub.f32 v2, v5;
	v8 =	vpop (erf);
	v0 =	vadd.f32 v6, v0  }
0x19c: {  	vm13 =	vgt.s32 v10, $0x0;
	v4 =	vnsel vm11, $0x0, v8;
	v3 =	vadd.f32 v8, v3  }
0x19d: {  	vm12 =	vgt.s32 v7, $0x0;
	v6 =	vsub.f32 v9, v6;
	v5 =	vpop (erf);
	v0 =	vadd.f32 v4, v0  }
0x19e: {  	v1 =	vmax.f32 v1, v2;
	v7 =	vnsel vm12, $0x0, v5;
	v3 =	vadd.f32 v5, v3  }
0x19f: {  	v2 =	vpop (erf);
	v4 =	vsub.f32 v8, v4;
	v1 =	vmax.f32 v1, v6;
	v0 =	vadd.f32 v7, v0  }
0x1a0: {  	v8 =	vnsel vm13, $0x0, v2;
	v5 =	vsub.f32 v5, v7;
	v3 =	vadd.f32 v2, v3  }
0x1a1: {  	s23 =	simm.s32 $0x0;
	v1 =	vmax.f32 v1, v4;
	v2 =	vsub.f32 v2, v8;
	v0 =	vadd.f32 v8, v0  }
0x1a2: {  	s0 =	sor.u32 s23, s23;
	v1 =	vmax.f32 v1, v5;
	[tilespmem:s20+$0x10860] =	vst v3  }
0x1a3: {  	s0 =	sor.u32 s19, s0;
	[tilespmem:s20+$0x10060] =	vst v0;
	v0 =	vmax.f32 v1, v2  }
0x1a4: {  	s1 =	sor.u32 $0x390, s0;
	[tilespmem:s20+$0x11060] =	vst v0  }
0x1a5: {  	s0 =	sor.u32 $0x380, s0;
	v0 =	vld [tilespmem:s1+$0x0]  }
0x1a6: {  	v1 =	vld [tilespmem:s0+$0x0]  }
0x1a7: {  	s12 =	simm.s32 $0x100;
	s13 =	simm.s32 $0x20  }
0x1a8: {  	s12 =	sor.u32 s12, s13  }
0x1a9: {  	s12 =	sor.u32 s19, s12  }
0x1aa: {  	s24 =	sor.u32 $0x390, s12;
	v0 =	vmul.f32 $1.442695020e+00, v0  }
0x1ab: {  	s26 =	simm.s32 $0x40;
	s25 =	simm.s32 $0x200;
	v2 =	vld [tilespmem:s24+$0x0];
	v1 =	vmul.f32 $1.442695020e+00, v1  }
0x1ac: {  	s22 =	sor.u32 s25, s26;
	s12 =	sor.u32 $0x380, s12;
	v4 =	vld [tilespmem:s0+$0x8000];
	(erf) = vpow2.f32 v0  }
0x1ad: {  	s22 =	sor.u32 s19, s22;
	v0 =	vld [tilespmem:s12+$0x0];
	(erf) = vpow2.f32 v1  }
0x1ae: {  	s23 =	sor.u32 $0x390, s22;
	v3 =	vld [tilespmem:s1+$0x8000]  }
0x1af: {  	s25 =	sor.u32 $0x380, s22;
	v5 =	vld [tilespmem:s23+$0x0]  }
0x1b0: {  	v6 =	vld [tilespmem:s25+$0x0]  }
0x1b1: {  	v1 =	vmul.f32 $1.442695020e+00, v2  }
0x1b2: {  	s30 =	simm.s32 $0x300;
	s31 =	simm.s32 $0x60;
	v2 =	vmul.f32 $1.442695020e+00, v0  }
0x1b3: {  	s0 =	sor.u32 s30, s31;
	(erf) = vpow2.f32 v1  }
0x1b4: {  	s0 =	sor.u32 s19, s0;
	v10 =	vmul.f32 $1.442695020e+00, v5;
	(erf) = vpow2.f32 v2  }
0x1b5: {  	s22 =	sor.u32 $0x390, s0;
	vm14 =	vgt.s32 v3, $0x0;
	v9 =	vmul.f32 $1.442695020e+00, v6;
	vm15 =	vgt.s32 v4, $0x0;
	v1 =	vld [tilespmem:s12+$0x8000];
	v3 =	vpop (erf)  }
0x1b6: {  	v6 =	vld [tilespmem:s22+$0x0];
	v0 =	vimm.f32 $0.0e+00;
	(erf) = vpow2.f32 v10;
	v5 =	vnsel vm14, $0x0, v3;
	v63 =	vpop (erf)  }
0x1b7: {  	v2 =	vld [tilespmem:s24+$0x8000];
	s24 =	sor.u32 $0x380, s0;
	v13 =	vnsel vm15, $0x0, v63;
	v8 =	vadd.f32 v63, v0;
	v4 =	vsub.f32 v3, v5  }
0x1b8: {  	s28 =	simm.s32 $0x400;
	s29 =	simm.s32 $0x80;
	s26 =	simm.s32 $0x6;
	v7 =	vld [tilespmem:s24+$0x0];
	v11 =	vadd.f32 v13, v0;
	v10 =	vsub.f32 v63, v13  }
.LBB2_17:
0x1b9: {  	s26 =	sadd.s32 $0x2, s26  }
0x1ba: {  	s0 =	sor.u32 s28, s29;
	(erf) = vpow2.f32 v9;
	v12 =	vmov v1;
	p1 =	slt.u32 s26, $0x3A  }
.Ltmp7:
0x1bb: {  	v8 =	vadd.f32 v3, v8;
	s0 =	sor.u32 s19, s0;
	v1 =	vld [tilespmem:s25+$0x8000];
	v0 =	vmax.f32 v0, v10;
	v10 =	vadd.f32 v5, v11;
	(pc) =	sbr.rel @p1 .LBB2_17-.Ltmp7, $4  }
0x1bc: {  	vm0 =	vgt.s32 v2, $0x0;
	s25 =	smov.u32 s24;
	s1 =	sor.u32 $0x390, s0;
	v11 =	vmul.f32 $1.442695020e+00, v6;
	v2 =	vld [tilespmem:s23+$0x8000];
	v3 =	vpop (erf);
	v0 =	vmax.f32 v0, v4;
	s24 =	sor.u32 $0x380, s0  }
0x1bd: {  	vm1 =	vgt.s32 v12, $0x0;
	s23 =	smov.u32 s22;
	v6 =	vld [tilespmem:s1+$0x0];
	v9 =	vmul.f32 $1.442695020e+00, v7;
	v5 =	vnsel vm0, $0x0, v3;
	v12 =	vpop (erf);
	s22 =	smov.u32 s1  }
0x1be: {  	v7 =	vld [tilespmem:s24+$0x0];
	v13 =	vnsel vm1, $0x0, v12;
	v8 =	vadd.f32 v12, v8;
	v4 =	vsub.f32 v3, v5  }
0x1bf: {  	s28 =	sadd.s32 $0x100, s28;
	s29 =	sadd.s32 $0x20, s29;
	(erf) = vpow2.f32 v11;
	v11 =	vadd.f32 v13, v10;
	v10 =	vsub.f32 v12, v13  }
0x1c0: {  	_ =	sdelay $0x2  }
0x1c1: {  	s0 =	sor.u32 $0x1FC0, s19;
	v6 =	vmul.f32 $1.442695020e+00, v6;
	v7 =	vmul.f32 $1.442695020e+00, v7  }
0x1c2: {  	(erf) = vpow2.f32 v9;
	s13 =	sor.u32 $0x1FD0, s19;
	v9 =	vld [tilespmem:s0+$0x0]  }
0x1c3: {  	(erf) = vpow2.f32 v6;
	v6 =	vld [tilespmem:s13+$0x0]  }
0x1c4: {  	v13 =	vpop (erf)  }
0x1c5: {  	vm0 =	vgt.s32 v1, $0x0;
	v5 =	vadd.f32 v5, v11;
	(erf) = vpow2.f32 v7;
	v7 =	vpop (erf)  }
0x1c6: {  	v12 =	vld [tilespmem:s25+$0x8000];
	v3 =	vadd.f32 v3, v8;
	vm1 =	vgt.s32 v2, $0x0;
	v2 =	vnsel vm0, $0x0, v7  }
0x1c7: {  	v1 =	vld [tilespmem:s23+$0x8000];
	v8 =	vmul.f32 $1.442695020e+00, v9;
	v5 =	vadd.f32 v2, v5  }
0x1c8: {  	v0 =	vmax.f32 v0, v10;
	v3 =	vadd.f32 v7, v3;
	v6 =	vmul.f32 $1.442695020e+00, v6  }
0x1c9: {  	v0 =	vmax.f32 v0, v4;
	(erf) = vpow2.f32 v8;
	v8 =	vld [tilespmem:s24+$0x8000]  }
0x1ca: {  	v9 =	vnsel vm1, $0x0, v13;
	v10 =	vpop (erf);
	v3 =	vadd.f32 v13, v3;
	(erf) = vpow2.f32 v6;
	v6 =	vld [tilespmem:s22+$0x8000]  }
0x1cb: {  	vm10 =	vgt.s32 v12, $0x0;
	v2 =	vsub.f32 v7, v2;
	v4 =	vadd.f32 v9, v5;
	v5 =	vpop (erf)  }
0x1cc: {  	vm11 =	vgt.s32 v1, $0x0;
	s22 =	sor.u32 $0x9FC0, s19;
	v11 =	vnsel vm10, $0x0, v5;
	v3 =	vadd.f32 v5, v3  }
0x1cd: {  	s23 =	sor.u32 $0x9FD0, s19;
	v7 =	vnsel vm11, $0x0, v10;
	v0 =	vmax.f32 v0, v2;
	v63 =	vld [tilespmem:s22+$0x0];
	v1 =	vadd.f32 v11, v4  }
0x1ce: {  	vm12 =	vgt.s32 v8, $0x0;
	v8 =	vld [tilespmem:s23+$0x0];
	v4 =	vsub.f32 v13, v9;
	v9 =	vpop (erf);
	v3 =	vadd.f32 v10, v3  }
0x1cf: {  	v5 =	vsub.f32 v5, v11;
	v2 =	vpop (erf);
	vm13 =	vgt.s32 v6, $0x0;
	v1 =	vadd.f32 v7, v1  }
0x1d0: {  	v0 =	vmax.f32 v0, v4;
	v4 =	vnsel vm12, $0x0, v2;
	v3 =	vadd.f32 v2, v3  }
0x1d1: {  	v6 =	vsub.f32 v10, v7;
	v7 =	vnsel vm13, $0x0, v9;
	v1 =	vadd.f32 v4, v1  }
0x1d2: {  	vm14 =	vgt.s32 v63, $0x0;
	v0 =	vmax.f32 v0, v5;
	v3 =	vadd.f32 v9, v3  }
0x1d3: {  	v2 =	vsub.f32 v2, v4;
	vm15 =	vgt.s32 v8, $0x0;
	v5 =	vpop (erf);
	v1 =	vadd.f32 v7, v1  }
0x1d4: {  	v0 =	vmax.f32 v0, v6;
	v6 =	vnsel vm14, $0x0, v5;
	v3 =	vadd.f32 v5, v3  }
0x1d5: {  	v4 =	vpop (erf);
	v0 =	vmax.f32 v0, v2;
	v7 =	vsub.f32 v9, v7;
	v1 =	vadd.f32 v6, v1  }
0x1d6: {  	v8 =	vnsel vm15, $0x0, v4;
	v2 =	vsub.f32 v5, v6;
	v3 =	vadd.f32 v4, v3  }
0x1d7: {  	s24 =	simm.s32 $0x0;
	v0 =	vmax.f32 v0, v7;
	v4 =	vsub.f32 v4, v8;
	v1 =	vadd.f32 v8, v1  }
0x1d8: {  	s1 =	sand.u32 $0x60, s24;
	s23 =	sor.u32 $0x2010, s19;
	v0 =	vmax.f32 v0, v2;
	[tilespmem:s20+$0x10870] =	vst v3  }
0x1d9: {  	s0 =	sand.u32 $0x1C00, s24;
	s22 =	sor.u32 $0x2000, s19;
	s12 =	sor.u32 s23, s1;
	v0 =	vmax.f32 v0, v4;
	[tilespmem:s20+$0x10070] =	vst v1  }
0x1da: {  	s1 =	sor.u32 s22, s1;
	s12 =	sor.u32 s0, s12;
	[tilespmem:s20+$0x11070] =	vst v0  }
0x1db: {  	s0 =	sor.u32 s0, s1;
	v0 =	vld [tilespmem:s12+$0x0]  }
0x1dc: {  	v1 =	vld [tilespmem:s0+$0x0];
	_ =	sdelay $0x1  }
0x1dd: {  	s25 =	simm.s32 $0x20  }
0x1de: {  	s13 =	simm.s32 $0x100;
	s1 =	sand.u32 $0x60, s25  }
0x1df: {  	s13 =	sand.u32 $0x1C00, s13;
	s26 =	sor.u32 s23, s1;
	v0 =	vmul.f32 $1.442695020e+00, v0  }
0x1e0: {  	s25 =	sor.u32 s13, s26;
	v1 =	vmul.f32 $1.442695020e+00, v1  }
0x1e1: {  	s1 =	sor.u32 s22, s1;
	(erf) = vpow2.f32 v0;
	v0 =	vld [tilespmem:s25+$0x0]  }
0x1e2: {  	s28 =	sor.u32 s13, s1;
	(erf) = vpow2.f32 v1  }
0x1e3: {  	v1 =	vld [tilespmem:s28+$0x0];
	_ =	sdelay $0x1  }
0x1e4: {  	s24 =	simm.s32 $0x40  }
0x1e5: {  	s29 =	simm.s32 $0x200;
	s1 =	sand.u32 $0x60, s24;
	v0 =	vmul.f32 $1.442695020e+00, v0  }
0x1e6: {  	s13 =	sand.u32 $0x1C00, s29;
	s26 =	sor.u32 s23, s1;
	v2 =	vld [tilespmem:s12+$0x8000]  }
0x1e7: {  	s1 =	sor.u32 s22, s1;
	s24 =	sor.u32 s13, s26;
	v6 =	vld [tilespmem:s0+$0x8000];
	v1 =	vmul.f32 $1.442695020e+00, v1  }
0x1e8: {  	s26 =	sor.u32 s13, s1;
	v7 =	vld [tilespmem:s24+$0x0];
	(erf) = vpow2.f32 v0  }
0x1e9: {  	v8 =	vld [tilespmem:s26+$0x0];
	v0 =	vpop (erf);
	(erf) = vpow2.f32 v1  }
0x1ea: {  	s30 =	simm.s32 $0x4;
	s31 =	simm.s32 $0x60;
	v5 =	vimm.f32 $0.0e+00;
	v3 =	vimm.f32 $0.0e+00;
	v1 =	vimm.f32 $0.0e+00;
	v4 =	vpop (erf)  }
.LBB2_19:
0x1eb: {  	s29 =	sadd.s32 $0x100, s29  }
0x1ec: {  	s0 =	sand.u32 $0x60, s31;
	vm0 =	vgt.s32 v6, $0x0;
	vm1 =	vgt.s32 v2, $0x0;
	s30 =	sadd.s32 $0x2, s30;
	s1 =	sand.u32 $0x1C00, s29  }
0x1ed: {  	s12 =	sor.u32 s23, s0;
	v9 =	vmul.f32 $1.442695020e+00, v7;
	v2 =	vld [tilespmem:s25+$0x8000];
	v10 =	vnsel vm0, $0x0, v4;
	v11 =	vnsel vm1, $0x0, v0;
	s25 =	smov.u32 s24;
	p1 =	slt.u32 s30, $0x3A  }
.Ltmp8:
0x1ee: {  	s0 =	sor.u32 s22, s0;
	s24 =	sor.u32 s1, s12;
	v12 =	vmul.f32 $1.442695020e+00, v8;
	v6 =	vld [tilespmem:s28+$0x8000];
	v13 =	vsub.f32 v4, v10;
	v14 =	vsub.f32 v0, v11;
	(pc) =	sbr.rel @p1 .LBB2_19-.Ltmp8, $4  }
0x1ef: {  	v3 =	vadd.f32 v10, v3;
	s28 =	smov.u32 s26;
	s26 =	sor.u32 s1, s0;
	v7 =	vld [tilespmem:s24+$0x0];
	(erf) = vpow2.f32 v9;
	v9 =	vadd.f32 v4, v5  }
0x1f0: {  	v8 =	vld [tilespmem:s26+$0x0];
	(erf) = vpow2.f32 v12;
	v1 =	vmax.f32 v1, v13  }
0x1f1: {  	v3 =	vadd.f32 v11, v3;
	v5 =	vadd.f32 v0, v9;
	v0 =	vpop (erf);
	v1 =	vmax.f32 v1, v14  }
0x1f2: {  	s31 =	sadd.s32 $0x20, s31;
	v4 =	vpop (erf)  }
0x1f3: {  	s0 =	sor.u32 $0x3C40, s19  }
0x1f4: {  	v9 =	vld [tilespmem:s0+$0x0]  }
0x1f5: {  	v7 =	vmul.f32 $1.442695020e+00, v7  }
0x1f6: {  	s13 =	sor.u32 $0x3C50, s19;
	v8 =	vmul.f32 $1.442695020e+00, v8  }
0x1f7: {  	(erf) = vpow2.f32 v7;
	v7 =	vld [tilespmem:s13+$0x0]  }
0x1f8: {  	v10 =	vld [tilespmem:s28+$0x8000];
	vm0 =	vgt.s32 v6, $0x0;
	(erf) = vpow2.f32 v8  }
0x1f9: {  	v5 =	vadd.f32 v4, v5;
	v6 =	vnsel vm0, $0x0, v4;
	v8 =	vmul.f32 $1.442695020e+00, v9  }
0x1fa: {  	vm1 =	vgt.s32 v2, $0x0;
	v2 =	vld [tilespmem:s25+$0x8000];
	v3 =	vadd.f32 v6, v3  }
0x1fb: {  	v5 =	vadd.f32 v0, v5;
	v4 =	vsub.f32 v4, v6  }
0x1fc: {  	v12 =	vld [tilespmem:s26+$0x8000];
	v11 =	vpop (erf);
	v9 =	vnsel vm1, $0x0, v0;
	(erf) = vpow2.f32 v8;
	v7 =	vmul.f32 $1.442695020e+00, v7  }
0x1fd: {  	vm7 =	vgt.s32 v10, $0x0;
	v10 =	vld [tilespmem:s24+$0x8000];
	s24 =	sor.u32 $0xBC50, s19;
	v3 =	vadd.f32 v9, v3;
	v0 =	vsub.f32 v0, v9;
	v8 =	vpop (erf)  }
0x1fe: {  	v9 =	vld [tilespmem:s24+$0x0];
	(erf) = vpow2.f32 v7;
	v13 =	vnsel vm7, $0x0, v8;
	v5 =	vadd.f32 v8, v5  }
0x1ff: {  	s23 =	sor.u32 $0xBC40, s19;
	v1 =	vmax.f32 v1, v4;
	vm8 =	vgt.s32 v2, $0x0;
	v2 =	vadd.f32 v13, v3  }
0x200: {  	v0 =	vmax.f32 v1, v0;
	v7 =	vld [tilespmem:s23+$0x0];
	v3 =	vnsel vm8, $0x0, v11;
	v6 =	vpop (erf);
	v1 =	vadd.f32 v11, v5  }
0x201: {  	vm9 =	vgt.s32 v12, $0x0;
	v8 =	vsub.f32 v8, v13;
	v4 =	vpop (erf);
	v2 =	vadd.f32 v3, v2  }
0x202: {  	vm10 =	vgt.s32 v10, $0x0;
	v5 =	vnsel vm9, $0x0, v4;
	v1 =	vadd.f32 v4, v1  }
0x203: {  	vm12 =	vgt.s32 v9, $0x0;
	v10 =	vnsel vm10, $0x0, v6;
	v2 =	vadd.f32 v5, v2  }
0x204: {  	v3 =	vsub.f32 v11, v3;
	v0 =	vmax.f32 v0, v8;
	v1 =	vadd.f32 v6, v1  }
0x205: {  	vm11 =	vgt.s32 v7, $0x0;
	v4 =	vsub.f32 v4, v5;
	v8 =	vpop (erf);
	v2 =	vadd.f32 v10, v2  }
0x206: {  	v0 =	vmax.f32 v0, v3;
	v3 =	vnsel vm11, $0x0, v8;
	v1 =	vadd.f32 v8, v1  }
0x207: {  	v6 =	vsub.f32 v6, v10;
	v0 =	vmax.f32 v0, v4;
	v5 =	vpop (erf);
	v2 =	vadd.f32 v3, v2  }
0x208: {  	s25 =	simm.s32 $0x0;
	v7 =	vnsel vm12, $0x0, v5;
	v3 =	vsub.f32 v8, v3;
	v1 =	vadd.f32 v5, v1  }
0x209: {  	s1 =	sand.u32 $0x60, s25;
	s0 =	sand.u32 $0x1C00, s25;
	v0 =	vmax.f32 v0, v6;
	v4 =	vsub.f32 v5, v7;
	v2 =	vadd.f32 v7, v2  }
0x20a: {  	s0 =	sor.u32 s0, s1;
	v0 =	vmax.f32 v0, v3;
	[tilespmem:s20+$0x10880] =	vst v1  }
0x20b: {  	s0 =	sor.u32 s22, s0;
	v0 =	vmax.f32 v0, v4;
	[tilespmem:s20+$0x10080] =	vst v2  }
0x20c: {  	s26 =	sor.u32 $0x80, s0;
	[tilespmem:s20+$0x11080] =	vst v0  }
0x20d: {  	s12 =	simm.s32 $0x100;
	s13 =	simm.s32 $0x20;
	v0 =	vld [tilespmem:s26+$0x0]  }
0x20e: {  	s12 =	sand.u32 $0x1C00, s12;
	s24 =	sor.u32 $0x90, s0;
	s23 =	sand.u32 $0x60, s13  }
0x20f: {  	s1 =	sor.u32 s12, s23;
	v1 =	vld [tilespmem:s24+$0x0]  }
0x210: {  	s1 =	sor.u32 s22, s1  }
0x211: {  	s25 =	sor.u32 $0x80, s1  }
0x212: {  	s23 =	simm.s32 $0x40;
	v2 =	vld [tilespmem:s25+$0x0];
	s26 =	simm.s32 $0x200;
	v0 =	vmul.f32 $1.442695020e+00, v0  }
0x213: {  	s13 =	sand.u32 $0x60, s23;
	s12 =	sand.u32 $0x1C00, s26  }
0x214: {  	s24 =	sor.u32 $0x8080, s0;
	s12 =	sor.u32 s12, s13;
	(erf) = vpow2.f32 v0;
	v0 =	vmul.f32 $1.442695020e+00, v1  }
0x215: {  	s23 =	sor.u32 $0x90, s1;
	v3 =	vld [tilespmem:s24+$0x0];
	s12 =	sor.u32 s22, s12  }
0x216: {  	s26 =	simm.s32 $0x300;
	s24 =	simm.s32 $0x60;
	s25 =	sor.u32 $0x80, s12;
	v1 =	vld [tilespmem:s23+$0x0];
	(erf) = vpow2.f32 v0  }
0x217: {  	s13 =	sand.u32 $0x1C00, s26;
	v2 =	vmul.f32 $1.442695020e+00, v2;
	s23 =	sand.u32 $0x60, s24;
	v0 =	vld [tilespmem:s25+$0x0]  }
0x218: {  	s13 =	sor.u32 s13, s23  }
0x219: {  	s25 =	sor.u32 $0x90, s12;
	s13 =	sor.u32 s22, s13;
	(erf) = vpow2.f32 v2  }
0x21a: {  	v2 =	vld [tilespmem:s25+$0x0];
	s24 =	sor.u32 $0x80, s13  }
0x21b: {  	s0 =	sor.u32 $0x8090, s0;
	v6 =	vld [tilespmem:s24+$0x0];
	v1 =	vmul.f32 $1.442695020e+00, v1  }
0x21c: {  	v4 =	vld [tilespmem:s0+$0x0];
	s26 =	sor.u32 $0x8080, s1;
	v0 =	vmul.f32 $1.442695020e+00, v0  }
0x21d: {  	v11 =	vimm.f32 $0.0e+00;
	v5 =	vld [tilespmem:s26+$0x0];
	vm13 =	vgt.s32 v3, $0x0;
	s25 =	sor.u32 $0x90, s13;
	v3 =	vpop (erf);
	(erf) = vpow2.f32 v1  }
0x21e: {  	s26 =	simm.s32 $0x400;
	v10 =	vld [tilespmem:s25+$0x0];
	s24 =	simm.s32 $0x80;
	v7 =	vnsel vm13, $0x0, v3;
	(erf) = vpow2.f32 v0;
	v0 =	vadd.f32 v3, v11  }
0x21f: {  	s0 =	sand.u32 $0x1C00, s26;
	s23 =	sand.u32 $0x60, s24;
	v2 =	vmul.f32 $1.442695020e+00, v2;
	v62 =	vsub.f32 v3, v7;
	v3 =	vpop (erf)  }
0x220: {  	s25 =	sor.u32 $0x8080, s12;
	s0 =	sor.u32 s0, s23;
	v63 =	vadd.f32 v7, v11;
	v7 =	vadd.f32 v3, v0;
	v0 =	vmul.f32 $1.442695020e+00, v6  }
0x221: {  	s29 =	simm.s32 $0x8;
	s1 =	sor.u32 $0x8090, s1;
	vm14 =	vgt.s32 v4, $0x0;
	v4 =	vld [tilespmem:s25+$0x0];
	s0 =	sor.u32 s22, s0;
	(erf) = vpow2.f32 v2  }
0x222: {  	vm15 =	vgt.s32 v5, $0x0;
	s28 =	sor.u32 $0x8080, s13;
	s24 =	sor.u32 $0x8090, s13;
	s13 =	sor.u32 $0x90, s0;
	v1 =	vld [tilespmem:s1+$0x0];
	v5 =	vpop (erf);
	v14 =	vnsel vm14, $0x0, v3;
	(erf) = vpow2.f32 v0  }
0x223: {  	s30 =	simm.s32 $0x500;
	s26 =	sor.u32 $0x8090, s12;
	s12 =	sor.u32 $0x80, s0;
	v2 =	vld [tilespmem:s13+$0x0];
	v8 =	vnsel vm15, $0x0, v5;
	v9 =	vsub.f32 v3, v14;
	v3 =	vmul.f32 $1.442695020e+00, v10  }
0x224: {  	s31 =	simm.s32 $0xA0;
	s23 =	sor.u32 $0x8080, s0;
	s25 =	sor.u32 $0x8090, s0;
	v6 =	vld [tilespmem:s12+$0x0];
	v10 =	vadd.f32 v14, v63;
	v11 =	vmax.f32 v11, v62;
	v0 =	vsub.f32 v5, v8  }
.LBB2_21:
0x225: {  	s29 =	sadd.s32 $0x2, s29  }
0x226: {  	s0 =	sand.u32 $0x60, s31;
	s1 =	sand.u32 $0x1C00, s30;
	v7 =	vadd.f32 v5, v7;
	v11 =	vmax.f32 v11, v9;
	p1 =	slt.u32 s29, $0x3A  }
.Ltmp9:
0x227: {  	v10 =	vadd.f32 v8, v10;
	s0 =	sor.u32 s1, s0;
	vm0 =	vgt.s32 v1, $0x0;
	v9 =	vpop (erf);
	(pc) =	sbr.rel @p1 .LBB2_21-.Ltmp9, $4  }
0x228: {  	s0 =	sor.u32 s22, s0;
	vm1 =	vgt.s32 v4, $0x0;
	v1 =	vld [tilespmem:s26+$0x0];
	v5 =	vpop (erf);
	v12 =	vnsel vm0, $0x0, v9;
	v7 =	vadd.f32 v9, v7;
	s26 =	smov.u32 s24;
	s24 =	smov.u32 s25  }
0x229: {  	s1 =	sor.u32 $0x80, s0;
	s12 =	sor.u32 $0x8080, s0;
	s13 =	sor.u32 $0x90, s0;
	v13 =	vmul.f32 $1.442695020e+00, v6;
	v4 =	vld [tilespmem:s28+$0x0];
	v8 =	vnsel vm1, $0x0, v5;
	v9 =	vsub.f32 v9, v12  }
0x22a: {  	s25 =	sor.u32 $0x8090, s0;
	v10 =	vadd.f32 v12, v10;
	s28 =	smov.u32 s23;
	v6 =	vld [tilespmem:s1+$0x0];
	(erf) = vpow2.f32 v3;
	v3 =	vmul.f32 $1.442695020e+00, v2;
	s23 =	smov.u32 s12  }
0x22b: {  	s30 =	sadd.s32 $0x100, s30;
	s31 =	sadd.s32 $0x20, s31;
	v11 =	vmax.f32 v11, v0;
	v0 =	vsub.f32 v5, v8;
	v2 =	vld [tilespmem:s13+$0x0];
	(erf) = vpow2.f32 v13  }
0x22c: {  	s0 =	sor.u32 $0x3CC0, s19;
	v5 =	vadd.f32 v5, v7;
	v7 =	vmax.f32 v11, v9;
	v11 =	vld [tilespmem:s26+$0x0]  }
0x22d: {  	v9 =	vld [tilespmem:s0+$0x0];
	vm0 =	vgt.s32 v1, $0x0  }
0x22e: {  	s12 =	sor.u32 $0x3CD0, s19;
	v12 =	vld [tilespmem:s28+$0x0];
	v1 =	vpop (erf);
	(erf) = vpow2.f32 v3;
	v3 =	vadd.f32 v8, v10;
	v0 =	vmax.f32 v7, v0  }
0x22f: {  	v8 =	vld [tilespmem:s12+$0x0];
	vm1 =	vgt.s32 v4, $0x0;
	v4 =	vnsel vm0, $0x0, v1;
	v6 =	vmul.f32 $1.442695020e+00, v6  }
0x230: {  	v10 =	vpop (erf);
	v5 =	vadd.f32 v1, v5;
	v1 =	vsub.f32 v1, v4;
	v2 =	vmul.f32 $1.442695020e+00, v2  }
0x231: {  	v13 =	vld [tilespmem:s24+$0x0];
	v3 =	vadd.f32 v4, v3;
	(erf) = vpow2.f32 v6;
	v6 =	vnsel vm1, $0x0, v10  }
0x232: {  	v5 =	vadd.f32 v10, v5;
	(erf) = vpow2.f32 v2;
	v2 =	vmul.f32 $1.442695020e+00, v9  }
0x233: {  	vm6 =	vgt.s32 v11, $0x0;
	vm7 =	vgt.s32 v12, $0x0;
	v4 =	vsub.f32 v10, v6;
	v10 =	vld [tilespmem:s23+$0x0]  }
0x234: {  	v11 =	vld [tilespmem:s25+$0x0];
	v3 =	vadd.f32 v6, v3;
	v6 =	vpop (erf);
	(erf) = vpow2.f32 v2;
	v2 =	vmul.f32 $1.442695020e+00, v8  }
0x235: {  	v0 =	vmax.f32 v0, v1;
	v9 =	vnsel vm6, $0x0, v6;
	v5 =	vadd.f32 v6, v5  }
0x236: {  	vm8 =	vgt.s32 v13, $0x0;
	v0 =	vmax.f32 v0, v4;
	v7 =	vpop (erf);
	v3 =	vadd.f32 v9, v3  }
0x237: {  	s23 =	sor.u32 $0xBCD0, s19;
	v8 =	vnsel vm7, $0x0, v7;
	(erf) = vpow2.f32 v2;
	v5 =	vadd.f32 v7, v5  }
0x238: {  	s13 =	sor.u32 $0xBCC0, s19;
	vm9 =	vgt.s32 v10, $0x0;
	v10 =	vld [tilespmem:s23+$0x0];
	v2 =	vpop (erf);
	v1 =	vadd.f32 v8, v3;
	v3 =	vsub.f32 v6, v9  }
0x239: {  	vm10 =	vgt.s32 v11, $0x0;
	v9 =	vld [tilespmem:s13+$0x0];
	v6 =	vnsel vm8, $0x0, v2;
	v4 =	vadd.f32 v2, v5  }
0x23a: {  	v7 =	vsub.f32 v7, v8;
	v8 =	vpop (erf);
	v1 =	vadd.f32 v6, v1;
	v0 =	vmax.f32 v0, v3  }
0x23b: {  	v2 =	vsub.f32 v2, v6;
	v5 =	vnsel vm9, $0x0, v8;
	v4 =	vadd.f32 v8, v4  }
0x23c: {  	v0 =	vmax.f32 v0, v7;
	v1 =	vadd.f32 v5, v1;
	v3 =	vpop (erf);
	v5 =	vsub.f32 v8, v5  }
0x23d: {  	v0 =	vmax.f32 v0, v2;
	v6 =	vnsel vm10, $0x0, v3;
	v4 =	vadd.f32 v3, v4  }
0x23e: {  	vm12 =	vgt.s32 v10, $0x0;
	v8 =	vpop (erf);
	vm11 =	vgt.s32 v9, $0x0;
	v1 =	vadd.f32 v6, v1  }
0x23f: {  	v7 =	vnsel vm11, $0x0, v8;
	v3 =	vsub.f32 v3, v6;
	v4 =	vadd.f32 v8, v4  }
0x240: {  	v0 =	vmax.f32 v0, v5;
	v2 =	vpop (erf);
	v5 =	vsub.f32 v8, v7;
	v1 =	vadd.f32 v7, v1  }
0x241: {  	s24 =	simm.s32 $0x0;
	v6 =	vnsel vm12, $0x0, v2;
	v0 =	vmax.f32 v0, v3;
	v3 =	vadd.f32 v2, v4  }
0x242: {  	s1 =	sand.u32 $0x60, s24;
	s0 =	sand.u32 $0x1C00, s24;
	v2 =	vsub.f32 v2, v6;
	v1 =	vadd.f32 v6, v1  }
0x243: {  	s0 =	sor.u32 s0, s1;
	v0 =	vmax.f32 v0, v5;
	[tilespmem:s20+$0x10890] =	vst v3  }
0x244: {  	s0 =	sor.u32 s22, s0;
	v0 =	vmax.f32 v0, v2;
	[tilespmem:s20+$0x10090] =	vst v1  }
0x245: {  	s25 =	sor.u32 $0x100, s0;
	[tilespmem:s20+$0x11090] =	vst v0  }
0x246: {  	s12 =	simm.s32 $0x100;
	s13 =	simm.s32 $0x20;
	v0 =	vld [tilespmem:s25+$0x0]  }
0x247: {  	s12 =	sand.u32 $0x1C00, s12;
	s26 =	sand.u32 $0x60, s13;
	s13 =	sor.u32 $0x110, s0  }
0x248: {  	s1 =	sor.u32 s12, s26;
	v1 =	vld [tilespmem:s13+$0x0]  }
0x249: {  	s1 =	sor.u32 s22, s1  }
0x24a: {  	s23 =	sor.u32 $0x100, s1  }
0x24b: {  	s24 =	simm.s32 $0x200;
	v2 =	vld [tilespmem:s23+$0x0];
	s25 =	simm.s32 $0x40;
	v0 =	vmul.f32 $1.442695020e+00, v0  }
0x24c: {  	s12 =	sand.u32 $0x1C00, s24;
	s13 =	sand.u32 $0x60, s25  }
0x24d: {  	s24 =	sor.u32 $0x8100, s0;
	s12 =	sor.u32 s12, s13;
	(erf) = vpow2.f32 v0;
	v0 =	vmul.f32 $1.442695020e+00, v1  }
0x24e: {  	s26 =	sor.u32 $0x110, s1;
	v3 =	vld [tilespmem:s24+$0x0];
	s12 =	sor.u32 s22, s12  }
0x24f: {  	s24 =	simm.s32 $0x60;
	s25 =	sor.u32 $0x100, s12;
	v1 =	vld [tilespmem:s26+$0x0];
	s26 =	simm.s32 $0x300;
	(erf) = vpow2.f32 v0  }
0x250: {  	s23 =	sand.u32 $0x60, s24;
	v2 =	vmul.f32 $1.442695020e+00, v2;
	s13 =	sand.u32 $0x1C00, s26;
	v0 =	vld [tilespmem:s25+$0x0]  }
0x251: {  	s13 =	sor.u32 s13, s23  }
0x252: {  	s25 =	sor.u32 $0x110, s12;
	(erf) = vpow2.f32 v2;
	s13 =	sor.u32 s22, s13  }
0x253: {  	v2 =	vld [tilespmem:s25+$0x0];
	s24 =	sor.u32 $0x100, s13  }
0x254: {  	s0 =	sor.u32 $0x8110, s0;
	v1 =	vmul.f32 $1.442695020e+00, v1;
	v6 =	vld [tilespmem:s24+$0x0]  }
0x255: {  	v4 =	vld [tilespmem:s0+$0x0];
	s26 =	sor.u32 $0x8100, s1;
	v0 =	vmul.f32 $1.442695020e+00, v0  }
0x256: {  	v11 =	vimm.f32 $0.0e+00;
	vm13 =	vgt.s32 v3, $0x0;
	v5 =	vld [tilespmem:s26+$0x0];
	s25 =	sor.u32 $0x110, s13;
	v3 =	vpop (erf);
	(erf) = vpow2.f32 v1  }
0x257: {  	s26 =	simm.s32 $0x400;
	v10 =	vld [tilespmem:s25+$0x0];
	s24 =	simm.s32 $0x80;
	v7 =	vnsel vm13, $0x0, v3;
	(erf) = vpow2.f32 v0;
	v0 =	vadd.f32 v3, v11  }
0x258: {  	s0 =	sand.u32 $0x1C00, s26;
	s23 =	sand.u32 $0x60, s24;
	v2 =	vmul.f32 $1.442695020e+00, v2;
	v62 =	vsub.f32 v3, v7;
	v3 =	vpop (erf)  }
0x259: {  	s25 =	sor.u32 $0x8100, s12;
	s0 =	sor.u32 s0, s23;
	v63 =	vadd.f32 v7, v11;
	v7 =	vadd.f32 v3, v0;
	v0 =	vmul.f32 $1.442695020e+00, v6  }
0x25a: {  	s29 =	simm.s32 $0x8;
	vm14 =	vgt.s32 v4, $0x0;
	s1 =	sor.u32 $0x8110, s1;
	v4 =	vld [tilespmem:s25+$0x0];
	s0 =	sor.u32 s22, s0;
	(erf) = vpow2.f32 v2  }
0x25b: {  	s28 =	sor.u32 $0x8100, s13;
	s24 =	sor.u32 $0x8110, s13;
	vm15 =	vgt.s32 v5, $0x0;
	v1 =	vld [tilespmem:s1+$0x0];
	s13 =	sor.u32 $0x110, s0;
	v5 =	vpop (erf);
	v14 =	vnsel vm14, $0x0, v3;
	(erf) = vpow2.f32 v0  }
0x25c: {  	s30 =	simm.s32 $0x500;
	s26 =	sor.u32 $0x8110, s12;
	s12 =	sor.u32 $0x100, s0;
	v2 =	vld [tilespmem:s13+$0x0];
	v8 =	vnsel vm15, $0x0, v5;
	v9 =	vsub.f32 v3, v14;
	v3 =	vmul.f32 $1.442695020e+00, v10  }
0x25d: {  	s31 =	simm.s32 $0xA0;
	s23 =	sor.u32 $0x8100, s0;
	s25 =	sor.u32 $0x8110, s0;
	v6 =	vld [tilespmem:s12+$0x0];
	v10 =	vadd.f32 v14, v63;
	v11 =	vmax.f32 v11, v62;
	v0 =	vsub.f32 v5, v8  }
.LBB2_23:
0x25e: {  	s29 =	sadd.s32 $0x2, s29  }
0x25f: {  	s0 =	sand.u32 $0x60, s31;
	s1 =	sand.u32 $0x1C00, s30;
	v7 =	vadd.f32 v5, v7;
	v11 =	vmax.f32 v11, v9;
	p1 =	slt.u32 s29, $0x3A  }
.Ltmp10:
0x260: {  	v10 =	vadd.f32 v8, v10;
	s0 =	sor.u32 s1, s0;
	vm0 =	vgt.s32 v1, $0x0;
	v9 =	vpop (erf);
	(pc) =	sbr.rel @p1 .LBB2_23-.Ltmp10, $4  }
0x261: {  	s0 =	sor.u32 s22, s0;
	vm1 =	vgt.s32 v4, $0x0;
	v1 =	vld [tilespmem:s26+$0x0];
	v5 =	vpop (erf);
	v12 =	vnsel vm0, $0x0, v9;
	v7 =	vadd.f32 v9, v7;
	s26 =	smov.u32 s24;
	s24 =	smov.u32 s25  }
0x262: {  	s1 =	sor.u32 $0x100, s0;
	s12 =	sor.u32 $0x8100, s0;
	s13 =	sor.u32 $0x110, s0;
	v13 =	vmul.f32 $1.442695020e+00, v6;
	v4 =	vld [tilespmem:s28+$0x0];
	v8 =	vnsel vm1, $0x0, v5;
	v9 =	vsub.f32 v9, v12  }
0x263: {  	s25 =	sor.u32 $0x8110, s0;
	v10 =	vadd.f32 v12, v10;
	s28 =	smov.u32 s23;
	v6 =	vld [tilespmem:s1+$0x0];
	(erf) = vpow2.f32 v3;
	v3 =	vmul.f32 $1.442695020e+00, v2;
	s23 =	smov.u32 s12  }
0x264: {  	s30 =	sadd.s32 $0x100, s30;
	s31 =	sadd.s32 $0x20, s31;
	v11 =	vmax.f32 v11, v0;
	v0 =	vsub.f32 v5, v8;
	v2 =	vld [tilespmem:s13+$0x0];
	(erf) = vpow2.f32 v13  }
0x265: {  	s0 =	sor.u32 $0x3D40, s19;
	v5 =	vadd.f32 v5, v7;
	v7 =	vmax.f32 v11, v9;
	v11 =	vld [tilespmem:s26+$0x0]  }
0x266: {  	v9 =	vld [tilespmem:s0+$0x0];
	vm0 =	vgt.s32 v1, $0x0  }
0x267: {  	s12 =	sor.u32 $0x3D50, s19;
	v12 =	vld [tilespmem:s28+$0x0];
	v1 =	vpop (erf);
	(erf) = vpow2.f32 v3;
	v3 =	vadd.f32 v8, v10;
	v0 =	vmax.f32 v7, v0  }
0x268: {  	v8 =	vld [tilespmem:s12+$0x0];
	vm1 =	vgt.s32 v4, $0x0;
	v4 =	vnsel vm0, $0x0, v1;
	v6 =	vmul.f32 $1.442695020e+00, v6  }
0x269: {  	v10 =	vpop (erf);
	v5 =	vadd.f32 v1, v5;
	v1 =	vsub.f32 v1, v4;
	v2 =	vmul.f32 $1.442695020e+00, v2  }
0x26a: {  	v13 =	vld [tilespmem:s24+$0x0];
	v3 =	vadd.f32 v4, v3;
	(erf) = vpow2.f32 v6;
	v6 =	vnsel vm1, $0x0, v10  }
0x26b: {  	v5 =	vadd.f32 v10, v5;
	(erf) = vpow2.f32 v2;
	v2 =	vmul.f32 $1.442695020e+00, v9  }
0x26c: {  	vm6 =	vgt.s32 v11, $0x0;
	vm7 =	vgt.s32 v12, $0x0;
	v4 =	vsub.f32 v10, v6;
	v10 =	vld [tilespmem:s23+$0x0]  }
0x26d: {  	v11 =	vld [tilespmem:s25+$0x0];
	v3 =	vadd.f32 v6, v3;
	v6 =	vpop (erf);
	(erf) = vpow2.f32 v2;
	v2 =	vmul.f32 $1.442695020e+00, v8  }
0x26e: {  	v0 =	vmax.f32 v0, v1;
	v9 =	vnsel vm6, $0x0, v6;
	v5 =	vadd.f32 v6, v5  }
0x26f: {  	vm8 =	vgt.s32 v13, $0x0;
	v0 =	vmax.f32 v0, v4;
	v7 =	vpop (erf);
	v3 =	vadd.f32 v9, v3  }
0x270: {  	s23 =	sor.u32 $0xBD50, s19;
	v8 =	vnsel vm7, $0x0, v7;
	(erf) = vpow2.f32 v2;
	v5 =	vadd.f32 v7, v5  }
0x271: {  	s13 =	sor.u32 $0xBD40, s19;
	vm9 =	vgt.s32 v10, $0x0;
	v10 =	vld [tilespmem:s23+$0x0];
	v2 =	vpop (erf);
	v1 =	vadd.f32 v8, v3;
	v3 =	vsub.f32 v6, v9  }
0x272: {  	vm10 =	vgt.s32 v11, $0x0;
	v9 =	vld [tilespmem:s13+$0x0];
	v6 =	vnsel vm8, $0x0, v2;
	v4 =	vadd.f32 v2, v5  }
0x273: {  	v7 =	vsub.f32 v7, v8;
	v8 =	vpop (erf);
	v1 =	vadd.f32 v6, v1;
	v0 =	vmax.f32 v0, v3  }
0x274: {  	v2 =	vsub.f32 v2, v6;
	v5 =	vnsel vm9, $0x0, v8;
	v4 =	vadd.f32 v8, v4  }
0x275: {  	v0 =	vmax.f32 v0, v7;
	v1 =	vadd.f32 v5, v1;
	v3 =	vpop (erf);
	v5 =	vsub.f32 v8, v5  }
0x276: {  	v0 =	vmax.f32 v0, v2;
	v6 =	vnsel vm10, $0x0, v3;
	v4 =	vadd.f32 v3, v4  }
0x277: {  	vm12 =	vgt.s32 v10, $0x0;
	v8 =	vpop (erf);
	vm11 =	vgt.s32 v9, $0x0;
	v1 =	vadd.f32 v6, v1  }
0x278: {  	v7 =	vnsel vm11, $0x0, v8;
	v3 =	vsub.f32 v3, v6;
	v4 =	vadd.f32 v8, v4  }
0x279: {  	v0 =	vmax.f32 v0, v5;
	v2 =	vpop (erf);
	v5 =	vsub.f32 v8, v7;
	v1 =	vadd.f32 v7, v1  }
0x27a: {  	s24 =	simm.s32 $0x0;
	v6 =	vnsel vm12, $0x0, v2;
	v0 =	vmax.f32 v0, v3;
	v3 =	vadd.f32 v2, v4  }
0x27b: {  	s1 =	sand.u32 $0x60, s24;
	s0 =	sand.u32 $0x1C00, s24;
	v2 =	vsub.f32 v2, v6;
	v1 =	vadd.f32 v6, v1  }
0x27c: {  	s0 =	sor.u32 s0, s1;
	v0 =	vmax.f32 v0, v5;
	[tilespmem:s20+$0x108A0] =	vst v3  }
0x27d: {  	s0 =	sor.u32 s22, s0;
	v0 =	vmax.f32 v0, v2;
	[tilespmem:s20+$0x100A0] =	vst v1  }
0x27e: {  	s25 =	sor.u32 $0x180, s0;
	[tilespmem:s20+$0x110A0] =	vst v0  }
0x27f: {  	s12 =	simm.s32 $0x100;
	s13 =	simm.s32 $0x20;
	v0 =	vld [tilespmem:s25+$0x0]  }
0x280: {  	s12 =	sand.u32 $0x1C00, s12;
	s26 =	sand.u32 $0x60, s13;
	s13 =	sor.u32 $0x190, s0  }
0x281: {  	s1 =	sor.u32 s12, s26;
	v1 =	vld [tilespmem:s13+$0x0]  }
0x282: {  	s1 =	sor.u32 s22, s1  }
0x283: {  	s23 =	sor.u32 $0x180, s1  }
0x284: {  	s24 =	simm.s32 $0x200;
	v2 =	vld [tilespmem:s23+$0x0];
	s25 =	simm.s32 $0x40;
	v0 =	vmul.f32 $1.442695020e+00, v0  }
0x285: {  	s12 =	sand.u32 $0x1C00, s24;
	s13 =	sand.u32 $0x60, s25  }
0x286: {  	s24 =	sor.u32 $0x8180, s0;
	s12 =	sor.u32 s12, s13;
	(erf) = vpow2.f32 v0;
	v0 =	vmul.f32 $1.442695020e+00, v1  }
0x287: {  	s26 =	sor.u32 $0x190, s1;
	v3 =	vld [tilespmem:s24+$0x0];
	s12 =	sor.u32 s22, s12  }
0x288: {  	s24 =	simm.s32 $0x60;
	s25 =	sor.u32 $0x180, s12;
	v1 =	vld [tilespmem:s26+$0x0];
	s26 =	simm.s32 $0x300;
	(erf) = vpow2.f32 v0  }
0x289: {  	s23 =	sand.u32 $0x60, s24;
	v2 =	vmul.f32 $1.442695020e+00, v2;
	s13 =	sand.u32 $0x1C00, s26;
	v0 =	vld [tilespmem:s25+$0x0]  }
0x28a: {  	s13 =	sor.u32 s13, s23  }
0x28b: {  	s25 =	sor.u32 $0x190, s12;
	(erf) = vpow2.f32 v2;
	s13 =	sor.u32 s22, s13  }
0x28c: {  	v2 =	vld [tilespmem:s25+$0x0];
	s24 =	sor.u32 $0x180, s13  }
0x28d: {  	s0 =	sor.u32 $0x8190, s0;
	v1 =	vmul.f32 $1.442695020e+00, v1;
	v6 =	vld [tilespmem:s24+$0x0]  }
0x28e: {  	v4 =	vld [tilespmem:s0+$0x0];
	s26 =	sor.u32 $0x8180, s1;
	v0 =	vmul.f32 $1.442695020e+00, v0  }
0x28f: {  	v11 =	vimm.f32 $0.0e+00;
	vm13 =	vgt.s32 v3, $0x0;
	v5 =	vld [tilespmem:s26+$0x0];
	s25 =	sor.u32 $0x190, s13;
	v3 =	vpop (erf);
	(erf) = vpow2.f32 v1  }
0x290: {  	s26 =	simm.s32 $0x400;
	v10 =	vld [tilespmem:s25+$0x0];
	s24 =	simm.s32 $0x80;
	v7 =	vnsel vm13, $0x0, v3;
	(erf) = vpow2.f32 v0;
	v0 =	vadd.f32 v3, v11  }
0x291: {  	s0 =	sand.u32 $0x1C00, s26;
	s23 =	sand.u32 $0x60, s24;
	v2 =	vmul.f32 $1.442695020e+00, v2;
	v62 =	vsub.f32 v3, v7;
	v3 =	vpop (erf)  }
0x292: {  	s25 =	sor.u32 $0x8180, s12;
	s0 =	sor.u32 s0, s23;
	v63 =	vadd.f32 v7, v11;
	v7 =	vadd.f32 v3, v0;
	v0 =	vmul.f32 $1.442695020e+00, v6  }
0x293: {  	s29 =	simm.s32 $0x8;
	vm14 =	vgt.s32 v4, $0x0;
	s1 =	sor.u32 $0x8190, s1;
	v4 =	vld [tilespmem:s25+$0x0];
	s0 =	sor.u32 s22, s0;
	(erf) = vpow2.f32 v2  }
0x294: {  	s28 =	sor.u32 $0x8180, s13;
	s24 =	sor.u32 $0x8190, s13;
	vm15 =	vgt.s32 v5, $0x0;
	v1 =	vld [tilespmem:s1+$0x0];
	s13 =	sor.u32 $0x190, s0;
	v5 =	vpop (erf);
	v14 =	vnsel vm14, $0x0, v3;
	(erf) = vpow2.f32 v0  }
0x295: {  	s30 =	simm.s32 $0x500;
	s26 =	sor.u32 $0x8190, s12;
	s12 =	sor.u32 $0x180, s0;
	v2 =	vld [tilespmem:s13+$0x0];
	v8 =	vnsel vm15, $0x0, v5;
	v9 =	vsub.f32 v3, v14;
	v3 =	vmul.f32 $1.442695020e+00, v10  }
0x296: {  	s31 =	simm.s32 $0xA0;
	s23 =	sor.u32 $0x8180, s0;
	s25 =	sor.u32 $0x8190, s0;
	v6 =	vld [tilespmem:s12+$0x0];
	v10 =	vadd.f32 v14, v63;
	v11 =	vmax.f32 v11, v62;
	v0 =	vsub.f32 v5, v8  }
.LBB2_25:
0x297: {  	s29 =	sadd.s32 $0x2, s29  }
0x298: {  	s0 =	sand.u32 $0x60, s31;
	s1 =	sand.u32 $0x1C00, s30;
	v7 =	vadd.f32 v5, v7;
	v11 =	vmax.f32 v11, v9;
	p1 =	slt.u32 s29, $0x3A  }
.Ltmp11:
0x299: {  	v10 =	vadd.f32 v8, v10;
	s0 =	sor.u32 s1, s0;
	vm0 =	vgt.s32 v1, $0x0;
	v9 =	vpop (erf);
	(pc) =	sbr.rel @p1 .LBB2_25-.Ltmp11, $4  }
0x29a: {  	s0 =	sor.u32 s22, s0;
	vm1 =	vgt.s32 v4, $0x0;
	v1 =	vld [tilespmem:s26+$0x0];
	v5 =	vpop (erf);
	v12 =	vnsel vm0, $0x0, v9;
	v7 =	vadd.f32 v9, v7;
	s26 =	smov.u32 s24;
	s24 =	smov.u32 s25  }
0x29b: {  	s1 =	sor.u32 $0x180, s0;
	s12 =	sor.u32 $0x8180, s0;
	s13 =	sor.u32 $0x190, s0;
	v13 =	vmul.f32 $1.442695020e+00, v6;
	v4 =	vld [tilespmem:s28+$0x0];
	v8 =	vnsel vm1, $0x0, v5;
	v9 =	vsub.f32 v9, v12  }
0x29c: {  	s25 =	sor.u32 $0x8190, s0;
	v10 =	vadd.f32 v12, v10;
	s28 =	smov.u32 s23;
	v6 =	vld [tilespmem:s1+$0x0];
	(erf) = vpow2.f32 v3;
	v3 =	vmul.f32 $1.442695020e+00, v2;
	s23 =	smov.u32 s12  }
0x29d: {  	s30 =	sadd.s32 $0x100, s30;
	s31 =	sadd.s32 $0x20, s31;
	v11 =	vmax.f32 v11, v0;
	v0 =	vsub.f32 v5, v8;
	v2 =	vld [tilespmem:s13+$0x0];
	(erf) = vpow2.f32 v13  }
0x29e: {  	s0 =	sor.u32 $0x3DC0, s19;
	v5 =	vadd.f32 v5, v7;
	v7 =	vmax.f32 v11, v9;
	v11 =	vld [tilespmem:s26+$0x0]  }
0x29f: {  	v9 =	vld [tilespmem:s0+$0x0];
	vm0 =	vgt.s32 v1, $0x0  }
0x2a0: {  	s12 =	sor.u32 $0x3DD0, s19;
	v12 =	vld [tilespmem:s28+$0x0];
	v1 =	vpop (erf);
	(erf) = vpow2.f32 v3;
	v3 =	vadd.f32 v8, v10;
	v0 =	vmax.f32 v7, v0  }
0x2a1: {  	v8 =	vld [tilespmem:s12+$0x0];
	vm1 =	vgt.s32 v4, $0x0;
	v4 =	vnsel vm0, $0x0, v1;
	v6 =	vmul.f32 $1.442695020e+00, v6  }
0x2a2: {  	v10 =	vpop (erf);
	v5 =	vadd.f32 v1, v5;
	v1 =	vsub.f32 v1, v4;
	v2 =	vmul.f32 $1.442695020e+00, v2  }
0x2a3: {  	v13 =	vld [tilespmem:s24+$0x0];
	v3 =	vadd.f32 v4, v3;
	(erf) = vpow2.f32 v6;
	v6 =	vnsel vm1, $0x0, v10  }
0x2a4: {  	v5 =	vadd.f32 v10, v5;
	(erf) = vpow2.f32 v2;
	v2 =	vmul.f32 $1.442695020e+00, v9  }
0x2a5: {  	vm6 =	vgt.s32 v11, $0x0;
	vm7 =	vgt.s32 v12, $0x0;
	v4 =	vsub.f32 v10, v6;
	v10 =	vld [tilespmem:s23+$0x0]  }
0x2a6: {  	v11 =	vld [tilespmem:s25+$0x0];
	v3 =	vadd.f32 v6, v3;
	v6 =	vpop (erf);
	(erf) = vpow2.f32 v2;
	v2 =	vmul.f32 $1.442695020e+00, v8  }
0x2a7: {  	v0 =	vmax.f32 v0, v1;
	v9 =	vnsel vm6, $0x0, v6;
	v5 =	vadd.f32 v6, v5  }
0x2a8: {  	vm8 =	vgt.s32 v13, $0x0;
	v0 =	vmax.f32 v0, v4;
	v7 =	vpop (erf);
	v3 =	vadd.f32 v9, v3  }
0x2a9: {  	s23 =	sor.u32 $0xBDD0, s19;
	v8 =	vnsel vm7, $0x0, v7;
	(erf) = vpow2.f32 v2;
	v5 =	vadd.f32 v7, v5  }
0x2aa: {  	s13 =	sor.u32 $0xBDC0, s19;
	vm9 =	vgt.s32 v10, $0x0;
	v10 =	vld [tilespmem:s23+$0x0];
	v2 =	vpop (erf);
	v1 =	vadd.f32 v8, v3;
	v3 =	vsub.f32 v6, v9  }
0x2ab: {  	vm10 =	vgt.s32 v11, $0x0;
	v9 =	vld [tilespmem:s13+$0x0];
	v6 =	vnsel vm8, $0x0, v2;
	v4 =	vadd.f32 v2, v5  }
0x2ac: {  	v7 =	vsub.f32 v7, v8;
	v8 =	vpop (erf);
	v1 =	vadd.f32 v6, v1;
	v0 =	vmax.f32 v0, v3  }
0x2ad: {  	v2 =	vsub.f32 v2, v6;
	v5 =	vnsel vm9, $0x0, v8;
	v4 =	vadd.f32 v8, v4  }
0x2ae: {  	v0 =	vmax.f32 v0, v7;
	v1 =	vadd.f32 v5, v1;
	v3 =	vpop (erf);
	v5 =	vsub.f32 v8, v5  }
0x2af: {  	v0 =	vmax.f32 v0, v2;
	v6 =	vnsel vm10, $0x0, v3;
	v4 =	vadd.f32 v3, v4  }
0x2b0: {  	vm12 =	vgt.s32 v10, $0x0;
	v8 =	vpop (erf);
	vm11 =	vgt.s32 v9, $0x0;
	v1 =	vadd.f32 v6, v1  }
0x2b1: {  	v7 =	vnsel vm11, $0x0, v8;
	v3 =	vsub.f32 v3, v6;
	v4 =	vadd.f32 v8, v4  }
0x2b2: {  	v0 =	vmax.f32 v0, v5;
	v2 =	vpop (erf);
	v5 =	vsub.f32 v8, v7;
	v1 =	vadd.f32 v7, v1  }
0x2b3: {  	s24 =	simm.s32 $0x0;
	v6 =	vnsel vm12, $0x0, v2;
	v0 =	vmax.f32 v0, v3;
	v3 =	vadd.f32 v2, v4  }
0x2b4: {  	s1 =	sand.u32 $0x60, s24;
	s0 =	sand.u32 $0x1C00, s24;
	v2 =	vsub.f32 v2, v6;
	v1 =	vadd.f32 v6, v1  }
0x2b5: {  	s0 =	sor.u32 s0, s1;
	v0 =	vmax.f32 v0, v5;
	[tilespmem:s20+$0x108B0] =	vst v3  }
0x2b6: {  	s0 =	sor.u32 s22, s0;
	v0 =	vmax.f32 v0, v2;
	[tilespmem:s20+$0x100B0] =	vst v1  }
0x2b7: {  	s25 =	sor.u32 $0x200, s0;
	[tilespmem:s20+$0x110B0] =	vst v0  }
0x2b8: {  	s12 =	simm.s32 $0x100;
	s13 =	simm.s32 $0x20;
	v0 =	vld [tilespmem:s25+$0x0]  }
0x2b9: {  	s12 =	sand.u32 $0x1C00, s12;
	s26 =	sand.u32 $0x60, s13;
	s13 =	sor.u32 $0x210, s0  }
0x2ba: {  	s1 =	sor.u32 s12, s26;
	v1 =	vld [tilespmem:s13+$0x0]  }
0x2bb: {  	s1 =	sor.u32 s22, s1  }
0x2bc: {  	s23 =	sor.u32 $0x200, s1  }
0x2bd: {  	s24 =	simm.s32 $0x200;
	v2 =	vld [tilespmem:s23+$0x0];
	s25 =	simm.s32 $0x40;
	v0 =	vmul.f32 $1.442695020e+00, v0  }
0x2be: {  	s12 =	sand.u32 $0x1C00, s24;
	s13 =	sand.u32 $0x60, s25  }
0x2bf: {  	s24 =	sor.u32 $0x8200, s0;
	s12 =	sor.u32 s12, s13;
	(erf) = vpow2.f32 v0;
	v0 =	vmul.f32 $1.442695020e+00, v1  }
0x2c0: {  	s26 =	sor.u32 $0x210, s1;
	v3 =	vld [tilespmem:s24+$0x0];
	s12 =	sor.u32 s22, s12  }
0x2c1: {  	s24 =	simm.s32 $0x60;
	s25 =	sor.u32 $0x200, s12;
	v1 =	vld [tilespmem:s26+$0x0];
	s26 =	simm.s32 $0x300;
	(erf) = vpow2.f32 v0  }
0x2c2: {  	s23 =	sand.u32 $0x60, s24;
	v2 =	vmul.f32 $1.442695020e+00, v2;
	s13 =	sand.u32 $0x1C00, s26;
	v0 =	vld [tilespmem:s25+$0x0]  }
0x2c3: {  	s13 =	sor.u32 s13, s23  }
0x2c4: {  	s25 =	sor.u32 $0x210, s12;
	(erf) = vpow2.f32 v2;
	s13 =	sor.u32 s22, s13  }
0x2c5: {  	v2 =	vld [tilespmem:s25+$0x0];
	s24 =	sor.u32 $0x200, s13  }
0x2c6: {  	s0 =	sor.u32 $0x8210, s0;
	v1 =	vmul.f32 $1.442695020e+00, v1;
	v6 =	vld [tilespmem:s24+$0x0]  }
0x2c7: {  	v4 =	vld [tilespmem:s0+$0x0];
	s26 =	sor.u32 $0x8200, s1;
	v0 =	vmul.f32 $1.442695020e+00, v0  }
0x2c8: {  	v11 =	vimm.f32 $0.0e+00;
	vm13 =	vgt.s32 v3, $0x0;
	v5 =	vld [tilespmem:s26+$0x0];
	s25 =	sor.u32 $0x210, s13;
	v3 =	vpop (erf);
	(erf) = vpow2.f32 v1  }
0x2c9: {  	s26 =	simm.s32 $0x400;
	v10 =	vld [tilespmem:s25+$0x0];
	s24 =	simm.s32 $0x80;
	v7 =	vnsel vm13, $0x0, v3;
	(erf) = vpow2.f32 v0;
	v0 =	vadd.f32 v3, v11  }
0x2ca: {  	s0 =	sand.u32 $0x1C00, s26;
	s23 =	sand.u32 $0x60, s24;
	v2 =	vmul.f32 $1.442695020e+00, v2;
	v62 =	vsub.f32 v3, v7;
	v3 =	vpop (erf)  }
0x2cb: {  	s25 =	sor.u32 $0x8200, s12;
	s0 =	sor.u32 s0, s23;
	v63 =	vadd.f32 v7, v11;
	v7 =	vadd.f32 v3, v0;
	v0 =	vmul.f32 $1.442695020e+00, v6  }
0x2cc: {  	s29 =	simm.s32 $0x8;
	vm14 =	vgt.s32 v4, $0x0;
	s1 =	sor.u32 $0x8210, s1;
	v4 =	vld [tilespmem:s25+$0x0];
	s0 =	sor.u32 s22, s0;
	(erf) = vpow2.f32 v2  }
0x2cd: {  	s28 =	sor.u32 $0x8200, s13;
	s24 =	sor.u32 $0x8210, s13;
	vm15 =	vgt.s32 v5, $0x0;
	v1 =	vld [tilespmem:s1+$0x0];
	s13 =	sor.u32 $0x210, s0;
	v5 =	vpop (erf);
	v14 =	vnsel vm14, $0x0, v3;
	(erf) = vpow2.f32 v0  }
0x2ce: {  	s30 =	simm.s32 $0x500;
	s26 =	sor.u32 $0x8210, s12;
	s12 =	sor.u32 $0x200, s0;
	v2 =	vld [tilespmem:s13+$0x0];
	v8 =	vnsel vm15, $0x0, v5;
	v9 =	vsub.f32 v3, v14;
	v3 =	vmul.f32 $1.442695020e+00, v10  }
0x2cf: {  	s31 =	simm.s32 $0xA0;
	s23 =	sor.u32 $0x8200, s0;
	s25 =	sor.u32 $0x8210, s0;
	v6 =	vld [tilespmem:s12+$0x0];
	v10 =	vadd.f32 v14, v63;
	v11 =	vmax.f32 v11, v62;
	v0 =	vsub.f32 v5, v8  }
.LBB2_27:
0x2d0: {  	s29 =	sadd.s32 $0x2, s29  }
0x2d1: {  	s0 =	sand.u32 $0x60, s31;
	s1 =	sand.u32 $0x1C00, s30;
	v7 =	vadd.f32 v5, v7;
	v11 =	vmax.f32 v11, v9;
	p1 =	slt.u32 s29, $0x3A  }
.Ltmp12:
0x2d2: {  	v10 =	vadd.f32 v8, v10;
	s0 =	sor.u32 s1, s0;
	vm0 =	vgt.s32 v1, $0x0;
	v9 =	vpop (erf);
	(pc) =	sbr.rel @p1 .LBB2_27-.Ltmp12, $4  }
0x2d3: {  	s0 =	sor.u32 s22, s0;
	vm1 =	vgt.s32 v4, $0x0;
	v1 =	vld [tilespmem:s26+$0x0];
	v5 =	vpop (erf);
	v12 =	vnsel vm0, $0x0, v9;
	v7 =	vadd.f32 v9, v7;
	s26 =	smov.u32 s24;
	s24 =	smov.u32 s25  }
0x2d4: {  	s1 =	sor.u32 $0x200, s0;
	s12 =	sor.u32 $0x8200, s0;
	s13 =	sor.u32 $0x210, s0;
	v13 =	vmul.f32 $1.442695020e+00, v6;
	v4 =	vld [tilespmem:s28+$0x0];
	v8 =	vnsel vm1, $0x0, v5;
	v9 =	vsub.f32 v9, v12  }
0x2d5: {  	s25 =	sor.u32 $0x8210, s0;
	v10 =	vadd.f32 v12, v10;
	s28 =	smov.u32 s23;
	v6 =	vld [tilespmem:s1+$0x0];
	(erf) = vpow2.f32 v3;
	v3 =	vmul.f32 $1.442695020e+00, v2;
	s23 =	smov.u32 s12  }
0x2d6: {  	s30 =	sadd.s32 $0x100, s30;
	s31 =	sadd.s32 $0x20, s31;
	v11 =	vmax.f32 v11, v0;
	v0 =	vsub.f32 v5, v8;
	v2 =	vld [tilespmem:s13+$0x0];
	(erf) = vpow2.f32 v13  }
0x2d7: {  	s0 =	sor.u32 $0x3E40, s19;
	v5 =	vadd.f32 v5, v7;
	v7 =	vmax.f32 v11, v9;
	v11 =	vld [tilespmem:s26+$0x0]  }
0x2d8: {  	v9 =	vld [tilespmem:s0+$0x0];
	vm0 =	vgt.s32 v1, $0x0  }
0x2d9: {  	s12 =	sor.u32 $0x3E50, s19;
	v12 =	vld [tilespmem:s28+$0x0];
	v1 =	vpop (erf);
	(erf) = vpow2.f32 v3;
	v3 =	vadd.f32 v8, v10;
	v0 =	vmax.f32 v7, v0  }
0x2da: {  	v8 =	vld [tilespmem:s12+$0x0];
	vm1 =	vgt.s32 v4, $0x0;
	v4 =	vnsel vm0, $0x0, v1;
	v6 =	vmul.f32 $1.442695020e+00, v6  }
0x2db: {  	v10 =	vpop (erf);
	v5 =	vadd.f32 v1, v5;
	v1 =	vsub.f32 v1, v4;
	v2 =	vmul.f32 $1.442695020e+00, v2  }
0x2dc: {  	v13 =	vld [tilespmem:s24+$0x0];
	v3 =	vadd.f32 v4, v3;
	(erf) = vpow2.f32 v6;
	v6 =	vnsel vm1, $0x0, v10  }
0x2dd: {  	v5 =	vadd.f32 v10, v5;
	(erf) = vpow2.f32 v2;
	v2 =	vmul.f32 $1.442695020e+00, v9  }
0x2de: {  	vm6 =	vgt.s32 v11, $0x0;
	vm7 =	vgt.s32 v12, $0x0;
	v4 =	vsub.f32 v10, v6;
	v10 =	vld [tilespmem:s23+$0x0]  }
0x2df: {  	v11 =	vld [tilespmem:s25+$0x0];
	v3 =	vadd.f32 v6, v3;
	v6 =	vpop (erf);
	(erf) = vpow2.f32 v2;
	v2 =	vmul.f32 $1.442695020e+00, v8  }
0x2e0: {  	v0 =	vmax.f32 v0, v1;
	v9 =	vnsel vm6, $0x0, v6;
	v5 =	vadd.f32 v6, v5  }
0x2e1: {  	vm8 =	vgt.s32 v13, $0x0;
	v0 =	vmax.f32 v0, v4;
	v7 =	vpop (erf);
	v3 =	vadd.f32 v9, v3  }
0x2e2: {  	s23 =	sor.u32 $0xBE50, s19;
	v8 =	vnsel vm7, $0x0, v7;
	(erf) = vpow2.f32 v2;
	v5 =	vadd.f32 v7, v5  }
0x2e3: {  	s13 =	sor.u32 $0xBE40, s19;
	vm9 =	vgt.s32 v10, $0x0;
	v10 =	vld [tilespmem:s23+$0x0];
	v2 =	vpop (erf);
	v1 =	vadd.f32 v8, v3;
	v3 =	vsub.f32 v6, v9  }
0x2e4: {  	vm10 =	vgt.s32 v11, $0x0;
	v9 =	vld [tilespmem:s13+$0x0];
	v6 =	vnsel vm8, $0x0, v2;
	v4 =	vadd.f32 v2, v5  }
0x2e5: {  	v7 =	vsub.f32 v7, v8;
	v8 =	vpop (erf);
	v1 =	vadd.f32 v6, v1;
	v0 =	vmax.f32 v0, v3  }
0x2e6: {  	v2 =	vsub.f32 v2, v6;
	v5 =	vnsel vm9, $0x0, v8;
	v4 =	vadd.f32 v8, v4  }
0x2e7: {  	v0 =	vmax.f32 v0, v7;
	v1 =	vadd.f32 v5, v1;
	v3 =	vpop (erf);
	v5 =	vsub.f32 v8, v5  }
0x2e8: {  	v0 =	vmax.f32 v0, v2;
	v6 =	vnsel vm10, $0x0, v3;
	v4 =	vadd.f32 v3, v4  }
0x2e9: {  	vm12 =	vgt.s32 v10, $0x0;
	v8 =	vpop (erf);
	vm11 =	vgt.s32 v9, $0x0;
	v1 =	vadd.f32 v6, v1  }
0x2ea: {  	v7 =	vnsel vm11, $0x0, v8;
	v3 =	vsub.f32 v3, v6;
	v4 =	vadd.f32 v8, v4  }
0x2eb: {  	v0 =	vmax.f32 v0, v5;
	v2 =	vpop (erf);
	v5 =	vsub.f32 v8, v7;
	v1 =	vadd.f32 v7, v1  }
0x2ec: {  	s24 =	simm.s32 $0x0;
	v6 =	vnsel vm12, $0x0, v2;
	v0 =	vmax.f32 v0, v3;
	v3 =	vadd.f32 v2, v4  }
0x2ed: {  	s1 =	sand.u32 $0x60, s24;
	s0 =	sand.u32 $0x1C00, s24;
	v2 =	vsub.f32 v2, v6;
	v1 =	vadd.f32 v6, v1  }
0x2ee: {  	s0 =	sor.u32 s0, s1;
	v0 =	vmax.f32 v0, v5;
	[tilespmem:s20+$0x108C0] =	vst v3  }
0x2ef: {  	s0 =	sor.u32 s22, s0;
	v0 =	vmax.f32 v0, v2;
	[tilespmem:s20+$0x100C0] =	vst v1  }
0x2f0: {  	s25 =	sor.u32 $0x280, s0;
	[tilespmem:s20+$0x110C0] =	vst v0  }
0x2f1: {  	s12 =	simm.s32 $0x100;
	s13 =	simm.s32 $0x20;
	v0 =	vld [tilespmem:s25+$0x0]  }
0x2f2: {  	s12 =	sand.u32 $0x1C00, s12;
	s26 =	sand.u32 $0x60, s13;
	s13 =	sor.u32 $0x290, s0  }
0x2f3: {  	s1 =	sor.u32 s12, s26;
	v1 =	vld [tilespmem:s13+$0x0]  }
0x2f4: {  	s1 =	sor.u32 s22, s1  }
0x2f5: {  	s23 =	sor.u32 $0x280, s1  }
0x2f6: {  	s24 =	simm.s32 $0x200;
	v2 =	vld [tilespmem:s23+$0x0];
	s25 =	simm.s32 $0x40;
	v0 =	vmul.f32 $1.442695020e+00, v0  }
0x2f7: {  	s12 =	sand.u32 $0x1C00, s24;
	s13 =	sand.u32 $0x60, s25  }
0x2f8: {  	s24 =	sor.u32 $0x8280, s0;
	s12 =	sor.u32 s12, s13;
	(erf) = vpow2.f32 v0;
	v0 =	vmul.f32 $1.442695020e+00, v1  }
0x2f9: {  	s26 =	sor.u32 $0x290, s1;
	v3 =	vld [tilespmem:s24+$0x0];
	s12 =	sor.u32 s22, s12  }
0x2fa: {  	s24 =	simm.s32 $0x60;
	s25 =	sor.u32 $0x280, s12;
	v1 =	vld [tilespmem:s26+$0x0];
	s26 =	simm.s32 $0x300;
	(erf) = vpow2.f32 v0  }
0x2fb: {  	s23 =	sand.u32 $0x60, s24;
	v2 =	vmul.f32 $1.442695020e+00, v2;
	s13 =	sand.u32 $0x1C00, s26;
	v0 =	vld [tilespmem:s25+$0x0]  }
0x2fc: {  	s13 =	sor.u32 s13, s23  }
0x2fd: {  	s25 =	sor.u32 $0x290, s12;
	(erf) = vpow2.f32 v2;
	s13 =	sor.u32 s22, s13  }
0x2fe: {  	v2 =	vld [tilespmem:s25+$0x0];
	s24 =	sor.u32 $0x280, s13  }
0x2ff: {  	s0 =	sor.u32 $0x8290, s0;
	v1 =	vmul.f32 $1.442695020e+00, v1;
	v6 =	vld [tilespmem:s24+$0x0]  }
0x300: {  	v4 =	vld [tilespmem:s0+$0x0];
	s26 =	sor.u32 $0x8280, s1;
	v0 =	vmul.f32 $1.442695020e+00, v0  }
0x301: {  	v11 =	vimm.f32 $0.0e+00;
	vm13 =	vgt.s32 v3, $0x0;
	v5 =	vld [tilespmem:s26+$0x0];
	s25 =	sor.u32 $0x290, s13;
	v3 =	vpop (erf);
	(erf) = vpow2.f32 v1  }
0x302: {  	s26 =	simm.s32 $0x400;
	v10 =	vld [tilespmem:s25+$0x0];
	s24 =	simm.s32 $0x80;
	v7 =	vnsel vm13, $0x0, v3;
	(erf) = vpow2.f32 v0;
	v0 =	vadd.f32 v3, v11  }
0x303: {  	s0 =	sand.u32 $0x1C00, s26;
	s23 =	sand.u32 $0x60, s24;
	v2 =	vmul.f32 $1.442695020e+00, v2;
	v62 =	vsub.f32 v3, v7;
	v3 =	vpop (erf)  }
0x304: {  	s25 =	sor.u32 $0x8280, s12;
	s0 =	sor.u32 s0, s23;
	v63 =	vadd.f32 v7, v11;
	v7 =	vadd.f32 v3, v0;
	v0 =	vmul.f32 $1.442695020e+00, v6  }
0x305: {  	s29 =	simm.s32 $0x8;
	vm14 =	vgt.s32 v4, $0x0;
	s1 =	sor.u32 $0x8290, s1;
	v4 =	vld [tilespmem:s25+$0x0];
	s0 =	sor.u32 s22, s0;
	(erf) = vpow2.f32 v2  }
0x306: {  	s28 =	sor.u32 $0x8280, s13;
	s24 =	sor.u32 $0x8290, s13;
	vm15 =	vgt.s32 v5, $0x0;
	v1 =	vld [tilespmem:s1+$0x0];
	s13 =	sor.u32 $0x290, s0;
	v5 =	vpop (erf);
	v14 =	vnsel vm14, $0x0, v3;
	(erf) = vpow2.f32 v0  }
0x307: {  	s30 =	simm.s32 $0x500;
	s26 =	sor.u32 $0x8290, s12;
	s12 =	sor.u32 $0x280, s0;
	v2 =	vld [tilespmem:s13+$0x0];
	v8 =	vnsel vm15, $0x0, v5;
	v9 =	vsub.f32 v3, v14;
	v3 =	vmul.f32 $1.442695020e+00, v10  }
0x308: {  	s31 =	simm.s32 $0xA0;
	s23 =	sor.u32 $0x8280, s0;
	s25 =	sor.u32 $0x8290, s0;
	v6 =	vld [tilespmem:s12+$0x0];
	v10 =	vadd.f32 v14, v63;
	v11 =	vmax.f32 v11, v62;
	v0 =	vsub.f32 v5, v8  }
.LBB2_29:
0x309: {  	s29 =	sadd.s32 $0x2, s29  }
0x30a: {  	s0 =	sand.u32 $0x60, s31;
	s1 =	sand.u32 $0x1C00, s30;
	v7 =	vadd.f32 v5, v7;
	v11 =	vmax.f32 v11, v9;
	p1 =	slt.u32 s29, $0x3A  }
.Ltmp13:
0x30b: {  	v10 =	vadd.f32 v8, v10;
	s0 =	sor.u32 s1, s0;
	vm0 =	vgt.s32 v1, $0x0;
	v9 =	vpop (erf);
	(pc) =	sbr.rel @p1 .LBB2_29-.Ltmp13, $4  }
0x30c: {  	s0 =	sor.u32 s22, s0;
	vm1 =	vgt.s32 v4, $0x0;
	v1 =	vld [tilespmem:s26+$0x0];
	v5 =	vpop (erf);
	v12 =	vnsel vm0, $0x0, v9;
	v7 =	vadd.f32 v9, v7;
	s26 =	smov.u32 s24;
	s24 =	smov.u32 s25  }
0x30d: {  	s1 =	sor.u32 $0x280, s0;
	s12 =	sor.u32 $0x8280, s0;
	s13 =	sor.u32 $0x290, s0;
	v13 =	vmul.f32 $1.442695020e+00, v6;
	v4 =	vld [tilespmem:s28+$0x0];
	v8 =	vnsel vm1, $0x0, v5;
	v9 =	vsub.f32 v9, v12  }
0x30e: {  	s25 =	sor.u32 $0x8290, s0;
	v10 =	vadd.f32 v12, v10;
	s28 =	smov.u32 s23;
	v6 =	vld [tilespmem:s1+$0x0];
	(erf) = vpow2.f32 v3;
	v3 =	vmul.f32 $1.442695020e+00, v2;
	s23 =	smov.u32 s12  }
0x30f: {  	s30 =	sadd.s32 $0x100, s30;
	s31 =	sadd.s32 $0x20, s31;
	v11 =	vmax.f32 v11, v0;
	v0 =	vsub.f32 v5, v8;
	v2 =	vld [tilespmem:s13+$0x0];
	(erf) = vpow2.f32 v13  }
0x310: {  	s0 =	sor.u32 $0x3EC0, s19;
	v5 =	vadd.f32 v5, v7;
	v7 =	vmax.f32 v11, v9;
	v11 =	vld [tilespmem:s26+$0x0]  }
0x311: {  	v9 =	vld [tilespmem:s0+$0x0];
	vm0 =	vgt.s32 v1, $0x0  }
0x312: {  	s13 =	sor.u32 $0x3ED0, s19;
	v12 =	vld [tilespmem:s28+$0x0];
	v1 =	vpop (erf);
	(erf) = vpow2.f32 v3;
	v3 =	vadd.f32 v8, v10;
	v0 =	vmax.f32 v7, v0  }
0x313: {  	v8 =	vld [tilespmem:s13+$0x0];
	vm1 =	vgt.s32 v4, $0x0;
	v4 =	vnsel vm0, $0x0, v1;
	v6 =	vmul.f32 $1.442695020e+00, v6  }
0x314: {  	v10 =	vpop (erf);
	v5 =	vadd.f32 v1, v5;
	v1 =	vsub.f32 v1, v4;
	v2 =	vmul.f32 $1.442695020e+00, v2  }
0x315: {  	v13 =	vld [tilespmem:s24+$0x0];
	v3 =	vadd.f32 v4, v3;
	(erf) = vpow2.f32 v6;
	v6 =	vnsel vm1, $0x0, v10  }
0x316: {  	v5 =	vadd.f32 v10, v5;
	(erf) = vpow2.f32 v2;
	v2 =	vmul.f32 $1.442695020e+00, v9  }
0x317: {  	vm6 =	vgt.s32 v11, $0x0;
	vm7 =	vgt.s32 v12, $0x0;
	v4 =	vsub.f32 v10, v6;
	v10 =	vld [tilespmem:s23+$0x0]  }
0x318: {  	v11 =	vld [tilespmem:s25+$0x0];
	v3 =	vadd.f32 v6, v3;
	v6 =	vpop (erf);
	(erf) = vpow2.f32 v2;
	v2 =	vmul.f32 $1.442695020e+00, v8  }
0x319: {  	v0 =	vmax.f32 v0, v1;
	v9 =	vnsel vm6, $0x0, v6;
	v5 =	vadd.f32 v6, v5  }
0x31a: {  	vm8 =	vgt.s32 v13, $0x0;
	v0 =	vmax.f32 v0, v4;
	v7 =	vpop (erf);
	v3 =	vadd.f32 v9, v3  }
0x31b: {  	s24 =	sor.u32 $0xBED0, s19;
	v8 =	vnsel vm7, $0x0, v7;
	(erf) = vpow2.f32 v2;
	v5 =	vadd.f32 v7, v5  }
0x31c: {  	s23 =	sor.u32 $0xBEC0, s19;
	vm9 =	vgt.s32 v10, $0x0;
	v10 =	vld [tilespmem:s24+$0x0];
	v2 =	vpop (erf);
	v1 =	vadd.f32 v8, v3;
	v3 =	vsub.f32 v6, v9  }
0x31d: {  	vm10 =	vgt.s32 v11, $0x0;
	v9 =	vld [tilespmem:s23+$0x0];
	v6 =	vnsel vm8, $0x0, v2;
	v4 =	vadd.f32 v2, v5  }
0x31e: {  	v7 =	vsub.f32 v7, v8;
	v8 =	vpop (erf);
	v1 =	vadd.f32 v6, v1;
	v0 =	vmax.f32 v0, v3  }
0x31f: {  	v2 =	vsub.f32 v2, v6;
	v5 =	vnsel vm9, $0x0, v8;
	v4 =	vadd.f32 v8, v4  }
0x320: {  	v0 =	vmax.f32 v0, v7;
	v1 =	vadd.f32 v5, v1;
	v3 =	vpop (erf);
	v5 =	vsub.f32 v8, v5  }
0x321: {  	v0 =	vmax.f32 v0, v2;
	v6 =	vnsel vm10, $0x0, v3;
	v4 =	vadd.f32 v3, v4  }
0x322: {  	vm12 =	vgt.s32 v10, $0x0;
	v8 =	vpop (erf);
	vm11 =	vgt.s32 v9, $0x0;
	v1 =	vadd.f32 v6, v1  }
0x323: {  	v7 =	vnsel vm11, $0x0, v8;
	v3 =	vsub.f32 v3, v6;
	v4 =	vadd.f32 v8, v4  }
0x324: {  	v0 =	vmax.f32 v0, v5;
	v2 =	vpop (erf);
	v5 =	vsub.f32 v8, v7;
	v1 =	vadd.f32 v7, v1  }
0x325: {  	s25 =	simm.s32 $0x0;
	v6 =	vnsel vm12, $0x0, v2;
	v0 =	vmax.f32 v0, v3;
	v3 =	vadd.f32 v2, v4  }
0x326: {  	s0 =	sand.u32 $0x3, s25;
	v2 =	vsub.f32 v2, v6;
	v1 =	vadd.f32 v6, v1  }
0x327: {  	s0 =	sshll.u32 s0, $0x5;
	v0 =	vmax.f32 v0, v5;
	[tilespmem:s20+$0x108D0] =	vst v3  }
0x328: {  	s0 =	sadd.s32 s0, s21;
	v0 =	vmax.f32 v0, v2;
	[tilespmem:s20+$0x100D0] =	vst v1  }
0x329: {  	s1 =	sor.u32 $0x300, s0;
	[tilespmem:s20+$0x110D0] =	vst v0  }
0x32a: {  	s12 =	simm.s32 $0x1;
	v0 =	vld [tilespmem:s1+$0x0]  }
0x32b: {  	s12 =	sand.u32 $0x3, s12  }
0x32c: {  	s13 =	sadd.s32 $0x100, s21;
	s12 =	sshll.u32 s12, $0x5  }
0x32d: {  	s12 =	sadd.s32 s12, s13;
	s0 =	sor.u32 $0x310, s0  }
0x32e: {  	s26 =	simm.s32 $0x2;
	s24 =	sor.u32 $0x300, s12;
	v1 =	vld [tilespmem:s0+$0x0]  }
0x32f: {  	s21 =	sand.u32 $0x3, s26;
	v2 =	vld [tilespmem:s24+$0x0];
	v0 =	vmul.f32 $1.442695020e+00, v0  }
0x330: {  	s13 =	sadd.s32 $0x100, s13;
	s21 =	sshll.u32 s21, $0x5  }
0x331: {  	s21 =	sadd.s32 s21, s13;
	(erf) = vpow2.f32 v0  }
0x332: {  	s23 =	sor.u32 $0x310, s21  }
0x333: {  	v3 =	vld [tilespmem:s23+$0x0];
	v0 =	vmul.f32 $1.442695020e+00, v1  }
0x334: {  	s31 =	simm.s32 $0x3;
	s12 =	sor.u32 $0x310, s12;
	v1 =	vmul.f32 $1.442695020e+00, v2;
	v2 =	vld [tilespmem:s1+$0x8000]  }
0x335: {  	s25 =	sand.u32 $0x3, s31;
	s1 =	sor.u32 $0x300, s21;
	(erf) = vpow2.f32 v0;
	v0 =	vld [tilespmem:s12+$0x0]  }
0x336: {  	s13 =	sadd.s32 $0x100, s13;
	s21 =	sshll.u32 s25, $0x5;
	(erf) = vpow2.f32 v1;
	v1 =	vld [tilespmem:s1+$0x0]  }
0x337: {  	v4 =	vld [tilespmem:s0+$0x8000];
	s26 =	sadd.s32 s21, s13  }
0x338: {  	v5 =	vld [tilespmem:s24+$0x8000];
	s21 =	sor.u32 $0x300, s26  }
0x339: {  	v10 =	vld [tilespmem:s21+$0x0]  }
0x33a: {  	s31 =	simm.s32 $0x4;
	vm13 =	vgt.s32 v2, $0x0;
	v0 =	vmul.f32 $1.442695020e+00, v0;
	v2 =	vpop (erf)  }
0x33b: {  	s0 =	sand.u32 $0x3, s31;
	v1 =	vmul.f32 $1.442695020e+00, v1;
	v9 =	vnsel vm13, $0x0, v2  }
0x33c: {  	s28 =	sadd.s32 $0x100, s13;
	s0 =	sshll.u32 s0, $0x5;
	s25 =	sor.u32 $0x310, s26;
	(erf) = vpow2.f32 v0;
	v6 =	vsub.f32 v2, v9  }
0x33d: {  	v11 =	vimm.f32 $0.0e+00;
	s0 =	sadd.s32 s0, s28;
	v3 =	vmul.f32 $1.442695020e+00, v3;
	v62 =	vld [tilespmem:s25+$0x0];
	(erf) = vpow2.f32 v1  }
0x33e: {  	vm14 =	vgt.s32 v4, $0x0;
	vm15 =	vgt.s32 v5, $0x0;
	s26 =	sor.u32 $0x300, s0;
	v10 =	vmul.f32 $1.442695020e+00, v10;
	v4 =	vpop (erf)  }
0x33f: {  	v5 =	vld [tilespmem:s26+$0x0];
	v0 =	vadd.f32 v2, v11;
	(erf) = vpow2.f32 v3;
	v7 =	vnsel vm14, $0x0, v4  }
0x340: {  	v1 =	vld [tilespmem:s12+$0x8000];
	v63 =	vmax.f32 v11, v6;
	v14 =	vsub.f32 v4, v7;
	v6 =	vpop (erf);
	(erf) = vpow2.f32 v10  }
0x341: {  	s24 =	sor.u32 $0x310, s0;
	v2 =	vld [tilespmem:s1+$0x8000];
	v9 =	vadd.f32 v9, v11;
	v8 =	vadd.f32 v4, v0;
	v0 =	vnsel vm15, $0x0, v6  }
0x342: {  	s29 =	simm.s32 $0x8;
	s30 =	simm.s32 $0x5;
	v3 =	vld [tilespmem:s24+$0x0];
	v4 =	vmul.f32 $1.442695020e+00, v62;
	v11 =	vmax.f32 v63, v14;
	v10 =	vsub.f32 v6, v0  }
.LBB2_31:
0x343: {  	s29 =	sadd.s32 $0x2, s29  }
0x344: {  	s0 =	sand.u32 $0x3, s30;
	v8 =	vadd.f32 v6, v8;
	v9 =	vadd.f32 v7, v9;
	p1 =	slt.u32 s29, $0x3A  }
.Ltmp14:
0x345: {  	s28 =	sadd.s32 $0x100, s28;
	s0 =	sshll.u32 s0, $0x5;
	v11 =	vmax.f32 v11, v10;
	vm0 =	vgt.s32 v1, $0x0;
	v10 =	vpop (erf);
	(pc) =	sbr.rel @p1 .LBB2_31-.Ltmp14, $4  }
0x346: {  	s0 =	sadd.s32 s0, s28;
	vm1 =	vgt.s32 v2, $0x0;
	v1 =	vld [tilespmem:s23+$0x8000];
	v6 =	vpop (erf);
	v7 =	vnsel vm0, $0x0, v10;
	v8 =	vadd.f32 v10, v8;
	s23 =	smov.u32 s25  }
0x347: {  	s1 =	sor.u32 $0x310, s0;
	v12 =	vmul.f32 $1.442695020e+00, v5;
	v2 =	vld [tilespmem:s21+$0x8000];
	v13 =	vnsel vm1, $0x0, v6;
	v14 =	vsub.f32 v10, v7;
	s21 =	smov.u32 s26;
	s26 =	sor.u32 $0x300, s0  }
0x348: {  	v9 =	vadd.f32 v0, v9;
	s25 =	smov.u32 s24;
	v5 =	vld [tilespmem:s26+$0x0];
	(erf) = vpow2.f32 v4;
	v4 =	vmul.f32 $1.442695020e+00, v3;
	v0 =	vmovc v13;
	s24 =	smov.u32 s1  }
0x349: {  	s30 =	sadd.s32 $0x1, s30;
	v3 =	vld [tilespmem:s24+$0x0];
	(erf) = vpow2.f32 v12;
	v10 =	vsub.f32 v6, v0;
	v11 =	vmax.f32 v11, v14  }
0x34a: {  	s0 =	sor.u32 $0x3F40, s19  }
0x34b: {  	v6 =	vadd.f32 v6, v8;
	v7 =	vadd.f32 v7, v9;
	v8 =	vld [tilespmem:s0+$0x0]  }
0x34c: {  	v9 =	vmax.f32 v11, v10;
	v10 =	vld [tilespmem:s23+$0x8000]  }
0x34d: {  	(erf) = vpow2.f32 v4;
	s12 =	sor.u32 $0x3F50, s19;
	vm0 =	vgt.s32 v1, $0x0;
	v1 =	vpop (erf);
	v11 =	vld [tilespmem:s21+$0x8000];
	v0 =	vadd.f32 v0, v7  }
0x34e: {  	vm1 =	vgt.s32 v2, $0x0;
	v2 =	vld [tilespmem:s12+$0x0];
	v7 =	vnsel vm0, $0x0, v1;
	v5 =	vmul.f32 $1.442695020e+00, v5  }
0x34f: {  	v4 =	vpop (erf);
	v3 =	vmul.f32 $1.442695020e+00, v3;
	v0 =	vadd.f32 v7, v0  }
0x350: {  	(erf) = vpow2.f32 v5;
	v5 =	vadd.f32 v1, v6;
	v6 =	vnsel vm1, $0x0, v4  }
0x351: {  	v1 =	vsub.f32 v1, v7;
	(erf) = vpow2.f32 v3;
	v3 =	vmul.f32 $1.442695020e+00, v8  }
0x352: {  	v7 =	vld [tilespmem:s25+$0x8000];
	vm7 =	vgt.s32 v10, $0x0;
	v0 =	vadd.f32 v6, v0;
	v5 =	vadd.f32 v4, v5;
	v8 =	vpop (erf)  }
0x353: {  	v12 =	vld [tilespmem:s26+$0x8000];
	vm8 =	vgt.s32 v11, $0x0;
	v2 =	vmul.f32 $1.442695020e+00, v2;
	v10 =	vnsel vm7, $0x0, v8  }
0x354: {  	(erf) = vpow2.f32 v3;
	v3 =	vsub.f32 v4, v6;
	v4 =	vpop (erf);
	v5 =	vadd.f32 v8, v5  }
0x355: {  	v11 =	vld [tilespmem:s24+$0x8000];
	v1 =	vmax.f32 v9, v1;
	v0 =	vadd.f32 v10, v0;
	v6 =	vnsel vm8, $0x0, v4  }
0x356: {  	s21 =	sor.u32 $0xBF50, s19;
	(erf) = vpow2.f32 v2;
	v1 =	vmax.f32 v1, v3;
	v3 =	vadd.f32 v4, v5  }
0x357: {  	s13 =	sor.u32 $0xBF40, s19;
	v8 =	vsub.f32 v8, v10;
	v10 =	vld [tilespmem:s21+$0x0];
	vm9 =	vgt.s32 v7, $0x0;
	v2 =	vpop (erf);
	v0 =	vadd.f32 v6, v0  }
0x358: {  	vm10 =	vgt.s32 v12, $0x0;
	v7 =	vld [tilespmem:s13+$0x0];
	v5 =	vnsel vm9, $0x0, v2;
	v3 =	vadd.f32 v2, v3  }
0x359: {  	v4 =	vsub.f32 v4, v6;
	v1 =	vmax.f32 v1, v8;
	v0 =	vadd.f32 v5, v0;
	v9 =	vpop (erf)  }
0x35a: {  	vm11 =	vgt.s32 v11, $0x0;
	v6 =	vnsel vm10, $0x0, v9;
	v3 =	vadd.f32 v9, v3  }
0x35b: {  	v1 =	vmax.f32 v1, v4;
	v2 =	vsub.f32 v2, v5;
	v8 =	vpop (erf);
	v0 =	vadd.f32 v6, v0  }
0x35c: {  	vm13 =	vgt.s32 v10, $0x0;
	v4 =	vnsel vm11, $0x0, v8;
	v3 =	vadd.f32 v8, v3  }
0x35d: {  	vm12 =	vgt.s32 v7, $0x0;
	v6 =	vsub.f32 v9, v6;
	v5 =	vpop (erf);
	v0 =	vadd.f32 v4, v0  }
0x35e: {  	v1 =	vmax.f32 v1, v2;
	v7 =	vnsel vm12, $0x0, v5;
	v3 =	vadd.f32 v5, v3  }
0x35f: {  	v2 =	vpop (erf);
	v4 =	vsub.f32 v8, v4;
	v1 =	vmax.f32 v1, v6;
	v0 =	vadd.f32 v7, v0  }
0x360: {  	v8 =	vnsel vm13, $0x0, v2;
	v5 =	vsub.f32 v5, v7;
	v3 =	vadd.f32 v2, v3  }
0x361: {  	s23 =	simm.s32 $0x0;
	v1 =	vmax.f32 v1, v4;
	v2 =	vsub.f32 v2, v8;
	v0 =	vadd.f32 v8, v0  }
0x362: {  	s0 =	sor.u32 s23, s23;
	v1 =	vmax.f32 v1, v5;
	[tilespmem:s20+$0x108E0] =	vst v3  }
0x363: {  	s0 =	sor.u32 s22, s0;
	[tilespmem:s20+$0x100E0] =	vst v0;
	v0 =	vmax.f32 v1, v2  }
0x364: {  	s1 =	sor.u32 $0x390, s0;
	[tilespmem:s20+$0x110E0] =	vst v0  }
0x365: {  	s0 =	sor.u32 $0x380, s0;
	v0 =	vld [tilespmem:s1+$0x0]  }
0x366: {  	v1 =	vld [tilespmem:s0+$0x0]  }
0x367: {  	s12 =	simm.s32 $0x100;
	s13 =	simm.s32 $0x20  }
0x368: {  	s12 =	sor.u32 s12, s13  }
0x369: {  	s12 =	sor.u32 s22, s12  }
0x36a: {  	s24 =	sor.u32 $0x390, s12;
	v0 =	vmul.f32 $1.442695020e+00, v0  }
0x36b: {  	s26 =	simm.s32 $0x40;
	s25 =	simm.s32 $0x200;
	v2 =	vld [tilespmem:s24+$0x0];
	v1 =	vmul.f32 $1.442695020e+00, v1  }
0x36c: {  	s21 =	sor.u32 s25, s26;
	s12 =	sor.u32 $0x380, s12;
	v4 =	vld [tilespmem:s0+$0x8000];
	(erf) = vpow2.f32 v0  }
0x36d: {  	s21 =	sor.u32 s22, s21;
	v0 =	vld [tilespmem:s12+$0x0];
	(erf) = vpow2.f32 v1  }
0x36e: {  	s23 =	sor.u32 $0x390, s21;
	v3 =	vld [tilespmem:s1+$0x8000]  }
0x36f: {  	s25 =	sor.u32 $0x380, s21;
	v5 =	vld [tilespmem:s23+$0x0]  }
0x370: {  	v6 =	vld [tilespmem:s25+$0x0]  }
0x371: {  	v1 =	vmul.f32 $1.442695020e+00, v2  }
0x372: {  	s30 =	simm.s32 $0x300;
	s31 =	simm.s32 $0x60;
	v2 =	vmul.f32 $1.442695020e+00, v0  }
0x373: {  	s0 =	sor.u32 s30, s31;
	(erf) = vpow2.f32 v1  }
0x374: {  	s0 =	sor.u32 s22, s0;
	v10 =	vmul.f32 $1.442695020e+00, v5;
	(erf) = vpow2.f32 v2  }
0x375: {  	s21 =	sor.u32 $0x390, s0;
	vm14 =	vgt.s32 v3, $0x0;
	v9 =	vmul.f32 $1.442695020e+00, v6;
	vm15 =	vgt.s32 v4, $0x0;
	v1 =	vld [tilespmem:s12+$0x8000];
	v3 =	vpop (erf)  }
0x376: {  	v6 =	vld [tilespmem:s21+$0x0];
	v0 =	vimm.f32 $0.0e+00;
	(erf) = vpow2.f32 v10;
	v5 =	vnsel vm14, $0x0, v3;
	v63 =	vpop (erf)  }
0x377: {  	v2 =	vld [tilespmem:s24+$0x8000];
	s24 =	sor.u32 $0x380, s0;
	v13 =	vnsel vm15, $0x0, v63;
	v8 =	vadd.f32 v63, v0;
	v4 =	vsub.f32 v3, v5  }
0x378: {  	s28 =	simm.s32 $0x400;
	s29 =	simm.s32 $0x80;
	s26 =	simm.s32 $0x6;
	v7 =	vld [tilespmem:s24+$0x0];
	v11 =	vadd.f32 v13, v0;
	v10 =	vsub.f32 v63, v13  }
.LBB2_33:
0x379: {  	s26 =	sadd.s32 $0x2, s26  }
0x37a: {  	s0 =	sor.u32 s28, s29;
	(erf) = vpow2.f32 v9;
	v12 =	vmov v1;
	p1 =	slt.u32 s26, $0x3A  }
.Ltmp15:
0x37b: {  	v8 =	vadd.f32 v3, v8;
	s0 =	sor.u32 s22, s0;
	v1 =	vld [tilespmem:s25+$0x8000];
	v0 =	vmax.f32 v0, v10;
	v10 =	vadd.f32 v5, v11;
	(pc) =	sbr.rel @p1 .LBB2_33-.Ltmp15, $4  }
0x37c: {  	vm0 =	vgt.s32 v2, $0x0;
	s25 =	smov.u32 s24;
	s1 =	sor.u32 $0x390, s0;
	v11 =	vmul.f32 $1.442695020e+00, v6;
	v2 =	vld [tilespmem:s23+$0x8000];
	v3 =	vpop (erf);
	v0 =	vmax.f32 v0, v4;
	s24 =	sor.u32 $0x380, s0  }
0x37d: {  	vm1 =	vgt.s32 v12, $0x0;
	s23 =	smov.u32 s21;
	v6 =	vld [tilespmem:s1+$0x0];
	v9 =	vmul.f32 $1.442695020e+00, v7;
	v5 =	vnsel vm0, $0x0, v3;
	v12 =	vpop (erf);
	s21 =	smov.u32 s1  }
0x37e: {  	v7 =	vld [tilespmem:s24+$0x0];
	v13 =	vnsel vm1, $0x0, v12;
	v8 =	vadd.f32 v12, v8;
	v4 =	vsub.f32 v3, v5  }
0x37f: {  	s28 =	sadd.s32 $0x100, s28;
	s29 =	sadd.s32 $0x20, s29;
	(erf) = vpow2.f32 v11;
	v11 =	vadd.f32 v13, v10;
	v10 =	vsub.f32 v12, v13  }
0x380: {  	_ = 	snop  }
0x381: {  	(erf) = vpow2.f32 v9;
	s0 =	sor.u32 $0x3FC0, s19;
	v37 =	vld [tilespmem:s25+$0x8000]  }
0x382: {  	s29 =	sor.u32 $0x3FD0, s19;
	v36 =	vld [tilespmem:s0+$0x0];
	v6 =	vmul.f32 $1.442695020e+00, v6  }
0x383: {  	v3 =	vadd.f32 v3, v8;
	v12 =	vld [tilespmem:s29+$0x0];
	v7 =	vmul.f32 $1.442695020e+00, v7  }
0x384: {  	v13 =	vpop (erf);
	vm0 =	vgt.s32 v1, $0x0;
	v39 =	vld [tilespmem:s23+$0x8000];
	vm1 =	vgt.s32 v2, $0x0;
	(erf) = vpow2.f32 v6  }
0x385: {  	v44 =	vld [tilespmem:s24+$0x8000];
	v0 =	vmax.f32 v0, v10;
	v42 =	vnsel vm1, $0x0, v13;
	(erf) = vpow2.f32 v7  }
0x386: {  	v48 =	vld [tilespmem:s21+$0x8000];
	s30 =	sor.u32 $0xBFC0, s19;
	v5 =	vadd.f32 v5, v11;
	v0 =	vmax.f32 v0, v4;
	v38 =	vpop (erf);
	v51 =	vsub.f32 v13, v42  }
0x387: {  	s31 =	sor.u32 $0xBFD0, s19;
	v54 =	vld [tilespmem:s30+$0x0];
	v40 =	vnsel vm0, $0x0, v38;
	v3 =	vadd.f32 v38, v3;
	v41 =	vmul.f32 $1.442695020e+00, v36  }
0x388: {  	v57 =	vld [tilespmem:s31+$0x0];
	v5 =	vadd.f32 v40, v5;
	vm10 =	vgt.s32 v37, $0x0;
	v45 =	vmul.f32 $1.442695020e+00, v12  }
0x389: {  	v2 =	vsub.f32 v38, v40;
	v3 =	vadd.f32 v13, v3;
	v43 =	vpop (erf);
	(erf) = vpow2.f32 v41  }
0x38a: {  	vm11 =	vgt.s32 v39, $0x0;
	v46 =	vadd.f32 v42, v5;
	v47 =	vpop (erf);
	(erf) = vpow2.f32 v45  }
0x38b: {  	vm12 =	vgt.s32 v44, $0x0;
	v49 =	vnsel vm10, $0x0, v47;
	v3 =	vadd.f32 v47, v3  }
0x38c: {  	vm13 =	vgt.s32 v48, $0x0;
	vm14 =	vgt.s32 v54, $0x0;
	v50 =	vadd.f32 v49, v46  }
0x38d: {  	vm15 =	vgt.s32 v57, $0x0;
	v52 =	vnsel vm11, $0x0, v43;
	v3 =	vadd.f32 v43, v3;
	v53 =	vpop (erf)  }
0x38e: {  	v0 =	vmax.f32 v0, v2;
	v5 =	vsub.f32 v47, v49;
	v1 =	vadd.f32 v52, v50;
	v55 =	vpop (erf)  }
0x38f: {  	v0 =	vmax.f32 v0, v51;
	v56 =	vnsel vm12, $0x0, v55;
	v3 =	vadd.f32 v55, v3  }
0x390: {  	v58 =	vsub.f32 v43, v52;
	v0 =	vmax.f32 v0, v5;
	v1 =	vadd.f32 v56, v1  }
0x391: {  	v59 =	vnsel vm13, $0x0, v53;
	v2 =	vsub.f32 v55, v56;
	v3 =	vadd.f32 v53, v3  }
0x392: {  	v0 =	vmax.f32 v0, v58;
	v7 =	vsub.f32 v53, v59;
	v60 =	vpop (erf);
	v1 =	vadd.f32 v59, v1  }
0x393: {  	v61 =	vnsel vm14, $0x0, v60;
	v62 =	vpop (erf);
	v0 =	vmax.f32 v0, v2;
	v3 =	vadd.f32 v60, v3  }
0x394: {  	p1 =	sne.s32 s18, $0x8;
	v8 =	vnsel vm15, $0x0, v62;
	v63 =	vsub.f32 v60, v61;
	v1 =	vadd.f32 v61, v1  }
.Ltmp16:
0x395: {  	v0 =	vmax.f32 v0, v7;
	v4 =	vsub.f32 v62, v8;
	v3 =	vadd.f32 v62, v3;
	(pc) =	sbr.rel @p1 .LBB2_2-.Ltmp16, $4  }
0x396: {  	v0 =	vmax.f32 v0, v63  }
0x397: {  	v1 =	vadd.f32 v8, v1;
	v0 =	vmax.f32 v0, v4;
	[tilespmem:s20+$0x108F0] =	vst v3  }
0x398: {  	[tilespmem:s20+$0x110F0] =	vst v0  }
0x399: {  	p0 =	por !p0, !p0;
	[tilespmem:s20+$0x100F0] =	vst v1;
	s20 =	smov.u32 s18  }
0x39a: {  	s0 =	simm.s32 $0x10000  }
0x39b: {  	[hbm4b:s8+s2] =	stream.linear.scatter [tilespmem:s0], [sflag:$0x5], $0x800, $0x38;
	[tilespmem:$0x11800] =	vst v63  }
0x39c: {  	_ =	swait.ge [sflag:s14], $0x800  }
0x39d: {  	[sflag:s14] =	ssyncset.done $0x0  }
0x39e: {  	[sflag:s14] =	ssyncadd.s32 $0xFFFFF800  }
0x39f: {  	[hbm4b:s9+s2] =	stream.linear.scatter [tilespmem:s15], [sflag:$0x5], $0x800, $0x38;
	[tilespmem:$0x11800] =	vst v63  }
0x3a0: {  	s17 =	sadd.s32 $0x1, s17;
	_ =	swait.ge [sflag:s14], $0x800  }
0x3a1: {  	p0 =	sne.s32 s17, s11;
	[sflag:s14] =	ssyncset.done $0x0  }
.Ltmp17:
0x3a2: {  	[sflag:s14] =	ssyncadd.s32 $0xFFFFF800;
	(pc) =	sbr.rel @p0 .LBB2_1-.Ltmp17, $4  }
0x3a3: {  	[hbm4b:s10+s2] =	stream.linear.scatter [tilespmem:s16], [sflag:$0x5], $0x800, $0x38;
	[tilespmem:$0x11800] =	vst v63  }
0x3a4: {  	_ =	swait.ge [sflag:s14], $0x800  }
0x3a5: {  	[sflag:s14] =	ssyncset.done $0x0  }
0x3a6: {  	[sflag:s14] =	ssyncadd.s32 $0xFFFFF800  }
0x3a7: {  	_ =	sfence.sel $0x180000  }
0x3a8: {  	[bflag:$0x0] =	sbarrier.arrive $0xFFFF  }
0x3a9: {  	_ =	strace $0x90000047  }
0x3aa: {  	s0 =	stileid.u32;
	[bflag:$0x2] =	sbarrier.arrive $0xFFFF  }
0x3ab: {  	p0 =	sne.s32 s0, $0x0;
	s0 =	rddreg [dreg:$0x1]  }
0x3ac: {  	s0 =	sadd.s32 @!p0 $0x100000, s0  }
0x3ad: {  	[sflag:s0] =	ssyncadd.tile.s32 @!p0 $0x1;
	_ =	shalt  }
.Lfunc_end2:
_tile_overlayer_lowered:
.L_overlay_start_2:
0x3ae: {  	(tag) =	ssettag $0x2  }
0x3af: {  	s0 =	rddreg [dreg:$0x0];
	s2 =	stileid.u32  }
0x3b0: {  	s1 =	rddreg [dreg:$0x1];
	p0 =	sne.s32 s2, $0x0  }
0x3b1: {  	s3 =	rddreg [dreg:$0x2];
	[bflag:$0x3] =	sbarrier.arrive $0xFFFF;
	s2 =	simm.s32 @!p0 $0x1C05  }
0x3b2: {  	[timem:s3], [sflag:s2] =	dma.local @!p0 [hbm:s0], s1  }
0x3b3: {  	s0 =	simm.s32 @!p0 $0x5  }
0x3b4: {  	_ =	swait.ge @!p0 [sflag:s0], s1  }
0x3b5: {  	s1 =	ssub.s32 @!p0 $0x0, s1;
	[sflag:s0] =	ssyncset.done @!p0 $0x0  }
0x3b6: {  	[sflag:s0] =	ssyncadd.s32 @!p0 s1  }
0x3b7: {  	[bflag:$0x3] =	sbarrier.arrive $0xFFFF  }
0x3b8: {  	_ =	shalt  }

</sc_bundles>
